<compile_context>
chip_gen: v7x
topology: tpu7x:2x2x1
jax: 0.10.2.dev20260603
libtpu: 0.0.44.dev20260713+nightly
codegen_flags: <defaults>
</compile_context>

<pallas_src>
import functools

import jax
import jax.numpy as jnp
from jax import lax
from jax.experimental import pallas as pl
from jax.experimental.pallas import tpu as pltpu
from jax.experimental.pallas import tpu_sc as plsc

NUM_LATTICES = 1024
LATTICE_RANK = 4
NUM_INPUTS = 128
BATCH = 4096
LANES = 16

F_SC = 512
F_TC = NUM_LATTICES - F_SC

NUM_CORES = 2
NUM_SUBCORES = 16
NW = NUM_CORES * NUM_SUBCORES
BSPLIT = 16
LSPLIT = NW // BSPLIT
TB = BATCH // BSPLIT
BGROUPS = TB // LANES
LPW = F_SC // LSPLIT
LCHUNK = LPW // 2
NCHUNK = LPW // LCHUNK
NGROUPS = LPW // LANES

TCB = 256


def _tec_body(xtt_hbm, kt_hbm, idx_hbm, out_hbm, xv, kv, iv, outvs, sems):
    wid = lax.axis_index("s") * NUM_CORES + lax.axis_index("c")
    bw = wid // LSPLIT
    lw = wid % LSPLIT

    pltpu.sync_copy(xtt_hbm.at[bw], xv)
    pltpu.sync_copy(kt_hbm.at[:, pl.ds(lw * LPW, LPW)], kv)
    pltpu.sync_copy(
        idx_hbm.at[pl.ds(lw * LPW * LATTICE_RANK, LPW * LATTICE_RANK)],
        iv.at[pl.ds(0, LPW * LATTICE_RANK)])

    def clip_row(r):
        for j in range(TB // LANES):
            v = xv[r, pl.ds(j * LANES, LANES)]
            xv[r, pl.ds(j * LANES, LANES)] = jnp.minimum(
                jnp.maximum(v, 0.0), 1.0)

    plsc.parallel_loop(0, NUM_INPUTS, unroll=2)(clip_row)

    def mobius_group(g):
        g16 = g * LANES
        cf = [kv[j, pl.ds(g16, LANES)] for j in range(16)]
        for dlev in (8, 4, 2, 1):
            for j in range(16):
                if j & dlev:
                    cf[j] = cf[j] - cf[j ^ dlev]
        for j in range(16):
            kv[j, pl.ds(g16, LANES)] = cf[j]

    plsc.parallel_loop(0, NGROUPS, unroll=1)(mobius_group)

    jvec = lax.broadcasted_iota(jnp.int32, (LANES,), 0)

    def splat(vec, j):
        return lax.gather(
            vec, jnp.full((LANES, 1), j, jnp.int32),
            lax.GatherDimensionNumbers(
                offset_dims=(), collapsed_slice_dims=(0,),
                start_index_map=(0,)),
            (1,), mode=lax.GatherScatterMode.PROMISE_IN_BOUNDS)

    copies = [None, None]
    for c in range(NCHUNK):
        outv = outvs[c % 2]
        if copies[c % 2] is not None:
            copies[c % 2].wait()

        def lat_body(ll, c=c, outv=outv):
            l = c * LCHUNK + ll
            lvec = jnp.full((LANES,), l, jnp.int32)
            cfl = plsc.load_gather(kv, [jvec, lvec])
            u = [splat(cfl, j) for j in range(16)]
            ivv = iv[pl.ds(l * LATTICE_RANK, LANES)]
            i0 = ivv[0]
            i1 = ivv[1]
            i2 = ivv[2]
            i3 = ivv[3]
            for gb in range(BGROUPS):
                bs = pl.ds(gb * LANES, LANES)
                x0 = xv[i0, bs]
                x1 = xv[i1, bs]
                x2 = xv[i2, bs]
                x3 = xv[i3, bs]
                tA = [u[j] + u[j + 8] * x0 for j in range(8)]
                tB = [tA[j] + tA[j + 4] * x1 for j in range(4)]
                tC = [tB[j] + tB[j + 2] * x2 for j in range(2)]
                outv[ll, bs] = tC[0] + tC[1] * x3

        plsc.parallel_loop(0, LCHUNK, unroll=1)(lat_body)
        copies[c % 2] = pltpu.async_copy(
            outv,
            out_hbm.at[pl.ds(lw * LPW + c * LCHUNK, LCHUNK),
                       pl.ds(bw * TB, TB)],
            sems[c % 2])
    for cp in copies:
        cp.wait()


@functools.partial(jax.jit, static_argnames=())
def _rtl_sc(xtt, kt, idx):
    mesh = plsc.VectorSubcoreMesh(
        core_axis_name="c", subcore_axis_name="s")
    run = pl.kernel(
        _tec_body,
        out_type=jax.ShapeDtypeStruct((F_SC, BATCH), jnp.float32),
        mesh=mesh,
        scratch_types=[
            pltpu.VMEM((NUM_INPUTS, TB), jnp.float32),
            pltpu.VMEM((LANES, LPW), jnp.float32),
            pltpu.VMEM((LPW * LATTICE_RANK + LANES,),
                       jnp.int32),
            [pltpu.VMEM((LCHUNK, TB), jnp.float32),
             pltpu.VMEM((LCHUNK, TB), jnp.float32)],
            [pltpu.SemaphoreType.DMA, pltpu.SemaphoreType.DMA],
        ],
        compiler_params=pltpu.CompilerParams(needs_layout_passes=False),
    )
    return run(xtt, kt, idx)


def _tc_tile(x_ref, idxt_ref, ktt_ref, out_ref):
    x = jnp.minimum(jnp.maximum(x_ref[...], 0.0), 1.0)
    col = lax.broadcasted_iota(jnp.int32, (NUM_INPUTS, F_TC), 0)
    xg = []
    for d in range(LATTICE_RANK):
        onehot = jnp.where(col == idxt_ref[d][None, :], 1.0, 0.0)
        xg.append(lax.dot_general(
            x, onehot, (((1,), (0,)), ((), ())),
            preferred_element_type=jnp.float32,
            precision=lax.Precision.HIGHEST))
    cf = [ktt_ref[j][None, :] for j in range(16)]
    for dlev in (8, 4, 2, 1):
        for j in range(16):
            if j & dlev:
                cf[j] = cf[j] - cf[j ^ dlev]
    tA = [cf[j] + cf[j + 8] * xg[0] for j in range(8)]
    tB = [tA[j] + tA[j + 4] * xg[1] for j in range(4)]
    tC = [tB[j] + tB[j + 2] * xg[2] for j in range(2)]
    out_ref[...] = tC[0] + tC[1] * xg[3]


@functools.partial(jax.jit, static_argnames=())
def _rtl_tc(x, idxt_tc, ktt_tc):
    return pl.pallas_call(
        _tc_tile,
        grid=(BATCH // TCB,),
        in_specs=[
            pl.BlockSpec((TCB, NUM_INPUTS), lambda i: (i, 0)),
            pl.BlockSpec((LATTICE_RANK, F_TC), lambda i: (0, 0)),
            pl.BlockSpec((16, F_TC), lambda i: (0, 0)),
        ],
        out_specs=pl.BlockSpec((TCB, F_TC), lambda i: (i, 0)),
        out_shape=jax.ShapeDtypeStruct((BATCH, F_TC), jnp.float32),
    )(x, idxt_tc, ktt_tc)


def kernel(x, lattice_indices, kernel):
    xtt = x.reshape(BSPLIT, TB, NUM_INPUTS).transpose(0, 2, 1)
    idx = lattice_indices.astype(jnp.int32)
    kt_sc = kernel[:F_SC].T
    idx_sc = idx[:F_SC].reshape(-1)
    out_sc_t = _rtl_sc(xtt, kt_sc, idx_sc)
    out_tc = _rtl_tc(x, idx[F_SC:].T, kernel[F_SC:].T)
    return jnp.concatenate([out_sc_t.T, out_tc], axis=1)

# --- scband reference (transcript-rebuilt; emitter-appended) ---
"""Pipeline reference for scband-rtl-84482006712835 (READ-ONLY COPY).

The authoritative reference and input builder live on the scoring server;
editing this copy changes nothing except your own understanding.
"""

import jax, jax.numpy as jnp
import numpy as np

NUM_LATTICES = 1024
LATTICE_RANK = 4
LATTICE_SIZE = 2
NUM_INPUTS = 128
BATCH = 4096


def _build_rtl_structure(num_inputs, num_lattices, lattice_rank, seed):
    # Faithful to RTL._get_rtl_structure for a single plain ('unconstrained')
    # input tensor of shape [B, num_inputs]: every feature is its own group,
    # monotonicity 0 for all, so a single joint lattice layer handles all units.
    rs = np.random.RandomState(seed)
    idx = np.arange(num_inputs)
    rs.shuffle(idx)
    total_usage = num_lattices * lattice_rank
    idx = np.concatenate([idx] * (1 + total_usage // num_inputs))[:total_usage]
    rs.shuffle(idx)
    # avoid_intragroup_interaction=False -> no swap passes
    return idx.reshape(num_lattices, lattice_rank).astype(np.int32)


def setup_inputs(seed: int = 0):
    key = jax.random.key(seed)
    kx, kw = jax.random.split(key)
    # lattice inputs live in [0, lattice_size - 1]
    x = jax.random.uniform(kx, (BATCH, NUM_INPUTS), dtype=jnp.float32) * float(LATTICE_SIZE - 1)
    lattice_indices = jnp.asarray(_build_rtl_structure(NUM_INPUTS, NUM_LATTICES, LATTICE_RANK, 42))
    # 'all_vertices' parametrization: one weight per lattice vertex per unit
    kernel = jax.random.uniform(kw, (NUM_LATTICES, LATTICE_SIZE ** LATTICE_RANK), dtype=jnp.float32)
    return {"x": x, "lattice_indices": lattice_indices, "kernel": kernel}


def _hypercube_interpolate(gathered, kernel):
    # gathered: [B, L, R] with values in [0, 1] (lattice_size=2)
    # kernel:   [L, 2**R]
    g = jnp.clip(gathered, 0.0, float(LATTICE_SIZE - 1))  # clip_inputs=True
    B, L, R = g.shape
    weights = jnp.ones((B, L, 1), dtype=g.dtype)
    for d in range(R):
        xd = g[:, :, d]
        pair = jnp.stack([1.0 - xd, xd], axis=-1)  # [B, L, 2]
        weights = (weights[:, :, :, None] * pair[:, :, None, :]).reshape(B, L, -1)
    # weights: [B, L, 2**R]; multilinear (hypercube) interpolation
    return jnp.einsum('blv,lv->bl', weights, kernel)


def reference(x, lattice_indices, kernel):
    # forward: flattened_input.index_select(1, inputs_for_units) per lattice,
    # then joint Lattice layer over all units (all monotonicities == 0),
    # joint output concat -> [B, num_lattices]
    flat_idx = lattice_indices.reshape(-1)
    gathered = jnp.take(x, flat_idx, axis=1).reshape(x.shape[0], NUM_LATTICES, LATTICE_RANK)
    out = _hypercube_interpolate(gathered, kernel)
    return out

if __name__ == "__main__":
    import jax
    _d = setup_inputs()
    print(jax.jit(kernel)(*tuple(_d.values())))

</pallas_src>

<mosaic_0001>
#map = affine_map<(d0, d1) -> (0, 0, 0)>
#map1 = affine_map<(d0, d1) -> (0, 0)>
#map2 = affine_map<(d0, d1) -> (0)>
module attributes {stable_mosaic.version = 14 : i64} {
  func.func @_tec_body(%arg0: i32, %arg1: i32, %arg2: memref<16x128x256xf32, #tpu.memory_space<hbm>>, %arg3: memref<16x512xf32, #tpu.memory_space<hbm>>, %arg4: memref<2048xi32, #tpu.memory_space<hbm>>, %arg5: memref<512x4096xf32, #tpu.memory_space<hbm>>, %arg6: memref<128x256xf32, #tpu.memory_space<vmem>>, %arg7: memref<16x256xf32, #tpu.memory_space<vmem>>, %arg8: memref<1040xi32, #tpu.memory_space<vmem>>, %arg9: memref<128x256xf32, #tpu.memory_space<vmem>>, %arg10: memref<128x256xf32, #tpu.memory_space<vmem>>, %arg11: memref<!tpu.dma_semaphore, #tpu.memory_space<semaphore_mem>>, %arg12: memref<!tpu.dma_semaphore, #tpu.memory_space<semaphore_mem>>) attributes {dimension_semantics = [#tpu.dimension_semantics<core_parallel>, #tpu.dimension_semantics<subcore_parallel>], iteration_bounds = array<i64: 2, 16>, scalar_prefetch = 0 : i64, scratch_operands = 7 : i64, tpu.core_type = #tpu.core_type<sc_vector_subcore>, window_params = [{transform_indices = #map}, {transform_indices = #map1}, {transform_indices = #map2}, {transform_indices = #map1}]} {
    %mul3A = arith.constant 2 : i32
    %mul3A_0 = arith.muli %arg1, %mul3A : i32
    %add3A = arith.addi %mul3A_0, %arg0 : i32
    %jit3A = arith.constant 2 : i32
    %div3A = arith.divsi %add3A, %jit3A : i32
    %sign3A = arith.constant 0 : i32
    %sign3A_1 = arith.cmpi sgt, %add3A, %sign3A : i32
    %sign3A_2 = arith.extui %sign3A_1 : i1 to i32
    %sign3A_3 = arith.constant 0 : i32
    %sign3A_4 = arith.cmpi slt, %add3A, %sign3A_3 : i32
    %sign3A_5 = arith.extui %sign3A_4 : i1 to i32
    %sign3A_6 = arith.subi %sign3A_2, %sign3A_5 : i32
    %sign3A_7 = arith.constant 0 : i32
    %sign3A_8 = arith.cmpi sgt, %jit3A, %sign3A_7 : i32
    %sign3A_9 = arith.extui %sign3A_8 : i1 to i32
    %sign3A_10 = arith.constant 0 : i32
    %sign3A_11 = arith.cmpi slt, %jit3A, %sign3A_10 : i32
    %sign3A_12 = arith.extui %sign3A_11 : i1 to i32
    %sign3A_13 = arith.subi %sign3A_9, %sign3A_12 : i32
    %ne3A = arith.cmpi ne, %sign3A_6, %sign3A_13 : i32
    %rem3A = arith.remsi %add3A, %jit3A : i32
    %ne3A_14 = arith.constant 0 : i32
    %ne3A_15 = arith.cmpi ne, %rem3A, %ne3A_14 : i32
    %and3A = arith.andi %ne3A, %ne3A_15 : i1
    %sub3A = arith.constant 1 : i32
    %sub3A_16 = arith.subi %div3A, %sub3A : i32
    %select_n3A = arith.select %and3A, %sub3A_16, %div3A : i32
    %jit3A_17 = arith.constant 2 : i32
    %eq3A = arith.constant 0 : i32
    %eq3A_18 = arith.cmpi eq, %jit3A_17, %eq3A : i32
    %jit3A_19 = arith.constant 1 : i32
    %select_n3A_20 = arith.select %eq3A_18, %jit3A_19, %jit3A_17 : i32
    %rem3A_21 = arith.remsi %add3A, %select_n3A_20 : i32
    %ne3A_22 = arith.constant 0 : i32
    %ne3A_23 = arith.cmpi ne, %rem3A_21, %ne3A_22 : i32
    %lt3A = arith.constant 0 : i32
    %lt3A_24 = arith.cmpi slt, %rem3A_21, %lt3A : i32
    %lt3A_25 = arith.constant 0 : i32
    %lt3A_26 = arith.cmpi slt, %select_n3A_20, %lt3A_25 : i32
    %ne3A_27 = arith.xori %lt3A_24, %lt3A_26 : i1
    %and3A_28 = arith.andi %ne3A_27, %ne3A_23 : i1
    %add3A_29 = arith.addi %rem3A_21, %select_n3A_20 : i32
    %select_n3A_30 = arith.select %and3A_28, %add3A_29, %rem3A_21 : i32
    "tpu.region"() ({
      %run_scoped3A = tpu.sem_alloc : memref<!tpu.dma_semaphore, #tpu.memory_space<semaphore_mem>>
      %dma_start3A_66 = arith.constant 0 : i32
      %dma_start3A_67 = arith.constant 0 : i32
      %dma_start3A_68 = tpu.memref_slice %arg2[%select_n3A, %dma_start3A_66, %dma_start3A_67] : memref<16x128x256xf32, #tpu.memory_space<hbm>> -> memref<1x128x256xf32, #tpu.memory_space<hbm>>
      %dma_start3A_69 = tpu.memref_squeeze %dma_start3A_68 : memref<1x128x256xf32, #tpu.memory_space<hbm>> -> memref<128x256xf32, #tpu.memory_space<hbm>>
      %dma_start3A_70 = arith.constant 0 : i32
      %dma_start3A_71 = arith.constant 0 : i32
      %dma_start3A_72 = tpu.memref_slice %arg2[%select_n3A, %dma_start3A_70, %dma_start3A_71] : memref<16x128x256xf32, #tpu.memory_space<hbm>> -> memref<1x128x256xf32, #tpu.memory_space<hbm>>
      %dma_start3A_73 = tpu.memref_squeeze %dma_start3A_72 : memref<1x128x256xf32, #tpu.memory_space<hbm>> -> memref<128x256xf32, #tpu.memory_space<hbm>>
      tpu.enqueue_dma source(%dma_start3A_73 : memref<128x256xf32, #tpu.memory_space<hbm>>) target(%arg6 : memref<128x256xf32, #tpu.memory_space<vmem>>) target_semaphore(%run_scoped3A : memref<!tpu.dma_semaphore, #tpu.memory_space<semaphore_mem>>)
      %dma_wait3A_74 = arith.constant 0 : i32
      %dma_wait3A_75 = arith.constant 0 : i32
      %dma_wait3A_76 = tpu.memref_slice %arg2[%select_n3A, %dma_wait3A_74, %dma_wait3A_75] : memref<16x128x256xf32, #tpu.memory_space<hbm>> -> memref<1x128x256xf32, #tpu.memory_space<hbm>>
      %dma_wait3A_77 = tpu.memref_squeeze %dma_wait3A_76 : memref<1x128x256xf32, #tpu.memory_space<hbm>> -> memref<128x256xf32, #tpu.memory_space<hbm>>
      %dma_wait3A_78 = arith.constant 0 : i32
      %dma_wait3A_79 = arith.constant 0 : i32
      %dma_wait3A_80 = tpu.memref_slice %arg2[%select_n3A, %dma_wait3A_78, %dma_wait3A_79] : memref<16x128x256xf32, #tpu.memory_space<hbm>> -> memref<1x128x256xf32, #tpu.memory_space<hbm>>
      %dma_wait3A_81 = tpu.memref_squeeze %dma_wait3A_80 : memref<1x128x256xf32, #tpu.memory_space<hbm>> -> memref<128x256xf32, #tpu.memory_space<hbm>>
      tpu.wait_dma2 semaphore(%run_scoped3A : memref<!tpu.dma_semaphore, #tpu.memory_space<semaphore_mem>>) src(%dma_wait3A_81 : memref<128x256xf32, #tpu.memory_space<hbm>>) dst(%arg6 : memref<128x256xf32, #tpu.memory_space<vmem>>)
      tpu.yield
    }) : () -> ()
    %mul3A_31 = arith.constant 256 : i32
    %mul3A_32 = arith.muli %select_n3A_30, %mul3A_31 : i32
    "tpu.region"() ({
      %run_scoped3A = tpu.sem_alloc : memref<!tpu.dma_semaphore, #tpu.memory_space<semaphore_mem>>
      %dma_start3A_66 = arith.constant 0 : i32
      %dma_start3A_67 = tpu.memref_slice %arg3[%dma_start3A_66, %mul3A_32] : memref<16x512xf32, #tpu.memory_space<hbm>> -> memref<16x256xf32, #tpu.memory_space<hbm>>
      %dma_start3A_68 = arith.constant 0 : i32
      %dma_start3A_69 = tpu.memref_slice %arg3[%dma_start3A_68, %mul3A_32] : memref<16x512xf32, #tpu.memory_space<hbm>> -> memref<16x256xf32, #tpu.memory_space<hbm>>
      tpu.enqueue_dma source(%dma_start3A_69 : memref<16x256xf32, #tpu.memory_space<hbm>>) target(%arg7 : memref<16x256xf32, #tpu.memory_space<vmem>>) target_semaphore(%run_scoped3A : memref<!tpu.dma_semaphore, #tpu.memory_space<semaphore_mem>>)
      %dma_wait3A_70 = arith.constant 0 : i32
      %dma_wait3A_71 = tpu.memref_slice %arg3[%dma_wait3A_70, %mul3A_32] : memref<16x512xf32, #tpu.memory_space<hbm>> -> memref<16x256xf32, #tpu.memory_space<hbm>>
      %dma_wait3A_72 = arith.constant 0 : i32
      %dma_wait3A_73 = tpu.memref_slice %arg3[%dma_wait3A_72, %mul3A_32] : memref<16x512xf32, #tpu.memory_space<hbm>> -> memref<16x256xf32, #tpu.memory_space<hbm>>
      tpu.wait_dma2 semaphore(%run_scoped3A : memref<!tpu.dma_semaphore, #tpu.memory_space<semaphore_mem>>) src(%dma_wait3A_73 : memref<16x256xf32, #tpu.memory_space<hbm>>) dst(%arg7 : memref<16x256xf32, #tpu.memory_space<vmem>>)
      tpu.yield
    }) : () -> ()
    %mul3A_33 = arith.constant 256 : i32
    %mul3A_34 = arith.muli %select_n3A_30, %mul3A_33 : i32
    %mul3A_35 = arith.constant 4 : i32
    %mul3A_36 = arith.muli %mul3A_34, %mul3A_35 : i32
    "tpu.region"() ({
      %run_scoped3A = tpu.sem_alloc : memref<!tpu.dma_semaphore, #tpu.memory_space<semaphore_mem>>
      %dma_start3A_66 = arith.constant 0 : i32
      %dma_start3A_67 = tpu.memref_slice %arg8[%dma_start3A_66] : memref<1040xi32, #tpu.memory_space<vmem>> -> memref<1024xi32, #tpu.memory_space<vmem>>
      %dma_start3A_68 = tpu.memref_slice %arg4[%mul3A_36] : memref<2048xi32, #tpu.memory_space<hbm>> -> memref<1024xi32, #tpu.memory_space<hbm>>
      %dma_start3A_69 = arith.constant 0 : i32
      %dma_start3A_70 = tpu.memref_slice %arg8[%dma_start3A_69] : memref<1040xi32, #tpu.memory_space<vmem>> -> memref<1024xi32, #tpu.memory_space<vmem>>
      %dma_start3A_71 = tpu.memref_slice %arg4[%mul3A_36] : memref<2048xi32, #tpu.memory_space<hbm>> -> memref<1024xi32, #tpu.memory_space<hbm>>
      tpu.enqueue_dma source(%dma_start3A_71 : memref<1024xi32, #tpu.memory_space<hbm>>) target(%dma_start3A_70 : memref<1024xi32, #tpu.memory_space<vmem>>) target_semaphore(%run_scoped3A : memref<!tpu.dma_semaphore, #tpu.memory_space<semaphore_mem>>)
      %dma_wait3A_72 = arith.constant 0 : i32
      %dma_wait3A_73 = tpu.memref_slice %arg8[%dma_wait3A_72] : memref<1040xi32, #tpu.memory_space<vmem>> -> memref<1024xi32, #tpu.memory_space<vmem>>
      %dma_wait3A_74 = tpu.memref_slice %arg4[%mul3A_36] : memref<2048xi32, #tpu.memory_space<hbm>> -> memref<1024xi32, #tpu.memory_space<hbm>>
      %dma_wait3A_75 = arith.constant 0 : i32
      %dma_wait3A_76 = tpu.memref_slice %arg8[%dma_wait3A_75] : memref<1040xi32, #tpu.memory_space<vmem>> -> memref<1024xi32, #tpu.memory_space<vmem>>
      %dma_wait3A_77 = tpu.memref_slice %arg4[%mul3A_36] : memref<2048xi32, #tpu.memory_space<hbm>> -> memref<1024xi32, #tpu.memory_space<hbm>>
      tpu.wait_dma2 semaphore(%run_scoped3A : memref<!tpu.dma_semaphore, #tpu.memory_space<semaphore_mem>>) src(%dma_wait3A_77 : memref<1024xi32, #tpu.memory_space<hbm>>) dst(%dma_wait3A_76 : memref<1024xi32, #tpu.memory_space<vmem>>)
      tpu.yield
    }) : () -> ()
    %parallel_loop3A = arith.constant 0 : i32
    %parallel_loop3A_37 = arith.constant 128 : i32
    %parallel_loop3A_38 = arith.constant 1 : i32
    scf.for %parallel_loop3A_66 = %parallel_loop3A to %parallel_loop3A_37 step %parallel_loop3A_38  : i32 {
      %parallel_loop3A_67 = arith.index_cast %parallel_loop3A_66 : i32 to index
      %parallel_loop3A_68 = arith.constant 0 : index
      %parallel_loop3A_69 = tpu.vector_load %arg6[%parallel_loop3A_67, %parallel_loop3A_68] {strides = array<i32>} : memref<128x256xf32, #tpu.memory_space<vmem>>, vector<16xf32>,
      %parallel_loop3A_70 = arith.constant 0.000000e+00 : f32
      %parallel_loop3A_71 = vector.broadcast %parallel_loop3A_70 : f32 to vector<16xf32>
      %parallel_loop3A_72 = arith.maximumf %parallel_loop3A_69, %parallel_loop3A_71 : vector<16xf32>
      %parallel_loop3A_73 = arith.constant 1.000000e+00 : f32
      %parallel_loop3A_74 = vector.broadcast %parallel_loop3A_73 : f32 to vector<16xf32>
      %parallel_loop3A_75 = arith.minimumf %parallel_loop3A_72, %parallel_loop3A_74 : vector<16xf32>
      %parallel_loop3A_76 = arith.index_cast %parallel_loop3A_66 : i32 to index
      %parallel_loop3A_77 = arith.constant 0 : index
      %parallel_loop3A_78 = tpu.vector_load %arg6[%parallel_loop3A_76, %parallel_loop3A_77] {strides = array<i32>} : memref<128x256xf32, #tpu.memory_space<vmem>>, vector<16xf32>,
      tpu.vector_store %arg6[%parallel_loop3A_76, %parallel_loop3A_77], %parallel_loop3A_75 {strides = array<i32>} : memref<128x256xf32, #tpu.memory_space<vmem>>, vector<16xf32>,
      %parallel_loop3A_79 = arith.index_cast %parallel_loop3A_66 : i32 to index
      %parallel_loop3A_80 = arith.constant 16 : index
      %parallel_loop3A_81 = tpu.vector_load %arg6[%parallel_loop3A_79, %parallel_loop3A_80] {strides = array<i32>} : memref<128x256xf32, #tpu.memory_space<vmem>>, vector<16xf32>,
      %parallel_loop3A_82 = arith.constant 0.000000e+00 : f32
      %parallel_loop3A_83 = vector.broadcast %parallel_loop3A_82 : f32 to vector<16xf32>
      %parallel_loop3A_84 = arith.maximumf %parallel_loop3A_81, %parallel_loop3A_83 : vector<16xf32>
      %parallel_loop3A_85 = arith.constant 1.000000e+00 : f32
      %parallel_loop3A_86 = vector.broadcast %parallel_loop3A_85 : f32 to vector<16xf32>
      %parallel_loop3A_87 = arith.minimumf %parallel_loop3A_84, %parallel_loop3A_86 : vector<16xf32>
      %parallel_loop3A_88 = arith.index_cast %parallel_loop3A_66 : i32 to index
      %parallel_loop3A_89 = arith.constant 16 : index
      %parallel_loop3A_90 = tpu.vector_load %arg6[%parallel_loop3A_88, %parallel_loop3A_89] {strides = array<i32>} : memref<128x256xf32, #tpu.memory_space<vmem>>, vector<16xf32>,
      tpu.vector_store %arg6[%parallel_loop3A_88, %parallel_loop3A_89], %parallel_loop3A_87 {strides = array<i32>} : memref<128x256xf32, #tpu.memory_space<vmem>>, vector<16xf32>,
      %parallel_loop3A_91 = arith.index_cast %parallel_loop3A_66 : i32 to index
      %parallel_loop3A_92 = arith.constant 32 : index
      %parallel_loop3A_93 = tpu.vector_load %arg6[%parallel_loop3A_91, %parallel_loop3A_92] {strides = array<i32>} : memref<128x256xf32, #tpu.memory_space<vmem>>, vector<16xf32>,
      %parallel_loop3A_94 = arith.constant 0.000000e+00 : f32
      %parallel_loop3A_95 = vector.broadcast %parallel_loop3A_94 : f32 to vector<16xf32>
      %parallel_loop3A_96 = arith.maximumf %parallel_loop3A_93, %parallel_loop3A_95 : vector<16xf32>
      %parallel_loop3A_97 = arith.constant 1.000000e+00 : f32
      %parallel_loop3A_98 = vector.broadcast %parallel_loop3A_97 : f32 to vector<16xf32>
      %parallel_loop3A_99 = arith.minimumf %parallel_loop3A_96, %parallel_loop3A_98 : vector<16xf32>
      %parallel_loop3A_100 = arith.index_cast %parallel_loop3A_66 : i32 to index
      %parallel_loop3A_101 = arith.constant 32 : index
      %parallel_loop3A_102 = tpu.vector_load %arg6[%parallel_loop3A_100, %parallel_loop3A_101] {strides = array<i32>} : memref<128x256xf32, #tpu.memory_space<vmem>>, vector<16xf32>,
      tpu.vector_store %arg6[%parallel_loop3A_100, %parallel_loop3A_101], %parallel_loop3A_99 {strides = array<i32>} : memref<128x256xf32, #tpu.memory_space<vmem>>, vector<16xf32>,
      %parallel_loop3A_103 = arith.index_cast %parallel_loop3A_66 : i32 to index
      %parallel_loop3A_104 = arith.constant 48 : index
      %parallel_loop3A_105 = tpu.vector_load %arg6[%parallel_loop3A_103, %parallel_loop3A_104] {strides = array<i32>} : memref<128x256xf32, #tpu.memory_space<vmem>>, vector<16xf32>,
      %parallel_loop3A_106 = arith.constant 0.000000e+00 : f32
      %parallel_loop3A_107 = vector.broadcast %parallel_loop3A_106 : f32 to vector<16xf32>
      %parallel_loop3A_108 = arith.maximumf %parallel_loop3A_105, %parallel_loop3A_107 : vector<16xf32>
      %parallel_loop3A_109 = arith.constant 1.000000e+00 : f32
      %parallel_loop3A_110 = vector.broadcast %parallel_loop3A_109 : f32 to vector<16xf32>
      %parallel_loop3A_111 = arith.minimumf %parallel_loop3A_108, %parallel_loop3A_110 : vector<16xf32>
      %parallel_loop3A_112 = arith.index_cast %parallel_loop3A_66 : i32 to index
      %parallel_loop3A_113 = arith.constant 48 : index
      %parallel_loop3A_114 = tpu.vector_load %arg6[%parallel_loop3A_112, %parallel_loop3A_113] {strides = array<i32>} : memref<128x256xf32, #tpu.memory_space<vmem>>, vector<16xf32>,
      tpu.vector_store %arg6[%parallel_loop3A_112, %parallel_loop3A_113], %parallel_loop3A_111 {strides = array<i32>} : memref<128x256xf32, #tpu.memory_space<vmem>>, vector<16xf32>,
      %parallel_loop3A_115 = arith.index_cast %parallel_loop3A_66 : i32 to index
      %parallel_loop3A_116 = arith.constant 64 : index
      %parallel_loop3A_117 = tpu.vector_load %arg6[%parallel_loop3A_115, %parallel_loop3A_116] {strides = array<i32>} : memref<128x256xf32, #tpu.memory_space<vmem>>, vector<16xf32>,
      %parallel_loop3A_118 = arith.constant 0.000000e+00 : f32
      %parallel_loop3A_119 = vector.broadcast %parallel_loop3A_118 : f32 to vector<16xf32>
      %parallel_loop3A_120 = arith.maximumf %parallel_loop3A_117, %parallel_loop3A_119 : vector<16xf32>
      %parallel_loop3A_121 = arith.constant 1.000000e+00 : f32
      %parallel_loop3A_122 = vector.broadcast %parallel_loop3A_121 : f32 to vector<16xf32>
      %parallel_loop3A_123 = arith.minimumf %parallel_loop3A_120, %parallel_loop3A_122 : vector<16xf32>
      %parallel_loop3A_124 = arith.index_cast %parallel_loop3A_66 : i32 to index
      %parallel_loop3A_125 = arith.constant 64 : index
      %parallel_loop3A_126 = tpu.vector_load %arg6[%parallel_loop3A_124, %parallel_loop3A_125] {strides = array<i32>} : memref<128x256xf32, #tpu.memory_space<vmem>>, vector<16xf32>,
      tpu.vector_store %arg6[%parallel_loop3A_124, %parallel_loop3A_125], %parallel_loop3A_123 {strides = array<i32>} : memref<128x256xf32, #tpu.memory_space<vmem>>, vector<16xf32>,
      %parallel_loop3A_127 = arith.index_cast %parallel_loop3A_66 : i32 to index
      %parallel_loop3A_128 = arith.constant 80 : index
      %parallel_loop3A_129 = tpu.vector_load %arg6[%parallel_loop3A_127, %parallel_loop3A_128] {strides = array<i32>} : memref<128x256xf32, #tpu.memory_space<vmem>>, vector<16xf32>,
      %parallel_loop3A_130 = arith.constant 0.000000e+00 : f32
      %parallel_loop3A_131 = vector.broadcast %parallel_loop3A_130 : f32 to vector<16xf32>
      %parallel_loop3A_132 = arith.maximumf %parallel_loop3A_129, %parallel_loop3A_131 : vector<16xf32>
      %parallel_loop3A_133 = arith.constant 1.000000e+00 : f32
      %parallel_loop3A_134 = vector.broadcast %parallel_loop3A_133 : f32 to vector<16xf32>
      %parallel_loop3A_135 = arith.minimumf %parallel_loop3A_132, %parallel_loop3A_134 : vector<16xf32>
      %parallel_loop3A_136 = arith.index_cast %parallel_loop3A_66 : i32 to index
      %parallel_loop3A_137 = arith.constant 80 : index
      %parallel_loop3A_138 = tpu.vector_load %arg6[%parallel_loop3A_136, %parallel_loop3A_137] {strides = array<i32>} : memref<128x256xf32, #tpu.memory_space<vmem>>, vector<16xf32>,
      tpu.vector_store %arg6[%parallel_loop3A_136, %parallel_loop3A_137], %parallel_loop3A_135 {strides = array<i32>} : memref<128x256xf32, #tpu.memory_space<vmem>>, vector<16xf32>,
      %parallel_loop3A_139 = arith.index_cast %parallel_loop3A_66 : i32 to index
      %parallel_loop3A_140 = arith.constant 96 : index
      %parallel_loop3A_141 = tpu.vector_load %arg6[%parallel_loop3A_139, %parallel_loop3A_140] {strides = array<i32>} : memref<128x256xf32, #tpu.memory_space<vmem>>, vector<16xf32>,
      %parallel_loop3A_142 = arith.constant 0.000000e+00 : f32
      %parallel_loop3A_143 = vector.broadcast %parallel_loop3A_142 : f32 to vector<16xf32>
      %parallel_loop3A_144 = arith.maximumf %parallel_loop3A_141, %parallel_loop3A_143 : vector<16xf32>
      %parallel_loop3A_145 = arith.constant 1.000000e+00 : f32
      %parallel_loop3A_146 = vector.broadcast %parallel_loop3A_145 : f32 to vector<16xf32>
      %parallel_loop3A_147 = arith.minimumf %parallel_loop3A_144, %parallel_loop3A_146 : vector<16xf32>
      %parallel_loop3A_148 = arith.index_cast %parallel_loop3A_66 : i32 to index
      %parallel_loop3A_149 = arith.constant 96 : index
      %parallel_loop3A_150 = tpu.vector_load %arg6[%parallel_loop3A_148, %parallel_loop3A_149] {strides = array<i32>} : memref<128x256xf32, #tpu.memory_space<vmem>>, vector<16xf32>,
      tpu.vector_store %arg6[%parallel_loop3A_148, %parallel_loop3A_149], %parallel_loop3A_147 {strides = array<i32>} : memref<128x256xf32, #tpu.memory_space<vmem>>, vector<16xf32>,
      %parallel_loop3A_151 = arith.index_cast %parallel_loop3A_66 : i32 to index
      %parallel_loop3A_152 = arith.constant 112 : index
      %parallel_loop3A_153 = tpu.vector_load %arg6[%parallel_loop3A_151, %parallel_loop3A_152] {strides = array<i32>} : memref<128x256xf32, #tpu.memory_space<vmem>>, vector<16xf32>,
      %parallel_loop3A_154 = arith.constant 0.000000e+00 : f32
      %parallel_loop3A_155 = vector.broadcast %parallel_loop3A_154 : f32 to vector<16xf32>
      %parallel_loop3A_156 = arith.maximumf %parallel_loop3A_153, %parallel_loop3A_155 : vector<16xf32>
      %parallel_loop3A_157 = arith.constant 1.000000e+00 : f32
      %parallel_loop3A_158 = vector.broadcast %parallel_loop3A_157 : f32 to vector<16xf32>
      %parallel_loop3A_159 = arith.minimumf %parallel_loop3A_156, %parallel_loop3A_158 : vector<16xf32>
      %parallel_loop3A_160 = arith.index_cast %parallel_loop3A_66 : i32 to index
      %parallel_loop3A_161 = arith.constant 112 : index
      %parallel_loop3A_162 = tpu.vector_load %arg6[%parallel_loop3A_160, %parallel_loop3A_161] {strides = array<i32>} : memref<128x256xf32, #tpu.memory_space<vmem>>, vector<16xf32>,
      tpu.vector_store %arg6[%parallel_loop3A_160, %parallel_loop3A_161], %parallel_loop3A_159 {strides = array<i32>} : memref<128x256xf32, #tpu.memory_space<vmem>>, vector<16xf32>,
      %parallel_loop3A_163 = arith.index_cast %parallel_loop3A_66 : i32 to index
      %parallel_loop3A_164 = arith.constant 128 : index
      %parallel_loop3A_165 = tpu.vector_load %arg6[%parallel_loop3A_163, %parallel_loop3A_164] {strides = array<i32>} : memref<128x256xf32, #tpu.memory_space<vmem>>, vector<16xf32>,
      %parallel_loop3A_166 = arith.constant 0.000000e+00 : f32
      %parallel_loop3A_167 = vector.broadcast %parallel_loop3A_166 : f32 to vector<16xf32>
      %parallel_loop3A_168 = arith.maximumf %parallel_loop3A_165, %parallel_loop3A_167 : vector<16xf32>
      %parallel_loop3A_169 = arith.constant 1.000000e+00 : f32
      %parallel_loop3A_170 = vector.broadcast %parallel_loop3A_169 : f32 to vector<16xf32>
      %parallel_loop3A_171 = arith.minimumf %parallel_loop3A_168, %parallel_loop3A_170 : vector<16xf32>
      %parallel_loop3A_172 = arith.index_cast %parallel_loop3A_66 : i32 to index
      %parallel_loop3A_173 = arith.constant 128 : index
      %parallel_loop3A_174 = tpu.vector_load %arg6[%parallel_loop3A_172, %parallel_loop3A_173] {strides = array<i32>} : memref<128x256xf32, #tpu.memory_space<vmem>>, vector<16xf32>,
      tpu.vector_store %arg6[%parallel_loop3A_172, %parallel_loop3A_173], %parallel_loop3A_171 {strides = array<i32>} : memref<128x256xf32, #tpu.memory_space<vmem>>, vector<16xf32>,
      %parallel_loop3A_175 = arith.index_cast %parallel_loop3A_66 : i32 to index
      %parallel_loop3A_176 = arith.constant 144 : index
      %parallel_loop3A_177 = tpu.vector_load %arg6[%parallel_loop3A_175, %parallel_loop3A_176] {strides = array<i32>} : memref<128x256xf32, #tpu.memory_space<vmem>>, vector<16xf32>,
      %parallel_loop3A_178 = arith.constant 0.000000e+00 : f32
      %parallel_loop3A_179 = vector.broadcast %parallel_loop3A_178 : f32 to vector<16xf32>
      %parallel_loop3A_180 = arith.maximumf %parallel_loop3A_177, %parallel_loop3A_179 : vector<16xf32>
      %parallel_loop3A_181 = arith.constant 1.000000e+00 : f32
      %parallel_loop3A_182 = vector.broadcast %parallel_loop3A_181 : f32 to vector<16xf32>
      %parallel_loop3A_183 = arith.minimumf %parallel_loop3A_180, %parallel_loop3A_182 : vector<16xf32>
      %parallel_loop3A_184 = arith.index_cast %parallel_loop3A_66 : i32 to index
      %parallel_loop3A_185 = arith.constant 144 : index
      %parallel_loop3A_186 = tpu.vector_load %arg6[%parallel_loop3A_184, %parallel_loop3A_185] {strides = array<i32>} : memref<128x256xf32, #tpu.memory_space<vmem>>, vector<16xf32>,
      tpu.vector_store %arg6[%parallel_loop3A_184, %parallel_loop3A_185], %parallel_loop3A_183 {strides = array<i32>} : memref<128x256xf32, #tpu.memory_space<vmem>>, vector<16xf32>,
      %parallel_loop3A_187 = arith.index_cast %parallel_loop3A_66 : i32 to index
      %parallel_loop3A_188 = arith.constant 160 : index
      %parallel_loop3A_189 = tpu.vector_load %arg6[%parallel_loop3A_187, %parallel_loop3A_188] {strides = array<i32>} : memref<128x256xf32, #tpu.memory_space<vmem>>, vector<16xf32>,
      %parallel_loop3A_190 = arith.constant 0.000000e+00 : f32
      %parallel_loop3A_191 = vector.broadcast %parallel_loop3A_190 : f32 to vector<16xf32>
      %parallel_loop3A_192 = arith.maximumf %parallel_loop3A_189, %parallel_loop3A_191 : vector<16xf32>
      %parallel_loop3A_193 = arith.constant 1.000000e+00 : f32
      %parallel_loop3A_194 = vector.broadcast %parallel_loop3A_193 : f32 to vector<16xf32>
      %parallel_loop3A_195 = arith.minimumf %parallel_loop3A_192, %parallel_loop3A_194 : vector<16xf32>
      %parallel_loop3A_196 = arith.index_cast %parallel_loop3A_66 : i32 to index
      %parallel_loop3A_197 = arith.constant 160 : index
      %parallel_loop3A_198 = tpu.vector_load %arg6[%parallel_loop3A_196, %parallel_loop3A_197] {strides = array<i32>} : memref<128x256xf32, #tpu.memory_space<vmem>>, vector<16xf32>,
      tpu.vector_store %arg6[%parallel_loop3A_196, %parallel_loop3A_197], %parallel_loop3A_195 {strides = array<i32>} : memref<128x256xf32, #tpu.memory_space<vmem>>, vector<16xf32>,
      %parallel_loop3A_199 = arith.index_cast %parallel_loop3A_66 : i32 to index
      %parallel_loop3A_200 = arith.constant 176 : index
      %parallel_loop3A_201 = tpu.vector_load %arg6[%parallel_loop3A_199, %parallel_loop3A_200] {strides = array<i32>} : memref<128x256xf32, #tpu.memory_space<vmem>>, vector<16xf32>,
      %parallel_loop3A_202 = arith.constant 0.000000e+00 : f32
      %parallel_loop3A_203 = vector.broadcast %parallel_loop3A_202 : f32 to vector<16xf32>
      %parallel_loop3A_204 = arith.maximumf %parallel_loop3A_201, %parallel_loop3A_203 : vector<16xf32>
      %parallel_loop3A_205 = arith.constant 1.000000e+00 : f32
      %parallel_loop3A_206 = vector.broadcast %parallel_loop3A_205 : f32 to vector<16xf32>
      %parallel_loop3A_207 = arith.minimumf %parallel_loop3A_204, %parallel_loop3A_206 : vector<16xf32>
      %parallel_loop3A_208 = arith.index_cast %parallel_loop3A_66 : i32 to index
      %parallel_loop3A_209 = arith.constant 176 : index
      %parallel_loop3A_210 = tpu.vector_load %arg6[%parallel_loop3A_208, %parallel_loop3A_209] {strides = array<i32>} : memref<128x256xf32, #tpu.memory_space<vmem>>, vector<16xf32>,
      tpu.vector_store %arg6[%parallel_loop3A_208, %parallel_loop3A_209], %parallel_loop3A_207 {strides = array<i32>} : memref<128x256xf32, #tpu.memory_space<vmem>>, vector<16xf32>,
      %parallel_loop3A_211 = arith.index_cast %parallel_loop3A_66 : i32 to index
      %parallel_loop3A_212 = arith.constant 192 : index
      %parallel_loop3A_213 = tpu.vector_load %arg6[%parallel_loop3A_211, %parallel_loop3A_212] {strides = array<i32>} : memref<128x256xf32, #tpu.memory_space<vmem>>, vector<16xf32>,
      %parallel_loop3A_214 = arith.constant 0.000000e+00 : f32
      %parallel_loop3A_215 = vector.broadcast %parallel_loop3A_214 : f32 to vector<16xf32>
      %parallel_loop3A_216 = arith.maximumf %parallel_loop3A_213, %parallel_loop3A_215 : vector<16xf32>
      %parallel_loop3A_217 = arith.constant 1.000000e+00 : f32
      %parallel_loop3A_218 = vector.broadcast %parallel_loop3A_217 : f32 to vector<16xf32>
      %parallel_loop3A_219 = arith.minimumf %parallel_loop3A_216, %parallel_loop3A_218 : vector<16xf32>
      %parallel_loop3A_220 = arith.index_cast %parallel_loop3A_66 : i32 to index
      %parallel_loop3A_221 = arith.constant 192 : index
      %parallel_loop3A_222 = tpu.vector_load %arg6[%parallel_loop3A_220, %parallel_loop3A_221] {strides = array<i32>} : memref<128x256xf32, #tpu.memory_space<vmem>>, vector<16xf32>,
      tpu.vector_store %arg6[%parallel_loop3A_220, %parallel_loop3A_221], %parallel_loop3A_219 {strides = array<i32>} : memref<128x256xf32, #tpu.memory_space<vmem>>, vector<16xf32>,
      %parallel_loop3A_223 = arith.index_cast %parallel_loop3A_66 : i32 to index
      %parallel_loop3A_224 = arith.constant 208 : index
      %parallel_loop3A_225 = tpu.vector_load %arg6[%parallel_loop3A_223, %parallel_loop3A_224] {strides = array<i32>} : memref<128x256xf32, #tpu.memory_space<vmem>>, vector<16xf32>,
      %parallel_loop3A_226 = arith.constant 0.000000e+00 : f32
      %parallel_loop3A_227 = vector.broadcast %parallel_loop3A_226 : f32 to vector<16xf32>
      %parallel_loop3A_228 = arith.maximumf %parallel_loop3A_225, %parallel_loop3A_227 : vector<16xf32>
      %parallel_loop3A_229 = arith.constant 1.000000e+00 : f32
      %parallel_loop3A_230 = vector.broadcast %parallel_loop3A_229 : f32 to vector<16xf32>
      %parallel_loop3A_231 = arith.minimumf %parallel_loop3A_228, %parallel_loop3A_230 : vector<16xf32>
      %parallel_loop3A_232 = arith.index_cast %parallel_loop3A_66 : i32 to index
      %parallel_loop3A_233 = arith.constant 208 : index
      %parallel_loop3A_234 = tpu.vector_load %arg6[%parallel_loop3A_232, %parallel_loop3A_233] {strides = array<i32>} : memref<128x256xf32, #tpu.memory_space<vmem>>, vector<16xf32>,
      tpu.vector_store %arg6[%parallel_loop3A_232, %parallel_loop3A_233], %parallel_loop3A_231 {strides = array<i32>} : memref<128x256xf32, #tpu.memory_space<vmem>>, vector<16xf32>,
      %parallel_loop3A_235 = arith.index_cast %parallel_loop3A_66 : i32 to index
      %parallel_loop3A_236 = arith.constant 224 : index
      %parallel_loop3A_237 = tpu.vector_load %arg6[%parallel_loop3A_235, %parallel_loop3A_236] {strides = array<i32>} : memref<128x256xf32, #tpu.memory_space<vmem>>, vector<16xf32>,
      %parallel_loop3A_238 = arith.constant 0.000000e+00 : f32
      %parallel_loop3A_239 = vector.broadcast %parallel_loop3A_238 : f32 to vector<16xf32>
      %parallel_loop3A_240 = arith.maximumf %parallel_loop3A_237, %parallel_loop3A_239 : vector<16xf32>
      %parallel_loop3A_241 = arith.constant 1.000000e+00 : f32
      %parallel_loop3A_242 = vector.broadcast %parallel_loop3A_241 : f32 to vector<16xf32>
      %parallel_loop3A_243 = arith.minimumf %parallel_loop3A_240, %parallel_loop3A_242 : vector<16xf32>
      %parallel_loop3A_244 = arith.index_cast %parallel_loop3A_66 : i32 to index
      %parallel_loop3A_245 = arith.constant 224 : index
      %parallel_loop3A_246 = tpu.vector_load %arg6[%parallel_loop3A_244, %parallel_loop3A_245] {strides = array<i32>} : memref<128x256xf32, #tpu.memory_space<vmem>>, vector<16xf32>,
      tpu.vector_store %arg6[%parallel_loop3A_244, %parallel_loop3A_245], %parallel_loop3A_243 {strides = array<i32>} : memref<128x256xf32, #tpu.memory_space<vmem>>, vector<16xf32>,
      %parallel_loop3A_247 = arith.index_cast %parallel_loop3A_66 : i32 to index
      %parallel_loop3A_248 = arith.constant 240 : index
      %parallel_loop3A_249 = tpu.vector_load %arg6[%parallel_loop3A_247, %parallel_loop3A_248] {strides = array<i32>} : memref<128x256xf32, #tpu.memory_space<vmem>>, vector<16xf32>,
      %parallel_loop3A_250 = arith.constant 0.000000e+00 : f32
      %parallel_loop3A_251 = vector.broadcast %parallel_loop3A_250 : f32 to vector<16xf32>
      %parallel_loop3A_252 = arith.maximumf %parallel_loop3A_249, %parallel_loop3A_251 : vector<16xf32>
      %parallel_loop3A_253 = arith.constant 1.000000e+00 : f32
      %parallel_loop3A_254 = vector.broadcast %parallel_loop3A_253 : f32 to vector<16xf32>
      %parallel_loop3A_255 = arith.minimumf %parallel_loop3A_252, %parallel_loop3A_254 : vector<16xf32>
      %parallel_loop3A_256 = arith.index_cast %parallel_loop3A_66 : i32 to index
      %parallel_loop3A_257 = arith.constant 240 : index
      %parallel_loop3A_258 = tpu.vector_load %arg6[%parallel_loop3A_256, %parallel_loop3A_257] {strides = array<i32>} : memref<128x256xf32, #tpu.memory_space<vmem>>, vector<16xf32>,
      tpu.vector_store %arg6[%parallel_loop3A_256, %parallel_loop3A_257], %parallel_loop3A_255 {strides = array<i32>} : memref<128x256xf32, #tpu.memory_space<vmem>>, vector<16xf32>,
    } {sc.loop_unroll_factor = 2 : i64, sc.parallel_access}
    %parallel_loop3A_39 = arith.constant 0 : i32
    %parallel_loop3A_40 = arith.constant 16 : i32
    %parallel_loop3A_41 = arith.constant 1 : i32
    scf.for %parallel_loop3A_66 = %parallel_loop3A_39 to %parallel_loop3A_40 step %parallel_loop3A_41  : i32 {
      %parallel_loop3A_67 = arith.constant 16 : i32
      %parallel_loop3A_68 = arith.muli %parallel_loop3A_66, %parallel_loop3A_67 : i32
      %parallel_loop3A_69 = arith.constant 0 : i32
      %parallel_loop3A_70 = arith.index_cast %parallel_loop3A_69 : i32 to index
      %parallel_loop3A_71 = arith.index_cast %parallel_loop3A_68 : i32 to index
      %parallel_loop3A_72 = tpu.vector_load %arg7[%parallel_loop3A_70, %parallel_loop3A_71] {strides = array<i32>} : memref<16x256xf32, #tpu.memory_space<vmem>>, vector<16xf32>,
      %parallel_loop3A_73 = arith.constant 1 : i32
      %parallel_loop3A_74 = arith.index_cast %parallel_loop3A_73 : i32 to index
      %parallel_loop3A_75 = arith.index_cast %parallel_loop3A_68 : i32 to index
      %parallel_loop3A_76 = tpu.vector_load %arg7[%parallel_loop3A_74, %parallel_loop3A_75] {strides = array<i32>} : memref<16x256xf32, #tpu.memory_space<vmem>>, vector<16xf32>,
      %parallel_loop3A_77 = arith.constant 2 : i32
      %parallel_loop3A_78 = arith.index_cast %parallel_loop3A_77 : i32 to index
      %parallel_loop3A_79 = arith.index_cast %parallel_loop3A_68 : i32 to index
      %parallel_loop3A_80 = tpu.vector_load %arg7[%parallel_loop3A_78, %parallel_loop3A_79] {strides = array<i32>} : memref<16x256xf32, #tpu.memory_space<vmem>>, vector<16xf32>,
      %parallel_loop3A_81 = arith.constant 3 : i32
      %parallel_loop3A_82 = arith.index_cast %parallel_loop3A_81 : i32 to index
      %parallel_loop3A_83 = arith.index_cast %parallel_loop3A_68 : i32 to index
      %parallel_loop3A_84 = tpu.vector_load %arg7[%parallel_loop3A_82, %parallel_loop3A_83] {strides = array<i32>} : memref<16x256xf32, #tpu.memory_space<vmem>>, vector<16xf32>,
      %parallel_loop3A_85 = arith.constant 4 : i32
      %parallel_loop3A_86 = arith.index_cast %parallel_loop3A_85 : i32 to index
      %parallel_loop3A_87 = arith.index_cast %parallel_loop3A_68 : i32 to index
      %parallel_loop3A_88 = tpu.vector_load %arg7[%parallel_loop3A_86, %parallel_loop3A_87] {strides = array<i32>} : memref<16x256xf32, #tpu.memory_space<vmem>>, vector<16xf32>,
      %parallel_loop3A_89 = arith.constant 5 : i32
      %parallel_loop3A_90 = arith.index_cast %parallel_loop3A_89 : i32 to index
      %parallel_loop3A_91 = arith.index_cast %parallel_loop3A_68 : i32 to index
      %parallel_loop3A_92 = tpu.vector_load %arg7[%parallel_loop3A_90, %parallel_loop3A_91] {strides = array<i32>} : memref<16x256xf32, #tpu.memory_space<vmem>>, vector<16xf32>,
      %parallel_loop3A_93 = arith.constant 6 : i32
      %parallel_loop3A_94 = arith.index_cast %parallel_loop3A_93 : i32 to index
      %parallel_loop3A_95 = arith.index_cast %parallel_loop3A_68 : i32 to index
      %parallel_loop3A_96 = tpu.vector_load %arg7[%parallel_loop3A_94, %parallel_loop3A_95] {strides = array<i32>} : memref<16x256xf32, #tpu.memory_space<vmem>>, vector<16xf32>,
      %parallel_loop3A_97 = arith.constant 7 : i32
      %parallel_loop3A_98 = arith.index_cast %parallel_loop3A_97 : i32 to index
      %parallel_loop3A_99 = arith.index_cast %parallel_loop3A_68 : i32 to index
      %parallel_loop3A_100 = tpu.vector_load %arg7[%parallel_loop3A_98, %parallel_loop3A_99] {strides = array<i32>} : memref<16x256xf32, #tpu.memory_space<vmem>>, vector<16xf32>,
      %parallel_loop3A_101 = arith.constant 8 : i32
      %parallel_loop3A_102 = arith.index_cast %parallel_loop3A_101 : i32 to index
      %parallel_loop3A_103 = arith.index_cast %parallel_loop3A_68 : i32 to index
      %parallel_loop3A_104 = tpu.vector_load %arg7[%parallel_loop3A_102, %parallel_loop3A_103] {strides = array<i32>} : memref<16x256xf32, #tpu.memory_space<vmem>>, vector<16xf32>,
      %parallel_loop3A_105 = arith.constant 9 : i32
      %parallel_loop3A_106 = arith.index_cast %parallel_loop3A_105 : i32 to index
      %parallel_loop3A_107 = arith.index_cast %parallel_loop3A_68 : i32 to index
      %parallel_loop3A_108 = tpu.vector_load %arg7[%parallel_loop3A_106, %parallel_loop3A_107] {strides = array<i32>} : memref<16x256xf32, #tpu.memory_space<vmem>>, vector<16xf32>,
      %parallel_loop3A_109 = arith.constant 10 : i32
      %parallel_loop3A_110 = arith.index_cast %parallel_loop3A_109 : i32 to index
      %parallel_loop3A_111 = arith.index_cast %parallel_loop3A_68 : i32 to index
      %parallel_loop3A_112 = tpu.vector_load %arg7[%parallel_loop3A_110, %parallel_loop3A_111] {strides = array<i32>} : memref<16x256xf32, #tpu.memory_space<vmem>>, vector<16xf32>,
      %parallel_loop3A_113 = arith.constant 11 : i32
      %parallel_loop3A_114 = arith.index_cast %parallel_loop3A_113 : i32 to index
      %parallel_loop3A_115 = arith.index_cast %parallel_loop3A_68 : i32 to index
      %parallel_loop3A_116 = tpu.vector_load %arg7[%parallel_loop3A_114, %parallel_loop3A_115] {strides = array<i32>} : memref<16x256xf32, #tpu.memory_space<vmem>>, vector<16xf32>,
      %parallel_loop3A_117 = arith.constant 12 : i32
      %parallel_loop3A_118 = arith.index_cast %parallel_loop3A_117 : i32 to index
      %parallel_loop3A_119 = arith.index_cast %parallel_loop3A_68 : i32 to index
      %parallel_loop3A_120 = tpu.vector_load %arg7[%parallel_loop3A_118, %parallel_loop3A_119] {strides = array<i32>} : memref<16x256xf32, #tpu.memory_space<vmem>>, vector<16xf32>,
      %parallel_loop3A_121 = arith.constant 13 : i32
      %parallel_loop3A_122 = arith.index_cast %parallel_loop3A_121 : i32 to index
      %parallel_loop3A_123 = arith.index_cast %parallel_loop3A_68 : i32 to index
      %parallel_loop3A_124 = tpu.vector_load %arg7[%parallel_loop3A_122, %parallel_loop3A_123] {strides = array<i32>} : memref<16x256xf32, #tpu.memory_space<vmem>>, vector<16xf32>,
      %parallel_loop3A_125 = arith.constant 14 : i32
      %parallel_loop3A_126 = arith.index_cast %parallel_loop3A_125 : i32 to index
      %parallel_loop3A_127 = arith.index_cast %parallel_loop3A_68 : i32 to index
      %parallel_loop3A_128 = tpu.vector_load %arg7[%parallel_loop3A_126, %parallel_loop3A_127] {strides = array<i32>} : memref<16x256xf32, #tpu.memory_space<vmem>>, vector<16xf32>,
      %parallel_loop3A_129 = arith.constant 15 : i32
      %parallel_loop3A_130 = arith.index_cast %parallel_loop3A_129 : i32 to index
      %parallel_loop3A_131 = arith.index_cast %parallel_loop3A_68 : i32 to index
      %parallel_loop3A_132 = tpu.vector_load %arg7[%parallel_loop3A_130, %parallel_loop3A_131] {strides = array<i32>} : memref<16x256xf32, #tpu.memory_space<vmem>>, vector<16xf32>,
      %parallel_loop3A_133 = arith.subf %parallel_loop3A_104, %parallel_loop3A_72 : vector<16xf32>
      %parallel_loop3A_134 = arith.subf %parallel_loop3A_108, %parallel_loop3A_76 : vector<16xf32>
      %parallel_loop3A_135 = arith.subf %parallel_loop3A_112, %parallel_loop3A_80 : vector<16xf32>
      %parallel_loop3A_136 = arith.subf %parallel_loop3A_116, %parallel_loop3A_84 : vector<16xf32>
      %parallel_loop3A_137 = arith.subf %parallel_loop3A_120, %parallel_loop3A_88 : vector<16xf32>
      %parallel_loop3A_138 = arith.subf %parallel_loop3A_124, %parallel_loop3A_92 : vector<16xf32>
      %parallel_loop3A_139 = arith.subf %parallel_loop3A_128, %parallel_loop3A_96 : vector<16xf32>
      %parallel_loop3A_140 = arith.subf %parallel_loop3A_132, %parallel_loop3A_100 : vector<16xf32>
      %parallel_loop3A_141 = arith.subf %parallel_loop3A_88, %parallel_loop3A_72 : vector<16xf32>
      %parallel_loop3A_142 = arith.subf %parallel_loop3A_92, %parallel_loop3A_76 : vector<16xf32>
      %parallel_loop3A_143 = arith.subf %parallel_loop3A_96, %parallel_loop3A_80 : vector<16xf32>
      %parallel_loop3A_144 = arith.subf %parallel_loop3A_100, %parallel_loop3A_84 : vector<16xf32>
      %parallel_loop3A_145 = arith.subf %parallel_loop3A_137, %parallel_loop3A_133 : vector<16xf32>
      %parallel_loop3A_146 = arith.subf %parallel_loop3A_138, %parallel_loop3A_134 : vector<16xf32>
      %parallel_loop3A_147 = arith.subf %parallel_loop3A_139, %parallel_loop3A_135 : vector<16xf32>
      %parallel_loop3A_148 = arith.subf %parallel_loop3A_140, %parallel_loop3A_136 : vector<16xf32>
      %parallel_loop3A_149 = arith.subf %parallel_loop3A_80, %parallel_loop3A_72 : vector<16xf32>
      %parallel_loop3A_150 = arith.subf %parallel_loop3A_84, %parallel_loop3A_76 : vector<16xf32>
      %parallel_loop3A_151 = arith.subf %parallel_loop3A_143, %parallel_loop3A_141 : vector<16xf32>
      %parallel_loop3A_152 = arith.subf %parallel_loop3A_144, %parallel_loop3A_142 : vector<16xf32>
      %parallel_loop3A_153 = arith.subf %parallel_loop3A_135, %parallel_loop3A_133 : vector<16xf32>
      %parallel_loop3A_154 = arith.subf %parallel_loop3A_136, %parallel_loop3A_134 : vector<16xf32>
      %parallel_loop3A_155 = arith.subf %parallel_loop3A_147, %parallel_loop3A_145 : vector<16xf32>
      %parallel_loop3A_156 = arith.subf %parallel_loop3A_148, %parallel_loop3A_146 : vector<16xf32>
      %parallel_loop3A_157 = arith.subf %parallel_loop3A_76, %parallel_loop3A_72 : vector<16xf32>
      %parallel_loop3A_158 = arith.subf %parallel_loop3A_150, %parallel_loop3A_149 : vector<16xf32>
      %parallel_loop3A_159 = arith.subf %parallel_loop3A_142, %parallel_loop3A_141 : vector<16xf32>
      %parallel_loop3A_160 = arith.subf %parallel_loop3A_152, %parallel_loop3A_151 : vector<16xf32>
      %parallel_loop3A_161 = arith.subf %parallel_loop3A_134, %parallel_loop3A_133 : vector<16xf32>
      %parallel_loop3A_162 = arith.subf %parallel_loop3A_154, %parallel_loop3A_153 : vector<16xf32>
      %parallel_loop3A_163 = arith.subf %parallel_loop3A_146, %parallel_loop3A_145 : vector<16xf32>
      %parallel_loop3A_164 = arith.subf %parallel_loop3A_156, %parallel_loop3A_155 : vector<16xf32>
      %parallel_loop3A_165 = arith.constant 0 : i32
      %parallel_loop3A_166 = arith.index_cast %parallel_loop3A_165 : i32 to index
      %parallel_loop3A_167 = arith.index_cast %parallel_loop3A_68 : i32 to index
      %parallel_loop3A_168 = tpu.vector_load %arg7[%parallel_loop3A_166, %parallel_loop3A_167] {strides = array<i32>} : memref<16x256xf32, #tpu.memory_space<vmem>>, vector<16xf32>,
      tpu.vector_store %arg7[%parallel_loop3A_166, %parallel_loop3A_167], %parallel_loop3A_72 {strides = array<i32>} : memref<16x256xf32, #tpu.memory_space<vmem>>, vector<16xf32>,
      %parallel_loop3A_169 = arith.constant 1 : i32
      %parallel_loop3A_170 = arith.index_cast %parallel_loop3A_169 : i32 to index
      %parallel_loop3A_171 = arith.index_cast %parallel_loop3A_68 : i32 to index
      %parallel_loop3A_172 = tpu.vector_load %arg7[%parallel_loop3A_170, %parallel_loop3A_171] {strides = array<i32>} : memref<16x256xf32, #tpu.memory_space<vmem>>, vector<16xf32>,
      tpu.vector_store %arg7[%parallel_loop3A_170, %parallel_loop3A_171], %parallel_loop3A_157 {strides = array<i32>} : memref<16x256xf32, #tpu.memory_space<vmem>>, vector<16xf32>,
      %parallel_loop3A_173 = arith.constant 2 : i32
      %parallel_loop3A_174 = arith.index_cast %parallel_loop3A_173 : i32 to index
      %parallel_loop3A_175 = arith.index_cast %parallel_loop3A_68 : i32 to index
      %parallel_loop3A_176 = tpu.vector_load %arg7[%parallel_loop3A_174, %parallel_loop3A_175] {strides = array<i32>} : memref<16x256xf32, #tpu.memory_space<vmem>>, vector<16xf32>,
      tpu.vector_store %arg7[%parallel_loop3A_174, %parallel_loop3A_175], %parallel_loop3A_149 {strides = array<i32>} : memref<16x256xf32, #tpu.memory_space<vmem>>, vector<16xf32>,
      %parallel_loop3A_177 = arith.constant 3 : i32
      %parallel_loop3A_178 = arith.index_cast %parallel_loop3A_177 : i32 to index
      %parallel_loop3A_179 = arith.index_cast %parallel_loop3A_68 : i32 to index
      %parallel_loop3A_180 = tpu.vector_load %arg7[%parallel_loop3A_178, %parallel_loop3A_179] {strides = array<i32>} : memref<16x256xf32, #tpu.memory_space<vmem>>, vector<16xf32>,
      tpu.vector_store %arg7[%parallel_loop3A_178, %parallel_loop3A_179], %parallel_loop3A_158 {strides = array<i32>} : memref<16x256xf32, #tpu.memory_space<vmem>>, vector<16xf32>,
      %parallel_loop3A_181 = arith.constant 4 : i32
      %parallel_loop3A_182 = arith.index_cast %parallel_loop3A_181 : i32 to index
      %parallel_loop3A_183 = arith.index_cast %parallel_loop3A_68 : i32 to index
      %parallel_loop3A_184 = tpu.vector_load %arg7[%parallel_loop3A_182, %parallel_loop3A_183] {strides = array<i32>} : memref<16x256xf32, #tpu.memory_space<vmem>>, vector<16xf32>,
      tpu.vector_store %arg7[%parallel_loop3A_182, %parallel_loop3A_183], %parallel_loop3A_141 {strides = array<i32>} : memref<16x256xf32, #tpu.memory_space<vmem>>, vector<16xf32>,
      %parallel_loop3A_185 = arith.constant 5 : i32
      %parallel_loop3A_186 = arith.index_cast %parallel_loop3A_185 : i32 to index
      %parallel_loop3A_187 = arith.index_cast %parallel_loop3A_68 : i32 to index
      %parallel_loop3A_188 = tpu.vector_load %arg7[%parallel_loop3A_186, %parallel_loop3A_187] {strides = array<i32>} : memref<16x256xf32, #tpu.memory_space<vmem>>, vector<16xf32>,
      tpu.vector_store %arg7[%parallel_loop3A_186, %parallel_loop3A_187], %parallel_loop3A_159 {strides = array<i32>} : memref<16x256xf32, #tpu.memory_space<vmem>>, vector<16xf32>,
      %parallel_loop3A_189 = arith.constant 6 : i32
      %parallel_loop3A_190 = arith.index_cast %parallel_loop3A_189 : i32 to index
      %parallel_loop3A_191 = arith.index_cast %parallel_loop3A_68 : i32 to index
      %parallel_loop3A_192 = tpu.vector_load %arg7[%parallel_loop3A_190, %parallel_loop3A_191] {strides = array<i32>} : memref<16x256xf32, #tpu.memory_space<vmem>>, vector<16xf32>,
      tpu.vector_store %arg7[%parallel_loop3A_190, %parallel_loop3A_191], %parallel_loop3A_151 {strides = array<i32>} : memref<16x256xf32, #tpu.memory_space<vmem>>, vector<16xf32>,
      %parallel_loop3A_193 = arith.constant 7 : i32
      %parallel_loop3A_194 = arith.index_cast %parallel_loop3A_193 : i32 to index
      %parallel_loop3A_195 = arith.index_cast %parallel_loop3A_68 : i32 to index
      %parallel_loop3A_196 = tpu.vector_load %arg7[%parallel_loop3A_194, %parallel_loop3A_195] {strides = array<i32>} : memref<16x256xf32, #tpu.memory_space<vmem>>, vector<16xf32>,
      tpu.vector_store %arg7[%parallel_loop3A_194, %parallel_loop3A_195], %parallel_loop3A_160 {strides = array<i32>} : memref<16x256xf32, #tpu.memory_space<vmem>>, vector<16xf32>,
      %parallel_loop3A_197 = arith.constant 8 : i32
      %parallel_loop3A_198 = arith.index_cast %parallel_loop3A_197 : i32 to index
      %parallel_loop3A_199 = arith.index_cast %parallel_loop3A_68 : i32 to index
      %parallel_loop3A_200 = tpu.vector_load %arg7[%parallel_loop3A_198, %parallel_loop3A_199] {strides = array<i32>} : memref<16x256xf32, #tpu.memory_space<vmem>>, vector<16xf32>,
      tpu.vector_store %arg7[%parallel_loop3A_198, %parallel_loop3A_199], %parallel_loop3A_133 {strides = array<i32>} : memref<16x256xf32, #tpu.memory_space<vmem>>, vector<16xf32>,
      %parallel_loop3A_201 = arith.constant 9 : i32
      %parallel_loop3A_202 = arith.index_cast %parallel_loop3A_201 : i32 to index
      %parallel_loop3A_203 = arith.index_cast %parallel_loop3A_68 : i32 to index
      %parallel_loop3A_204 = tpu.vector_load %arg7[%parallel_loop3A_202, %parallel_loop3A_203] {strides = array<i32>} : memref<16x256xf32, #tpu.memory_space<vmem>>, vector<16xf32>,
      tpu.vector_store %arg7[%parallel_loop3A_202, %parallel_loop3A_203], %parallel_loop3A_161 {strides = array<i32>} : memref<16x256xf32, #tpu.memory_space<vmem>>, vector<16xf32>,
      %parallel_loop3A_205 = arith.constant 10 : i32
      %parallel_loop3A_206 = arith.index_cast %parallel_loop3A_205 : i32 to index
      %parallel_loop3A_207 = arith.index_cast %parallel_loop3A_68 : i32 to index
      %parallel_loop3A_208 = tpu.vector_load %arg7[%parallel_loop3A_206, %parallel_loop3A_207] {strides = array<i32>} : memref<16x256xf32, #tpu.memory_space<vmem>>, vector<16xf32>,
      tpu.vector_store %arg7[%parallel_loop3A_206, %parallel_loop3A_207], %parallel_loop3A_153 {strides = array<i32>} : memref<16x256xf32, #tpu.memory_space<vmem>>, vector<16xf32>,
      %parallel_loop3A_209 = arith.constant 11 : i32
      %parallel_loop3A_210 = arith.index_cast %parallel_loop3A_209 : i32 to index
      %parallel_loop3A_211 = arith.index_cast %parallel_loop3A_68 : i32 to index
      %parallel_loop3A_212 = tpu.vector_load %arg7[%parallel_loop3A_210, %parallel_loop3A_211] {strides = array<i32>} : memref<16x256xf32, #tpu.memory_space<vmem>>, vector<16xf32>,
      tpu.vector_store %arg7[%parallel_loop3A_210, %parallel_loop3A_211], %parallel_loop3A_162 {strides = array<i32>} : memref<16x256xf32, #tpu.memory_space<vmem>>, vector<16xf32>,
      %parallel_loop3A_213 = arith.constant 12 : i32
      %parallel_loop3A_214 = arith.index_cast %parallel_loop3A_213 : i32 to index
      %parallel_loop3A_215 = arith.index_cast %parallel_loop3A_68 : i32 to index
      %parallel_loop3A_216 = tpu.vector_load %arg7[%parallel_loop3A_214, %parallel_loop3A_215] {strides = array<i32>} : memref<16x256xf32, #tpu.memory_space<vmem>>, vector<16xf32>,
      tpu.vector_store %arg7[%parallel_loop3A_214, %parallel_loop3A_215], %parallel_loop3A_145 {strides = array<i32>} : memref<16x256xf32, #tpu.memory_space<vmem>>, vector<16xf32>,
      %parallel_loop3A_217 = arith.constant 13 : i32
      %parallel_loop3A_218 = arith.index_cast %parallel_loop3A_217 : i32 to index
      %parallel_loop3A_219 = arith.index_cast %parallel_loop3A_68 : i32 to index
      %parallel_loop3A_220 = tpu.vector_load %arg7[%parallel_loop3A_218, %parallel_loop3A_219] {strides = array<i32>} : memref<16x256xf32, #tpu.memory_space<vmem>>, vector<16xf32>,
      tpu.vector_store %arg7[%parallel_loop3A_218, %parallel_loop3A_219], %parallel_loop3A_163 {strides = array<i32>} : memref<16x256xf32, #tpu.memory_space<vmem>>, vector<16xf32>,
      %parallel_loop3A_221 = arith.constant 14 : i32
      %parallel_loop3A_222 = arith.index_cast %parallel_loop3A_221 : i32 to index
      %parallel_loop3A_223 = arith.index_cast %parallel_loop3A_68 : i32 to index
      %parallel_loop3A_224 = tpu.vector_load %arg7[%parallel_loop3A_222, %parallel_loop3A_223] {strides = array<i32>} : memref<16x256xf32, #tpu.memory_space<vmem>>, vector<16xf32>,
      tpu.vector_store %arg7[%parallel_loop3A_222, %parallel_loop3A_223], %parallel_loop3A_155 {strides = array<i32>} : memref<16x256xf32, #tpu.memory_space<vmem>>, vector<16xf32>,
      %parallel_loop3A_225 = arith.constant 15 : i32
      %parallel_loop3A_226 = arith.index_cast %parallel_loop3A_225 : i32 to index
      %parallel_loop3A_227 = arith.index_cast %parallel_loop3A_68 : i32 to index
      %parallel_loop3A_228 = tpu.vector_load %arg7[%parallel_loop3A_226, %parallel_loop3A_227] {strides = array<i32>} : memref<16x256xf32, #tpu.memory_space<vmem>>, vector<16xf32>,
      tpu.vector_store %arg7[%parallel_loop3A_226, %parallel_loop3A_227], %parallel_loop3A_164 {strides = array<i32>} : memref<16x256xf32, #tpu.memory_space<vmem>>, vector<16xf32>,
    } {sc.loop_unroll_factor = 1 : i64, sc.parallel_access}
    %iota3A = tpu.iota {dimensions = array<i32: 0>} : vector<16xi32>
    %parallel_loop3A_42 = arith.constant 0 : i32
    %parallel_loop3A_43 = arith.constant 128 : i32
    %parallel_loop3A_44 = arith.constant 1 : i32
    scf.for %parallel_loop3A_66 = %parallel_loop3A_42 to %parallel_loop3A_43 step %parallel_loop3A_44  : i32 {
      %parallel_loop3A_67 = arith.constant 0 : i32
      %parallel_loop3A_68 = arith.addi %parallel_loop3A_67, %parallel_loop3A_66 : i32
      %parallel_loop3A_69 = vector.broadcast %parallel_loop3A_68 : i32 to vector<16xi32>
      %parallel_loop3A_70 = tpu.vector_load_idx %arg7[%iota3A, %parallel_loop3A_69] : memref<16x256xf32, #tpu.memory_space<vmem>>[vector<16xi32>, vector<16xi32>], vector<16xf32>,
      %parallel_loop3A_71 = arith.constant 0 : i32
      %parallel_loop3A_72 = vector.broadcast %parallel_loop3A_71 : i32 to vector<16x1xi32>
      %parallel_loop3A_73 = vector.shape_cast %parallel_loop3A_72 : vector<16x1xi32> to vector<16xi32>
      %parallel_loop3A_74 = tpu.dynamic_gather %parallel_loop3A_70[%parallel_loop3A_73] in [0] : vector<16xf32>, vector<16xi32> -> vector<16xf32>
      %parallel_loop3A_75 = arith.constant 1 : i32
      %parallel_loop3A_76 = vector.broadcast %parallel_loop3A_75 : i32 to vector<16x1xi32>
      %parallel_loop3A_77 = vector.shape_cast %parallel_loop3A_76 : vector<16x1xi32> to vector<16xi32>
      %parallel_loop3A_78 = tpu.dynamic_gather %parallel_loop3A_70[%parallel_loop3A_77] in [0] : vector<16xf32>, vector<16xi32> -> vector<16xf32>
      %parallel_loop3A_79 = arith.constant 2 : i32
      %parallel_loop3A_80 = vector.broadcast %parallel_loop3A_79 : i32 to vector<16x1xi32>
      %parallel_loop3A_81 = vector.shape_cast %parallel_loop3A_80 : vector<16x1xi32> to vector<16xi32>
      %parallel_loop3A_82 = tpu.dynamic_gather %parallel_loop3A_70[%parallel_loop3A_81] in [0] : vector<16xf32>, vector<16xi32> -> vector<16xf32>
      %parallel_loop3A_83 = arith.constant 3 : i32
      %parallel_loop3A_84 = vector.broadcast %parallel_loop3A_83 : i32 to vector<16x1xi32>
      %parallel_loop3A_85 = vector.shape_cast %parallel_loop3A_84 : vector<16x1xi32> to vector<16xi32>
      %parallel_loop3A_86 = tpu.dynamic_gather %parallel_loop3A_70[%parallel_loop3A_85] in [0] : vector<16xf32>, vector<16xi32> -> vector<16xf32>
      %parallel_loop3A_87 = arith.constant 4 : i32
      %parallel_loop3A_88 = vector.broadcast %parallel_loop3A_87 : i32 to vector<16x1xi32>
      %parallel_loop3A_89 = vector.shape_cast %parallel_loop3A_88 : vector<16x1xi32> to vector<16xi32>
      %parallel_loop3A_90 = tpu.dynamic_gather %parallel_loop3A_70[%parallel_loop3A_89] in [0] : vector<16xf32>, vector<16xi32> -> vector<16xf32>
      %parallel_loop3A_91 = arith.constant 5 : i32
      %parallel_loop3A_92 = vector.broadcast %parallel_loop3A_91 : i32 to vector<16x1xi32>
      %parallel_loop3A_93 = vector.shape_cast %parallel_loop3A_92 : vector<16x1xi32> to vector<16xi32>
      %parallel_loop3A_94 = tpu.dynamic_gather %parallel_loop3A_70[%parallel_loop3A_93] in [0] : vector<16xf32>, vector<16xi32> -> vector<16xf32>
      %parallel_loop3A_95 = arith.constant 6 : i32
      %parallel_loop3A_96 = vector.broadcast %parallel_loop3A_95 : i32 to vector<16x1xi32>
      %parallel_loop3A_97 = vector.shape_cast %parallel_loop3A_96 : vector<16x1xi32> to vector<16xi32>
      %parallel_loop3A_98 = tpu.dynamic_gather %parallel_loop3A_70[%parallel_loop3A_97] in [0] : vector<16xf32>, vector<16xi32> -> vector<16xf32>
      %parallel_loop3A_99 = arith.constant 7 : i32
      %parallel_loop3A_100 = vector.broadcast %parallel_loop3A_99 : i32 to vector<16x1xi32>
      %parallel_loop3A_101 = vector.shape_cast %parallel_loop3A_100 : vector<16x1xi32> to vector<16xi32>
      %parallel_loop3A_102 = tpu.dynamic_gather %parallel_loop3A_70[%parallel_loop3A_101] in [0] : vector<16xf32>, vector<16xi32> -> vector<16xf32>
      %parallel_loop3A_103 = arith.constant 8 : i32
      %parallel_loop3A_104 = vector.broadcast %parallel_loop3A_103 : i32 to vector<16x1xi32>
      %parallel_loop3A_105 = vector.shape_cast %parallel_loop3A_104 : vector<16x1xi32> to vector<16xi32>
      %parallel_loop3A_106 = tpu.dynamic_gather %parallel_loop3A_70[%parallel_loop3A_105] in [0] : vector<16xf32>, vector<16xi32> -> vector<16xf32>
      %parallel_loop3A_107 = arith.constant 9 : i32
      %parallel_loop3A_108 = vector.broadcast %parallel_loop3A_107 : i32 to vector<16x1xi32>
      %parallel_loop3A_109 = vector.shape_cast %parallel_loop3A_108 : vector<16x1xi32> to vector<16xi32>
      %parallel_loop3A_110 = tpu.dynamic_gather %parallel_loop3A_70[%parallel_loop3A_109] in [0] : vector<16xf32>, vector<16xi32> -> vector<16xf32>
      %parallel_loop3A_111 = arith.constant 10 : i32
      %parallel_loop3A_112 = vector.broadcast %parallel_loop3A_111 : i32 to vector<16x1xi32>
      %parallel_loop3A_113 = vector.shape_cast %parallel_loop3A_112 : vector<16x1xi32> to vector<16xi32>
      %parallel_loop3A_114 = tpu.dynamic_gather %parallel_loop3A_70[%parallel_loop3A_113] in [0] : vector<16xf32>, vector<16xi32> -> vector<16xf32>
      %parallel_loop3A_115 = arith.constant 11 : i32
      %parallel_loop3A_116 = vector.broadcast %parallel_loop3A_115 : i32 to vector<16x1xi32>
      %parallel_loop3A_117 = vector.shape_cast %parallel_loop3A_116 : vector<16x1xi32> to vector<16xi32>
      %parallel_loop3A_118 = tpu.dynamic_gather %parallel_loop3A_70[%parallel_loop3A_117] in [0] : vector<16xf32>, vector<16xi32> -> vector<16xf32>
      %parallel_loop3A_119 = arith.constant 12 : i32
      %parallel_loop3A_120 = vector.broadcast %parallel_loop3A_119 : i32 to vector<16x1xi32>
      %parallel_loop3A_121 = vector.shape_cast %parallel_loop3A_120 : vector<16x1xi32> to vector<16xi32>
      %parallel_loop3A_122 = tpu.dynamic_gather %parallel_loop3A_70[%parallel_loop3A_121] in [0] : vector<16xf32>, vector<16xi32> -> vector<16xf32>
      %parallel_loop3A_123 = arith.constant 13 : i32
      %parallel_loop3A_124 = vector.broadcast %parallel_loop3A_123 : i32 to vector<16x1xi32>
      %parallel_loop3A_125 = vector.shape_cast %parallel_loop3A_124 : vector<16x1xi32> to vector<16xi32>
      %parallel_loop3A_126 = tpu.dynamic_gather %parallel_loop3A_70[%parallel_loop3A_125] in [0] : vector<16xf32>, vector<16xi32> -> vector<16xf32>
      %parallel_loop3A_127 = arith.constant 14 : i32
      %parallel_loop3A_128 = vector.broadcast %parallel_loop3A_127 : i32 to vector<16x1xi32>
      %parallel_loop3A_129 = vector.shape_cast %parallel_loop3A_128 : vector<16x1xi32> to vector<16xi32>
      %parallel_loop3A_130 = tpu.dynamic_gather %parallel_loop3A_70[%parallel_loop3A_129] in [0] : vector<16xf32>, vector<16xi32> -> vector<16xf32>
      %parallel_loop3A_131 = arith.constant 15 : i32
      %parallel_loop3A_132 = vector.broadcast %parallel_loop3A_131 : i32 to vector<16x1xi32>
      %parallel_loop3A_133 = vector.shape_cast %parallel_loop3A_132 : vector<16x1xi32> to vector<16xi32>
      %parallel_loop3A_134 = tpu.dynamic_gather %parallel_loop3A_70[%parallel_loop3A_133] in [0] : vector<16xf32>, vector<16xi32> -> vector<16xf32>
      %parallel_loop3A_135 = arith.constant 4 : i32
      %parallel_loop3A_136 = arith.muli %parallel_loop3A_68, %parallel_loop3A_135 : i32
      %parallel_loop3A_137 = arith.index_cast %parallel_loop3A_136 : i32 to index
      %parallel_loop3A_138 = tpu.vector_load %arg8[%parallel_loop3A_137] {strides = array<i32>} : memref<1040xi32, #tpu.memory_space<vmem>>, vector<16xi32>,
      %parallel_loop3A_139 = vector.extract_strided_slice %parallel_loop3A_138 {offsets = [0], sizes = [1], strides = [1]} : vector<16xi32> to vector<1xi32>
      %parallel_loop3A_140 = vector.extract %parallel_loop3A_139[0] : i32 from vector<1xi32>
      %parallel_loop3A_141 = vector.extract_strided_slice %parallel_loop3A_138 {offsets = [1], sizes = [1], strides = [1]} : vector<16xi32> to vector<1xi32>
      %parallel_loop3A_142 = vector.extract %parallel_loop3A_141[0] : i32 from vector<1xi32>
      %parallel_loop3A_143 = vector.extract_strided_slice %parallel_loop3A_138 {offsets = [2], sizes = [1], strides = [1]} : vector<16xi32> to vector<1xi32>
      %parallel_loop3A_144 = vector.extract %parallel_loop3A_143[0] : i32 from vector<1xi32>
      %parallel_loop3A_145 = vector.extract_strided_slice %parallel_loop3A_138 {offsets = [3], sizes = [1], strides = [1]} : vector<16xi32> to vector<1xi32>
      %parallel_loop3A_146 = vector.extract %parallel_loop3A_145[0] : i32 from vector<1xi32>
      %parallel_loop3A_147 = arith.index_cast %parallel_loop3A_140 : i32 to index
      %parallel_loop3A_148 = arith.constant 0 : index
      %parallel_loop3A_149 = tpu.vector_load %arg6[%parallel_loop3A_147, %parallel_loop3A_148] {strides = array<i32>} : memref<128x256xf32, #tpu.memory_space<vmem>>, vector<16xf32>,
      %parallel_loop3A_150 = arith.index_cast %parallel_loop3A_142 : i32 to index
      %parallel_loop3A_151 = arith.constant 0 : index
      %parallel_loop3A_152 = tpu.vector_load %arg6[%parallel_loop3A_150, %parallel_loop3A_151] {strides = array<i32>} : memref<128x256xf32, #tpu.memory_space<vmem>>, vector<16xf32>,
      %parallel_loop3A_153 = arith.index_cast %parallel_loop3A_144 : i32 to index
      %parallel_loop3A_154 = arith.constant 0 : index
      %parallel_loop3A_155 = tpu.vector_load %arg6[%parallel_loop3A_153, %parallel_loop3A_154] {strides = array<i32>} : memref<128x256xf32, #tpu.memory_space<vmem>>, vector<16xf32>,
      %parallel_loop3A_156 = arith.index_cast %parallel_loop3A_146 : i32 to index
      %parallel_loop3A_157 = arith.constant 0 : index
      %parallel_loop3A_158 = tpu.vector_load %arg6[%parallel_loop3A_156, %parallel_loop3A_157] {strides = array<i32>} : memref<128x256xf32, #tpu.memory_space<vmem>>, vector<16xf32>,
      %parallel_loop3A_159 = arith.mulf %parallel_loop3A_106, %parallel_loop3A_149 : vector<16xf32>
      %parallel_loop3A_160 = arith.addf %parallel_loop3A_74, %parallel_loop3A_159 : vector<16xf32>
      %parallel_loop3A_161 = arith.mulf %parallel_loop3A_110, %parallel_loop3A_149 : vector<16xf32>
      %parallel_loop3A_162 = arith.addf %parallel_loop3A_78, %parallel_loop3A_161 : vector<16xf32>
      %parallel_loop3A_163 = arith.mulf %parallel_loop3A_114, %parallel_loop3A_149 : vector<16xf32>
      %parallel_loop3A_164 = arith.addf %parallel_loop3A_82, %parallel_loop3A_163 : vector<16xf32>
      %parallel_loop3A_165 = arith.mulf %parallel_loop3A_118, %parallel_loop3A_149 : vector<16xf32>
      %parallel_loop3A_166 = arith.addf %parallel_loop3A_86, %parallel_loop3A_165 : vector<16xf32>
      %parallel_loop3A_167 = arith.mulf %parallel_loop3A_122, %parallel_loop3A_149 : vector<16xf32>
      %parallel_loop3A_168 = arith.addf %parallel_loop3A_90, %parallel_loop3A_167 : vector<16xf32>
      %parallel_loop3A_169 = arith.mulf %parallel_loop3A_126, %parallel_loop3A_149 : vector<16xf32>
      %parallel_loop3A_170 = arith.addf %parallel_loop3A_94, %parallel_loop3A_169 : vector<16xf32>
      %parallel_loop3A_171 = arith.mulf %parallel_loop3A_130, %parallel_loop3A_149 : vector<16xf32>
      %parallel_loop3A_172 = arith.addf %parallel_loop3A_98, %parallel_loop3A_171 : vector<16xf32>
      %parallel_loop3A_173 = arith.mulf %parallel_loop3A_134, %parallel_loop3A_149 : vector<16xf32>
      %parallel_loop3A_174 = arith.addf %parallel_loop3A_102, %parallel_loop3A_173 : vector<16xf32>
      %parallel_loop3A_175 = arith.mulf %parallel_loop3A_168, %parallel_loop3A_152 : vector<16xf32>
      %parallel_loop3A_176 = arith.addf %parallel_loop3A_160, %parallel_loop3A_175 : vector<16xf32>
      %parallel_loop3A_177 = arith.mulf %parallel_loop3A_170, %parallel_loop3A_152 : vector<16xf32>
      %parallel_loop3A_178 = arith.addf %parallel_loop3A_162, %parallel_loop3A_177 : vector<16xf32>
      %parallel_loop3A_179 = arith.mulf %parallel_loop3A_172, %parallel_loop3A_152 : vector<16xf32>
      %parallel_loop3A_180 = arith.addf %parallel_loop3A_164, %parallel_loop3A_179 : vector<16xf32>
      %parallel_loop3A_181 = arith.mulf %parallel_loop3A_174, %parallel_loop3A_152 : vector<16xf32>
      %parallel_loop3A_182 = arith.addf %parallel_loop3A_166, %parallel_loop3A_181 : vector<16xf32>
      %parallel_loop3A_183 = arith.mulf %parallel_loop3A_180, %parallel_loop3A_155 : vector<16xf32>
      %parallel_loop3A_184 = arith.addf %parallel_loop3A_176, %parallel_loop3A_183 : vector<16xf32>
      %parallel_loop3A_185 = arith.mulf %parallel_loop3A_182, %parallel_loop3A_155 : vector<16xf32>
      %parallel_loop3A_186 = arith.addf %parallel_loop3A_178, %parallel_loop3A_185 : vector<16xf32>
      %parallel_loop3A_187 = arith.mulf %parallel_loop3A_186, %parallel_loop3A_158 : vector<16xf32>
      %parallel_loop3A_188 = arith.addf %parallel_loop3A_184, %parallel_loop3A_187 : vector<16xf32>
      %parallel_loop3A_189 = arith.index_cast %parallel_loop3A_66 : i32 to index
      %parallel_loop3A_190 = arith.constant 0 : index
      %parallel_loop3A_191 = tpu.vector_load %arg9[%parallel_loop3A_189, %parallel_loop3A_190] {strides = array<i32>} : memref<128x256xf32, #tpu.memory_space<vmem>>, vector<16xf32>,
      tpu.vector_store %arg9[%parallel_loop3A_189, %parallel_loop3A_190], %parallel_loop3A_188 {strides = array<i32>} : memref<128x256xf32, #tpu.memory_space<vmem>>, vector<16xf32>,
      %parallel_loop3A_192 = arith.index_cast %parallel_loop3A_140 : i32 to index
      %parallel_loop3A_193 = arith.constant 16 : index
      %parallel_loop3A_194 = tpu.vector_load %arg6[%parallel_loop3A_192, %parallel_loop3A_193] {strides = array<i32>} : memref<128x256xf32, #tpu.memory_space<vmem>>, vector<16xf32>,
      %parallel_loop3A_195 = arith.index_cast %parallel_loop3A_142 : i32 to index
      %parallel_loop3A_196 = arith.constant 16 : index
      %parallel_loop3A_197 = tpu.vector_load %arg6[%parallel_loop3A_195, %parallel_loop3A_196] {strides = array<i32>} : memref<128x256xf32, #tpu.memory_space<vmem>>, vector<16xf32>,
      %parallel_loop3A_198 = arith.index_cast %parallel_loop3A_144 : i32 to index
      %parallel_loop3A_199 = arith.constant 16 : index
      %parallel_loop3A_200 = tpu.vector_load %arg6[%parallel_loop3A_198, %parallel_loop3A_199] {strides = array<i32>} : memref<128x256xf32, #tpu.memory_space<vmem>>, vector<16xf32>,
      %parallel_loop3A_201 = arith.index_cast %parallel_loop3A_146 : i32 to index
      %parallel_loop3A_202 = arith.constant 16 : index
      %parallel_loop3A_203 = tpu.vector_load %arg6[%parallel_loop3A_201, %parallel_loop3A_202] {strides = array<i32>} : memref<128x256xf32, #tpu.memory_space<vmem>>, vector<16xf32>,
      %parallel_loop3A_204 = arith.mulf %parallel_loop3A_106, %parallel_loop3A_194 : vector<16xf32>
      %parallel_loop3A_205 = arith.addf %parallel_loop3A_74, %parallel_loop3A_204 : vector<16xf32>
      %parallel_loop3A_206 = arith.mulf %parallel_loop3A_110, %parallel_loop3A_194 : vector<16xf32>
      %parallel_loop3A_207 = arith.addf %parallel_loop3A_78, %parallel_loop3A_206 : vector<16xf32>
      %parallel_loop3A_208 = arith.mulf %parallel_loop3A_114, %parallel_loop3A_194 : vector<16xf32>
      %parallel_loop3A_209 = arith.addf %parallel_loop3A_82, %parallel_loop3A_208 : vector<16xf32>
      %parallel_loop3A_210 = arith.mulf %parallel_loop3A_118, %parallel_loop3A_194 : vector<16xf32>
      %parallel_loop3A_211 = arith.addf %parallel_loop3A_86, %parallel_loop3A_210 : vector<16xf32>
      %parallel_loop3A_212 = arith.mulf %parallel_loop3A_122, %parallel_loop3A_194 : vector<16xf32>
      %parallel_loop3A_213 = arith.addf %parallel_loop3A_90, %parallel_loop3A_212 : vector<16xf32>
      %parallel_loop3A_214 = arith.mulf %parallel_loop3A_126, %parallel_loop3A_194 : vector<16xf32>
      %parallel_loop3A_215 = arith.addf %parallel_loop3A_94, %parallel_loop3A_214 : vector<16xf32>
      %parallel_loop3A_216 = arith.mulf %parallel_loop3A_130, %parallel_loop3A_194 : vector<16xf32>
      %parallel_loop3A_217 = arith.addf %parallel_loop3A_98, %parallel_loop3A_216 : vector<16xf32>
      %parallel_loop3A_218 = arith.mulf %parallel_loop3A_134, %parallel_loop3A_194 : vector<16xf32>
      %parallel_loop3A_219 = arith.addf %parallel_loop3A_102, %parallel_loop3A_218 : vector<16xf32>
      %parallel_loop3A_220 = arith.mulf %parallel_loop3A_213, %parallel_loop3A_197 : vector<16xf32>
      %parallel_loop3A_221 = arith.addf %parallel_loop3A_205, %parallel_loop3A_220 : vector<16xf32>
      %parallel_loop3A_222 = arith.mulf %parallel_loop3A_215, %parallel_loop3A_197 : vector<16xf32>
      %parallel_loop3A_223 = arith.addf %parallel_loop3A_207, %parallel_loop3A_222 : vector<16xf32>
      %parallel_loop3A_224 = arith.mulf %parallel_loop3A_217, %parallel_loop3A_197 : vector<16xf32>
      %parallel_loop3A_225 = arith.addf %parallel_loop3A_209, %parallel_loop3A_224 : vector<16xf32>
      %parallel_loop3A_226 = arith.mulf %parallel_loop3A_219, %parallel_loop3A_197 : vector<16xf32>
      %parallel_loop3A_227 = arith.addf %parallel_loop3A_211, %parallel_loop3A_226 : vector<16xf32>
      %parallel_loop3A_228 = arith.mulf %parallel_loop3A_225, %parallel_loop3A_200 : vector<16xf32>
      %parallel_loop3A_229 = arith.addf %parallel_loop3A_221, %parallel_loop3A_228 : vector<16xf32>
      %parallel_loop3A_230 = arith.mulf %parallel_loop3A_227, %parallel_loop3A_200 : vector<16xf32>
      %parallel_loop3A_231 = arith.addf %parallel_loop3A_223, %parallel_loop3A_230 : vector<16xf32>
      %parallel_loop3A_232 = arith.mulf %parallel_loop3A_231, %parallel_loop3A_203 : vector<16xf32>
      %parallel_loop3A_233 = arith.addf %parallel_loop3A_229, %parallel_loop3A_232 : vector<16xf32>
      %parallel_loop3A_234 = arith.index_cast %parallel_loop3A_66 : i32 to index
      %parallel_loop3A_235 = arith.constant 16 : index
      %parallel_loop3A_236 = tpu.vector_load %arg9[%parallel_loop3A_234, %parallel_loop3A_235] {strides = array<i32>} : memref<128x256xf32, #tpu.memory_space<vmem>>, vector<16xf32>,
      tpu.vector_store %arg9[%parallel_loop3A_234, %parallel_loop3A_235], %parallel_loop3A_233 {strides = array<i32>} : memref<128x256xf32, #tpu.memory_space<vmem>>, vector<16xf32>,
      %parallel_loop3A_237 = arith.index_cast %parallel_loop3A_140 : i32 to index
      %parallel_loop3A_238 = arith.constant 32 : index
      %parallel_loop3A_239 = tpu.vector_load %arg6[%parallel_loop3A_237, %parallel_loop3A_238] {strides = array<i32>} : memref<128x256xf32, #tpu.memory_space<vmem>>, vector<16xf32>,
      %parallel_loop3A_240 = arith.index_cast %parallel_loop3A_142 : i32 to index
      %parallel_loop3A_241 = arith.constant 32 : index
      %parallel_loop3A_242 = tpu.vector_load %arg6[%parallel_loop3A_240, %parallel_loop3A_241] {strides = array<i32>} : memref<128x256xf32, #tpu.memory_space<vmem>>, vector<16xf32>,
      %parallel_loop3A_243 = arith.index_cast %parallel_loop3A_144 : i32 to index
      %parallel_loop3A_244 = arith.constant 32 : index
      %parallel_loop3A_245 = tpu.vector_load %arg6[%parallel_loop3A_243, %parallel_loop3A_244] {strides = array<i32>} : memref<128x256xf32, #tpu.memory_space<vmem>>, vector<16xf32>,
      %parallel_loop3A_246 = arith.index_cast %parallel_loop3A_146 : i32 to index
      %parallel_loop3A_247 = arith.constant 32 : index
      %parallel_loop3A_248 = tpu.vector_load %arg6[%parallel_loop3A_246, %parallel_loop3A_247] {strides = array<i32>} : memref<128x256xf32, #tpu.memory_space<vmem>>, vector<16xf32>,
      %parallel_loop3A_249 = arith.mulf %parallel_loop3A_106, %parallel_loop3A_239 : vector<16xf32>
      %parallel_loop3A_250 = arith.addf %parallel_loop3A_74, %parallel_loop3A_249 : vector<16xf32>
      %parallel_loop3A_251 = arith.mulf %parallel_loop3A_110, %parallel_loop3A_239 : vector<16xf32>
      %parallel_loop3A_252 = arith.addf %parallel_loop3A_78, %parallel_loop3A_251 : vector<16xf32>
      %parallel_loop3A_253 = arith.mulf %parallel_loop3A_114, %parallel_loop3A_239 : vector<16xf32>
      %parallel_loop3A_254 = arith.addf %parallel_loop3A_82, %parallel_loop3A_253 : vector<16xf32>
      %parallel_loop3A_255 = arith.mulf %parallel_loop3A_118, %parallel_loop3A_239 : vector<16xf32>
      %parallel_loop3A_256 = arith.addf %parallel_loop3A_86, %parallel_loop3A_255 : vector<16xf32>
      %parallel_loop3A_257 = arith.mulf %parallel_loop3A_122, %parallel_loop3A_239 : vector<16xf32>
      %parallel_loop3A_258 = arith.addf %parallel_loop3A_90, %parallel_loop3A_257 : vector<16xf32>
      %parallel_loop3A_259 = arith.mulf %parallel_loop3A_126, %parallel_loop3A_239 : vector<16xf32>
      %parallel_loop3A_260 = arith.addf %parallel_loop3A_94, %parallel_loop3A_259 : vector<16xf32>
      %parallel_loop3A_261 = arith.mulf %parallel_loop3A_130, %parallel_loop3A_239 : vector<16xf32>
      %parallel_loop3A_262 = arith.addf %parallel_loop3A_98, %parallel_loop3A_261 : vector<16xf32>
      %parallel_loop3A_263 = arith.mulf %parallel_loop3A_134, %parallel_loop3A_239 : vector<16xf32>
      %parallel_loop3A_264 = arith.addf %parallel_loop3A_102, %parallel_loop3A_263 : vector<16xf32>
      %parallel_loop3A_265 = arith.mulf %parallel_loop3A_258, %parallel_loop3A_242 : vector<16xf32>
      %parallel_loop3A_266 = arith.addf %parallel_loop3A_250, %parallel_loop3A_265 : vector<16xf32>
      %parallel_loop3A_267 = arith.mulf %parallel_loop3A_260, %parallel_loop3A_242 : vector<16xf32>
      %parallel_loop3A_268 = arith.addf %parallel_loop3A_252, %parallel_loop3A_267 : vector<16xf32>
      %parallel_loop3A_269 = arith.mulf %parallel_loop3A_262, %parallel_loop3A_242 : vector<16xf32>
      %parallel_loop3A_270 = arith.addf %parallel_loop3A_254, %parallel_loop3A_269 : vector<16xf32>
      %parallel_loop3A_271 = arith.mulf %parallel_loop3A_264, %parallel_loop3A_242 : vector<16xf32>
      %parallel_loop3A_272 = arith.addf %parallel_loop3A_256, %parallel_loop3A_271 : vector<16xf32>
      %parallel_loop3A_273 = arith.mulf %parallel_loop3A_270, %parallel_loop3A_245 : vector<16xf32>
      %parallel_loop3A_274 = arith.addf %parallel_loop3A_266, %parallel_loop3A_273 : vector<16xf32>
      %parallel_loop3A_275 = arith.mulf %parallel_loop3A_272, %parallel_loop3A_245 : vector<16xf32>
      %parallel_loop3A_276 = arith.addf %parallel_loop3A_268, %parallel_loop3A_275 : vector<16xf32>
      %parallel_loop3A_277 = arith.mulf %parallel_loop3A_276, %parallel_loop3A_248 : vector<16xf32>
      %parallel_loop3A_278 = arith.addf %parallel_loop3A_274, %parallel_loop3A_277 : vector<16xf32>
      %parallel_loop3A_279 = arith.index_cast %parallel_loop3A_66 : i32 to index
      %parallel_loop3A_280 = arith.constant 32 : index
      %parallel_loop3A_281 = tpu.vector_load %arg9[%parallel_loop3A_279, %parallel_loop3A_280] {strides = array<i32>} : memref<128x256xf32, #tpu.memory_space<vmem>>, vector<16xf32>,
      tpu.vector_store %arg9[%parallel_loop3A_279, %parallel_loop3A_280], %parallel_loop3A_278 {strides = array<i32>} : memref<128x256xf32, #tpu.memory_space<vmem>>, vector<16xf32>,
      %parallel_loop3A_282 = arith.index_cast %parallel_loop3A_140 : i32 to index
      %parallel_loop3A_283 = arith.constant 48 : index
      %parallel_loop3A_284 = tpu.vector_load %arg6[%parallel_loop3A_282, %parallel_loop3A_283] {strides = array<i32>} : memref<128x256xf32, #tpu.memory_space<vmem>>, vector<16xf32>,
      %parallel_loop3A_285 = arith.index_cast %parallel_loop3A_142 : i32 to index
      %parallel_loop3A_286 = arith.constant 48 : index
      %parallel_loop3A_287 = tpu.vector_load %arg6[%parallel_loop3A_285, %parallel_loop3A_286] {strides = array<i32>} : memref<128x256xf32, #tpu.memory_space<vmem>>, vector<16xf32>,
      %parallel_loop3A_288 = arith.index_cast %parallel_loop3A_144 : i32 to index
      %parallel_loop3A_289 = arith.constant 48 : index
      %parallel_loop3A_290 = tpu.vector_load %arg6[%parallel_loop3A_288, %parallel_loop3A_289] {strides = array<i32>} : memref<128x256xf32, #tpu.memory_space<vmem>>, vector<16xf32>,
      %parallel_loop3A_291 = arith.index_cast %parallel_loop3A_146 : i32 to index
      %parallel_loop3A_292 = arith.constant 48 : index
      %parallel_loop3A_293 = tpu.vector_load %arg6[%parallel_loop3A_291, %parallel_loop3A_292] {strides = array<i32>} : memref<128x256xf32, #tpu.memory_space<vmem>>, vector<16xf32>,
      %parallel_loop3A_294 = arith.mulf %parallel_loop3A_106, %parallel_loop3A_284 : vector<16xf32>
      %parallel_loop3A_295 = arith.addf %parallel_loop3A_74, %parallel_loop3A_294 : vector<16xf32>
      %parallel_loop3A_296 = arith.mulf %parallel_loop3A_110, %parallel_loop3A_284 : vector<16xf32>
      %parallel_loop3A_297 = arith.addf %parallel_loop3A_78, %parallel_loop3A_296 : vector<16xf32>
      %parallel_loop3A_298 = arith.mulf %parallel_loop3A_114, %parallel_loop3A_284 : vector<16xf32>
      %parallel_loop3A_299 = arith.addf %parallel_loop3A_82, %parallel_loop3A_298 : vector<16xf32>
      %parallel_loop3A_300 = arith.mulf %parallel_loop3A_118, %parallel_loop3A_284 : vector<16xf32>
      %parallel_loop3A_301 = arith.addf %parallel_loop3A_86, %parallel_loop3A_300 : vector<16xf32>
      %parallel_loop3A_302 = arith.mulf %parallel_loop3A_122, %parallel_loop3A_284 : vector<16xf32>
      %parallel_loop3A_303 = arith.addf %parallel_loop3A_90, %parallel_loop3A_302 : vector<16xf32>
      %parallel_loop3A_304 = arith.mulf %parallel_loop3A_126, %parallel_loop3A_284 : vector<16xf32>
      %parallel_loop3A_305 = arith.addf %parallel_loop3A_94, %parallel_loop3A_304 : vector<16xf32>
      %parallel_loop3A_306 = arith.mulf %parallel_loop3A_130, %parallel_loop3A_284 : vector<16xf32>
      %parallel_loop3A_307 = arith.addf %parallel_loop3A_98, %parallel_loop3A_306 : vector<16xf32>
      %parallel_loop3A_308 = arith.mulf %parallel_loop3A_134, %parallel_loop3A_284 : vector<16xf32>
      %parallel_loop3A_309 = arith.addf %parallel_loop3A_102, %parallel_loop3A_308 : vector<16xf32>
      %parallel_loop3A_310 = arith.mulf %parallel_loop3A_303, %parallel_loop3A_287 : vector<16xf32>
      %parallel_loop3A_311 = arith.addf %parallel_loop3A_295, %parallel_loop3A_310 : vector<16xf32>
      %parallel_loop3A_312 = arith.mulf %parallel_loop3A_305, %parallel_loop3A_287 : vector<16xf32>
      %parallel_loop3A_313 = arith.addf %parallel_loop3A_297, %parallel_loop3A_312 : vector<16xf32>
      %parallel_loop3A_314 = arith.mulf %parallel_loop3A_307, %parallel_loop3A_287 : vector<16xf32>
      %parallel_loop3A_315 = arith.addf %parallel_loop3A_299, %parallel_loop3A_314 : vector<16xf32>
      %parallel_loop3A_316 = arith.mulf %parallel_loop3A_309, %parallel_loop3A_287 : vector<16xf32>
      %parallel_loop3A_317 = arith.addf %parallel_loop3A_301, %parallel_loop3A_316 : vector<16xf32>
      %parallel_loop3A_318 = arith.mulf %parallel_loop3A_315, %parallel_loop3A_290 : vector<16xf32>
      %parallel_loop3A_319 = arith.addf %parallel_loop3A_311, %parallel_loop3A_318 : vector<16xf32>
      %parallel_loop3A_320 = arith.mulf %parallel_loop3A_317, %parallel_loop3A_290 : vector<16xf32>
      %parallel_loop3A_321 = arith.addf %parallel_loop3A_313, %parallel_loop3A_320 : vector<16xf32>
      %parallel_loop3A_322 = arith.mulf %parallel_loop3A_321, %parallel_loop3A_293 : vector<16xf32>
      %parallel_loop3A_323 = arith.addf %parallel_loop3A_319, %parallel_loop3A_322 : vector<16xf32>
      %parallel_loop3A_324 = arith.index_cast %parallel_loop3A_66 : i32 to index
      %parallel_loop3A_325 = arith.constant 48 : index
      %parallel_loop3A_326 = tpu.vector_load %arg9[%parallel_loop3A_324, %parallel_loop3A_325] {strides = array<i32>} : memref<128x256xf32, #tpu.memory_space<vmem>>, vector<16xf32>,
      tpu.vector_store %arg9[%parallel_loop3A_324, %parallel_loop3A_325], %parallel_loop3A_323 {strides = array<i32>} : memref<128x256xf32, #tpu.memory_space<vmem>>, vector<16xf32>,
      %parallel_loop3A_327 = arith.index_cast %parallel_loop3A_140 : i32 to index
      %parallel_loop3A_328 = arith.constant 64 : index
      %parallel_loop3A_329 = tpu.vector_load %arg6[%parallel_loop3A_327, %parallel_loop3A_328] {strides = array<i32>} : memref<128x256xf32, #tpu.memory_space<vmem>>, vector<16xf32>,
      %parallel_loop3A_330 = arith.index_cast %parallel_loop3A_142 : i32 to index
      %parallel_loop3A_331 = arith.constant 64 : index
      %parallel_loop3A_332 = tpu.vector_load %arg6[%parallel_loop3A_330, %parallel_loop3A_331] {strides = array<i32>} : memref<128x256xf32, #tpu.memory_space<vmem>>, vector<16xf32>,
      %parallel_loop3A_333 = arith.index_cast %parallel_loop3A_144 : i32 to index
      %parallel_loop3A_334 = arith.constant 64 : index
      %parallel_loop3A_335 = tpu.vector_load %arg6[%parallel_loop3A_333, %parallel_loop3A_334] {strides = array<i32>} : memref<128x256xf32, #tpu.memory_space<vmem>>, vector<16xf32>,
      %parallel_loop3A_336 = arith.index_cast %parallel_loop3A_146 : i32 to index
      %parallel_loop3A_337 = arith.constant 64 : index
      %parallel_loop3A_338 = tpu.vector_load %arg6[%parallel_loop3A_336, %parallel_loop3A_337] {strides = array<i32>} : memref<128x256xf32, #tpu.memory_space<vmem>>, vector<16xf32>,
      %parallel_loop3A_339 = arith.mulf %parallel_loop3A_106, %parallel_loop3A_329 : vector<16xf32>
      %parallel_loop3A_340 = arith.addf %parallel_loop3A_74, %parallel_loop3A_339 : vector<16xf32>
      %parallel_loop3A_341 = arith.mulf %parallel_loop3A_110, %parallel_loop3A_329 : vector<16xf32>
      %parallel_loop3A_342 = arith.addf %parallel_loop3A_78, %parallel_loop3A_341 : vector<16xf32>
      %parallel_loop3A_343 = arith.mulf %parallel_loop3A_114, %parallel_loop3A_329 : vector<16xf32>
      %parallel_loop3A_344 = arith.addf %parallel_loop3A_82, %parallel_loop3A_343 : vector<16xf32>
      %parallel_loop3A_345 = arith.mulf %parallel_loop3A_118, %parallel_loop3A_329 : vector<16xf32>
      %parallel_loop3A_346 = arith.addf %parallel_loop3A_86, %parallel_loop3A_345 : vector<16xf32>
      %parallel_loop3A_347 = arith.mulf %parallel_loop3A_122, %parallel_loop3A_329 : vector<16xf32>
      %parallel_loop3A_348 = arith.addf %parallel_loop3A_90, %parallel_loop3A_347 : vector<16xf32>
      %parallel_loop3A_349 = arith.mulf %parallel_loop3A_126, %parallel_loop3A_329 : vector<16xf32>
      %parallel_loop3A_350 = arith.addf %parallel_loop3A_94, %parallel_loop3A_349 : vector<16xf32>
      %parallel_loop3A_351 = arith.mulf %parallel_loop3A_130, %parallel_loop3A_329 : vector<16xf32>
      %parallel_loop3A_352 = arith.addf %parallel_loop3A_98, %parallel_loop3A_351 : vector<16xf32>
      %parallel_loop3A_353 = arith.mulf %parallel_loop3A_134, %parallel_loop3A_329 : vector<16xf32>
      %parallel_loop3A_354 = arith.addf %parallel_loop3A_102, %parallel_loop3A_353 : vector<16xf32>
      %parallel_loop3A_355 = arith.mulf %parallel_loop3A_348, %parallel_loop3A_332 : vector<16xf32>
      %parallel_loop3A_356 = arith.addf %parallel_loop3A_340, %parallel_loop3A_355 : vector<16xf32>
      %parallel_loop3A_357 = arith.mulf %parallel_loop3A_350, %parallel_loop3A_332 : vector<16xf32>
      %parallel_loop3A_358 = arith.addf %parallel_loop3A_342, %parallel_loop3A_357 : vector<16xf32>
      %parallel_loop3A_359 = arith.mulf %parallel_loop3A_352, %parallel_loop3A_332 : vector<16xf32>
      %parallel_loop3A_360 = arith.addf %parallel_loop3A_344, %parallel_loop3A_359 : vector<16xf32>
      %parallel_loop3A_361 = arith.mulf %parallel_loop3A_354, %parallel_loop3A_332 : vector<16xf32>
      %parallel_loop3A_362 = arith.addf %parallel_loop3A_346, %parallel_loop3A_361 : vector<16xf32>
      %parallel_loop3A_363 = arith.mulf %parallel_loop3A_360, %parallel_loop3A_335 : vector<16xf32>
      %parallel_loop3A_364 = arith.addf %parallel_loop3A_356, %parallel_loop3A_363 : vector<16xf32>
      %parallel_loop3A_365 = arith.mulf %parallel_loop3A_362, %parallel_loop3A_335 : vector<16xf32>
      %parallel_loop3A_366 = arith.addf %parallel_loop3A_358, %parallel_loop3A_365 : vector<16xf32>
      %parallel_loop3A_367 = arith.mulf %parallel_loop3A_366, %parallel_loop3A_338 : vector<16xf32>
      %parallel_loop3A_368 = arith.addf %parallel_loop3A_364, %parallel_loop3A_367 : vector<16xf32>
      %parallel_loop3A_369 = arith.index_cast %parallel_loop3A_66 : i32 to index
      %parallel_loop3A_370 = arith.constant 64 : index
      %parallel_loop3A_371 = tpu.vector_load %arg9[%parallel_loop3A_369, %parallel_loop3A_370] {strides = array<i32>} : memref<128x256xf32, #tpu.memory_space<vmem>>, vector<16xf32>,
      tpu.vector_store %arg9[%parallel_loop3A_369, %parallel_loop3A_370], %parallel_loop3A_368 {strides = array<i32>} : memref<128x256xf32, #tpu.memory_space<vmem>>, vector<16xf32>,
      %parallel_loop3A_372 = arith.index_cast %parallel_loop3A_140 : i32 to index
      %parallel_loop3A_373 = arith.constant 80 : index
      %parallel_loop3A_374 = tpu.vector_load %arg6[%parallel_loop3A_372, %parallel_loop3A_373] {strides = array<i32>} : memref<128x256xf32, #tpu.memory_space<vmem>>, vector<16xf32>,
      %parallel_loop3A_375 = arith.index_cast %parallel_loop3A_142 : i32 to index
      %parallel_loop3A_376 = arith.constant 80 : index
      %parallel_loop3A_377 = tpu.vector_load %arg6[%parallel_loop3A_375, %parallel_loop3A_376] {strides = array<i32>} : memref<128x256xf32, #tpu.memory_space<vmem>>, vector<16xf32>,
      %parallel_loop3A_378 = arith.index_cast %parallel_loop3A_144 : i32 to index
      %parallel_loop3A_379 = arith.constant 80 : index
      %parallel_loop3A_380 = tpu.vector_load %arg6[%parallel_loop3A_378, %parallel_loop3A_379] {strides = array<i32>} : memref<128x256xf32, #tpu.memory_space<vmem>>, vector<16xf32>,
      %parallel_loop3A_381 = arith.index_cast %parallel_loop3A_146 : i32 to index
      %parallel_loop3A_382 = arith.constant 80 : index
      %parallel_loop3A_383 = tpu.vector_load %arg6[%parallel_loop3A_381, %parallel_loop3A_382] {strides = array<i32>} : memref<128x256xf32, #tpu.memory_space<vmem>>, vector<16xf32>,
      %parallel_loop3A_384 = arith.mulf %parallel_loop3A_106, %parallel_loop3A_374 : vector<16xf32>
      %parallel_loop3A_385 = arith.addf %parallel_loop3A_74, %parallel_loop3A_384 : vector<16xf32>
      %parallel_loop3A_386 = arith.mulf %parallel_loop3A_110, %parallel_loop3A_374 : vector<16xf32>
      %parallel_loop3A_387 = arith.addf %parallel_loop3A_78, %parallel_loop3A_386 : vector<16xf32>
      %parallel_loop3A_388 = arith.mulf %parallel_loop3A_114, %parallel_loop3A_374 : vector<16xf32>
      %parallel_loop3A_389 = arith.addf %parallel_loop3A_82, %parallel_loop3A_388 : vector<16xf32>
      %parallel_loop3A_390 = arith.mulf %parallel_loop3A_118, %parallel_loop3A_374 : vector<16xf32>
      %parallel_loop3A_391 = arith.addf %parallel_loop3A_86, %parallel_loop3A_390 : vector<16xf32>
      %parallel_loop3A_392 = arith.mulf %parallel_loop3A_122, %parallel_loop3A_374 : vector<16xf32>
      %parallel_loop3A_393 = arith.addf %parallel_loop3A_90, %parallel_loop3A_392 : vector<16xf32>
      %parallel_loop3A_394 = arith.mulf %parallel_loop3A_126, %parallel_loop3A_374 : vector<16xf32>
      %parallel_loop3A_395 = arith.addf %parallel_loop3A_94, %parallel_loop3A_394 : vector<16xf32>
      %parallel_loop3A_396 = arith.mulf %parallel_loop3A_130, %parallel_loop3A_374 : vector<16xf32>
      %parallel_loop3A_397 = arith.addf %parallel_loop3A_98, %parallel_loop3A_396 : vector<16xf32>
      %parallel_loop3A_398 = arith.mulf %parallel_loop3A_134, %parallel_loop3A_374 : vector<16xf32>
      %parallel_loop3A_399 = arith.addf %parallel_loop3A_102, %parallel_loop3A_398 : vector<16xf32>
      %parallel_loop3A_400 = arith.mulf %parallel_loop3A_393, %parallel_loop3A_377 : vector<16xf32>
      %parallel_loop3A_401 = arith.addf %parallel_loop3A_385, %parallel_loop3A_400 : vector<16xf32>
      %parallel_loop3A_402 = arith.mulf %parallel_loop3A_395, %parallel_loop3A_377 : vector<16xf32>
      %parallel_loop3A_403 = arith.addf %parallel_loop3A_387, %parallel_loop3A_402 : vector<16xf32>
      %parallel_loop3A_404 = arith.mulf %parallel_loop3A_397, %parallel_loop3A_377 : vector<16xf32>
      %parallel_loop3A_405 = arith.addf %parallel_loop3A_389, %parallel_loop3A_404 : vector<16xf32>
      %parallel_loop3A_406 = arith.mulf %parallel_loop3A_399, %parallel_loop3A_377 : vector<16xf32>
      %parallel_loop3A_407 = arith.addf %parallel_loop3A_391, %parallel_loop3A_406 : vector<16xf32>
      %parallel_loop3A_408 = arith.mulf %parallel_loop3A_405, %parallel_loop3A_380 : vector<16xf32>
      %parallel_loop3A_409 = arith.addf %parallel_loop3A_401, %parallel_loop3A_408 : vector<16xf32>
      %parallel_loop3A_410 = arith.mulf %parallel_loop3A_407, %parallel_loop3A_380 : vector<16xf32>
      %parallel_loop3A_411 = arith.addf %parallel_loop3A_403, %parallel_loop3A_410 : vector<16xf32>
      %parallel_loop3A_412 = arith.mulf %parallel_loop3A_411, %parallel_loop3A_383 : vector<16xf32>
      %parallel_loop3A_413 = arith.addf %parallel_loop3A_409, %parallel_loop3A_412 : vector<16xf32>
      %parallel_loop3A_414 = arith.index_cast %parallel_loop3A_66 : i32 to index
      %parallel_loop3A_415 = arith.constant 80 : index
      %parallel_loop3A_416 = tpu.vector_load %arg9[%parallel_loop3A_414, %parallel_loop3A_415] {strides = array<i32>} : memref<128x256xf32, #tpu.memory_space<vmem>>, vector<16xf32>,
      tpu.vector_store %arg9[%parallel_loop3A_414, %parallel_loop3A_415], %parallel_loop3A_413 {strides = array<i32>} : memref<128x256xf32, #tpu.memory_space<vmem>>, vector<16xf32>,
      %parallel_loop3A_417 = arith.index_cast %parallel_loop3A_140 : i32 to index
      %parallel_loop3A_418 = arith.constant 96 : index
      %parallel_loop3A_419 = tpu.vector_load %arg6[%parallel_loop3A_417, %parallel_loop3A_418] {strides = array<i32>} : memref<128x256xf32, #tpu.memory_space<vmem>>, vector<16xf32>,
      %parallel_loop3A_420 = arith.index_cast %parallel_loop3A_142 : i32 to index
      %parallel_loop3A_421 = arith.constant 96 : index
      %parallel_loop3A_422 = tpu.vector_load %arg6[%parallel_loop3A_420, %parallel_loop3A_421] {strides = array<i32>} : memref<128x256xf32, #tpu.memory_space<vmem>>, vector<16xf32>,
      %parallel_loop3A_423 = arith.index_cast %parallel_loop3A_144 : i32 to index
      %parallel_loop3A_424 = arith.constant 96 : index
      %parallel_loop3A_425 = tpu.vector_load %arg6[%parallel_loop3A_423, %parallel_loop3A_424] {strides = array<i32>} : memref<128x256xf32, #tpu.memory_space<vmem>>, vector<16xf32>,
      %parallel_loop3A_426 = arith.index_cast %parallel_loop3A_146 : i32 to index
      %parallel_loop3A_427 = arith.constant 96 : index
      %parallel_loop3A_428 = tpu.vector_load %arg6[%parallel_loop3A_426, %parallel_loop3A_427] {strides = array<i32>} : memref<128x256xf32, #tpu.memory_space<vmem>>, vector<16xf32>,
      %parallel_loop3A_429 = arith.mulf %parallel_loop3A_106, %parallel_loop3A_419 : vector<16xf32>
      %parallel_loop3A_430 = arith.addf %parallel_loop3A_74, %parallel_loop3A_429 : vector<16xf32>
      %parallel_loop3A_431 = arith.mulf %parallel_loop3A_110, %parallel_loop3A_419 : vector<16xf32>
      %parallel_loop3A_432 = arith.addf %parallel_loop3A_78, %parallel_loop3A_431 : vector<16xf32>
      %parallel_loop3A_433 = arith.mulf %parallel_loop3A_114, %parallel_loop3A_419 : vector<16xf32>
      %parallel_loop3A_434 = arith.addf %parallel_loop3A_82, %parallel_loop3A_433 : vector<16xf32>
      %parallel_loop3A_435 = arith.mulf %parallel_loop3A_118, %parallel_loop3A_419 : vector<16xf32>
      %parallel_loop3A_436 = arith.addf %parallel_loop3A_86, %parallel_loop3A_435 : vector<16xf32>
      %parallel_loop3A_437 = arith.mulf %parallel_loop3A_122, %parallel_loop3A_419 : vector<16xf32>
      %parallel_loop3A_438 = arith.addf %parallel_loop3A_90, %parallel_loop3A_437 : vector<16xf32>
      %parallel_loop3A_439 = arith.mulf %parallel_loop3A_126, %parallel_loop3A_419 : vector<16xf32>
      %parallel_loop3A_440 = arith.addf %parallel_loop3A_94, %parallel_loop3A_439 : vector<16xf32>
      %parallel_loop3A_441 = arith.mulf %parallel_loop3A_130, %parallel_loop3A_419 : vector<16xf32>
      %parallel_loop3A_442 = arith.addf %parallel_loop3A_98, %parallel_loop3A_441 : vector<16xf32>
      %parallel_loop3A_443 = arith.mulf %parallel_loop3A_134, %parallel_loop3A_419 : vector<16xf32>
      %parallel_loop3A_444 = arith.addf %parallel_loop3A_102, %parallel_loop3A_443 : vector<16xf32>
      %parallel_loop3A_445 = arith.mulf %parallel_loop3A_438, %parallel_loop3A_422 : vector<16xf32>
      %parallel_loop3A_446 = arith.addf %parallel_loop3A_430, %parallel_loop3A_445 : vector<16xf32>
      %parallel_loop3A_447 = arith.mulf %parallel_loop3A_440, %parallel_loop3A_422 : vector<16xf32>
      %parallel_loop3A_448 = arith.addf %parallel_loop3A_432, %parallel_loop3A_447 : vector<16xf32>
      %parallel_loop3A_449 = arith.mulf %parallel_loop3A_442, %parallel_loop3A_422 : vector<16xf32>
      %parallel_loop3A_450 = arith.addf %parallel_loop3A_434, %parallel_loop3A_449 : vector<16xf32>
      %parallel_loop3A_451 = arith.mulf %parallel_loop3A_444, %parallel_loop3A_422 : vector<16xf32>
      %parallel_loop3A_452 = arith.addf %parallel_loop3A_436, %parallel_loop3A_451 : vector<16xf32>
      %parallel_loop3A_453 = arith.mulf %parallel_loop3A_450, %parallel_loop3A_425 : vector<16xf32>
      %parallel_loop3A_454 = arith.addf %parallel_loop3A_446, %parallel_loop3A_453 : vector<16xf32>
      %parallel_loop3A_455 = arith.mulf %parallel_loop3A_452, %parallel_loop3A_425 : vector<16xf32>
      %parallel_loop3A_456 = arith.addf %parallel_loop3A_448, %parallel_loop3A_455 : vector<16xf32>
      %parallel_loop3A_457 = arith.mulf %parallel_loop3A_456, %parallel_loop3A_428 : vector<16xf32>
      %parallel_loop3A_458 = arith.addf %parallel_loop3A_454, %parallel_loop3A_457 : vector<16xf32>
      %parallel_loop3A_459 = arith.index_cast %parallel_loop3A_66 : i32 to index
      %parallel_loop3A_460 = arith.constant 96 : index
      %parallel_loop3A_461 = tpu.vector_load %arg9[%parallel_loop3A_459, %parallel_loop3A_460] {strides = array<i32>} : memref<128x256xf32, #tpu.memory_space<vmem>>, vector<16xf32>,
      tpu.vector_store %arg9[%parallel_loop3A_459, %parallel_loop3A_460], %parallel_loop3A_458 {strides = array<i32>} : memref<128x256xf32, #tpu.memory_space<vmem>>, vector<16xf32>,
      %parallel_loop3A_462 = arith.index_cast %parallel_loop3A_140 : i32 to index
      %parallel_loop3A_463 = arith.constant 112 : index
      %parallel_loop3A_464 = tpu.vector_load %arg6[%parallel_loop3A_462, %parallel_loop3A_463] {strides = array<i32>} : memref<128x256xf32, #tpu.memory_space<vmem>>, vector<16xf32>,
      %parallel_loop3A_465 = arith.index_cast %parallel_loop3A_142 : i32 to index
      %parallel_loop3A_466 = arith.constant 112 : index
      %parallel_loop3A_467 = tpu.vector_load %arg6[%parallel_loop3A_465, %parallel_loop3A_466] {strides = array<i32>} : memref<128x256xf32, #tpu.memory_space<vmem>>, vector<16xf32>,
      %parallel_loop3A_468 = arith.index_cast %parallel_loop3A_144 : i32 to index
      %parallel_loop3A_469 = arith.constant 112 : index
      %parallel_loop3A_470 = tpu.vector_load %arg6[%parallel_loop3A_468, %parallel_loop3A_469] {strides = array<i32>} : memref<128x256xf32, #tpu.memory_space<vmem>>, vector<16xf32>,
      %parallel_loop3A_471 = arith.index_cast %parallel_loop3A_146 : i32 to index
      %parallel_loop3A_472 = arith.constant 112 : index
      %parallel_loop3A_473 = tpu.vector_load %arg6[%parallel_loop3A_471, %parallel_loop3A_472] {strides = array<i32>} : memref<128x256xf32, #tpu.memory_space<vmem>>, vector<16xf32>,
      %parallel_loop3A_474 = arith.mulf %parallel_loop3A_106, %parallel_loop3A_464 : vector<16xf32>
      %parallel_loop3A_475 = arith.addf %parallel_loop3A_74, %parallel_loop3A_474 : vector<16xf32>
      %parallel_loop3A_476 = arith.mulf %parallel_loop3A_110, %parallel_loop3A_464 : vector<16xf32>
      %parallel_loop3A_477 = arith.addf %parallel_loop3A_78, %parallel_loop3A_476 : vector<16xf32>
      %parallel_loop3A_478 = arith.mulf %parallel_loop3A_114, %parallel_loop3A_464 : vector<16xf32>
      %parallel_loop3A_479 = arith.addf %parallel_loop3A_82, %parallel_loop3A_478 : vector<16xf32>
      %parallel_loop3A_480 = arith.mulf %parallel_loop3A_118, %parallel_loop3A_464 : vector<16xf32>
      %parallel_loop3A_481 = arith.addf %parallel_loop3A_86, %parallel_loop3A_480 : vector<16xf32>
      %parallel_loop3A_482 = arith.mulf %parallel_loop3A_122, %parallel_loop3A_464 : vector<16xf32>
      %parallel_loop3A_483 = arith.addf %parallel_loop3A_90, %parallel_loop3A_482 : vector<16xf32>
      %parallel_loop3A_484 = arith.mulf %parallel_loop3A_126, %parallel_loop3A_464 : vector<16xf32>
      %parallel_loop3A_485 = arith.addf %parallel_loop3A_94, %parallel_loop3A_484 : vector<16xf32>
      %parallel_loop3A_486 = arith.mulf %parallel_loop3A_130, %parallel_loop3A_464 : vector<16xf32>
      %parallel_loop3A_487 = arith.addf %parallel_loop3A_98, %parallel_loop3A_486 : vector<16xf32>
      %parallel_loop3A_488 = arith.mulf %parallel_loop3A_134, %parallel_loop3A_464 : vector<16xf32>
      %parallel_loop3A_489 = arith.addf %parallel_loop3A_102, %parallel_loop3A_488 : vector<16xf32>
      %parallel_loop3A_490 = arith.mulf %parallel_loop3A_483, %parallel_loop3A_467 : vector<16xf32>
      %parallel_loop3A_491 = arith.addf %parallel_loop3A_475, %parallel_loop3A_490 : vector<16xf32>
      %parallel_loop3A_492 = arith.mulf %parallel_loop3A_485, %parallel_loop3A_467 : vector<16xf32>
      %parallel_loop3A_493 = arith.addf %parallel_loop3A_477, %parallel_loop3A_492 : vector<16xf32>
      %parallel_loop3A_494 = arith.mulf %parallel_loop3A_487, %parallel_loop3A_467 : vector<16xf32>
      %parallel_loop3A_495 = arith.addf %parallel_loop3A_479, %parallel_loop3A_494 : vector<16xf32>
      %parallel_loop3A_496 = arith.mulf %parallel_loop3A_489, %parallel_loop3A_467 : vector<16xf32>
      %parallel_loop3A_497 = arith.addf %parallel_loop3A_481, %parallel_loop3A_496 : vector<16xf32>
      %parallel_loop3A_498 = arith.mulf %parallel_loop3A_495, %parallel_loop3A_470 : vector<16xf32>
      %parallel_loop3A_499 = arith.addf %parallel_loop3A_491, %parallel_loop3A_498 : vector<16xf32>
      %parallel_loop3A_500 = arith.mulf %parallel_loop3A_497, %parallel_loop3A_470 : vector<16xf32>
      %parallel_loop3A_501 = arith.addf %parallel_loop3A_493, %parallel_loop3A_500 : vector<16xf32>
      %parallel_loop3A_502 = arith.mulf %parallel_loop3A_501, %parallel_loop3A_473 : vector<16xf32>
      %parallel_loop3A_503 = arith.addf %parallel_loop3A_499, %parallel_loop3A_502 : vector<16xf32>
      %parallel_loop3A_504 = arith.index_cast %parallel_loop3A_66 : i32 to index
      %parallel_loop3A_505 = arith.constant 112 : index
      %parallel_loop3A_506 = tpu.vector_load %arg9[%parallel_loop3A_504, %parallel_loop3A_505] {strides = array<i32>} : memref<128x256xf32, #tpu.memory_space<vmem>>, vector<16xf32>,
      tpu.vector_store %arg9[%parallel_loop3A_504, %parallel_loop3A_505], %parallel_loop3A_503 {strides = array<i32>} : memref<128x256xf32, #tpu.memory_space<vmem>>, vector<16xf32>,
      %parallel_loop3A_507 = arith.index_cast %parallel_loop3A_140 : i32 to index
      %parallel_loop3A_508 = arith.constant 128 : index
      %parallel_loop3A_509 = tpu.vector_load %arg6[%parallel_loop3A_507, %parallel_loop3A_508] {strides = array<i32>} : memref<128x256xf32, #tpu.memory_space<vmem>>, vector<16xf32>,
      %parallel_loop3A_510 = arith.index_cast %parallel_loop3A_142 : i32 to index
      %parallel_loop3A_511 = arith.constant 128 : index
      %parallel_loop3A_512 = tpu.vector_load %arg6[%parallel_loop3A_510, %parallel_loop3A_511] {strides = array<i32>} : memref<128x256xf32, #tpu.memory_space<vmem>>, vector<16xf32>,
      %parallel_loop3A_513 = arith.index_cast %parallel_loop3A_144 : i32 to index
      %parallel_loop3A_514 = arith.constant 128 : index
      %parallel_loop3A_515 = tpu.vector_load %arg6[%parallel_loop3A_513, %parallel_loop3A_514] {strides = array<i32>} : memref<128x256xf32, #tpu.memory_space<vmem>>, vector<16xf32>,
      %parallel_loop3A_516 = arith.index_cast %parallel_loop3A_146 : i32 to index
      %parallel_loop3A_517 = arith.constant 128 : index
      %parallel_loop3A_518 = tpu.vector_load %arg6[%parallel_loop3A_516, %parallel_loop3A_517] {strides = array<i32>} : memref<128x256xf32, #tpu.memory_space<vmem>>, vector<16xf32>,
      %parallel_loop3A_519 = arith.mulf %parallel_loop3A_106, %parallel_loop3A_509 : vector<16xf32>
      %parallel_loop3A_520 = arith.addf %parallel_loop3A_74, %parallel_loop3A_519 : vector<16xf32>
      %parallel_loop3A_521 = arith.mulf %parallel_loop3A_110, %parallel_loop3A_509 : vector<16xf32>
      %parallel_loop3A_522 = arith.addf %parallel_loop3A_78, %parallel_loop3A_521 : vector<16xf32>
      %parallel_loop3A_523 = arith.mulf %parallel_loop3A_114, %parallel_loop3A_509 : vector<16xf32>
      %parallel_loop3A_524 = arith.addf %parallel_loop3A_82, %parallel_loop3A_523 : vector<16xf32>
      %parallel_loop3A_525 = arith.mulf %parallel_loop3A_118, %parallel_loop3A_509 : vector<16xf32>
      %parallel_loop3A_526 = arith.addf %parallel_loop3A_86, %parallel_loop3A_525 : vector<16xf32>
      %parallel_loop3A_527 = arith.mulf %parallel_loop3A_122, %parallel_loop3A_509 : vector<16xf32>
      %parallel_loop3A_528 = arith.addf %parallel_loop3A_90, %parallel_loop3A_527 : vector<16xf32>
      %parallel_loop3A_529 = arith.mulf %parallel_loop3A_126, %parallel_loop3A_509 : vector<16xf32>
      %parallel_loop3A_530 = arith.addf %parallel_loop3A_94, %parallel_loop3A_529 : vector<16xf32>
      %parallel_loop3A_531 = arith.mulf %parallel_loop3A_130, %parallel_loop3A_509 : vector<16xf32>
      %parallel_loop3A_532 = arith.addf %parallel_loop3A_98, %parallel_loop3A_531 : vector<16xf32>
      %parallel_loop3A_533 = arith.mulf %parallel_loop3A_134, %parallel_loop3A_509 : vector<16xf32>
      %parallel_loop3A_534 = arith.addf %parallel_loop3A_102, %parallel_loop3A_533 : vector<16xf32>
      %parallel_loop3A_535 = arith.mulf %parallel_loop3A_528, %parallel_loop3A_512 : vector<16xf32>
      %parallel_loop3A_536 = arith.addf %parallel_loop3A_520, %parallel_loop3A_535 : vector<16xf32>
      %parallel_loop3A_537 = arith.mulf %parallel_loop3A_530, %parallel_loop3A_512 : vector<16xf32>
      %parallel_loop3A_538 = arith.addf %parallel_loop3A_522, %parallel_loop3A_537 : vector<16xf32>
      %parallel_loop3A_539 = arith.mulf %parallel_loop3A_532, %parallel_loop3A_512 : vector<16xf32>
      %parallel_loop3A_540 = arith.addf %parallel_loop3A_524, %parallel_loop3A_539 : vector<16xf32>
      %parallel_loop3A_541 = arith.mulf %parallel_loop3A_534, %parallel_loop3A_512 : vector<16xf32>
      %parallel_loop3A_542 = arith.addf %parallel_loop3A_526, %parallel_loop3A_541 : vector<16xf32>
      %parallel_loop3A_543 = arith.mulf %parallel_loop3A_540, %parallel_loop3A_515 : vector<16xf32>
      %parallel_loop3A_544 = arith.addf %parallel_loop3A_536, %parallel_loop3A_543 : vector<16xf32>
      %parallel_loop3A_545 = arith.mulf %parallel_loop3A_542, %parallel_loop3A_515 : vector<16xf32>
      %parallel_loop3A_546 = arith.addf %parallel_loop3A_538, %parallel_loop3A_545 : vector<16xf32>
      %parallel_loop3A_547 = arith.mulf %parallel_loop3A_546, %parallel_loop3A_518 : vector<16xf32>
      %parallel_loop3A_548 = arith.addf %parallel_loop3A_544, %parallel_loop3A_547 : vector<16xf32>
      %parallel_loop3A_549 = arith.index_cast %parallel_loop3A_66 : i32 to index
      %parallel_loop3A_550 = arith.constant 128 : index
      %parallel_loop3A_551 = tpu.vector_load %arg9[%parallel_loop3A_549, %parallel_loop3A_550] {strides = array<i32>} : memref<128x256xf32, #tpu.memory_space<vmem>>, vector<16xf32>,
      tpu.vector_store %arg9[%parallel_loop3A_549, %parallel_loop3A_550], %parallel_loop3A_548 {strides = array<i32>} : memref<128x256xf32, #tpu.memory_space<vmem>>, vector<16xf32>,
      %parallel_loop3A_552 = arith.index_cast %parallel_loop3A_140 : i32 to index
      %parallel_loop3A_553 = arith.constant 144 : index
      %parallel_loop3A_554 = tpu.vector_load %arg6[%parallel_loop3A_552, %parallel_loop3A_553] {strides = array<i32>} : memref<128x256xf32, #tpu.memory_space<vmem>>, vector<16xf32>,
      %parallel_loop3A_555 = arith.index_cast %parallel_loop3A_142 : i32 to index
      %parallel_loop3A_556 = arith.constant 144 : index
      %parallel_loop3A_557 = tpu.vector_load %arg6[%parallel_loop3A_555, %parallel_loop3A_556] {strides = array<i32>} : memref<128x256xf32, #tpu.memory_space<vmem>>, vector<16xf32>,
      %parallel_loop3A_558 = arith.index_cast %parallel_loop3A_144 : i32 to index
      %parallel_loop3A_559 = arith.constant 144 : index
      %parallel_loop3A_560 = tpu.vector_load %arg6[%parallel_loop3A_558, %parallel_loop3A_559] {strides = array<i32>} : memref<128x256xf32, #tpu.memory_space<vmem>>, vector<16xf32>,
      %parallel_loop3A_561 = arith.index_cast %parallel_loop3A_146 : i32 to index
      %parallel_loop3A_562 = arith.constant 144 : index
      %parallel_loop3A_563 = tpu.vector_load %arg6[%parallel_loop3A_561, %parallel_loop3A_562] {strides = array<i32>} : memref<128x256xf32, #tpu.memory_space<vmem>>, vector<16xf32>,
      %parallel_loop3A_564 = arith.mulf %parallel_loop3A_106, %parallel_loop3A_554 : vector<16xf32>
      %parallel_loop3A_565 = arith.addf %parallel_loop3A_74, %parallel_loop3A_564 : vector<16xf32>
      %parallel_loop3A_566 = arith.mulf %parallel_loop3A_110, %parallel_loop3A_554 : vector<16xf32>
      %parallel_loop3A_567 = arith.addf %parallel_loop3A_78, %parallel_loop3A_566 : vector<16xf32>
      %parallel_loop3A_568 = arith.mulf %parallel_loop3A_114, %parallel_loop3A_554 : vector<16xf32>
      %parallel_loop3A_569 = arith.addf %parallel_loop3A_82, %parallel_loop3A_568 : vector<16xf32>
      %parallel_loop3A_570 = arith.mulf %parallel_loop3A_118, %parallel_loop3A_554 : vector<16xf32>
      %parallel_loop3A_571 = arith.addf %parallel_loop3A_86, %parallel_loop3A_570 : vector<16xf32>
      %parallel_loop3A_572 = arith.mulf %parallel_loop3A_122, %parallel_loop3A_554 : vector<16xf32>
      %parallel_loop3A_573 = arith.addf %parallel_loop3A_90, %parallel_loop3A_572 : vector<16xf32>
      %parallel_loop3A_574 = arith.mulf %parallel_loop3A_126, %parallel_loop3A_554 : vector<16xf32>
      %parallel_loop3A_575 = arith.addf %parallel_loop3A_94, %parallel_loop3A_574 : vector<16xf32>
      %parallel_loop3A_576 = arith.mulf %parallel_loop3A_130, %parallel_loop3A_554 : vector<16xf32>
      %parallel_loop3A_577 = arith.addf %parallel_loop3A_98, %parallel_loop3A_576 : vector<16xf32>
      %parallel_loop3A_578 = arith.mulf %parallel_loop3A_134, %parallel_loop3A_554 : vector<16xf32>
      %parallel_loop3A_579 = arith.addf %parallel_loop3A_102, %parallel_loop3A_578 : vector<16xf32>
      %parallel_loop3A_580 = arith.mulf %parallel_loop3A_573, %parallel_loop3A_557 : vector<16xf32>
      %parallel_loop3A_581 = arith.addf %parallel_loop3A_565, %parallel_loop3A_580 : vector<16xf32>
      %parallel_loop3A_582 = arith.mulf %parallel_loop3A_575, %parallel_loop3A_557 : vector<16xf32>
      %parallel_loop3A_583 = arith.addf %parallel_loop3A_567, %parallel_loop3A_582 : vector<16xf32>
      %parallel_loop3A_584 = arith.mulf %parallel_loop3A_577, %parallel_loop3A_557 : vector<16xf32>
      %parallel_loop3A_585 = arith.addf %parallel_loop3A_569, %parallel_loop3A_584 : vector<16xf32>
      %parallel_loop3A_586 = arith.mulf %parallel_loop3A_579, %parallel_loop3A_557 : vector<16xf32>
      %parallel_loop3A_587 = arith.addf %parallel_loop3A_571, %parallel_loop3A_586 : vector<16xf32>
      %parallel_loop3A_588 = arith.mulf %parallel_loop3A_585, %parallel_loop3A_560 : vector<16xf32>
      %parallel_loop3A_589 = arith.addf %parallel_loop3A_581, %parallel_loop3A_588 : vector<16xf32>
      %parallel_loop3A_590 = arith.mulf %parallel_loop3A_587, %parallel_loop3A_560 : vector<16xf32>
      %parallel_loop3A_591 = arith.addf %parallel_loop3A_583, %parallel_loop3A_590 : vector<16xf32>
      %parallel_loop3A_592 = arith.mulf %parallel_loop3A_591, %parallel_loop3A_563 : vector<16xf32>
      %parallel_loop3A_593 = arith.addf %parallel_loop3A_589, %parallel_loop3A_592 : vector<16xf32>
      %parallel_loop3A_594 = arith.index_cast %parallel_loop3A_66 : i32 to index
      %parallel_loop3A_595 = arith.constant 144 : index
      %parallel_loop3A_596 = tpu.vector_load %arg9[%parallel_loop3A_594, %parallel_loop3A_595] {strides = array<i32>} : memref<128x256xf32, #tpu.memory_space<vmem>>, vector<16xf32>,
      tpu.vector_store %arg9[%parallel_loop3A_594, %parallel_loop3A_595], %parallel_loop3A_593 {strides = array<i32>} : memref<128x256xf32, #tpu.memory_space<vmem>>, vector<16xf32>,
      %parallel_loop3A_597 = arith.index_cast %parallel_loop3A_140 : i32 to index
      %parallel_loop3A_598 = arith.constant 160 : index
      %parallel_loop3A_599 = tpu.vector_load %arg6[%parallel_loop3A_597, %parallel_loop3A_598] {strides = array<i32>} : memref<128x256xf32, #tpu.memory_space<vmem>>, vector<16xf32>,
      %parallel_loop3A_600 = arith.index_cast %parallel_loop3A_142 : i32 to index
      %parallel_loop3A_601 = arith.constant 160 : index
      %parallel_loop3A_602 = tpu.vector_load %arg6[%parallel_loop3A_600, %parallel_loop3A_601] {strides = array<i32>} : memref<128x256xf32, #tpu.memory_space<vmem>>, vector<16xf32>,
      %parallel_loop3A_603 = arith.index_cast %parallel_loop3A_144 : i32 to index
      %parallel_loop3A_604 = arith.constant 160 : index
      %parallel_loop3A_605 = tpu.vector_load %arg6[%parallel_loop3A_603, %parallel_loop3A_604] {strides = array<i32>} : memref<128x256xf32, #tpu.memory_space<vmem>>, vector<16xf32>,
      %parallel_loop3A_606 = arith.index_cast %parallel_loop3A_146 : i32 to index
      %parallel_loop3A_607 = arith.constant 160 : index
      %parallel_loop3A_608 = tpu.vector_load %arg6[%parallel_loop3A_606, %parallel_loop3A_607] {strides = array<i32>} : memref<128x256xf32, #tpu.memory_space<vmem>>, vector<16xf32>,
      %parallel_loop3A_609 = arith.mulf %parallel_loop3A_106, %parallel_loop3A_599 : vector<16xf32>
      %parallel_loop3A_610 = arith.addf %parallel_loop3A_74, %parallel_loop3A_609 : vector<16xf32>
      %parallel_loop3A_611 = arith.mulf %parallel_loop3A_110, %parallel_loop3A_599 : vector<16xf32>
      %parallel_loop3A_612 = arith.addf %parallel_loop3A_78, %parallel_loop3A_611 : vector<16xf32>
      %parallel_loop3A_613 = arith.mulf %parallel_loop3A_114, %parallel_loop3A_599 : vector<16xf32>
      %parallel_loop3A_614 = arith.addf %parallel_loop3A_82, %parallel_loop3A_613 : vector<16xf32>
      %parallel_loop3A_615 = arith.mulf %parallel_loop3A_118, %parallel_loop3A_599 : vector<16xf32>
      %parallel_loop3A_616 = arith.addf %parallel_loop3A_86, %parallel_loop3A_615 : vector<16xf32>
      %parallel_loop3A_617 = arith.mulf %parallel_loop3A_122, %parallel_loop3A_599 : vector<16xf32>
      %parallel_loop3A_618 = arith.addf %parallel_loop3A_90, %parallel_loop3A_617 : vector<16xf32>
      %parallel_loop3A_619 = arith.mulf %parallel_loop3A_126, %parallel_loop3A_599 : vector<16xf32>
      %parallel_loop3A_620 = arith.addf %parallel_loop3A_94, %parallel_loop3A_619 : vector<16xf32>
      %parallel_loop3A_621 = arith.mulf %parallel_loop3A_130, %parallel_loop3A_599 : vector<16xf32>
      %parallel_loop3A_622 = arith.addf %parallel_loop3A_98, %parallel_loop3A_621 : vector<16xf32>
      %parallel_loop3A_623 = arith.mulf %parallel_loop3A_134, %parallel_loop3A_599 : vector<16xf32>
      %parallel_loop3A_624 = arith.addf %parallel_loop3A_102, %parallel_loop3A_623 : vector<16xf32>
      %parallel_loop3A_625 = arith.mulf %parallel_loop3A_618, %parallel_loop3A_602 : vector<16xf32>
      %parallel_loop3A_626 = arith.addf %parallel_loop3A_610, %parallel_loop3A_625 : vector<16xf32>
      %parallel_loop3A_627 = arith.mulf %parallel_loop3A_620, %parallel_loop3A_602 : vector<16xf32>
      %parallel_loop3A_628 = arith.addf %parallel_loop3A_612, %parallel_loop3A_627 : vector<16xf32>
      %parallel_loop3A_629 = arith.mulf %parallel_loop3A_622, %parallel_loop3A_602 : vector<16xf32>
      %parallel_loop3A_630 = arith.addf %parallel_loop3A_614, %parallel_loop3A_629 : vector<16xf32>
      %parallel_loop3A_631 = arith.mulf %parallel_loop3A_624, %parallel_loop3A_602 : vector<16xf32>
      %parallel_loop3A_632 = arith.addf %parallel_loop3A_616, %parallel_loop3A_631 : vector<16xf32>
      %parallel_loop3A_633 = arith.mulf %parallel_loop3A_630, %parallel_loop3A_605 : vector<16xf32>
      %parallel_loop3A_634 = arith.addf %parallel_loop3A_626, %parallel_loop3A_633 : vector<16xf32>
      %parallel_loop3A_635 = arith.mulf %parallel_loop3A_632, %parallel_loop3A_605 : vector<16xf32>
      %parallel_loop3A_636 = arith.addf %parallel_loop3A_628, %parallel_loop3A_635 : vector<16xf32>
      %parallel_loop3A_637 = arith.mulf %parallel_loop3A_636, %parallel_loop3A_608 : vector<16xf32>
      %parallel_loop3A_638 = arith.addf %parallel_loop3A_634, %parallel_loop3A_637 : vector<16xf32>
      %parallel_loop3A_639 = arith.index_cast %parallel_loop3A_66 : i32 to index
      %parallel_loop3A_640 = arith.constant 160 : index
      %parallel_loop3A_641 = tpu.vector_load %arg9[%parallel_loop3A_639, %parallel_loop3A_640] {strides = array<i32>} : memref<128x256xf32, #tpu.memory_space<vmem>>, vector<16xf32>,
      tpu.vector_store %arg9[%parallel_loop3A_639, %parallel_loop3A_640], %parallel_loop3A_638 {strides = array<i32>} : memref<128x256xf32, #tpu.memory_space<vmem>>, vector<16xf32>,
      %parallel_loop3A_642 = arith.index_cast %parallel_loop3A_140 : i32 to index
      %parallel_loop3A_643 = arith.constant 176 : index
      %parallel_loop3A_644 = tpu.vector_load %arg6[%parallel_loop3A_642, %parallel_loop3A_643] {strides = array<i32>} : memref<128x256xf32, #tpu.memory_space<vmem>>, vector<16xf32>,
      %parallel_loop3A_645 = arith.index_cast %parallel_loop3A_142 : i32 to index
      %parallel_loop3A_646 = arith.constant 176 : index
      %parallel_loop3A_647 = tpu.vector_load %arg6[%parallel_loop3A_645, %parallel_loop3A_646] {strides = array<i32>} : memref<128x256xf32, #tpu.memory_space<vmem>>, vector<16xf32>,
      %parallel_loop3A_648 = arith.index_cast %parallel_loop3A_144 : i32 to index
      %parallel_loop3A_649 = arith.constant 176 : index
      %parallel_loop3A_650 = tpu.vector_load %arg6[%parallel_loop3A_648, %parallel_loop3A_649] {strides = array<i32>} : memref<128x256xf32, #tpu.memory_space<vmem>>, vector<16xf32>,
      %parallel_loop3A_651 = arith.index_cast %parallel_loop3A_146 : i32 to index
      %parallel_loop3A_652 = arith.constant 176 : index
      %parallel_loop3A_653 = tpu.vector_load %arg6[%parallel_loop3A_651, %parallel_loop3A_652] {strides = array<i32>} : memref<128x256xf32, #tpu.memory_space<vmem>>, vector<16xf32>,
      %parallel_loop3A_654 = arith.mulf %parallel_loop3A_106, %parallel_loop3A_644 : vector<16xf32>
      %parallel_loop3A_655 = arith.addf %parallel_loop3A_74, %parallel_loop3A_654 : vector<16xf32>
      %parallel_loop3A_656 = arith.mulf %parallel_loop3A_110, %parallel_loop3A_644 : vector<16xf32>
      %parallel_loop3A_657 = arith.addf %parallel_loop3A_78, %parallel_loop3A_656 : vector<16xf32>
      %parallel_loop3A_658 = arith.mulf %parallel_loop3A_114, %parallel_loop3A_644 : vector<16xf32>
      %parallel_loop3A_659 = arith.addf %parallel_loop3A_82, %parallel_loop3A_658 : vector<16xf32>
      %parallel_loop3A_660 = arith.mulf %parallel_loop3A_118, %parallel_loop3A_644 : vector<16xf32>
      %parallel_loop3A_661 = arith.addf %parallel_loop3A_86, %parallel_loop3A_660 : vector<16xf32>
      %parallel_loop3A_662 = arith.mulf %parallel_loop3A_122, %parallel_loop3A_644 : vector<16xf32>
      %parallel_loop3A_663 = arith.addf %parallel_loop3A_90, %parallel_loop3A_662 : vector<16xf32>
      %parallel_loop3A_664 = arith.mulf %parallel_loop3A_126, %parallel_loop3A_644 : vector<16xf32>
      %parallel_loop3A_665 = arith.addf %parallel_loop3A_94, %parallel_loop3A_664 : vector<16xf32>
      %parallel_loop3A_666 = arith.mulf %parallel_loop3A_130, %parallel_loop3A_644 : vector<16xf32>
      %parallel_loop3A_667 = arith.addf %parallel_loop3A_98, %parallel_loop3A_666 : vector<16xf32>
      %parallel_loop3A_668 = arith.mulf %parallel_loop3A_134, %parallel_loop3A_644 : vector<16xf32>
      %parallel_loop3A_669 = arith.addf %parallel_loop3A_102, %parallel_loop3A_668 : vector<16xf32>
      %parallel_loop3A_670 = arith.mulf %parallel_loop3A_663, %parallel_loop3A_647 : vector<16xf32>
      %parallel_loop3A_671 = arith.addf %parallel_loop3A_655, %parallel_loop3A_670 : vector<16xf32>
      %parallel_loop3A_672 = arith.mulf %parallel_loop3A_665, %parallel_loop3A_647 : vector<16xf32>
      %parallel_loop3A_673 = arith.addf %parallel_loop3A_657, %parallel_loop3A_672 : vector<16xf32>
      %parallel_loop3A_674 = arith.mulf %parallel_loop3A_667, %parallel_loop3A_647 : vector<16xf32>
      %parallel_loop3A_675 = arith.addf %parallel_loop3A_659, %parallel_loop3A_674 : vector<16xf32>
      %parallel_loop3A_676 = arith.mulf %parallel_loop3A_669, %parallel_loop3A_647 : vector<16xf32>
      %parallel_loop3A_677 = arith.addf %parallel_loop3A_661, %parallel_loop3A_676 : vector<16xf32>
      %parallel_loop3A_678 = arith.mulf %parallel_loop3A_675, %parallel_loop3A_650 : vector<16xf32>
      %parallel_loop3A_679 = arith.addf %parallel_loop3A_671, %parallel_loop3A_678 : vector<16xf32>
      %parallel_loop3A_680 = arith.mulf %parallel_loop3A_677, %parallel_loop3A_650 : vector<16xf32>
      %parallel_loop3A_681 = arith.addf %parallel_loop3A_673, %parallel_loop3A_680 : vector<16xf32>
      %parallel_loop3A_682 = arith.mulf %parallel_loop3A_681, %parallel_loop3A_653 : vector<16xf32>
      %parallel_loop3A_683 = arith.addf %parallel_loop3A_679, %parallel_loop3A_682 : vector<16xf32>
      %parallel_loop3A_684 = arith.index_cast %parallel_loop3A_66 : i32 to index
      %parallel_loop3A_685 = arith.constant 176 : index
      %parallel_loop3A_686 = tpu.vector_load %arg9[%parallel_loop3A_684, %parallel_loop3A_685] {strides = array<i32>} : memref<128x256xf32, #tpu.memory_space<vmem>>, vector<16xf32>,
      tpu.vector_store %arg9[%parallel_loop3A_684, %parallel_loop3A_685], %parallel_loop3A_683 {strides = array<i32>} : memref<128x256xf32, #tpu.memory_space<vmem>>, vector<16xf32>,
      %parallel_loop3A_687 = arith.index_cast %parallel_loop3A_140 : i32 to index
      %parallel_loop3A_688 = arith.constant 192 : index
      %parallel_loop3A_689 = tpu.vector_load %arg6[%parallel_loop3A_687, %parallel_loop3A_688] {strides = array<i32>} : memref<128x256xf32, #tpu.memory_space<vmem>>, vector<16xf32>,
      %parallel_loop3A_690 = arith.index_cast %parallel_loop3A_142 : i32 to index
      %parallel_loop3A_691 = arith.constant 192 : index
      %parallel_loop3A_692 = tpu.vector_load %arg6[%parallel_loop3A_690, %parallel_loop3A_691] {strides = array<i32>} : memref<128x256xf32, #tpu.memory_space<vmem>>, vector<16xf32>,
      %parallel_loop3A_693 = arith.index_cast %parallel_loop3A_144 : i32 to index
      %parallel_loop3A_694 = arith.constant 192 : index
      %parallel_loop3A_695 = tpu.vector_load %arg6[%parallel_loop3A_693, %parallel_loop3A_694] {strides = array<i32>} : memref<128x256xf32, #tpu.memory_space<vmem>>, vector<16xf32>,
      %parallel_loop3A_696 = arith.index_cast %parallel_loop3A_146 : i32 to index
      %parallel_loop3A_697 = arith.constant 192 : index
      %parallel_loop3A_698 = tpu.vector_load %arg6[%parallel_loop3A_696, %parallel_loop3A_697] {strides = array<i32>} : memref<128x256xf32, #tpu.memory_space<vmem>>, vector<16xf32>,
      %parallel_loop3A_699 = arith.mulf %parallel_loop3A_106, %parallel_loop3A_689 : vector<16xf32>
      %parallel_loop3A_700 = arith.addf %parallel_loop3A_74, %parallel_loop3A_699 : vector<16xf32>
      %parallel_loop3A_701 = arith.mulf %parallel_loop3A_110, %parallel_loop3A_689 : vector<16xf32>
      %parallel_loop3A_702 = arith.addf %parallel_loop3A_78, %parallel_loop3A_701 : vector<16xf32>
      %parallel_loop3A_703 = arith.mulf %parallel_loop3A_114, %parallel_loop3A_689 : vector<16xf32>
      %parallel_loop3A_704 = arith.addf %parallel_loop3A_82, %parallel_loop3A_703 : vector<16xf32>
      %parallel_loop3A_705 = arith.mulf %parallel_loop3A_118, %parallel_loop3A_689 : vector<16xf32>
      %parallel_loop3A_706 = arith.addf %parallel_loop3A_86, %parallel_loop3A_705 : vector<16xf32>
      %parallel_loop3A_707 = arith.mulf %parallel_loop3A_122, %parallel_loop3A_689 : vector<16xf32>
      %parallel_loop3A_708 = arith.addf %parallel_loop3A_90, %parallel_loop3A_707 : vector<16xf32>
      %parallel_loop3A_709 = arith.mulf %parallel_loop3A_126, %parallel_loop3A_689 : vector<16xf32>
      %parallel_loop3A_710 = arith.addf %parallel_loop3A_94, %parallel_loop3A_709 : vector<16xf32>
      %parallel_loop3A_711 = arith.mulf %parallel_loop3A_130, %parallel_loop3A_689 : vector<16xf32>
      %parallel_loop3A_712 = arith.addf %parallel_loop3A_98, %parallel_loop3A_711 : vector<16xf32>
      %parallel_loop3A_713 = arith.mulf %parallel_loop3A_134, %parallel_loop3A_689 : vector<16xf32>
      %parallel_loop3A_714 = arith.addf %parallel_loop3A_102, %parallel_loop3A_713 : vector<16xf32>
      %parallel_loop3A_715 = arith.mulf %parallel_loop3A_708, %parallel_loop3A_692 : vector<16xf32>
      %parallel_loop3A_716 = arith.addf %parallel_loop3A_700, %parallel_loop3A_715 : vector<16xf32>
      %parallel_loop3A_717 = arith.mulf %parallel_loop3A_710, %parallel_loop3A_692 : vector<16xf32>
      %parallel_loop3A_718 = arith.addf %parallel_loop3A_702, %parallel_loop3A_717 : vector<16xf32>
      %parallel_loop3A_719 = arith.mulf %parallel_loop3A_712, %parallel_loop3A_692 : vector<16xf32>
      %parallel_loop3A_720 = arith.addf %parallel_loop3A_704, %parallel_loop3A_719 : vector<16xf32>
      %parallel_loop3A_721 = arith.mulf %parallel_loop3A_714, %parallel_loop3A_692 : vector<16xf32>
      %parallel_loop3A_722 = arith.addf %parallel_loop3A_706, %parallel_loop3A_721 : vector<16xf32>
      %parallel_loop3A_723 = arith.mulf %parallel_loop3A_720, %parallel_loop3A_695 : vector<16xf32>
      %parallel_loop3A_724 = arith.addf %parallel_loop3A_716, %parallel_loop3A_723 : vector<16xf32>
      %parallel_loop3A_725 = arith.mulf %parallel_loop3A_722, %parallel_loop3A_695 : vector<16xf32>
      %parallel_loop3A_726 = arith.addf %parallel_loop3A_718, %parallel_loop3A_725 : vector<16xf32>
      %parallel_loop3A_727 = arith.mulf %parallel_loop3A_726, %parallel_loop3A_698 : vector<16xf32>
      %parallel_loop3A_728 = arith.addf %parallel_loop3A_724, %parallel_loop3A_727 : vector<16xf32>
      %parallel_loop3A_729 = arith.index_cast %parallel_loop3A_66 : i32 to index
      %parallel_loop3A_730 = arith.constant 192 : index
      %parallel_loop3A_731 = tpu.vector_load %arg9[%parallel_loop3A_729, %parallel_loop3A_730] {strides = array<i32>} : memref<128x256xf32, #tpu.memory_space<vmem>>, vector<16xf32>,
      tpu.vector_store %arg9[%parallel_loop3A_729, %parallel_loop3A_730], %parallel_loop3A_728 {strides = array<i32>} : memref<128x256xf32, #tpu.memory_space<vmem>>, vector<16xf32>,
      %parallel_loop3A_732 = arith.index_cast %parallel_loop3A_140 : i32 to index
      %parallel_loop3A_733 = arith.constant 208 : index
      %parallel_loop3A_734 = tpu.vector_load %arg6[%parallel_loop3A_732, %parallel_loop3A_733] {strides = array<i32>} : memref<128x256xf32, #tpu.memory_space<vmem>>, vector<16xf32>,
      %parallel_loop3A_735 = arith.index_cast %parallel_loop3A_142 : i32 to index
      %parallel_loop3A_736 = arith.constant 208 : index
      %parallel_loop3A_737 = tpu.vector_load %arg6[%parallel_loop3A_735, %parallel_loop3A_736] {strides = array<i32>} : memref<128x256xf32, #tpu.memory_space<vmem>>, vector<16xf32>,
      %parallel_loop3A_738 = arith.index_cast %parallel_loop3A_144 : i32 to index
      %parallel_loop3A_739 = arith.constant 208 : index
      %parallel_loop3A_740 = tpu.vector_load %arg6[%parallel_loop3A_738, %parallel_loop3A_739] {strides = array<i32>} : memref<128x256xf32, #tpu.memory_space<vmem>>, vector<16xf32>,
      %parallel_loop3A_741 = arith.index_cast %parallel_loop3A_146 : i32 to index
      %parallel_loop3A_742 = arith.constant 208 : index
      %parallel_loop3A_743 = tpu.vector_load %arg6[%parallel_loop3A_741, %parallel_loop3A_742] {strides = array<i32>} : memref<128x256xf32, #tpu.memory_space<vmem>>, vector<16xf32>,
      %parallel_loop3A_744 = arith.mulf %parallel_loop3A_106, %parallel_loop3A_734 : vector<16xf32>
      %parallel_loop3A_745 = arith.addf %parallel_loop3A_74, %parallel_loop3A_744 : vector<16xf32>
      %parallel_loop3A_746 = arith.mulf %parallel_loop3A_110, %parallel_loop3A_734 : vector<16xf32>
      %parallel_loop3A_747 = arith.addf %parallel_loop3A_78, %parallel_loop3A_746 : vector<16xf32>
      %parallel_loop3A_748 = arith.mulf %parallel_loop3A_114, %parallel_loop3A_734 : vector<16xf32>
      %parallel_loop3A_749 = arith.addf %parallel_loop3A_82, %parallel_loop3A_748 : vector<16xf32>
      %parallel_loop3A_750 = arith.mulf %parallel_loop3A_118, %parallel_loop3A_734 : vector<16xf32>
      %parallel_loop3A_751 = arith.addf %parallel_loop3A_86, %parallel_loop3A_750 : vector<16xf32>
      %parallel_loop3A_752 = arith.mulf %parallel_loop3A_122, %parallel_loop3A_734 : vector<16xf32>
      %parallel_loop3A_753 = arith.addf %parallel_loop3A_90, %parallel_loop3A_752 : vector<16xf32>
      %parallel_loop3A_754 = arith.mulf %parallel_loop3A_126, %parallel_loop3A_734 : vector<16xf32>
      %parallel_loop3A_755 = arith.addf %parallel_loop3A_94, %parallel_loop3A_754 : vector<16xf32>
      %parallel_loop3A_756 = arith.mulf %parallel_loop3A_130, %parallel_loop3A_734 : vector<16xf32>
      %parallel_loop3A_757 = arith.addf %parallel_loop3A_98, %parallel_loop3A_756 : vector<16xf32>
      %parallel_loop3A_758 = arith.mulf %parallel_loop3A_134, %parallel_loop3A_734 : vector<16xf32>
      %parallel_loop3A_759 = arith.addf %parallel_loop3A_102, %parallel_loop3A_758 : vector<16xf32>
      %parallel_loop3A_760 = arith.mulf %parallel_loop3A_753, %parallel_loop3A_737 : vector<16xf32>
      %parallel_loop3A_761 = arith.addf %parallel_loop3A_745, %parallel_loop3A_760 : vector<16xf32>
      %parallel_loop3A_762 = arith.mulf %parallel_loop3A_755, %parallel_loop3A_737 : vector<16xf32>
      %parallel_loop3A_763 = arith.addf %parallel_loop3A_747, %parallel_loop3A_762 : vector<16xf32>
      %parallel_loop3A_764 = arith.mulf %parallel_loop3A_757, %parallel_loop3A_737 : vector<16xf32>
      %parallel_loop3A_765 = arith.addf %parallel_loop3A_749, %parallel_loop3A_764 : vector<16xf32>
      %parallel_loop3A_766 = arith.mulf %parallel_loop3A_759, %parallel_loop3A_737 : vector<16xf32>
      %parallel_loop3A_767 = arith.addf %parallel_loop3A_751, %parallel_loop3A_766 : vector<16xf32>
      %parallel_loop3A_768 = arith.mulf %parallel_loop3A_765, %parallel_loop3A_740 : vector<16xf32>
      %parallel_loop3A_769 = arith.addf %parallel_loop3A_761, %parallel_loop3A_768 : vector<16xf32>
      %parallel_loop3A_770 = arith.mulf %parallel_loop3A_767, %parallel_loop3A_740 : vector<16xf32>
      %parallel_loop3A_771 = arith.addf %parallel_loop3A_763, %parallel_loop3A_770 : vector<16xf32>
      %parallel_loop3A_772 = arith.mulf %parallel_loop3A_771, %parallel_loop3A_743 : vector<16xf32>
      %parallel_loop3A_773 = arith.addf %parallel_loop3A_769, %parallel_loop3A_772 : vector<16xf32>
      %parallel_loop3A_774 = arith.index_cast %parallel_loop3A_66 : i32 to index
      %parallel_loop3A_775 = arith.constant 208 : index
      %parallel_loop3A_776 = tpu.vector_load %arg9[%parallel_loop3A_774, %parallel_loop3A_775] {strides = array<i32>} : memref<128x256xf32, #tpu.memory_space<vmem>>, vector<16xf32>,
      tpu.vector_store %arg9[%parallel_loop3A_774, %parallel_loop3A_775], %parallel_loop3A_773 {strides = array<i32>} : memref<128x256xf32, #tpu.memory_space<vmem>>, vector<16xf32>,
      %parallel_loop3A_777 = arith.index_cast %parallel_loop3A_140 : i32 to index
      %parallel_loop3A_778 = arith.constant 224 : index
      %parallel_loop3A_779 = tpu.vector_load %arg6[%parallel_loop3A_777, %parallel_loop3A_778] {strides = array<i32>} : memref<128x256xf32, #tpu.memory_space<vmem>>, vector<16xf32>,
      %parallel_loop3A_780 = arith.index_cast %parallel_loop3A_142 : i32 to index
      %parallel_loop3A_781 = arith.constant 224 : index
      %parallel_loop3A_782 = tpu.vector_load %arg6[%parallel_loop3A_780, %parallel_loop3A_781] {strides = array<i32>} : memref<128x256xf32, #tpu.memory_space<vmem>>, vector<16xf32>,
      %parallel_loop3A_783 = arith.index_cast %parallel_loop3A_144 : i32 to index
      %parallel_loop3A_784 = arith.constant 224 : index
      %parallel_loop3A_785 = tpu.vector_load %arg6[%parallel_loop3A_783, %parallel_loop3A_784] {strides = array<i32>} : memref<128x256xf32, #tpu.memory_space<vmem>>, vector<16xf32>,
      %parallel_loop3A_786 = arith.index_cast %parallel_loop3A_146 : i32 to index
      %parallel_loop3A_787 = arith.constant 224 : index
      %parallel_loop3A_788 = tpu.vector_load %arg6[%parallel_loop3A_786, %parallel_loop3A_787] {strides = array<i32>} : memref<128x256xf32, #tpu.memory_space<vmem>>, vector<16xf32>,
      %parallel_loop3A_789 = arith.mulf %parallel_loop3A_106, %parallel_loop3A_779 : vector<16xf32>
      %parallel_loop3A_790 = arith.addf %parallel_loop3A_74, %parallel_loop3A_789 : vector<16xf32>
      %parallel_loop3A_791 = arith.mulf %parallel_loop3A_110, %parallel_loop3A_779 : vector<16xf32>
      %parallel_loop3A_792 = arith.addf %parallel_loop3A_78, %parallel_loop3A_791 : vector<16xf32>
      %parallel_loop3A_793 = arith.mulf %parallel_loop3A_114, %parallel_loop3A_779 : vector<16xf32>
      %parallel_loop3A_794 = arith.addf %parallel_loop3A_82, %parallel_loop3A_793 : vector<16xf32>
      %parallel_loop3A_795 = arith.mulf %parallel_loop3A_118, %parallel_loop3A_779 : vector<16xf32>
      %parallel_loop3A_796 = arith.addf %parallel_loop3A_86, %parallel_loop3A_795 : vector<16xf32>
      %parallel_loop3A_797 = arith.mulf %parallel_loop3A_122, %parallel_loop3A_779 : vector<16xf32>
      %parallel_loop3A_798 = arith.addf %parallel_loop3A_90, %parallel_loop3A_797 : vector<16xf32>
      %parallel_loop3A_799 = arith.mulf %parallel_loop3A_126, %parallel_loop3A_779 : vector<16xf32>
      %parallel_loop3A_800 = arith.addf %parallel_loop3A_94, %parallel_loop3A_799 : vector<16xf32>
      %parallel_loop3A_801 = arith.mulf %parallel_loop3A_130, %parallel_loop3A_779 : vector<16xf32>
      %parallel_loop3A_802 = arith.addf %parallel_loop3A_98, %parallel_loop3A_801 : vector<16xf32>
      %parallel_loop3A_803 = arith.mulf %parallel_loop3A_134, %parallel_loop3A_779 : vector<16xf32>
      %parallel_loop3A_804 = arith.addf %parallel_loop3A_102, %parallel_loop3A_803 : vector<16xf32>
      %parallel_loop3A_805 = arith.mulf %parallel_loop3A_798, %parallel_loop3A_782 : vector<16xf32>
      %parallel_loop3A_806 = arith.addf %parallel_loop3A_790, %parallel_loop3A_805 : vector<16xf32>
      %parallel_loop3A_807 = arith.mulf %parallel_loop3A_800, %parallel_loop3A_782 : vector<16xf32>
      %parallel_loop3A_808 = arith.addf %parallel_loop3A_792, %parallel_loop3A_807 : vector<16xf32>
      %parallel_loop3A_809 = arith.mulf %parallel_loop3A_802, %parallel_loop3A_782 : vector<16xf32>
      %parallel_loop3A_810 = arith.addf %parallel_loop3A_794, %parallel_loop3A_809 : vector<16xf32>
      %parallel_loop3A_811 = arith.mulf %parallel_loop3A_804, %parallel_loop3A_782 : vector<16xf32>
      %parallel_loop3A_812 = arith.addf %parallel_loop3A_796, %parallel_loop3A_811 : vector<16xf32>
      %parallel_loop3A_813 = arith.mulf %parallel_loop3A_810, %parallel_loop3A_785 : vector<16xf32>
      %parallel_loop3A_814 = arith.addf %parallel_loop3A_806, %parallel_loop3A_813 : vector<16xf32>
      %parallel_loop3A_815 = arith.mulf %parallel_loop3A_812, %parallel_loop3A_785 : vector<16xf32>
      %parallel_loop3A_816 = arith.addf %parallel_loop3A_808, %parallel_loop3A_815 : vector<16xf32>
      %parallel_loop3A_817 = arith.mulf %parallel_loop3A_816, %parallel_loop3A_788 : vector<16xf32>
      %parallel_loop3A_818 = arith.addf %parallel_loop3A_814, %parallel_loop3A_817 : vector<16xf32>
      %parallel_loop3A_819 = arith.index_cast %parallel_loop3A_66 : i32 to index
      %parallel_loop3A_820 = arith.constant 224 : index
      %parallel_loop3A_821 = tpu.vector_load %arg9[%parallel_loop3A_819, %parallel_loop3A_820] {strides = array<i32>} : memref<128x256xf32, #tpu.memory_space<vmem>>, vector<16xf32>,
      tpu.vector_store %arg9[%parallel_loop3A_819, %parallel_loop3A_820], %parallel_loop3A_818 {strides = array<i32>} : memref<128x256xf32, #tpu.memory_space<vmem>>, vector<16xf32>,
      %parallel_loop3A_822 = arith.index_cast %parallel_loop3A_140 : i32 to index
      %parallel_loop3A_823 = arith.constant 240 : index
      %parallel_loop3A_824 = tpu.vector_load %arg6[%parallel_loop3A_822, %parallel_loop3A_823] {strides = array<i32>} : memref<128x256xf32, #tpu.memory_space<vmem>>, vector<16xf32>,
      %parallel_loop3A_825 = arith.index_cast %parallel_loop3A_142 : i32 to index
      %parallel_loop3A_826 = arith.constant 240 : index
      %parallel_loop3A_827 = tpu.vector_load %arg6[%parallel_loop3A_825, %parallel_loop3A_826] {strides = array<i32>} : memref<128x256xf32, #tpu.memory_space<vmem>>, vector<16xf32>,
      %parallel_loop3A_828 = arith.index_cast %parallel_loop3A_144 : i32 to index
      %parallel_loop3A_829 = arith.constant 240 : index
      %parallel_loop3A_830 = tpu.vector_load %arg6[%parallel_loop3A_828, %parallel_loop3A_829] {strides = array<i32>} : memref<128x256xf32, #tpu.memory_space<vmem>>, vector<16xf32>,
      %parallel_loop3A_831 = arith.index_cast %parallel_loop3A_146 : i32 to index
      %parallel_loop3A_832 = arith.constant 240 : index
      %parallel_loop3A_833 = tpu.vector_load %arg6[%parallel_loop3A_831, %parallel_loop3A_832] {strides = array<i32>} : memref<128x256xf32, #tpu.memory_space<vmem>>, vector<16xf32>,
      %parallel_loop3A_834 = arith.mulf %parallel_loop3A_106, %parallel_loop3A_824 : vector<16xf32>
      %parallel_loop3A_835 = arith.addf %parallel_loop3A_74, %parallel_loop3A_834 : vector<16xf32>
      %parallel_loop3A_836 = arith.mulf %parallel_loop3A_110, %parallel_loop3A_824 : vector<16xf32>
      %parallel_loop3A_837 = arith.addf %parallel_loop3A_78, %parallel_loop3A_836 : vector<16xf32>
      %parallel_loop3A_838 = arith.mulf %parallel_loop3A_114, %parallel_loop3A_824 : vector<16xf32>
      %parallel_loop3A_839 = arith.addf %parallel_loop3A_82, %parallel_loop3A_838 : vector<16xf32>
      %parallel_loop3A_840 = arith.mulf %parallel_loop3A_118, %parallel_loop3A_824 : vector<16xf32>
      %parallel_loop3A_841 = arith.addf %parallel_loop3A_86, %parallel_loop3A_840 : vector<16xf32>
      %parallel_loop3A_842 = arith.mulf %parallel_loop3A_122, %parallel_loop3A_824 : vector<16xf32>
      %parallel_loop3A_843 = arith.addf %parallel_loop3A_90, %parallel_loop3A_842 : vector<16xf32>
      %parallel_loop3A_844 = arith.mulf %parallel_loop3A_126, %parallel_loop3A_824 : vector<16xf32>
      %parallel_loop3A_845 = arith.addf %parallel_loop3A_94, %parallel_loop3A_844 : vector<16xf32>
      %parallel_loop3A_846 = arith.mulf %parallel_loop3A_130, %parallel_loop3A_824 : vector<16xf32>
      %parallel_loop3A_847 = arith.addf %parallel_loop3A_98, %parallel_loop3A_846 : vector<16xf32>
      %parallel_loop3A_848 = arith.mulf %parallel_loop3A_134, %parallel_loop3A_824 : vector<16xf32>
      %parallel_loop3A_849 = arith.addf %parallel_loop3A_102, %parallel_loop3A_848 : vector<16xf32>
      %parallel_loop3A_850 = arith.mulf %parallel_loop3A_843, %parallel_loop3A_827 : vector<16xf32>
      %parallel_loop3A_851 = arith.addf %parallel_loop3A_835, %parallel_loop3A_850 : vector<16xf32>
      %parallel_loop3A_852 = arith.mulf %parallel_loop3A_845, %parallel_loop3A_827 : vector<16xf32>
      %parallel_loop3A_853 = arith.addf %parallel_loop3A_837, %parallel_loop3A_852 : vector<16xf32>
      %parallel_loop3A_854 = arith.mulf %parallel_loop3A_847, %parallel_loop3A_827 : vector<16xf32>
      %parallel_loop3A_855 = arith.addf %parallel_loop3A_839, %parallel_loop3A_854 : vector<16xf32>
      %parallel_loop3A_856 = arith.mulf %parallel_loop3A_849, %parallel_loop3A_827 : vector<16xf32>
      %parallel_loop3A_857 = arith.addf %parallel_loop3A_841, %parallel_loop3A_856 : vector<16xf32>
      %parallel_loop3A_858 = arith.mulf %parallel_loop3A_855, %parallel_loop3A_830 : vector<16xf32>
      %parallel_loop3A_859 = arith.addf %parallel_loop3A_851, %parallel_loop3A_858 : vector<16xf32>
      %parallel_loop3A_860 = arith.mulf %parallel_loop3A_857, %parallel_loop3A_830 : vector<16xf32>
      %parallel_loop3A_861 = arith.addf %parallel_loop3A_853, %parallel_loop3A_860 : vector<16xf32>
      %parallel_loop3A_862 = arith.mulf %parallel_loop3A_861, %parallel_loop3A_833 : vector<16xf32>
      %parallel_loop3A_863 = arith.addf %parallel_loop3A_859, %parallel_loop3A_862 : vector<16xf32>
      %parallel_loop3A_864 = arith.index_cast %parallel_loop3A_66 : i32 to index
      %parallel_loop3A_865 = arith.constant 240 : index
      %parallel_loop3A_866 = tpu.vector_load %arg9[%parallel_loop3A_864, %parallel_loop3A_865] {strides = array<i32>} : memref<128x256xf32, #tpu.memory_space<vmem>>, vector<16xf32>,
      tpu.vector_store %arg9[%parallel_loop3A_864, %parallel_loop3A_865], %parallel_loop3A_863 {strides = array<i32>} : memref<128x256xf32, #tpu.memory_space<vmem>>, vector<16xf32>,
    } {sc.loop_unroll_factor = 1 : i64, sc.parallel_access}
    %mul3A_45 = arith.constant 256 : i32
    %mul3A_46 = arith.muli %select_n3A_30, %mul3A_45 : i32
    %add3A_47 = arith.constant 0 : i32
    %add3A_48 = arith.addi %mul3A_46, %add3A_47 : i32
    %mul3A_49 = arith.constant 256 : i32
    %mul3A_50 = arith.muli %select_n3A, %mul3A_49 : i32
    %dma_start3A = tpu.memref_slice %arg5[%add3A_48, %mul3A_50] : memref<512x4096xf32, #tpu.memory_space<hbm>> -> memref<128x256xf32, #tpu.memory_space<hbm>>
    %dma_start3A_51 = tpu.memref_slice %arg5[%add3A_48, %mul3A_50] : memref<512x4096xf32, #tpu.memory_space<hbm>> -> memref<128x256xf32, #tpu.memory_space<hbm>>
    tpu.enqueue_dma source(%arg9 : memref<128x256xf32, #tpu.memory_space<vmem>>) target(%dma_start3A_51 : memref<128x256xf32, #tpu.memory_space<hbm>>) target_semaphore(%arg11 : memref<!tpu.dma_semaphore, #tpu.memory_space<semaphore_mem>>)
    %parallel_loop3A_52 = arith.constant 0 : i32
    %parallel_loop3A_53 = arith.constant 128 : i32
    %parallel_loop3A_54 = arith.constant 1 : i32
    scf.for %parallel_loop3A_66 = %parallel_loop3A_52 to %parallel_loop3A_53 step %parallel_loop3A_54  : i32 {
      %parallel_loop3A_67 = arith.constant 128 : i32
      %parallel_loop3A_68 = arith.addi %parallel_loop3A_67, %parallel_loop3A_66 : i32
      %parallel_loop3A_69 = vector.broadcast %parallel_loop3A_68 : i32 to vector<16xi32>
      %parallel_loop3A_70 = tpu.vector_load_idx %arg7[%iota3A, %parallel_loop3A_69] : memref<16x256xf32, #tpu.memory_space<vmem>>[vector<16xi32>, vector<16xi32>], vector<16xf32>,
      %parallel_loop3A_71 = arith.constant 0 : i32
      %parallel_loop3A_72 = vector.broadcast %parallel_loop3A_71 : i32 to vector<16x1xi32>
      %parallel_loop3A_73 = vector.shape_cast %parallel_loop3A_72 : vector<16x1xi32> to vector<16xi32>
      %parallel_loop3A_74 = tpu.dynamic_gather %parallel_loop3A_70[%parallel_loop3A_73] in [0] : vector<16xf32>, vector<16xi32> -> vector<16xf32>
      %parallel_loop3A_75 = arith.constant 1 : i32
      %parallel_loop3A_76 = vector.broadcast %parallel_loop3A_75 : i32 to vector<16x1xi32>
      %parallel_loop3A_77 = vector.shape_cast %parallel_loop3A_76 : vector<16x1xi32> to vector<16xi32>
      %parallel_loop3A_78 = tpu.dynamic_gather %parallel_loop3A_70[%parallel_loop3A_77] in [0] : vector<16xf32>, vector<16xi32> -> vector<16xf32>
      %parallel_loop3A_79 = arith.constant 2 : i32
      %parallel_loop3A_80 = vector.broadcast %parallel_loop3A_79 : i32 to vector<16x1xi32>
      %parallel_loop3A_81 = vector.shape_cast %parallel_loop3A_80 : vector<16x1xi32> to vector<16xi32>
      %parallel_loop3A_82 = tpu.dynamic_gather %parallel_loop3A_70[%parallel_loop3A_81] in [0] : vector<16xf32>, vector<16xi32> -> vector<16xf32>
      %parallel_loop3A_83 = arith.constant 3 : i32
      %parallel_loop3A_84 = vector.broadcast %parallel_loop3A_83 : i32 to vector<16x1xi32>
      %parallel_loop3A_85 = vector.shape_cast %parallel_loop3A_84 : vector<16x1xi32> to vector<16xi32>
      %parallel_loop3A_86 = tpu.dynamic_gather %parallel_loop3A_70[%parallel_loop3A_85] in [0] : vector<16xf32>, vector<16xi32> -> vector<16xf32>
      %parallel_loop3A_87 = arith.constant 4 : i32
      %parallel_loop3A_88 = vector.broadcast %parallel_loop3A_87 : i32 to vector<16x1xi32>
      %parallel_loop3A_89 = vector.shape_cast %parallel_loop3A_88 : vector<16x1xi32> to vector<16xi32>
      %parallel_loop3A_90 = tpu.dynamic_gather %parallel_loop3A_70[%parallel_loop3A_89] in [0] : vector<16xf32>, vector<16xi32> -> vector<16xf32>
      %parallel_loop3A_91 = arith.constant 5 : i32
      %parallel_loop3A_92 = vector.broadcast %parallel_loop3A_91 : i32 to vector<16x1xi32>
      %parallel_loop3A_93 = vector.shape_cast %parallel_loop3A_92 : vector<16x1xi32> to vector<16xi32>
      %parallel_loop3A_94 = tpu.dynamic_gather %parallel_loop3A_70[%parallel_loop3A_93] in [0] : vector<16xf32>, vector<16xi32> -> vector<16xf32>
      %parallel_loop3A_95 = arith.constant 6 : i32
      %parallel_loop3A_96 = vector.broadcast %parallel_loop3A_95 : i32 to vector<16x1xi32>
      %parallel_loop3A_97 = vector.shape_cast %parallel_loop3A_96 : vector<16x1xi32> to vector<16xi32>
      %parallel_loop3A_98 = tpu.dynamic_gather %parallel_loop3A_70[%parallel_loop3A_97] in [0] : vector<16xf32>, vector<16xi32> -> vector<16xf32>
      %parallel_loop3A_99 = arith.constant 7 : i32
      %parallel_loop3A_100 = vector.broadcast %parallel_loop3A_99 : i32 to vector<16x1xi32>
      %parallel_loop3A_101 = vector.shape_cast %parallel_loop3A_100 : vector<16x1xi32> to vector<16xi32>
      %parallel_loop3A_102 = tpu.dynamic_gather %parallel_loop3A_70[%parallel_loop3A_101] in [0] : vector<16xf32>, vector<16xi32> -> vector<16xf32>
      %parallel_loop3A_103 = arith.constant 8 : i32
      %parallel_loop3A_104 = vector.broadcast %parallel_loop3A_103 : i32 to vector<16x1xi32>
      %parallel_loop3A_105 = vector.shape_cast %parallel_loop3A_104 : vector<16x1xi32> to vector<16xi32>
      %parallel_loop3A_106 = tpu.dynamic_gather %parallel_loop3A_70[%parallel_loop3A_105] in [0] : vector<16xf32>, vector<16xi32> -> vector<16xf32>
      %parallel_loop3A_107 = arith.constant 9 : i32
      %parallel_loop3A_108 = vector.broadcast %parallel_loop3A_107 : i32 to vector<16x1xi32>
      %parallel_loop3A_109 = vector.shape_cast %parallel_loop3A_108 : vector<16x1xi32> to vector<16xi32>
      %parallel_loop3A_110 = tpu.dynamic_gather %parallel_loop3A_70[%parallel_loop3A_109] in [0] : vector<16xf32>, vector<16xi32> -> vector<16xf32>
      %parallel_loop3A_111 = arith.constant 10 : i32
      %parallel_loop3A_112 = vector.broadcast %parallel_loop3A_111 : i32 to vector<16x1xi32>
      %parallel_loop3A_113 = vector.shape_cast %parallel_loop3A_112 : vector<16x1xi32> to vector<16xi32>
      %parallel_loop3A_114 = tpu.dynamic_gather %parallel_loop3A_70[%parallel_loop3A_113] in [0] : vector<16xf32>, vector<16xi32> -> vector<16xf32>
      %parallel_loop3A_115 = arith.constant 11 : i32
      %parallel_loop3A_116 = vector.broadcast %parallel_loop3A_115 : i32 to vector<16x1xi32>
      %parallel_loop3A_117 = vector.shape_cast %parallel_loop3A_116 : vector<16x1xi32> to vector<16xi32>
      %parallel_loop3A_118 = tpu.dynamic_gather %parallel_loop3A_70[%parallel_loop3A_117] in [0] : vector<16xf32>, vector<16xi32> -> vector<16xf32>
      %parallel_loop3A_119 = arith.constant 12 : i32
      %parallel_loop3A_120 = vector.broadcast %parallel_loop3A_119 : i32 to vector<16x1xi32>
      %parallel_loop3A_121 = vector.shape_cast %parallel_loop3A_120 : vector<16x1xi32> to vector<16xi32>
      %parallel_loop3A_122 = tpu.dynamic_gather %parallel_loop3A_70[%parallel_loop3A_121] in [0] : vector<16xf32>, vector<16xi32> -> vector<16xf32>
      %parallel_loop3A_123 = arith.constant 13 : i32
      %parallel_loop3A_124 = vector.broadcast %parallel_loop3A_123 : i32 to vector<16x1xi32>
      %parallel_loop3A_125 = vector.shape_cast %parallel_loop3A_124 : vector<16x1xi32> to vector<16xi32>
      %parallel_loop3A_126 = tpu.dynamic_gather %parallel_loop3A_70[%parallel_loop3A_125] in [0] : vector<16xf32>, vector<16xi32> -> vector<16xf32>
      %parallel_loop3A_127 = arith.constant 14 : i32
      %parallel_loop3A_128 = vector.broadcast %parallel_loop3A_127 : i32 to vector<16x1xi32>
      %parallel_loop3A_129 = vector.shape_cast %parallel_loop3A_128 : vector<16x1xi32> to vector<16xi32>
      %parallel_loop3A_130 = tpu.dynamic_gather %parallel_loop3A_70[%parallel_loop3A_129] in [0] : vector<16xf32>, vector<16xi32> -> vector<16xf32>
      %parallel_loop3A_131 = arith.constant 15 : i32
      %parallel_loop3A_132 = vector.broadcast %parallel_loop3A_131 : i32 to vector<16x1xi32>
      %parallel_loop3A_133 = vector.shape_cast %parallel_loop3A_132 : vector<16x1xi32> to vector<16xi32>
      %parallel_loop3A_134 = tpu.dynamic_gather %parallel_loop3A_70[%parallel_loop3A_133] in [0] : vector<16xf32>, vector<16xi32> -> vector<16xf32>
      %parallel_loop3A_135 = arith.constant 4 : i32
      %parallel_loop3A_136 = arith.muli %parallel_loop3A_68, %parallel_loop3A_135 : i32
      %parallel_loop3A_137 = arith.index_cast %parallel_loop3A_136 : i32 to index
      %parallel_loop3A_138 = tpu.vector_load %arg8[%parallel_loop3A_137] {strides = array<i32>} : memref<1040xi32, #tpu.memory_space<vmem>>, vector<16xi32>,
      %parallel_loop3A_139 = vector.extract_strided_slice %parallel_loop3A_138 {offsets = [0], sizes = [1], strides = [1]} : vector<16xi32> to vector<1xi32>
      %parallel_loop3A_140 = vector.extract %parallel_loop3A_139[0] : i32 from vector<1xi32>
      %parallel_loop3A_141 = vector.extract_strided_slice %parallel_loop3A_138 {offsets = [1], sizes = [1], strides = [1]} : vector<16xi32> to vector<1xi32>
      %parallel_loop3A_142 = vector.extract %parallel_loop3A_141[0] : i32 from vector<1xi32>
      %parallel_loop3A_143 = vector.extract_strided_slice %parallel_loop3A_138 {offsets = [2], sizes = [1], strides = [1]} : vector<16xi32> to vector<1xi32>
      %parallel_loop3A_144 = vector.extract %parallel_loop3A_143[0] : i32 from vector<1xi32>
      %parallel_loop3A_145 = vector.extract_strided_slice %parallel_loop3A_138 {offsets = [3], sizes = [1], strides = [1]} : vector<16xi32> to vector<1xi32>
      %parallel_loop3A_146 = vector.extract %parallel_loop3A_145[0] : i32 from vector<1xi32>
      %parallel_loop3A_147 = arith.index_cast %parallel_loop3A_140 : i32 to index
      %parallel_loop3A_148 = arith.constant 0 : index
      %parallel_loop3A_149 = tpu.vector_load %arg6[%parallel_loop3A_147, %parallel_loop3A_148] {strides = array<i32>} : memref<128x256xf32, #tpu.memory_space<vmem>>, vector<16xf32>,
      %parallel_loop3A_150 = arith.index_cast %parallel_loop3A_142 : i32 to index
      %parallel_loop3A_151 = arith.constant 0 : index
      %parallel_loop3A_152 = tpu.vector_load %arg6[%parallel_loop3A_150, %parallel_loop3A_151] {strides = array<i32>} : memref<128x256xf32, #tpu.memory_space<vmem>>, vector<16xf32>,
      %parallel_loop3A_153 = arith.index_cast %parallel_loop3A_144 : i32 to index
      %parallel_loop3A_154 = arith.constant 0 : index
      %parallel_loop3A_155 = tpu.vector_load %arg6[%parallel_loop3A_153, %parallel_loop3A_154] {strides = array<i32>} : memref<128x256xf32, #tpu.memory_space<vmem>>, vector<16xf32>,
      %parallel_loop3A_156 = arith.index_cast %parallel_loop3A_146 : i32 to index
      %parallel_loop3A_157 = arith.constant 0 : index
      %parallel_loop3A_158 = tpu.vector_load %arg6[%parallel_loop3A_156, %parallel_loop3A_157] {strides = array<i32>} : memref<128x256xf32, #tpu.memory_space<vmem>>, vector<16xf32>,
      %parallel_loop3A_159 = arith.mulf %parallel_loop3A_106, %parallel_loop3A_149 : vector<16xf32>
      %parallel_loop3A_160 = arith.addf %parallel_loop3A_74, %parallel_loop3A_159 : vector<16xf32>
      %parallel_loop3A_161 = arith.mulf %parallel_loop3A_110, %parallel_loop3A_149 : vector<16xf32>
      %parallel_loop3A_162 = arith.addf %parallel_loop3A_78, %parallel_loop3A_161 : vector<16xf32>
      %parallel_loop3A_163 = arith.mulf %parallel_loop3A_114, %parallel_loop3A_149 : vector<16xf32>
      %parallel_loop3A_164 = arith.addf %parallel_loop3A_82, %parallel_loop3A_163 : vector<16xf32>
      %parallel_loop3A_165 = arith.mulf %parallel_loop3A_118, %parallel_loop3A_149 : vector<16xf32>
      %parallel_loop3A_166 = arith.addf %parallel_loop3A_86, %parallel_loop3A_165 : vector<16xf32>
      %parallel_loop3A_167 = arith.mulf %parallel_loop3A_122, %parallel_loop3A_149 : vector<16xf32>
      %parallel_loop3A_168 = arith.addf %parallel_loop3A_90, %parallel_loop3A_167 : vector<16xf32>
      %parallel_loop3A_169 = arith.mulf %parallel_loop3A_126, %parallel_loop3A_149 : vector<16xf32>
      %parallel_loop3A_170 = arith.addf %parallel_loop3A_94, %parallel_loop3A_169 : vector<16xf32>
      %parallel_loop3A_171 = arith.mulf %parallel_loop3A_130, %parallel_loop3A_149 : vector<16xf32>
      %parallel_loop3A_172 = arith.addf %parallel_loop3A_98, %parallel_loop3A_171 : vector<16xf32>
      %parallel_loop3A_173 = arith.mulf %parallel_loop3A_134, %parallel_loop3A_149 : vector<16xf32>
      %parallel_loop3A_174 = arith.addf %parallel_loop3A_102, %parallel_loop3A_173 : vector<16xf32>
      %parallel_loop3A_175 = arith.mulf %parallel_loop3A_168, %parallel_loop3A_152 : vector<16xf32>
      %parallel_loop3A_176 = arith.addf %parallel_loop3A_160, %parallel_loop3A_175 : vector<16xf32>
      %parallel_loop3A_177 = arith.mulf %parallel_loop3A_170, %parallel_loop3A_152 : vector<16xf32>
      %parallel_loop3A_178 = arith.addf %parallel_loop3A_162, %parallel_loop3A_177 : vector<16xf32>
      %parallel_loop3A_179 = arith.mulf %parallel_loop3A_172, %parallel_loop3A_152 : vector<16xf32>
      %parallel_loop3A_180 = arith.addf %parallel_loop3A_164, %parallel_loop3A_179 : vector<16xf32>
      %parallel_loop3A_181 = arith.mulf %parallel_loop3A_174, %parallel_loop3A_152 : vector<16xf32>
      %parallel_loop3A_182 = arith.addf %parallel_loop3A_166, %parallel_loop3A_181 : vector<16xf32>
      %parallel_loop3A_183 = arith.mulf %parallel_loop3A_180, %parallel_loop3A_155 : vector<16xf32>
      %parallel_loop3A_184 = arith.addf %parallel_loop3A_176, %parallel_loop3A_183 : vector<16xf32>
      %parallel_loop3A_185 = arith.mulf %parallel_loop3A_182, %parallel_loop3A_155 : vector<16xf32>
      %parallel_loop3A_186 = arith.addf %parallel_loop3A_178, %parallel_loop3A_185 : vector<16xf32>
      %parallel_loop3A_187 = arith.mulf %parallel_loop3A_186, %parallel_loop3A_158 : vector<16xf32>
      %parallel_loop3A_188 = arith.addf %parallel_loop3A_184, %parallel_loop3A_187 : vector<16xf32>
      %parallel_loop3A_189 = arith.index_cast %parallel_loop3A_66 : i32 to index
      %parallel_loop3A_190 = arith.constant 0 : index
      %parallel_loop3A_191 = tpu.vector_load %arg10[%parallel_loop3A_189, %parallel_loop3A_190] {strides = array<i32>} : memref<128x256xf32, #tpu.memory_space<vmem>>, vector<16xf32>,
      tpu.vector_store %arg10[%parallel_loop3A_189, %parallel_loop3A_190], %parallel_loop3A_188 {strides = array<i32>} : memref<128x256xf32, #tpu.memory_space<vmem>>, vector<16xf32>,
      %parallel_loop3A_192 = arith.index_cast %parallel_loop3A_140 : i32 to index
      %parallel_loop3A_193 = arith.constant 16 : index
      %parallel_loop3A_194 = tpu.vector_load %arg6[%parallel_loop3A_192, %parallel_loop3A_193] {strides = array<i32>} : memref<128x256xf32, #tpu.memory_space<vmem>>, vector<16xf32>,
      %parallel_loop3A_195 = arith.index_cast %parallel_loop3A_142 : i32 to index
      %parallel_loop3A_196 = arith.constant 16 : index
      %parallel_loop3A_197 = tpu.vector_load %arg6[%parallel_loop3A_195, %parallel_loop3A_196] {strides = array<i32>} : memref<128x256xf32, #tpu.memory_space<vmem>>, vector<16xf32>,
      %parallel_loop3A_198 = arith.index_cast %parallel_loop3A_144 : i32 to index
      %parallel_loop3A_199 = arith.constant 16 : index
      %parallel_loop3A_200 = tpu.vector_load %arg6[%parallel_loop3A_198, %parallel_loop3A_199] {strides = array<i32>} : memref<128x256xf32, #tpu.memory_space<vmem>>, vector<16xf32>,
      %parallel_loop3A_201 = arith.index_cast %parallel_loop3A_146 : i32 to index
      %parallel_loop3A_202 = arith.constant 16 : index
      %parallel_loop3A_203 = tpu.vector_load %arg6[%parallel_loop3A_201, %parallel_loop3A_202] {strides = array<i32>} : memref<128x256xf32, #tpu.memory_space<vmem>>, vector<16xf32>,
      %parallel_loop3A_204 = arith.mulf %parallel_loop3A_106, %parallel_loop3A_194 : vector<16xf32>
      %parallel_loop3A_205 = arith.addf %parallel_loop3A_74, %parallel_loop3A_204 : vector<16xf32>
      %parallel_loop3A_206 = arith.mulf %parallel_loop3A_110, %parallel_loop3A_194 : vector<16xf32>
      %parallel_loop3A_207 = arith.addf %parallel_loop3A_78, %parallel_loop3A_206 : vector<16xf32>
      %parallel_loop3A_208 = arith.mulf %parallel_loop3A_114, %parallel_loop3A_194 : vector<16xf32>
      %parallel_loop3A_209 = arith.addf %parallel_loop3A_82, %parallel_loop3A_208 : vector<16xf32>
      %parallel_loop3A_210 = arith.mulf %parallel_loop3A_118, %parallel_loop3A_194 : vector<16xf32>
      %parallel_loop3A_211 = arith.addf %parallel_loop3A_86, %parallel_loop3A_210 : vector<16xf32>
      %parallel_loop3A_212 = arith.mulf %parallel_loop3A_122, %parallel_loop3A_194 : vector<16xf32>
      %parallel_loop3A_213 = arith.addf %parallel_loop3A_90, %parallel_loop3A_212 : vector<16xf32>
      %parallel_loop3A_214 = arith.mulf %parallel_loop3A_126, %parallel_loop3A_194 : vector<16xf32>
      %parallel_loop3A_215 = arith.addf %parallel_loop3A_94, %parallel_loop3A_214 : vector<16xf32>
      %parallel_loop3A_216 = arith.mulf %parallel_loop3A_130, %parallel_loop3A_194 : vector<16xf32>
      %parallel_loop3A_217 = arith.addf %parallel_loop3A_98, %parallel_loop3A_216 : vector<16xf32>
      %parallel_loop3A_218 = arith.mulf %parallel_loop3A_134, %parallel_loop3A_194 : vector<16xf32>
      %parallel_loop3A_219 = arith.addf %parallel_loop3A_102, %parallel_loop3A_218 : vector<16xf32>
      %parallel_loop3A_220 = arith.mulf %parallel_loop3A_213, %parallel_loop3A_197 : vector<16xf32>
      %parallel_loop3A_221 = arith.addf %parallel_loop3A_205, %parallel_loop3A_220 : vector<16xf32>
      %parallel_loop3A_222 = arith.mulf %parallel_loop3A_215, %parallel_loop3A_197 : vector<16xf32>
      %parallel_loop3A_223 = arith.addf %parallel_loop3A_207, %parallel_loop3A_222 : vector<16xf32>
      %parallel_loop3A_224 = arith.mulf %parallel_loop3A_217, %parallel_loop3A_197 : vector<16xf32>
      %parallel_loop3A_225 = arith.addf %parallel_loop3A_209, %parallel_loop3A_224 : vector<16xf32>
      %parallel_loop3A_226 = arith.mulf %parallel_loop3A_219, %parallel_loop3A_197 : vector<16xf32>
      %parallel_loop3A_227 = arith.addf %parallel_loop3A_211, %parallel_loop3A_226 : vector<16xf32>
      %parallel_loop3A_228 = arith.mulf %parallel_loop3A_225, %parallel_loop3A_200 : vector<16xf32>
      %parallel_loop3A_229 = arith.addf %parallel_loop3A_221, %parallel_loop3A_228 : vector<16xf32>
      %parallel_loop3A_230 = arith.mulf %parallel_loop3A_227, %parallel_loop3A_200 : vector<16xf32>
      %parallel_loop3A_231 = arith.addf %parallel_loop3A_223, %parallel_loop3A_230 : vector<16xf32>
      %parallel_loop3A_232 = arith.mulf %parallel_loop3A_231, %parallel_loop3A_203 : vector<16xf32>
      %parallel_loop3A_233 = arith.addf %parallel_loop3A_229, %parallel_loop3A_232 : vector<16xf32>
      %parallel_loop3A_234 = arith.index_cast %parallel_loop3A_66 : i32 to index
      %parallel_loop3A_235 = arith.constant 16 : index
      %parallel_loop3A_236 = tpu.vector_load %arg10[%parallel_loop3A_234, %parallel_loop3A_235] {strides = array<i32>} : memref<128x256xf32, #tpu.memory_space<vmem>>, vector<16xf32>,
      tpu.vector_store %arg10[%parallel_loop3A_234, %parallel_loop3A_235], %parallel_loop3A_233 {strides = array<i32>} : memref<128x256xf32, #tpu.memory_space<vmem>>, vector<16xf32>,
      %parallel_loop3A_237 = arith.index_cast %parallel_loop3A_140 : i32 to index
      %parallel_loop3A_238 = arith.constant 32 : index
      %parallel_loop3A_239 = tpu.vector_load %arg6[%parallel_loop3A_237, %parallel_loop3A_238] {strides = array<i32>} : memref<128x256xf32, #tpu.memory_space<vmem>>, vector<16xf32>,
      %parallel_loop3A_240 = arith.index_cast %parallel_loop3A_142 : i32 to index
      %parallel_loop3A_241 = arith.constant 32 : index
      %parallel_loop3A_242 = tpu.vector_load %arg6[%parallel_loop3A_240, %parallel_loop3A_241] {strides = array<i32>} : memref<128x256xf32, #tpu.memory_space<vmem>>, vector<16xf32>,
      %parallel_loop3A_243 = arith.index_cast %parallel_loop3A_144 : i32 to index
      %parallel_loop3A_244 = arith.constant 32 : index
      %parallel_loop3A_245 = tpu.vector_load %arg6[%parallel_loop3A_243, %parallel_loop3A_244] {strides = array<i32>} : memref<128x256xf32, #tpu.memory_space<vmem>>, vector<16xf32>,
      %parallel_loop3A_246 = arith.index_cast %parallel_loop3A_146 : i32 to index
      %parallel_loop3A_247 = arith.constant 32 : index
      %parallel_loop3A_248 = tpu.vector_load %arg6[%parallel_loop3A_246, %parallel_loop3A_247] {strides = array<i32>} : memref<128x256xf32, #tpu.memory_space<vmem>>, vector<16xf32>,
      %parallel_loop3A_249 = arith.mulf %parallel_loop3A_106, %parallel_loop3A_239 : vector<16xf32>
      %parallel_loop3A_250 = arith.addf %parallel_loop3A_74, %parallel_loop3A_249 : vector<16xf32>
      %parallel_loop3A_251 = arith.mulf %parallel_loop3A_110, %parallel_loop3A_239 : vector<16xf32>
      %parallel_loop3A_252 = arith.addf %parallel_loop3A_78, %parallel_loop3A_251 : vector<16xf32>
      %parallel_loop3A_253 = arith.mulf %parallel_loop3A_114, %parallel_loop3A_239 : vector<16xf32>
      %parallel_loop3A_254 = arith.addf %parallel_loop3A_82, %parallel_loop3A_253 : vector<16xf32>
      %parallel_loop3A_255 = arith.mulf %parallel_loop3A_118, %parallel_loop3A_239 : vector<16xf32>
      %parallel_loop3A_256 = arith.addf %parallel_loop3A_86, %parallel_loop3A_255 : vector<16xf32>
      %parallel_loop3A_257 = arith.mulf %parallel_loop3A_122, %parallel_loop3A_239 : vector<16xf32>
      %parallel_loop3A_258 = arith.addf %parallel_loop3A_90, %parallel_loop3A_257 : vector<16xf32>
      %parallel_loop3A_259 = arith.mulf %parallel_loop3A_126, %parallel_loop3A_239 : vector<16xf32>
      %parallel_loop3A_260 = arith.addf %parallel_loop3A_94, %parallel_loop3A_259 : vector<16xf32>
      %parallel_loop3A_261 = arith.mulf %parallel_loop3A_130, %parallel_loop3A_239 : vector<16xf32>
      %parallel_loop3A_262 = arith.addf %parallel_loop3A_98, %parallel_loop3A_261 : vector<16xf32>
      %parallel_loop3A_263 = arith.mulf %parallel_loop3A_134, %parallel_loop3A_239 : vector<16xf32>
      %parallel_loop3A_264 = arith.addf %parallel_loop3A_102, %parallel_loop3A_263 : vector<16xf32>
      %parallel_loop3A_265 = arith.mulf %parallel_loop3A_258, %parallel_loop3A_242 : vector<16xf32>
      %parallel_loop3A_266 = arith.addf %parallel_loop3A_250, %parallel_loop3A_265 : vector<16xf32>
      %parallel_loop3A_267 = arith.mulf %parallel_loop3A_260, %parallel_loop3A_242 : vector<16xf32>
      %parallel_loop3A_268 = arith.addf %parallel_loop3A_252, %parallel_loop3A_267 : vector<16xf32>
      %parallel_loop3A_269 = arith.mulf %parallel_loop3A_262, %parallel_loop3A_242 : vector<16xf32>
      %parallel_loop3A_270 = arith.addf %parallel_loop3A_254, %parallel_loop3A_269 : vector<16xf32>
      %parallel_loop3A_271 = arith.mulf %parallel_loop3A_264, %parallel_loop3A_242 : vector<16xf32>
      %parallel_loop3A_272 = arith.addf %parallel_loop3A_256, %parallel_loop3A_271 : vector<16xf32>
      %parallel_loop3A_273 = arith.mulf %parallel_loop3A_270, %parallel_loop3A_245 : vector<16xf32>
      %parallel_loop3A_274 = arith.addf %parallel_loop3A_266, %parallel_loop3A_273 : vector<16xf32>
      %parallel_loop3A_275 = arith.mulf %parallel_loop3A_272, %parallel_loop3A_245 : vector<16xf32>
      %parallel_loop3A_276 = arith.addf %parallel_loop3A_268, %parallel_loop3A_275 : vector<16xf32>
      %parallel_loop3A_277 = arith.mulf %parallel_loop3A_276, %parallel_loop3A_248 : vector<16xf32>
      %parallel_loop3A_278 = arith.addf %parallel_loop3A_274, %parallel_loop3A_277 : vector<16xf32>
      %parallel_loop3A_279 = arith.index_cast %parallel_loop3A_66 : i32 to index
      %parallel_loop3A_280 = arith.constant 32 : index
      %parallel_loop3A_281 = tpu.vector_load %arg10[%parallel_loop3A_279, %parallel_loop3A_280] {strides = array<i32>} : memref<128x256xf32, #tpu.memory_space<vmem>>, vector<16xf32>,
      tpu.vector_store %arg10[%parallel_loop3A_279, %parallel_loop3A_280], %parallel_loop3A_278 {strides = array<i32>} : memref<128x256xf32, #tpu.memory_space<vmem>>, vector<16xf32>,
      %parallel_loop3A_282 = arith.index_cast %parallel_loop3A_140 : i32 to index
      %parallel_loop3A_283 = arith.constant 48 : index
      %parallel_loop3A_284 = tpu.vector_load %arg6[%parallel_loop3A_282, %parallel_loop3A_283] {strides = array<i32>} : memref<128x256xf32, #tpu.memory_space<vmem>>, vector<16xf32>,
      %parallel_loop3A_285 = arith.index_cast %parallel_loop3A_142 : i32 to index
      %parallel_loop3A_286 = arith.constant 48 : index
      %parallel_loop3A_287 = tpu.vector_load %arg6[%parallel_loop3A_285, %parallel_loop3A_286] {strides = array<i32>} : memref<128x256xf32, #tpu.memory_space<vmem>>, vector<16xf32>,
      %parallel_loop3A_288 = arith.index_cast %parallel_loop3A_144 : i32 to index
      %parallel_loop3A_289 = arith.constant 48 : index
      %parallel_loop3A_290 = tpu.vector_load %arg6[%parallel_loop3A_288, %parallel_loop3A_289] {strides = array<i32>} : memref<128x256xf32, #tpu.memory_space<vmem>>, vector<16xf32>,
      %parallel_loop3A_291 = arith.index_cast %parallel_loop3A_146 : i32 to index
      %parallel_loop3A_292 = arith.constant 48 : index
      %parallel_loop3A_293 = tpu.vector_load %arg6[%parallel_loop3A_291, %parallel_loop3A_292] {strides = array<i32>} : memref<128x256xf32, #tpu.memory_space<vmem>>, vector<16xf32>,
      %parallel_loop3A_294 = arith.mulf %parallel_loop3A_106, %parallel_loop3A_284 : vector<16xf32>
      %parallel_loop3A_295 = arith.addf %parallel_loop3A_74, %parallel_loop3A_294 : vector<16xf32>
      %parallel_loop3A_296 = arith.mulf %parallel_loop3A_110, %parallel_loop3A_284 : vector<16xf32>
      %parallel_loop3A_297 = arith.addf %parallel_loop3A_78, %parallel_loop3A_296 : vector<16xf32>
      %parallel_loop3A_298 = arith.mulf %parallel_loop3A_114, %parallel_loop3A_284 : vector<16xf32>
      %parallel_loop3A_299 = arith.addf %parallel_loop3A_82, %parallel_loop3A_298 : vector<16xf32>
      %parallel_loop3A_300 = arith.mulf %parallel_loop3A_118, %parallel_loop3A_284 : vector<16xf32>
      %parallel_loop3A_301 = arith.addf %parallel_loop3A_86, %parallel_loop3A_300 : vector<16xf32>
      %parallel_loop3A_302 = arith.mulf %parallel_loop3A_122, %parallel_loop3A_284 : vector<16xf32>
      %parallel_loop3A_303 = arith.addf %parallel_loop3A_90, %parallel_loop3A_302 : vector<16xf32>
      %parallel_loop3A_304 = arith.mulf %parallel_loop3A_126, %parallel_loop3A_284 : vector<16xf32>
      %parallel_loop3A_305 = arith.addf %parallel_loop3A_94, %parallel_loop3A_304 : vector<16xf32>
      %parallel_loop3A_306 = arith.mulf %parallel_loop3A_130, %parallel_loop3A_284 : vector<16xf32>
      %parallel_loop3A_307 = arith.addf %parallel_loop3A_98, %parallel_loop3A_306 : vector<16xf32>
      %parallel_loop3A_308 = arith.mulf %parallel_loop3A_134, %parallel_loop3A_284 : vector<16xf32>
      %parallel_loop3A_309 = arith.addf %parallel_loop3A_102, %parallel_loop3A_308 : vector<16xf32>
      %parallel_loop3A_310 = arith.mulf %parallel_loop3A_303, %parallel_loop3A_287 : vector<16xf32>
      %parallel_loop3A_311 = arith.addf %parallel_loop3A_295, %parallel_loop3A_310 : vector<16xf32>
      %parallel_loop3A_312 = arith.mulf %parallel_loop3A_305, %parallel_loop3A_287 : vector<16xf32>
      %parallel_loop3A_313 = arith.addf %parallel_loop3A_297, %parallel_loop3A_312 : vector<16xf32>
      %parallel_loop3A_314 = arith.mulf %parallel_loop3A_307, %parallel_loop3A_287 : vector<16xf32>
      %parallel_loop3A_315 = arith.addf %parallel_loop3A_299, %parallel_loop3A_314 : vector<16xf32>
      %parallel_loop3A_316 = arith.mulf %parallel_loop3A_309, %parallel_loop3A_287 : vector<16xf32>
      %parallel_loop3A_317 = arith.addf %parallel_loop3A_301, %parallel_loop3A_316 : vector<16xf32>
      %parallel_loop3A_318 = arith.mulf %parallel_loop3A_315, %parallel_loop3A_290 : vector<16xf32>
      %parallel_loop3A_319 = arith.addf %parallel_loop3A_311, %parallel_loop3A_318 : vector<16xf32>
      %parallel_loop3A_320 = arith.mulf %parallel_loop3A_317, %parallel_loop3A_290 : vector<16xf32>
      %parallel_loop3A_321 = arith.addf %parallel_loop3A_313, %parallel_loop3A_320 : vector<16xf32>
      %parallel_loop3A_322 = arith.mulf %parallel_loop3A_321, %parallel_loop3A_293 : vector<16xf32>
      %parallel_loop3A_323 = arith.addf %parallel_loop3A_319, %parallel_loop3A_322 : vector<16xf32>
      %parallel_loop3A_324 = arith.index_cast %parallel_loop3A_66 : i32 to index
      %parallel_loop3A_325 = arith.constant 48 : index
      %parallel_loop3A_326 = tpu.vector_load %arg10[%parallel_loop3A_324, %parallel_loop3A_325] {strides = array<i32>} : memref<128x256xf32, #tpu.memory_space<vmem>>, vector<16xf32>,
      tpu.vector_store %arg10[%parallel_loop3A_324, %parallel_loop3A_325], %parallel_loop3A_323 {strides = array<i32>} : memref<128x256xf32, #tpu.memory_space<vmem>>, vector<16xf32>,
      %parallel_loop3A_327 = arith.index_cast %parallel_loop3A_140 : i32 to index
      %parallel_loop3A_328 = arith.constant 64 : index
      %parallel_loop3A_329 = tpu.vector_load %arg6[%parallel_loop3A_327, %parallel_loop3A_328] {strides = array<i32>} : memref<128x256xf32, #tpu.memory_space<vmem>>, vector<16xf32>,
      %parallel_loop3A_330 = arith.index_cast %parallel_loop3A_142 : i32 to index
      %parallel_loop3A_331 = arith.constant 64 : index
      %parallel_loop3A_332 = tpu.vector_load %arg6[%parallel_loop3A_330, %parallel_loop3A_331] {strides = array<i32>} : memref<128x256xf32, #tpu.memory_space<vmem>>, vector<16xf32>,
      %parallel_loop3A_333 = arith.index_cast %parallel_loop3A_144 : i32 to index
      %parallel_loop3A_334 = arith.constant 64 : index
      %parallel_loop3A_335 = tpu.vector_load %arg6[%parallel_loop3A_333, %parallel_loop3A_334] {strides = array<i32>} : memref<128x256xf32, #tpu.memory_space<vmem>>, vector<16xf32>,
      %parallel_loop3A_336 = arith.index_cast %parallel_loop3A_146 : i32 to index
      %parallel_loop3A_337 = arith.constant 64 : index
      %parallel_loop3A_338 = tpu.vector_load %arg6[%parallel_loop3A_336, %parallel_loop3A_337] {strides = array<i32>} : memref<128x256xf32, #tpu.memory_space<vmem>>, vector<16xf32>,
      %parallel_loop3A_339 = arith.mulf %parallel_loop3A_106, %parallel_loop3A_329 : vector<16xf32>
      %parallel_loop3A_340 = arith.addf %parallel_loop3A_74, %parallel_loop3A_339 : vector<16xf32>
      %parallel_loop3A_341 = arith.mulf %parallel_loop3A_110, %parallel_loop3A_329 : vector<16xf32>
      %parallel_loop3A_342 = arith.addf %parallel_loop3A_78, %parallel_loop3A_341 : vector<16xf32>
      %parallel_loop3A_343 = arith.mulf %parallel_loop3A_114, %parallel_loop3A_329 : vector<16xf32>
      %parallel_loop3A_344 = arith.addf %parallel_loop3A_82, %parallel_loop3A_343 : vector<16xf32>
      %parallel_loop3A_345 = arith.mulf %parallel_loop3A_118, %parallel_loop3A_329 : vector<16xf32>
      %parallel_loop3A_346 = arith.addf %parallel_loop3A_86, %parallel_loop3A_345 : vector<16xf32>
      %parallel_loop3A_347 = arith.mulf %parallel_loop3A_122, %parallel_loop3A_329 : vector<16xf32>
      %parallel_loop3A_348 = arith.addf %parallel_loop3A_90, %parallel_loop3A_347 : vector<16xf32>
      %parallel_loop3A_349 = arith.mulf %parallel_loop3A_126, %parallel_loop3A_329 : vector<16xf32>
      %parallel_loop3A_350 = arith.addf %parallel_loop3A_94, %parallel_loop3A_349 : vector<16xf32>
      %parallel_loop3A_351 = arith.mulf %parallel_loop3A_130, %parallel_loop3A_329 : vector<16xf32>
      %parallel_loop3A_352 = arith.addf %parallel_loop3A_98, %parallel_loop3A_351 : vector<16xf32>
      %parallel_loop3A_353 = arith.mulf %parallel_loop3A_134, %parallel_loop3A_329 : vector<16xf32>
      %parallel_loop3A_354 = arith.addf %parallel_loop3A_102, %parallel_loop3A_353 : vector<16xf32>
      %parallel_loop3A_355 = arith.mulf %parallel_loop3A_348, %parallel_loop3A_332 : vector<16xf32>
      %parallel_loop3A_356 = arith.addf %parallel_loop3A_340, %parallel_loop3A_355 : vector<16xf32>
      %parallel_loop3A_357 = arith.mulf %parallel_loop3A_350, %parallel_loop3A_332 : vector<16xf32>
      %parallel_loop3A_358 = arith.addf %parallel_loop3A_342, %parallel_loop3A_357 : vector<16xf32>
      %parallel_loop3A_359 = arith.mulf %parallel_loop3A_352, %parallel_loop3A_332 : vector<16xf32>
      %parallel_loop3A_360 = arith.addf %parallel_loop3A_344, %parallel_loop3A_359 : vector<16xf32>
      %parallel_loop3A_361 = arith.mulf %parallel_loop3A_354, %parallel_loop3A_332 : vector<16xf32>
      %parallel_loop3A_362 = arith.addf %parallel_loop3A_346, %parallel_loop3A_361 : vector<16xf32>
      %parallel_loop3A_363 = arith.mulf %parallel_loop3A_360, %parallel_loop3A_335 : vector<16xf32>
      %parallel_loop3A_364 = arith.addf %parallel_loop3A_356, %parallel_loop3A_363 : vector<16xf32>
      %parallel_loop3A_365 = arith.mulf %parallel_loop3A_362, %parallel_loop3A_335 : vector<16xf32>
      %parallel_loop3A_366 = arith.addf %parallel_loop3A_358, %parallel_loop3A_365 : vector<16xf32>
      %parallel_loop3A_367 = arith.mulf %parallel_loop3A_366, %parallel_loop3A_338 : vector<16xf32>
      %parallel_loop3A_368 = arith.addf %parallel_loop3A_364, %parallel_loop3A_367 : vector<16xf32>
      %parallel_loop3A_369 = arith.index_cast %parallel_loop3A_66 : i32 to index
      %parallel_loop3A_370 = arith.constant 64 : index
      %parallel_loop3A_371 = tpu.vector_load %arg10[%parallel_loop3A_369, %parallel_loop3A_370] {strides = array<i32>} : memref<128x256xf32, #tpu.memory_space<vmem>>, vector<16xf32>,
      tpu.vector_store %arg10[%parallel_loop3A_369, %parallel_loop3A_370], %parallel_loop3A_368 {strides = array<i32>} : memref<128x256xf32, #tpu.memory_space<vmem>>, vector<16xf32>,
      %parallel_loop3A_372 = arith.index_cast %parallel_loop3A_140 : i32 to index
      %parallel_loop3A_373 = arith.constant 80 : index
      %parallel_loop3A_374 = tpu.vector_load %arg6[%parallel_loop3A_372, %parallel_loop3A_373] {strides = array<i32>} : memref<128x256xf32, #tpu.memory_space<vmem>>, vector<16xf32>,
      %parallel_loop3A_375 = arith.index_cast %parallel_loop3A_142 : i32 to index
      %parallel_loop3A_376 = arith.constant 80 : index
      %parallel_loop3A_377 = tpu.vector_load %arg6[%parallel_loop3A_375, %parallel_loop3A_376] {strides = array<i32>} : memref<128x256xf32, #tpu.memory_space<vmem>>, vector<16xf32>,
      %parallel_loop3A_378 = arith.index_cast %parallel_loop3A_144 : i32 to index
      %parallel_loop3A_379 = arith.constant 80 : index
      %parallel_loop3A_380 = tpu.vector_load %arg6[%parallel_loop3A_378, %parallel_loop3A_379] {strides = array<i32>} : memref<128x256xf32, #tpu.memory_space<vmem>>, vector<16xf32>,
      %parallel_loop3A_381 = arith.index_cast %parallel_loop3A_146 : i32 to index
      %parallel_loop3A_382 = arith.constant 80 : index
      %parallel_loop3A_383 = tpu.vector_load %arg6[%parallel_loop3A_381, %parallel_loop3A_382] {strides = array<i32>} : memref<128x256xf32, #tpu.memory_space<vmem>>, vector<16xf32>,
      %parallel_loop3A_384 = arith.mulf %parallel_loop3A_106, %parallel_loop3A_374 : vector<16xf32>
      %parallel_loop3A_385 = arith.addf %parallel_loop3A_74, %parallel_loop3A_384 : vector<16xf32>
      %parallel_loop3A_386 = arith.mulf %parallel_loop3A_110, %parallel_loop3A_374 : vector<16xf32>
      %parallel_loop3A_387 = arith.addf %parallel_loop3A_78, %parallel_loop3A_386 : vector<16xf32>
      %parallel_loop3A_388 = arith.mulf %parallel_loop3A_114, %parallel_loop3A_374 : vector<16xf32>
      %parallel_loop3A_389 = arith.addf %parallel_loop3A_82, %parallel_loop3A_388 : vector<16xf32>
      %parallel_loop3A_390 = arith.mulf %parallel_loop3A_118, %parallel_loop3A_374 : vector<16xf32>
      %parallel_loop3A_391 = arith.addf %parallel_loop3A_86, %parallel_loop3A_390 : vector<16xf32>
      %parallel_loop3A_392 = arith.mulf %parallel_loop3A_122, %parallel_loop3A_374 : vector<16xf32>
      %parallel_loop3A_393 = arith.addf %parallel_loop3A_90, %parallel_loop3A_392 : vector<16xf32>
      %parallel_loop3A_394 = arith.mulf %parallel_loop3A_126, %parallel_loop3A_374 : vector<16xf32>
      %parallel_loop3A_395 = arith.addf %parallel_loop3A_94, %parallel_loop3A_394 : vector<16xf32>
      %parallel_loop3A_396 = arith.mulf %parallel_loop3A_130, %parallel_loop3A_374 : vector<16xf32>
      %parallel_loop3A_397 = arith.addf %parallel_loop3A_98, %parallel_loop3A_396 : vector<16xf32>
      %parallel_loop3A_398 = arith.mulf %parallel_loop3A_134, %parallel_loop3A_374 : vector<16xf32>
      %parallel_loop3A_399 = arith.addf %parallel_loop3A_102, %parallel_loop3A_398 : vector<16xf32>
      %parallel_loop3A_400 = arith.mulf %parallel_loop3A_393, %parallel_loop3A_377 : vector<16xf32>
      %parallel_loop3A_401 = arith.addf %parallel_loop3A_385, %parallel_loop3A_400 : vector<16xf32>
      %parallel_loop3A_402 = arith.mulf %parallel_loop3A_395, %parallel_loop3A_377 : vector<16xf32>
      %parallel_loop3A_403 = arith.addf %parallel_loop3A_387, %parallel_loop3A_402 : vector<16xf32>
      %parallel_loop3A_404 = arith.mulf %parallel_loop3A_397, %parallel_loop3A_377 : vector<16xf32>
      %parallel_loop3A_405 = arith.addf %parallel_loop3A_389, %parallel_loop3A_404 : vector<16xf32>
      %parallel_loop3A_406 = arith.mulf %parallel_loop3A_399, %parallel_loop3A_377 : vector<16xf32>
      %parallel_loop3A_407 = arith.addf %parallel_loop3A_391, %parallel_loop3A_406 : vector<16xf32>
      %parallel_loop3A_408 = arith.mulf %parallel_loop3A_405, %parallel_loop3A_380 : vector<16xf32>
      %parallel_loop3A_409 = arith.addf %parallel_loop3A_401, %parallel_loop3A_408 : vector<16xf32>
      %parallel_loop3A_410 = arith.mulf %parallel_loop3A_407, %parallel_loop3A_380 : vector<16xf32>
      %parallel_loop3A_411 = arith.addf %parallel_loop3A_403, %parallel_loop3A_410 : vector<16xf32>
      %parallel_loop3A_412 = arith.mulf %parallel_loop3A_411, %parallel_loop3A_383 : vector<16xf32>
      %parallel_loop3A_413 = arith.addf %parallel_loop3A_409, %parallel_loop3A_412 : vector<16xf32>
      %parallel_loop3A_414 = arith.index_cast %parallel_loop3A_66 : i32 to index
      %parallel_loop3A_415 = arith.constant 80 : index
      %parallel_loop3A_416 = tpu.vector_load %arg10[%parallel_loop3A_414, %parallel_loop3A_415] {strides = array<i32>} : memref<128x256xf32, #tpu.memory_space<vmem>>, vector<16xf32>,
      tpu.vector_store %arg10[%parallel_loop3A_414, %parallel_loop3A_415], %parallel_loop3A_413 {strides = array<i32>} : memref<128x256xf32, #tpu.memory_space<vmem>>, vector<16xf32>,
      %parallel_loop3A_417 = arith.index_cast %parallel_loop3A_140 : i32 to index
      %parallel_loop3A_418 = arith.constant 96 : index
      %parallel_loop3A_419 = tpu.vector_load %arg6[%parallel_loop3A_417, %parallel_loop3A_418] {strides = array<i32>} : memref<128x256xf32, #tpu.memory_space<vmem>>, vector<16xf32>,
      %parallel_loop3A_420 = arith.index_cast %parallel_loop3A_142 : i32 to index
      %parallel_loop3A_421 = arith.constant 96 : index
      %parallel_loop3A_422 = tpu.vector_load %arg6[%parallel_loop3A_420, %parallel_loop3A_421] {strides = array<i32>} : memref<128x256xf32, #tpu.memory_space<vmem>>, vector<16xf32>,
      %parallel_loop3A_423 = arith.index_cast %parallel_loop3A_144 : i32 to index
      %parallel_loop3A_424 = arith.constant 96 : index
      %parallel_loop3A_425 = tpu.vector_load %arg6[%parallel_loop3A_423, %parallel_loop3A_424] {strides = array<i32>} : memref<128x256xf32, #tpu.memory_space<vmem>>, vector<16xf32>,
      %parallel_loop3A_426 = arith.index_cast %parallel_loop3A_146 : i32 to index
      %parallel_loop3A_427 = arith.constant 96 : index
      %parallel_loop3A_428 = tpu.vector_load %arg6[%parallel_loop3A_426, %parallel_loop3A_427] {strides = array<i32>} : memref<128x256xf32, #tpu.memory_space<vmem>>, vector<16xf32>,
      %parallel_loop3A_429 = arith.mulf %parallel_loop3A_106, %parallel_loop3A_419 : vector<16xf32>
      %parallel_loop3A_430 = arith.addf %parallel_loop3A_74, %parallel_loop3A_429 : vector<16xf32>
      %parallel_loop3A_431 = arith.mulf %parallel_loop3A_110, %parallel_loop3A_419 : vector<16xf32>
      %parallel_loop3A_432 = arith.addf %parallel_loop3A_78, %parallel_loop3A_431 : vector<16xf32>
      %parallel_loop3A_433 = arith.mulf %parallel_loop3A_114, %parallel_loop3A_419 : vector<16xf32>
      %parallel_loop3A_434 = arith.addf %parallel_loop3A_82, %parallel_loop3A_433 : vector<16xf32>
      %parallel_loop3A_435 = arith.mulf %parallel_loop3A_118, %parallel_loop3A_419 : vector<16xf32>
      %parallel_loop3A_436 = arith.addf %parallel_loop3A_86, %parallel_loop3A_435 : vector<16xf32>
      %parallel_loop3A_437 = arith.mulf %parallel_loop3A_122, %parallel_loop3A_419 : vector<16xf32>
      %parallel_loop3A_438 = arith.addf %parallel_loop3A_90, %parallel_loop3A_437 : vector<16xf32>
      %parallel_loop3A_439 = arith.mulf %parallel_loop3A_126, %parallel_loop3A_419 : vector<16xf32>
      %parallel_loop3A_440 = arith.addf %parallel_loop3A_94, %parallel_loop3A_439 : vector<16xf32>
      %parallel_loop3A_441 = arith.mulf %parallel_loop3A_130, %parallel_loop3A_419 : vector<16xf32>
      %parallel_loop3A_442 = arith.addf %parallel_loop3A_98, %parallel_loop3A_441 : vector<16xf32>
      %parallel_loop3A_443 = arith.mulf %parallel_loop3A_134, %parallel_loop3A_419 : vector<16xf32>
      %parallel_loop3A_444 = arith.addf %parallel_loop3A_102, %parallel_loop3A_443 : vector<16xf32>
      %parallel_loop3A_445 = arith.mulf %parallel_loop3A_438, %parallel_loop3A_422 : vector<16xf32>
      %parallel_loop3A_446 = arith.addf %parallel_loop3A_430, %parallel_loop3A_445 : vector<16xf32>
      %parallel_loop3A_447 = arith.mulf %parallel_loop3A_440, %parallel_loop3A_422 : vector<16xf32>
      %parallel_loop3A_448 = arith.addf %parallel_loop3A_432, %parallel_loop3A_447 : vector<16xf32>
      %parallel_loop3A_449 = arith.mulf %parallel_loop3A_442, %parallel_loop3A_422 : vector<16xf32>
      %parallel_loop3A_450 = arith.addf %parallel_loop3A_434, %parallel_loop3A_449 : vector<16xf32>
      %parallel_loop3A_451 = arith.mulf %parallel_loop3A_444, %parallel_loop3A_422 : vector<16xf32>
      %parallel_loop3A_452 = arith.addf %parallel_loop3A_436, %parallel_loop3A_451 : vector<16xf32>
      %parallel_loop3A_453 = arith.mulf %parallel_loop3A_450, %parallel_loop3A_425 : vector<16xf32>
      %parallel_loop3A_454 = arith.addf %parallel_loop3A_446, %parallel_loop3A_453 : vector<16xf32>
      %parallel_loop3A_455 = arith.mulf %parallel_loop3A_452, %parallel_loop3A_425 : vector<16xf32>
      %parallel_loop3A_456 = arith.addf %parallel_loop3A_448, %parallel_loop3A_455 : vector<16xf32>
      %parallel_loop3A_457 = arith.mulf %parallel_loop3A_456, %parallel_loop3A_428 : vector<16xf32>
      %parallel_loop3A_458 = arith.addf %parallel_loop3A_454, %parallel_loop3A_457 : vector<16xf32>
      %parallel_loop3A_459 = arith.index_cast %parallel_loop3A_66 : i32 to index
      %parallel_loop3A_460 = arith.constant 96 : index
      %parallel_loop3A_461 = tpu.vector_load %arg10[%parallel_loop3A_459, %parallel_loop3A_460] {strides = array<i32>} : memref<128x256xf32, #tpu.memory_space<vmem>>, vector<16xf32>,
      tpu.vector_store %arg10[%parallel_loop3A_459, %parallel_loop3A_460], %parallel_loop3A_458 {strides = array<i32>} : memref<128x256xf32, #tpu.memory_space<vmem>>, vector<16xf32>,
      %parallel_loop3A_462 = arith.index_cast %parallel_loop3A_140 : i32 to index
      %parallel_loop3A_463 = arith.constant 112 : index
      %parallel_loop3A_464 = tpu.vector_load %arg6[%parallel_loop3A_462, %parallel_loop3A_463] {strides = array<i32>} : memref<128x256xf32, #tpu.memory_space<vmem>>, vector<16xf32>,
      %parallel_loop3A_465 = arith.index_cast %parallel_loop3A_142 : i32 to index
      %parallel_loop3A_466 = arith.constant 112 : index
      %parallel_loop3A_467 = tpu.vector_load %arg6[%parallel_loop3A_465, %parallel_loop3A_466] {strides = array<i32>} : memref<128x256xf32, #tpu.memory_space<vmem>>, vector<16xf32>,
      %parallel_loop3A_468 = arith.index_cast %parallel_loop3A_144 : i32 to index
      %parallel_loop3A_469 = arith.constant 112 : index
      %parallel_loop3A_470 = tpu.vector_load %arg6[%parallel_loop3A_468, %parallel_loop3A_469] {strides = array<i32>} : memref<128x256xf32, #tpu.memory_space<vmem>>, vector<16xf32>,
      %parallel_loop3A_471 = arith.index_cast %parallel_loop3A_146 : i32 to index
      %parallel_loop3A_472 = arith.constant 112 : index
      %parallel_loop3A_473 = tpu.vector_load %arg6[%parallel_loop3A_471, %parallel_loop3A_472] {strides = array<i32>} : memref<128x256xf32, #tpu.memory_space<vmem>>, vector<16xf32>,
      %parallel_loop3A_474 = arith.mulf %parallel_loop3A_106, %parallel_loop3A_464 : vector<16xf32>
      %parallel_loop3A_475 = arith.addf %parallel_loop3A_74, %parallel_loop3A_474 : vector<16xf32>
      %parallel_loop3A_476 = arith.mulf %parallel_loop3A_110, %parallel_loop3A_464 : vector<16xf32>
      %parallel_loop3A_477 = arith.addf %parallel_loop3A_78, %parallel_loop3A_476 : vector<16xf32>
      %parallel_loop3A_478 = arith.mulf %parallel_loop3A_114, %parallel_loop3A_464 : vector<16xf32>
      %parallel_loop3A_479 = arith.addf %parallel_loop3A_82, %parallel_loop3A_478 : vector<16xf32>
      %parallel_loop3A_480 = arith.mulf %parallel_loop3A_118, %parallel_loop3A_464 : vector<16xf32>
      %parallel_loop3A_481 = arith.addf %parallel_loop3A_86, %parallel_loop3A_480 : vector<16xf32>
      %parallel_loop3A_482 = arith.mulf %parallel_loop3A_122, %parallel_loop3A_464 : vector<16xf32>
      %parallel_loop3A_483 = arith.addf %parallel_loop3A_90, %parallel_loop3A_482 : vector<16xf32>
      %parallel_loop3A_484 = arith.mulf %parallel_loop3A_126, %parallel_loop3A_464 : vector<16xf32>
      %parallel_loop3A_485 = arith.addf %parallel_loop3A_94, %parallel_loop3A_484 : vector<16xf32>
      %parallel_loop3A_486 = arith.mulf %parallel_loop3A_130, %parallel_loop3A_464 : vector<16xf32>
      %parallel_loop3A_487 = arith.addf %parallel_loop3A_98, %parallel_loop3A_486 : vector<16xf32>
      %parallel_loop3A_488 = arith.mulf %parallel_loop3A_134, %parallel_loop3A_464 : vector<16xf32>
      %parallel_loop3A_489 = arith.addf %parallel_loop3A_102, %parallel_loop3A_488 : vector<16xf32>
      %parallel_loop3A_490 = arith.mulf %parallel_loop3A_483, %parallel_loop3A_467 : vector<16xf32>
      %parallel_loop3A_491 = arith.addf %parallel_loop3A_475, %parallel_loop3A_490 : vector<16xf32>
      %parallel_loop3A_492 = arith.mulf %parallel_loop3A_485, %parallel_loop3A_467 : vector<16xf32>
      %parallel_loop3A_493 = arith.addf %parallel_loop3A_477, %parallel_loop3A_492 : vector<16xf32>
      %parallel_loop3A_494 = arith.mulf %parallel_loop3A_487, %parallel_loop3A_467 : vector<16xf32>
      %parallel_loop3A_495 = arith.addf %parallel_loop3A_479, %parallel_loop3A_494 : vector<16xf32>
      %parallel_loop3A_496 = arith.mulf %parallel_loop3A_489, %parallel_loop3A_467 : vector<16xf32>
      %parallel_loop3A_497 = arith.addf %parallel_loop3A_481, %parallel_loop3A_496 : vector<16xf32>
      %parallel_loop3A_498 = arith.mulf %parallel_loop3A_495, %parallel_loop3A_470 : vector<16xf32>
      %parallel_loop3A_499 = arith.addf %parallel_loop3A_491, %parallel_loop3A_498 : vector<16xf32>
      %parallel_loop3A_500 = arith.mulf %parallel_loop3A_497, %parallel_loop3A_470 : vector<16xf32>
      %parallel_loop3A_501 = arith.addf %parallel_loop3A_493, %parallel_loop3A_500 : vector<16xf32>
      %parallel_loop3A_502 = arith.mulf %parallel_loop3A_501, %parallel_loop3A_473 : vector<16xf32>
      %parallel_loop3A_503 = arith.addf %parallel_loop3A_499, %parallel_loop3A_502 : vector<16xf32>
      %parallel_loop3A_504 = arith.index_cast %parallel_loop3A_66 : i32 to index
      %parallel_loop3A_505 = arith.constant 112 : index
      %parallel_loop3A_506 = tpu.vector_load %arg10[%parallel_loop3A_504, %parallel_loop3A_505] {strides = array<i32>} : memref<128x256xf32, #tpu.memory_space<vmem>>, vector<16xf32>,
      tpu.vector_store %arg10[%parallel_loop3A_504, %parallel_loop3A_505], %parallel_loop3A_503 {strides = array<i32>} : memref<128x256xf32, #tpu.memory_space<vmem>>, vector<16xf32>,
      %parallel_loop3A_507 = arith.index_cast %parallel_loop3A_140 : i32 to index
      %parallel_loop3A_508 = arith.constant 128 : index
      %parallel_loop3A_509 = tpu.vector_load %arg6[%parallel_loop3A_507, %parallel_loop3A_508] {strides = array<i32>} : memref<128x256xf32, #tpu.memory_space<vmem>>, vector<16xf32>,
      %parallel_loop3A_510 = arith.index_cast %parallel_loop3A_142 : i32 to index
      %parallel_loop3A_511 = arith.constant 128 : index
      %parallel_loop3A_512 = tpu.vector_load %arg6[%parallel_loop3A_510, %parallel_loop3A_511] {strides = array<i32>} : memref<128x256xf32, #tpu.memory_space<vmem>>, vector<16xf32>,
      %parallel_loop3A_513 = arith.index_cast %parallel_loop3A_144 : i32 to index
      %parallel_loop3A_514 = arith.constant 128 : index
      %parallel_loop3A_515 = tpu.vector_load %arg6[%parallel_loop3A_513, %parallel_loop3A_514] {strides = array<i32>} : memref<128x256xf32, #tpu.memory_space<vmem>>, vector<16xf32>,
      %parallel_loop3A_516 = arith.index_cast %parallel_loop3A_146 : i32 to index
      %parallel_loop3A_517 = arith.constant 128 : index
      %parallel_loop3A_518 = tpu.vector_load %arg6[%parallel_loop3A_516, %parallel_loop3A_517] {strides = array<i32>} : memref<128x256xf32, #tpu.memory_space<vmem>>, vector<16xf32>,
      %parallel_loop3A_519 = arith.mulf %parallel_loop3A_106, %parallel_loop3A_509 : vector<16xf32>
      %parallel_loop3A_520 = arith.addf %parallel_loop3A_74, %parallel_loop3A_519 : vector<16xf32>
      %parallel_loop3A_521 = arith.mulf %parallel_loop3A_110, %parallel_loop3A_509 : vector<16xf32>
      %parallel_loop3A_522 = arith.addf %parallel_loop3A_78, %parallel_loop3A_521 : vector<16xf32>
      %parallel_loop3A_523 = arith.mulf %parallel_loop3A_114, %parallel_loop3A_509 : vector<16xf32>
      %parallel_loop3A_524 = arith.addf %parallel_loop3A_82, %parallel_loop3A_523 : vector<16xf32>
      %parallel_loop3A_525 = arith.mulf %parallel_loop3A_118, %parallel_loop3A_509 : vector<16xf32>
      %parallel_loop3A_526 = arith.addf %parallel_loop3A_86, %parallel_loop3A_525 : vector<16xf32>
      %parallel_loop3A_527 = arith.mulf %parallel_loop3A_122, %parallel_loop3A_509 : vector<16xf32>
      %parallel_loop3A_528 = arith.addf %parallel_loop3A_90, %parallel_loop3A_527 : vector<16xf32>
      %parallel_loop3A_529 = arith.mulf %parallel_loop3A_126, %parallel_loop3A_509 : vector<16xf32>
      %parallel_loop3A_530 = arith.addf %parallel_loop3A_94, %parallel_loop3A_529 : vector<16xf32>
      %parallel_loop3A_531 = arith.mulf %parallel_loop3A_130, %parallel_loop3A_509 : vector<16xf32>
      %parallel_loop3A_532 = arith.addf %parallel_loop3A_98, %parallel_loop3A_531 : vector<16xf32>
      %parallel_loop3A_533 = arith.mulf %parallel_loop3A_134, %parallel_loop3A_509 : vector<16xf32>
      %parallel_loop3A_534 = arith.addf %parallel_loop3A_102, %parallel_loop3A_533 : vector<16xf32>
      %parallel_loop3A_535 = arith.mulf %parallel_loop3A_528, %parallel_loop3A_512 : vector<16xf32>
      %parallel_loop3A_536 = arith.addf %parallel_loop3A_520, %parallel_loop3A_535 : vector<16xf32>
      %parallel_loop3A_537 = arith.mulf %parallel_loop3A_530, %parallel_loop3A_512 : vector<16xf32>
      %parallel_loop3A_538 = arith.addf %parallel_loop3A_522, %parallel_loop3A_537 : vector<16xf32>
      %parallel_loop3A_539 = arith.mulf %parallel_loop3A_532, %parallel_loop3A_512 : vector<16xf32>
      %parallel_loop3A_540 = arith.addf %parallel_loop3A_524, %parallel_loop3A_539 : vector<16xf32>
      %parallel_loop3A_541 = arith.mulf %parallel_loop3A_534, %parallel_loop3A_512 : vector<16xf32>
      %parallel_loop3A_542 = arith.addf %parallel_loop3A_526, %parallel_loop3A_541 : vector<16xf32>
      %parallel_loop3A_543 = arith.mulf %parallel_loop3A_540, %parallel_loop3A_515 : vector<16xf32>
      %parallel_loop3A_544 = arith.addf %parallel_loop3A_536, %parallel_loop3A_543 : vector<16xf32>
      %parallel_loop3A_545 = arith.mulf %parallel_loop3A_542, %parallel_loop3A_515 : vector<16xf32>
      %parallel_loop3A_546 = arith.addf %parallel_loop3A_538, %parallel_loop3A_545 : vector<16xf32>
      %parallel_loop3A_547 = arith.mulf %parallel_loop3A_546, %parallel_loop3A_518 : vector<16xf32>
      %parallel_loop3A_548 = arith.addf %parallel_loop3A_544, %parallel_loop3A_547 : vector<16xf32>
      %parallel_loop3A_549 = arith.index_cast %parallel_loop3A_66 : i32 to index
      %parallel_loop3A_550 = arith.constant 128 : index
      %parallel_loop3A_551 = tpu.vector_load %arg10[%parallel_loop3A_549, %parallel_loop3A_550] {strides = array<i32>} : memref<128x256xf32, #tpu.memory_space<vmem>>, vector<16xf32>,
      tpu.vector_store %arg10[%parallel_loop3A_549, %parallel_loop3A_550], %parallel_loop3A_548 {strides = array<i32>} : memref<128x256xf32, #tpu.memory_space<vmem>>, vector<16xf32>,
      %parallel_loop3A_552 = arith.index_cast %parallel_loop3A_140 : i32 to index
      %parallel_loop3A_553 = arith.constant 144 : index
      %parallel_loop3A_554 = tpu.vector_load %arg6[%parallel_loop3A_552, %parallel_loop3A_553] {strides = array<i32>} : memref<128x256xf32, #tpu.memory_space<vmem>>, vector<16xf32>,
      %parallel_loop3A_555 = arith.index_cast %parallel_loop3A_142 : i32 to index
      %parallel_loop3A_556 = arith.constant 144 : index
      %parallel_loop3A_557 = tpu.vector_load %arg6[%parallel_loop3A_555, %parallel_loop3A_556] {strides = array<i32>} : memref<128x256xf32, #tpu.memory_space<vmem>>, vector<16xf32>,
      %parallel_loop3A_558 = arith.index_cast %parallel_loop3A_144 : i32 to index
      %parallel_loop3A_559 = arith.constant 144 : index
      %parallel_loop3A_560 = tpu.vector_load %arg6[%parallel_loop3A_558, %parallel_loop3A_559] {strides = array<i32>} : memref<128x256xf32, #tpu.memory_space<vmem>>, vector<16xf32>,
      %parallel_loop3A_561 = arith.index_cast %parallel_loop3A_146 : i32 to index
      %parallel_loop3A_562 = arith.constant 144 : index
      %parallel_loop3A_563 = tpu.vector_load %arg6[%parallel_loop3A_561, %parallel_loop3A_562] {strides = array<i32>} : memref<128x256xf32, #tpu.memory_space<vmem>>, vector<16xf32>,
      %parallel_loop3A_564 = arith.mulf %parallel_loop3A_106, %parallel_loop3A_554 : vector<16xf32>
      %parallel_loop3A_565 = arith.addf %parallel_loop3A_74, %parallel_loop3A_564 : vector<16xf32>
      %parallel_loop3A_566 = arith.mulf %parallel_loop3A_110, %parallel_loop3A_554 : vector<16xf32>
      %parallel_loop3A_567 = arith.addf %parallel_loop3A_78, %parallel_loop3A_566 : vector<16xf32>
      %parallel_loop3A_568 = arith.mulf %parallel_loop3A_114, %parallel_loop3A_554 : vector<16xf32>
      %parallel_loop3A_569 = arith.addf %parallel_loop3A_82, %parallel_loop3A_568 : vector<16xf32>
      %parallel_loop3A_570 = arith.mulf %parallel_loop3A_118, %parallel_loop3A_554 : vector<16xf32>
      %parallel_loop3A_571 = arith.addf %parallel_loop3A_86, %parallel_loop3A_570 : vector<16xf32>
      %parallel_loop3A_572 = arith.mulf %parallel_loop3A_122, %parallel_loop3A_554 : vector<16xf32>
      %parallel_loop3A_573 = arith.addf %parallel_loop3A_90, %parallel_loop3A_572 : vector<16xf32>
      %parallel_loop3A_574 = arith.mulf %parallel_loop3A_126, %parallel_loop3A_554 : vector<16xf32>
      %parallel_loop3A_575 = arith.addf %parallel_loop3A_94, %parallel_loop3A_574 : vector<16xf32>
      %parallel_loop3A_576 = arith.mulf %parallel_loop3A_130, %parallel_loop3A_554 : vector<16xf32>
      %parallel_loop3A_577 = arith.addf %parallel_loop3A_98, %parallel_loop3A_576 : vector<16xf32>
      %parallel_loop3A_578 = arith.mulf %parallel_loop3A_134, %parallel_loop3A_554 : vector<16xf32>
      %parallel_loop3A_579 = arith.addf %parallel_loop3A_102, %parallel_loop3A_578 : vector<16xf32>
      %parallel_loop3A_580 = arith.mulf %parallel_loop3A_573, %parallel_loop3A_557 : vector<16xf32>
      %parallel_loop3A_581 = arith.addf %parallel_loop3A_565, %parallel_loop3A_580 : vector<16xf32>
      %parallel_loop3A_582 = arith.mulf %parallel_loop3A_575, %parallel_loop3A_557 : vector<16xf32>
      %parallel_loop3A_583 = arith.addf %parallel_loop3A_567, %parallel_loop3A_582 : vector<16xf32>
      %parallel_loop3A_584 = arith.mulf %parallel_loop3A_577, %parallel_loop3A_557 : vector<16xf32>
      %parallel_loop3A_585 = arith.addf %parallel_loop3A_569, %parallel_loop3A_584 : vector<16xf32>
      %parallel_loop3A_586 = arith.mulf %parallel_loop3A_579, %parallel_loop3A_557 : vector<16xf32>
      %parallel_loop3A_587 = arith.addf %parallel_loop3A_571, %parallel_loop3A_586 : vector<16xf32>
      %parallel_loop3A_588 = arith.mulf %parallel_loop3A_585, %parallel_loop3A_560 : vector<16xf32>
      %parallel_loop3A_589 = arith.addf %parallel_loop3A_581, %parallel_loop3A_588 : vector<16xf32>
      %parallel_loop3A_590 = arith.mulf %parallel_loop3A_587, %parallel_loop3A_560 : vector<16xf32>
      %parallel_loop3A_591 = arith.addf %parallel_loop3A_583, %parallel_loop3A_590 : vector<16xf32>
      %parallel_loop3A_592 = arith.mulf %parallel_loop3A_591, %parallel_loop3A_563 : vector<16xf32>
      %parallel_loop3A_593 = arith.addf %parallel_loop3A_589, %parallel_loop3A_592 : vector<16xf32>
      %parallel_loop3A_594 = arith.index_cast %parallel_loop3A_66 : i32 to index
      %parallel_loop3A_595 = arith.constant 144 : index
      %parallel_loop3A_596 = tpu.vector_load %arg10[%parallel_loop3A_594, %parallel_loop3A_595] {strides = array<i32>} : memref<128x256xf32, #tpu.memory_space<vmem>>, vector<16xf32>,
      tpu.vector_store %arg10[%parallel_loop3A_594, %parallel_loop3A_595], %parallel_loop3A_593 {strides = array<i32>} : memref<128x256xf32, #tpu.memory_space<vmem>>, vector<16xf32>,
      %parallel_loop3A_597 = arith.index_cast %parallel_loop3A_140 : i32 to index
      %parallel_loop3A_598 = arith.constant 160 : index
      %parallel_loop3A_599 = tpu.vector_load %arg6[%parallel_loop3A_597, %parallel_loop3A_598] {strides = array<i32>} : memref<128x256xf32, #tpu.memory_space<vmem>>, vector<16xf32>,
      %parallel_loop3A_600 = arith.index_cast %parallel_loop3A_142 : i32 to index
      %parallel_loop3A_601 = arith.constant 160 : index
      %parallel_loop3A_602 = tpu.vector_load %arg6[%parallel_loop3A_600, %parallel_loop3A_601] {strides = array<i32>} : memref<128x256xf32, #tpu.memory_space<vmem>>, vector<16xf32>,
      %parallel_loop3A_603 = arith.index_cast %parallel_loop3A_144 : i32 to index
      %parallel_loop3A_604 = arith.constant 160 : index
      %parallel_loop3A_605 = tpu.vector_load %arg6[%parallel_loop3A_603, %parallel_loop3A_604] {strides = array<i32>} : memref<128x256xf32, #tpu.memory_space<vmem>>, vector<16xf32>,
      %parallel_loop3A_606 = arith.index_cast %parallel_loop3A_146 : i32 to index
      %parallel_loop3A_607 = arith.constant 160 : index
      %parallel_loop3A_608 = tpu.vector_load %arg6[%parallel_loop3A_606, %parallel_loop3A_607] {strides = array<i32>} : memref<128x256xf32, #tpu.memory_space<vmem>>, vector<16xf32>,
      %parallel_loop3A_609 = arith.mulf %parallel_loop3A_106, %parallel_loop3A_599 : vector<16xf32>
      %parallel_loop3A_610 = arith.addf %parallel_loop3A_74, %parallel_loop3A_609 : vector<16xf32>
      %parallel_loop3A_611 = arith.mulf %parallel_loop3A_110, %parallel_loop3A_599 : vector<16xf32>
      %parallel_loop3A_612 = arith.addf %parallel_loop3A_78, %parallel_loop3A_611 : vector<16xf32>
      %parallel_loop3A_613 = arith.mulf %parallel_loop3A_114, %parallel_loop3A_599 : vector<16xf32>
      %parallel_loop3A_614 = arith.addf %parallel_loop3A_82, %parallel_loop3A_613 : vector<16xf32>
      %parallel_loop3A_615 = arith.mulf %parallel_loop3A_118, %parallel_loop3A_599 : vector<16xf32>
      %parallel_loop3A_616 = arith.addf %parallel_loop3A_86, %parallel_loop3A_615 : vector<16xf32>
      %parallel_loop3A_617 = arith.mulf %parallel_loop3A_122, %parallel_loop3A_599 : vector<16xf32>
      %parallel_loop3A_618 = arith.addf %parallel_loop3A_90, %parallel_loop3A_617 : vector<16xf32>
      %parallel_loop3A_619 = arith.mulf %parallel_loop3A_126, %parallel_loop3A_599 : vector<16xf32>
      %parallel_loop3A_620 = arith.addf %parallel_loop3A_94, %parallel_loop3A_619 : vector<16xf32>
      %parallel_loop3A_621 = arith.mulf %parallel_loop3A_130, %parallel_loop3A_599 : vector<16xf32>
      %parallel_loop3A_622 = arith.addf %parallel_loop3A_98, %parallel_loop3A_621 : vector<16xf32>
      %parallel_loop3A_623 = arith.mulf %parallel_loop3A_134, %parallel_loop3A_599 : vector<16xf32>
      %parallel_loop3A_624 = arith.addf %parallel_loop3A_102, %parallel_loop3A_623 : vector<16xf32>
      %parallel_loop3A_625 = arith.mulf %parallel_loop3A_618, %parallel_loop3A_602 : vector<16xf32>
      %parallel_loop3A_626 = arith.addf %parallel_loop3A_610, %parallel_loop3A_625 : vector<16xf32>
      %parallel_loop3A_627 = arith.mulf %parallel_loop3A_620, %parallel_loop3A_602 : vector<16xf32>
      %parallel_loop3A_628 = arith.addf %parallel_loop3A_612, %parallel_loop3A_627 : vector<16xf32>
      %parallel_loop3A_629 = arith.mulf %parallel_loop3A_622, %parallel_loop3A_602 : vector<16xf32>
      %parallel_loop3A_630 = arith.addf %parallel_loop3A_614, %parallel_loop3A_629 : vector<16xf32>
      %parallel_loop3A_631 = arith.mulf %parallel_loop3A_624, %parallel_loop3A_602 : vector<16xf32>
      %parallel_loop3A_632 = arith.addf %parallel_loop3A_616, %parallel_loop3A_631 : vector<16xf32>
      %parallel_loop3A_633 = arith.mulf %parallel_loop3A_630, %parallel_loop3A_605 : vector<16xf32>
      %parallel_loop3A_634 = arith.addf %parallel_loop3A_626, %parallel_loop3A_633 : vector<16xf32>
      %parallel_loop3A_635 = arith.mulf %parallel_loop3A_632, %parallel_loop3A_605 : vector<16xf32>
      %parallel_loop3A_636 = arith.addf %parallel_loop3A_628, %parallel_loop3A_635 : vector<16xf32>
      %parallel_loop3A_637 = arith.mulf %parallel_loop3A_636, %parallel_loop3A_608 : vector<16xf32>
      %parallel_loop3A_638 = arith.addf %parallel_loop3A_634, %parallel_loop3A_637 : vector<16xf32>
      %parallel_loop3A_639 = arith.index_cast %parallel_loop3A_66 : i32 to index
      %parallel_loop3A_640 = arith.constant 160 : index
      %parallel_loop3A_641 = tpu.vector_load %arg10[%parallel_loop3A_639, %parallel_loop3A_640] {strides = array<i32>} : memref<128x256xf32, #tpu.memory_space<vmem>>, vector<16xf32>,
      tpu.vector_store %arg10[%parallel_loop3A_639, %parallel_loop3A_640], %parallel_loop3A_638 {strides = array<i32>} : memref<128x256xf32, #tpu.memory_space<vmem>>, vector<16xf32>,
      %parallel_loop3A_642 = arith.index_cast %parallel_loop3A_140 : i32 to index
      %parallel_loop3A_643 = arith.constant 176 : index
      %parallel_loop3A_644 = tpu.vector_load %arg6[%parallel_loop3A_642, %parallel_loop3A_643] {strides = array<i32>} : memref<128x256xf32, #tpu.memory_space<vmem>>, vector<16xf32>,
      %parallel_loop3A_645 = arith.index_cast %parallel_loop3A_142 : i32 to index
      %parallel_loop3A_646 = arith.constant 176 : index
      %parallel_loop3A_647 = tpu.vector_load %arg6[%parallel_loop3A_645, %parallel_loop3A_646] {strides = array<i32>} : memref<128x256xf32, #tpu.memory_space<vmem>>, vector<16xf32>,
      %parallel_loop3A_648 = arith.index_cast %parallel_loop3A_144 : i32 to index
      %parallel_loop3A_649 = arith.constant 176 : index
      %parallel_loop3A_650 = tpu.vector_load %arg6[%parallel_loop3A_648, %parallel_loop3A_649] {strides = array<i32>} : memref<128x256xf32, #tpu.memory_space<vmem>>, vector<16xf32>,
      %parallel_loop3A_651 = arith.index_cast %parallel_loop3A_146 : i32 to index
      %parallel_loop3A_652 = arith.constant 176 : index
      %parallel_loop3A_653 = tpu.vector_load %arg6[%parallel_loop3A_651, %parallel_loop3A_652] {strides = array<i32>} : memref<128x256xf32, #tpu.memory_space<vmem>>, vector<16xf32>,
      %parallel_loop3A_654 = arith.mulf %parallel_loop3A_106, %parallel_loop3A_644 : vector<16xf32>
      %parallel_loop3A_655 = arith.addf %parallel_loop3A_74, %parallel_loop3A_654 : vector<16xf32>
      %parallel_loop3A_656 = arith.mulf %parallel_loop3A_110, %parallel_loop3A_644 : vector<16xf32>
      %parallel_loop3A_657 = arith.addf %parallel_loop3A_78, %parallel_loop3A_656 : vector<16xf32>
      %parallel_loop3A_658 = arith.mulf %parallel_loop3A_114, %parallel_loop3A_644 : vector<16xf32>
      %parallel_loop3A_659 = arith.addf %parallel_loop3A_82, %parallel_loop3A_658 : vector<16xf32>
      %parallel_loop3A_660 = arith.mulf %parallel_loop3A_118, %parallel_loop3A_644 : vector<16xf32>
      %parallel_loop3A_661 = arith.addf %parallel_loop3A_86, %parallel_loop3A_660 : vector<16xf32>
      %parallel_loop3A_662 = arith.mulf %parallel_loop3A_122, %parallel_loop3A_644 : vector<16xf32>
      %parallel_loop3A_663 = arith.addf %parallel_loop3A_90, %parallel_loop3A_662 : vector<16xf32>
      %parallel_loop3A_664 = arith.mulf %parallel_loop3A_126, %parallel_loop3A_644 : vector<16xf32>
      %parallel_loop3A_665 = arith.addf %parallel_loop3A_94, %parallel_loop3A_664 : vector<16xf32>
      %parallel_loop3A_666 = arith.mulf %parallel_loop3A_130, %parallel_loop3A_644 : vector<16xf32>
      %parallel_loop3A_667 = arith.addf %parallel_loop3A_98, %parallel_loop3A_666 : vector<16xf32>
      %parallel_loop3A_668 = arith.mulf %parallel_loop3A_134, %parallel_loop3A_644 : vector<16xf32>
      %parallel_loop3A_669 = arith.addf %parallel_loop3A_102, %parallel_loop3A_668 : vector<16xf32>
      %parallel_loop3A_670 = arith.mulf %parallel_loop3A_663, %parallel_loop3A_647 : vector<16xf32>
      %parallel_loop3A_671 = arith.addf %parallel_loop3A_655, %parallel_loop3A_670 : vector<16xf32>
      %parallel_loop3A_672 = arith.mulf %parallel_loop3A_665, %parallel_loop3A_647 : vector<16xf32>
      %parallel_loop3A_673 = arith.addf %parallel_loop3A_657, %parallel_loop3A_672 : vector<16xf32>
      %parallel_loop3A_674 = arith.mulf %parallel_loop3A_667, %parallel_loop3A_647 : vector<16xf32>
      %parallel_loop3A_675 = arith.addf %parallel_loop3A_659, %parallel_loop3A_674 : vector<16xf32>
      %parallel_loop3A_676 = arith.mulf %parallel_loop3A_669, %parallel_loop3A_647 : vector<16xf32>
      %parallel_loop3A_677 = arith.addf %parallel_loop3A_661, %parallel_loop3A_676 : vector<16xf32>
      %parallel_loop3A_678 = arith.mulf %parallel_loop3A_675, %parallel_loop3A_650 : vector<16xf32>
      %parallel_loop3A_679 = arith.addf %parallel_loop3A_671, %parallel_loop3A_678 : vector<16xf32>
      %parallel_loop3A_680 = arith.mulf %parallel_loop3A_677, %parallel_loop3A_650 : vector<16xf32>
      %parallel_loop3A_681 = arith.addf %parallel_loop3A_673, %parallel_loop3A_680 : vector<16xf32>
      %parallel_loop3A_682 = arith.mulf %parallel_loop3A_681, %parallel_loop3A_653 : vector<16xf32>
      %parallel_loop3A_683 = arith.addf %parallel_loop3A_679, %parallel_loop3A_682 : vector<16xf32>
      %parallel_loop3A_684 = arith.index_cast %parallel_loop3A_66 : i32 to index
      %parallel_loop3A_685 = arith.constant 176 : index
      %parallel_loop3A_686 = tpu.vector_load %arg10[%parallel_loop3A_684, %parallel_loop3A_685] {strides = array<i32>} : memref<128x256xf32, #tpu.memory_space<vmem>>, vector<16xf32>,
      tpu.vector_store %arg10[%parallel_loop3A_684, %parallel_loop3A_685], %parallel_loop3A_683 {strides = array<i32>} : memref<128x256xf32, #tpu.memory_space<vmem>>, vector<16xf32>,
      %parallel_loop3A_687 = arith.index_cast %parallel_loop3A_140 : i32 to index
      %parallel_loop3A_688 = arith.constant 192 : index
      %parallel_loop3A_689 = tpu.vector_load %arg6[%parallel_loop3A_687, %parallel_loop3A_688] {strides = array<i32>} : memref<128x256xf32, #tpu.memory_space<vmem>>, vector<16xf32>,
      %parallel_loop3A_690 = arith.index_cast %parallel_loop3A_142 : i32 to index
      %parallel_loop3A_691 = arith.constant 192 : index
      %parallel_loop3A_692 = tpu.vector_load %arg6[%parallel_loop3A_690, %parallel_loop3A_691] {strides = array<i32>} : memref<128x256xf32, #tpu.memory_space<vmem>>, vector<16xf32>,
      %parallel_loop3A_693 = arith.index_cast %parallel_loop3A_144 : i32 to index
      %parallel_loop3A_694 = arith.constant 192 : index
      %parallel_loop3A_695 = tpu.vector_load %arg6[%parallel_loop3A_693, %parallel_loop3A_694] {strides = array<i32>} : memref<128x256xf32, #tpu.memory_space<vmem>>, vector<16xf32>,
      %parallel_loop3A_696 = arith.index_cast %parallel_loop3A_146 : i32 to index
      %parallel_loop3A_697 = arith.constant 192 : index
      %parallel_loop3A_698 = tpu.vector_load %arg6[%parallel_loop3A_696, %parallel_loop3A_697] {strides = array<i32>} : memref<128x256xf32, #tpu.memory_space<vmem>>, vector<16xf32>,
      %parallel_loop3A_699 = arith.mulf %parallel_loop3A_106, %parallel_loop3A_689 : vector<16xf32>
      %parallel_loop3A_700 = arith.addf %parallel_loop3A_74, %parallel_loop3A_699 : vector<16xf32>
      %parallel_loop3A_701 = arith.mulf %parallel_loop3A_110, %parallel_loop3A_689 : vector<16xf32>
      %parallel_loop3A_702 = arith.addf %parallel_loop3A_78, %parallel_loop3A_701 : vector<16xf32>
      %parallel_loop3A_703 = arith.mulf %parallel_loop3A_114, %parallel_loop3A_689 : vector<16xf32>
      %parallel_loop3A_704 = arith.addf %parallel_loop3A_82, %parallel_loop3A_703 : vector<16xf32>
      %parallel_loop3A_705 = arith.mulf %parallel_loop3A_118, %parallel_loop3A_689 : vector<16xf32>
      %parallel_loop3A_706 = arith.addf %parallel_loop3A_86, %parallel_loop3A_705 : vector<16xf32>
      %parallel_loop3A_707 = arith.mulf %parallel_loop3A_122, %parallel_loop3A_689 : vector<16xf32>
      %parallel_loop3A_708 = arith.addf %parallel_loop3A_90, %parallel_loop3A_707 : vector<16xf32>
      %parallel_loop3A_709 = arith.mulf %parallel_loop3A_126, %parallel_loop3A_689 : vector<16xf32>
      %parallel_loop3A_710 = arith.addf %parallel_loop3A_94, %parallel_loop3A_709 : vector<16xf32>
      %parallel_loop3A_711 = arith.mulf %parallel_loop3A_130, %parallel_loop3A_689 : vector<16xf32>
      %parallel_loop3A_712 = arith.addf %parallel_loop3A_98, %parallel_loop3A_711 : vector<16xf32>
      %parallel_loop3A_713 = arith.mulf %parallel_loop3A_134, %parallel_loop3A_689 : vector<16xf32>
      %parallel_loop3A_714 = arith.addf %parallel_loop3A_102, %parallel_loop3A_713 : vector<16xf32>
      %parallel_loop3A_715 = arith.mulf %parallel_loop3A_708, %parallel_loop3A_692 : vector<16xf32>
      %parallel_loop3A_716 = arith.addf %parallel_loop3A_700, %parallel_loop3A_715 : vector<16xf32>
      %parallel_loop3A_717 = arith.mulf %parallel_loop3A_710, %parallel_loop3A_692 : vector<16xf32>
      %parallel_loop3A_718 = arith.addf %parallel_loop3A_702, %parallel_loop3A_717 : vector<16xf32>
      %parallel_loop3A_719 = arith.mulf %parallel_loop3A_712, %parallel_loop3A_692 : vector<16xf32>
      %parallel_loop3A_720 = arith.addf %parallel_loop3A_704, %parallel_loop3A_719 : vector<16xf32>
      %parallel_loop3A_721 = arith.mulf %parallel_loop3A_714, %parallel_loop3A_692 : vector<16xf32>
      %parallel_loop3A_722 = arith.addf %parallel_loop3A_706, %parallel_loop3A_721 : vector<16xf32>
      %parallel_loop3A_723 = arith.mulf %parallel_loop3A_720, %parallel_loop3A_695 : vector<16xf32>
      %parallel_loop3A_724 = arith.addf %parallel_loop3A_716, %parallel_loop3A_723 : vector<16xf32>
      %parallel_loop3A_725 = arith.mulf %parallel_loop3A_722, %parallel_loop3A_695 : vector<16xf32>
      %parallel_loop3A_726 = arith.addf %parallel_loop3A_718, %parallel_loop3A_725 : vector<16xf32>
      %parallel_loop3A_727 = arith.mulf %parallel_loop3A_726, %parallel_loop3A_698 : vector<16xf32>
      %parallel_loop3A_728 = arith.addf %parallel_loop3A_724, %parallel_loop3A_727 : vector<16xf32>
      %parallel_loop3A_729 = arith.index_cast %parallel_loop3A_66 : i32 to index
      %parallel_loop3A_730 = arith.constant 192 : index
      %parallel_loop3A_731 = tpu.vector_load %arg10[%parallel_loop3A_729, %parallel_loop3A_730] {strides = array<i32>} : memref<128x256xf32, #tpu.memory_space<vmem>>, vector<16xf32>,
      tpu.vector_store %arg10[%parallel_loop3A_729, %parallel_loop3A_730], %parallel_loop3A_728 {strides = array<i32>} : memref<128x256xf32, #tpu.memory_space<vmem>>, vector<16xf32>,
      %parallel_loop3A_732 = arith.index_cast %parallel_loop3A_140 : i32 to index
      %parallel_loop3A_733 = arith.constant 208 : index
      %parallel_loop3A_734 = tpu.vector_load %arg6[%parallel_loop3A_732, %parallel_loop3A_733] {strides = array<i32>} : memref<128x256xf32, #tpu.memory_space<vmem>>, vector<16xf32>,
      %parallel_loop3A_735 = arith.index_cast %parallel_loop3A_142 : i32 to index
      %parallel_loop3A_736 = arith.constant 208 : index
      %parallel_loop3A_737 = tpu.vector_load %arg6[%parallel_loop3A_735, %parallel_loop3A_736] {strides = array<i32>} : memref<128x256xf32, #tpu.memory_space<vmem>>, vector<16xf32>,
      %parallel_loop3A_738 = arith.index_cast %parallel_loop3A_144 : i32 to index
      %parallel_loop3A_739 = arith.constant 208 : index
      %parallel_loop3A_740 = tpu.vector_load %arg6[%parallel_loop3A_738, %parallel_loop3A_739] {strides = array<i32>} : memref<128x256xf32, #tpu.memory_space<vmem>>, vector<16xf32>,
      %parallel_loop3A_741 = arith.index_cast %parallel_loop3A_146 : i32 to index
      %parallel_loop3A_742 = arith.constant 208 : index
      %parallel_loop3A_743 = tpu.vector_load %arg6[%parallel_loop3A_741, %parallel_loop3A_742] {strides = array<i32>} : memref<128x256xf32, #tpu.memory_space<vmem>>, vector<16xf32>,
      %parallel_loop3A_744 = arith.mulf %parallel_loop3A_106, %parallel_loop3A_734 : vector<16xf32>
      %parallel_loop3A_745 = arith.addf %parallel_loop3A_74, %parallel_loop3A_744 : vector<16xf32>
      %parallel_loop3A_746 = arith.mulf %parallel_loop3A_110, %parallel_loop3A_734 : vector<16xf32>
      %parallel_loop3A_747 = arith.addf %parallel_loop3A_78, %parallel_loop3A_746 : vector<16xf32>
      %parallel_loop3A_748 = arith.mulf %parallel_loop3A_114, %parallel_loop3A_734 : vector<16xf32>
      %parallel_loop3A_749 = arith.addf %parallel_loop3A_82, %parallel_loop3A_748 : vector<16xf32>
      %parallel_loop3A_750 = arith.mulf %parallel_loop3A_118, %parallel_loop3A_734 : vector<16xf32>
      %parallel_loop3A_751 = arith.addf %parallel_loop3A_86, %parallel_loop3A_750 : vector<16xf32>
      %parallel_loop3A_752 = arith.mulf %parallel_loop3A_122, %parallel_loop3A_734 : vector<16xf32>
      %parallel_loop3A_753 = arith.addf %parallel_loop3A_90, %parallel_loop3A_752 : vector<16xf32>
      %parallel_loop3A_754 = arith.mulf %parallel_loop3A_126, %parallel_loop3A_734 : vector<16xf32>
      %parallel_loop3A_755 = arith.addf %parallel_loop3A_94, %parallel_loop3A_754 : vector<16xf32>
      %parallel_loop3A_756 = arith.mulf %parallel_loop3A_130, %parallel_loop3A_734 : vector<16xf32>
      %parallel_loop3A_757 = arith.addf %parallel_loop3A_98, %parallel_loop3A_756 : vector<16xf32>
      %parallel_loop3A_758 = arith.mulf %parallel_loop3A_134, %parallel_loop3A_734 : vector<16xf32>
      %parallel_loop3A_759 = arith.addf %parallel_loop3A_102, %parallel_loop3A_758 : vector<16xf32>
      %parallel_loop3A_760 = arith.mulf %parallel_loop3A_753, %parallel_loop3A_737 : vector<16xf32>
      %parallel_loop3A_761 = arith.addf %parallel_loop3A_745, %parallel_loop3A_760 : vector<16xf32>
      %parallel_loop3A_762 = arith.mulf %parallel_loop3A_755, %parallel_loop3A_737 : vector<16xf32>
      %parallel_loop3A_763 = arith.addf %parallel_loop3A_747, %parallel_loop3A_762 : vector<16xf32>
      %parallel_loop3A_764 = arith.mulf %parallel_loop3A_757, %parallel_loop3A_737 : vector<16xf32>
      %parallel_loop3A_765 = arith.addf %parallel_loop3A_749, %parallel_loop3A_764 : vector<16xf32>
      %parallel_loop3A_766 = arith.mulf %parallel_loop3A_759, %parallel_loop3A_737 : vector<16xf32>
      %parallel_loop3A_767 = arith.addf %parallel_loop3A_751, %parallel_loop3A_766 : vector<16xf32>
      %parallel_loop3A_768 = arith.mulf %parallel_loop3A_765, %parallel_loop3A_740 : vector<16xf32>
      %parallel_loop3A_769 = arith.addf %parallel_loop3A_761, %parallel_loop3A_768 : vector<16xf32>
      %parallel_loop3A_770 = arith.mulf %parallel_loop3A_767, %parallel_loop3A_740 : vector<16xf32>
      %parallel_loop3A_771 = arith.addf %parallel_loop3A_763, %parallel_loop3A_770 : vector<16xf32>
      %parallel_loop3A_772 = arith.mulf %parallel_loop3A_771, %parallel_loop3A_743 : vector<16xf32>
      %parallel_loop3A_773 = arith.addf %parallel_loop3A_769, %parallel_loop3A_772 : vector<16xf32>
      %parallel_loop3A_774 = arith.index_cast %parallel_loop3A_66 : i32 to index
      %parallel_loop3A_775 = arith.constant 208 : index
      %parallel_loop3A_776 = tpu.vector_load %arg10[%parallel_loop3A_774, %parallel_loop3A_775] {strides = array<i32>} : memref<128x256xf32, #tpu.memory_space<vmem>>, vector<16xf32>,
      tpu.vector_store %arg10[%parallel_loop3A_774, %parallel_loop3A_775], %parallel_loop3A_773 {strides = array<i32>} : memref<128x256xf32, #tpu.memory_space<vmem>>, vector<16xf32>,
      %parallel_loop3A_777 = arith.index_cast %parallel_loop3A_140 : i32 to index
      %parallel_loop3A_778 = arith.constant 224 : index
      %parallel_loop3A_779 = tpu.vector_load %arg6[%parallel_loop3A_777, %parallel_loop3A_778] {strides = array<i32>} : memref<128x256xf32, #tpu.memory_space<vmem>>, vector<16xf32>,
      %parallel_loop3A_780 = arith.index_cast %parallel_loop3A_142 : i32 to index
      %parallel_loop3A_781 = arith.constant 224 : index
      %parallel_loop3A_782 = tpu.vector_load %arg6[%parallel_loop3A_780, %parallel_loop3A_781] {strides = array<i32>} : memref<128x256xf32, #tpu.memory_space<vmem>>, vector<16xf32>,
      %parallel_loop3A_783 = arith.index_cast %parallel_loop3A_144 : i32 to index
      %parallel_loop3A_784 = arith.constant 224 : index
      %parallel_loop3A_785 = tpu.vector_load %arg6[%parallel_loop3A_783, %parallel_loop3A_784] {strides = array<i32>} : memref<128x256xf32, #tpu.memory_space<vmem>>, vector<16xf32>,
      %parallel_loop3A_786 = arith.index_cast %parallel_loop3A_146 : i32 to index
      %parallel_loop3A_787 = arith.constant 224 : index
      %parallel_loop3A_788 = tpu.vector_load %arg6[%parallel_loop3A_786, %parallel_loop3A_787] {strides = array<i32>} : memref<128x256xf32, #tpu.memory_space<vmem>>, vector<16xf32>,
      %parallel_loop3A_789 = arith.mulf %parallel_loop3A_106, %parallel_loop3A_779 : vector<16xf32>
      %parallel_loop3A_790 = arith.addf %parallel_loop3A_74, %parallel_loop3A_789 : vector<16xf32>
      %parallel_loop3A_791 = arith.mulf %parallel_loop3A_110, %parallel_loop3A_779 : vector<16xf32>
      %parallel_loop3A_792 = arith.addf %parallel_loop3A_78, %parallel_loop3A_791 : vector<16xf32>
      %parallel_loop3A_793 = arith.mulf %parallel_loop3A_114, %parallel_loop3A_779 : vector<16xf32>
      %parallel_loop3A_794 = arith.addf %parallel_loop3A_82, %parallel_loop3A_793 : vector<16xf32>
      %parallel_loop3A_795 = arith.mulf %parallel_loop3A_118, %parallel_loop3A_779 : vector<16xf32>
      %parallel_loop3A_796 = arith.addf %parallel_loop3A_86, %parallel_loop3A_795 : vector<16xf32>
      %parallel_loop3A_797 = arith.mulf %parallel_loop3A_122, %parallel_loop3A_779 : vector<16xf32>
      %parallel_loop3A_798 = arith.addf %parallel_loop3A_90, %parallel_loop3A_797 : vector<16xf32>
      %parallel_loop3A_799 = arith.mulf %parallel_loop3A_126, %parallel_loop3A_779 : vector<16xf32>
      %parallel_loop3A_800 = arith.addf %parallel_loop3A_94, %parallel_loop3A_799 : vector<16xf32>
      %parallel_loop3A_801 = arith.mulf %parallel_loop3A_130, %parallel_loop3A_779 : vector<16xf32>
      %parallel_loop3A_802 = arith.addf %parallel_loop3A_98, %parallel_loop3A_801 : vector<16xf32>
      %parallel_loop3A_803 = arith.mulf %parallel_loop3A_134, %parallel_loop3A_779 : vector<16xf32>
      %parallel_loop3A_804 = arith.addf %parallel_loop3A_102, %parallel_loop3A_803 : vector<16xf32>
      %parallel_loop3A_805 = arith.mulf %parallel_loop3A_798, %parallel_loop3A_782 : vector<16xf32>
      %parallel_loop3A_806 = arith.addf %parallel_loop3A_790, %parallel_loop3A_805 : vector<16xf32>
      %parallel_loop3A_807 = arith.mulf %parallel_loop3A_800, %parallel_loop3A_782 : vector<16xf32>
      %parallel_loop3A_808 = arith.addf %parallel_loop3A_792, %parallel_loop3A_807 : vector<16xf32>
      %parallel_loop3A_809 = arith.mulf %parallel_loop3A_802, %parallel_loop3A_782 : vector<16xf32>
      %parallel_loop3A_810 = arith.addf %parallel_loop3A_794, %parallel_loop3A_809 : vector<16xf32>
      %parallel_loop3A_811 = arith.mulf %parallel_loop3A_804, %parallel_loop3A_782 : vector<16xf32>
      %parallel_loop3A_812 = arith.addf %parallel_loop3A_796, %parallel_loop3A_811 : vector<16xf32>
      %parallel_loop3A_813 = arith.mulf %parallel_loop3A_810, %parallel_loop3A_785 : vector<16xf32>
      %parallel_loop3A_814 = arith.addf %parallel_loop3A_806, %parallel_loop3A_813 : vector<16xf32>
      %parallel_loop3A_815 = arith.mulf %parallel_loop3A_812, %parallel_loop3A_785 : vector<16xf32>
      %parallel_loop3A_816 = arith.addf %parallel_loop3A_808, %parallel_loop3A_815 : vector<16xf32>
      %parallel_loop3A_817 = arith.mulf %parallel_loop3A_816, %parallel_loop3A_788 : vector<16xf32>
      %parallel_loop3A_818 = arith.addf %parallel_loop3A_814, %parallel_loop3A_817 : vector<16xf32>
      %parallel_loop3A_819 = arith.index_cast %parallel_loop3A_66 : i32 to index
      %parallel_loop3A_820 = arith.constant 224 : index
      %parallel_loop3A_821 = tpu.vector_load %arg10[%parallel_loop3A_819, %parallel_loop3A_820] {strides = array<i32>} : memref<128x256xf32, #tpu.memory_space<vmem>>, vector<16xf32>,
      tpu.vector_store %arg10[%parallel_loop3A_819, %parallel_loop3A_820], %parallel_loop3A_818 {strides = array<i32>} : memref<128x256xf32, #tpu.memory_space<vmem>>, vector<16xf32>,
      %parallel_loop3A_822 = arith.index_cast %parallel_loop3A_140 : i32 to index
      %parallel_loop3A_823 = arith.constant 240 : index
      %parallel_loop3A_824 = tpu.vector_load %arg6[%parallel_loop3A_822, %parallel_loop3A_823] {strides = array<i32>} : memref<128x256xf32, #tpu.memory_space<vmem>>, vector<16xf32>,
      %parallel_loop3A_825 = arith.index_cast %parallel_loop3A_142 : i32 to index
      %parallel_loop3A_826 = arith.constant 240 : index
      %parallel_loop3A_827 = tpu.vector_load %arg6[%parallel_loop3A_825, %parallel_loop3A_826] {strides = array<i32>} : memref<128x256xf32, #tpu.memory_space<vmem>>, vector<16xf32>,
      %parallel_loop3A_828 = arith.index_cast %parallel_loop3A_144 : i32 to index
      %parallel_loop3A_829 = arith.constant 240 : index
      %parallel_loop3A_830 = tpu.vector_load %arg6[%parallel_loop3A_828, %parallel_loop3A_829] {strides = array<i32>} : memref<128x256xf32, #tpu.memory_space<vmem>>, vector<16xf32>,
      %parallel_loop3A_831 = arith.index_cast %parallel_loop3A_146 : i32 to index
      %parallel_loop3A_832 = arith.constant 240 : index
      %parallel_loop3A_833 = tpu.vector_load %arg6[%parallel_loop3A_831, %parallel_loop3A_832] {strides = array<i32>} : memref<128x256xf32, #tpu.memory_space<vmem>>, vector<16xf32>,
      %parallel_loop3A_834 = arith.mulf %parallel_loop3A_106, %parallel_loop3A_824 : vector<16xf32>
      %parallel_loop3A_835 = arith.addf %parallel_loop3A_74, %parallel_loop3A_834 : vector<16xf32>
      %parallel_loop3A_836 = arith.mulf %parallel_loop3A_110, %parallel_loop3A_824 : vector<16xf32>
      %parallel_loop3A_837 = arith.addf %parallel_loop3A_78, %parallel_loop3A_836 : vector<16xf32>
      %parallel_loop3A_838 = arith.mulf %parallel_loop3A_114, %parallel_loop3A_824 : vector<16xf32>
      %parallel_loop3A_839 = arith.addf %parallel_loop3A_82, %parallel_loop3A_838 : vector<16xf32>
      %parallel_loop3A_840 = arith.mulf %parallel_loop3A_118, %parallel_loop3A_824 : vector<16xf32>
      %parallel_loop3A_841 = arith.addf %parallel_loop3A_86, %parallel_loop3A_840 : vector<16xf32>
      %parallel_loop3A_842 = arith.mulf %parallel_loop3A_122, %parallel_loop3A_824 : vector<16xf32>
      %parallel_loop3A_843 = arith.addf %parallel_loop3A_90, %parallel_loop3A_842 : vector<16xf32>
      %parallel_loop3A_844 = arith.mulf %parallel_loop3A_126, %parallel_loop3A_824 : vector<16xf32>
      %parallel_loop3A_845 = arith.addf %parallel_loop3A_94, %parallel_loop3A_844 : vector<16xf32>
      %parallel_loop3A_846 = arith.mulf %parallel_loop3A_130, %parallel_loop3A_824 : vector<16xf32>
      %parallel_loop3A_847 = arith.addf %parallel_loop3A_98, %parallel_loop3A_846 : vector<16xf32>
      %parallel_loop3A_848 = arith.mulf %parallel_loop3A_134, %parallel_loop3A_824 : vector<16xf32>
      %parallel_loop3A_849 = arith.addf %parallel_loop3A_102, %parallel_loop3A_848 : vector<16xf32>
      %parallel_loop3A_850 = arith.mulf %parallel_loop3A_843, %parallel_loop3A_827 : vector<16xf32>
      %parallel_loop3A_851 = arith.addf %parallel_loop3A_835, %parallel_loop3A_850 : vector<16xf32>
      %parallel_loop3A_852 = arith.mulf %parallel_loop3A_845, %parallel_loop3A_827 : vector<16xf32>
      %parallel_loop3A_853 = arith.addf %parallel_loop3A_837, %parallel_loop3A_852 : vector<16xf32>
      %parallel_loop3A_854 = arith.mulf %parallel_loop3A_847, %parallel_loop3A_827 : vector<16xf32>
      %parallel_loop3A_855 = arith.addf %parallel_loop3A_839, %parallel_loop3A_854 : vector<16xf32>
      %parallel_loop3A_856 = arith.mulf %parallel_loop3A_849, %parallel_loop3A_827 : vector<16xf32>
      %parallel_loop3A_857 = arith.addf %parallel_loop3A_841, %parallel_loop3A_856 : vector<16xf32>
      %parallel_loop3A_858 = arith.mulf %parallel_loop3A_855, %parallel_loop3A_830 : vector<16xf32>
      %parallel_loop3A_859 = arith.addf %parallel_loop3A_851, %parallel_loop3A_858 : vector<16xf32>
      %parallel_loop3A_860 = arith.mulf %parallel_loop3A_857, %parallel_loop3A_830 : vector<16xf32>
      %parallel_loop3A_861 = arith.addf %parallel_loop3A_853, %parallel_loop3A_860 : vector<16xf32>
      %parallel_loop3A_862 = arith.mulf %parallel_loop3A_861, %parallel_loop3A_833 : vector<16xf32>
      %parallel_loop3A_863 = arith.addf %parallel_loop3A_859, %parallel_loop3A_862 : vector<16xf32>
      %parallel_loop3A_864 = arith.index_cast %parallel_loop3A_66 : i32 to index
      %parallel_loop3A_865 = arith.constant 240 : index
      %parallel_loop3A_866 = tpu.vector_load %arg10[%parallel_loop3A_864, %parallel_loop3A_865] {strides = array<i32>} : memref<128x256xf32, #tpu.memory_space<vmem>>, vector<16xf32>,
      tpu.vector_store %arg10[%parallel_loop3A_864, %parallel_loop3A_865], %parallel_loop3A_863 {strides = array<i32>} : memref<128x256xf32, #tpu.memory_space<vmem>>, vector<16xf32>,
    } {sc.loop_unroll_factor = 1 : i64, sc.parallel_access}
    %mul3A_55 = arith.constant 256 : i32
    %mul3A_56 = arith.muli %select_n3A_30, %mul3A_55 : i32
    %add3A_57 = arith.constant 128 : i32
    %add3A_58 = arith.addi %mul3A_56, %add3A_57 : i32
    %mul3A_59 = arith.constant 256 : i32
    %mul3A_60 = arith.muli %select_n3A, %mul3A_59 : i32
    %dma_start3A_61 = tpu.memref_slice %arg5[%add3A_58, %mul3A_60] : memref<512x4096xf32, #tpu.memory_space<hbm>> -> memref<128x256xf32, #tpu.memory_space<hbm>>
    %dma_start3A_62 = tpu.memref_slice %arg5[%add3A_58, %mul3A_60] : memref<512x4096xf32, #tpu.memory_space<hbm>> -> memref<128x256xf32, #tpu.memory_space<hbm>>
    tpu.enqueue_dma source(%arg10 : memref<128x256xf32, #tpu.memory_space<vmem>>) target(%dma_start3A_62 : memref<128x256xf32, #tpu.memory_space<hbm>>) target_semaphore(%arg12 : memref<!tpu.dma_semaphore, #tpu.memory_space<semaphore_mem>>)
    %dma_wait3A = tpu.memref_slice %arg5[%add3A_48, %mul3A_50] : memref<512x4096xf32, #tpu.memory_space<hbm>> -> memref<128x256xf32, #tpu.memory_space<hbm>>
    %dma_wait3A_63 = tpu.memref_slice %arg5[%add3A_48, %mul3A_50] : memref<512x4096xf32, #tpu.memory_space<hbm>> -> memref<128x256xf32, #tpu.memory_space<hbm>>
    tpu.wait_dma2 semaphore(%arg11 : memref<!tpu.dma_semaphore, #tpu.memory_space<semaphore_mem>>) src(%arg9 : memref<128x256xf32, #tpu.memory_space<vmem>>) dst(%dma_wait3A_63 : memref<128x256xf32, #tpu.memory_space<hbm>>)
    %dma_wait3A_64 = tpu.memref_slice %arg5[%add3A_58, %mul3A_60] : memref<512x4096xf32, #tpu.memory_space<hbm>> -> memref<128x256xf32, #tpu.memory_space<hbm>>
    %dma_wait3A_65 = tpu.memref_slice %arg5[%add3A_58, %mul3A_60] : memref<512x4096xf32, #tpu.memory_space<hbm>> -> memref<128x256xf32, #tpu.memory_space<hbm>>
    tpu.wait_dma2 semaphore(%arg12 : memref<!tpu.dma_semaphore, #tpu.memory_space<semaphore_mem>>) src(%arg10 : memref<128x256xf32, #tpu.memory_space<vmem>>) dst(%dma_wait3A_65 : memref<128x256xf32, #tpu.memory_space<hbm>>)
    return
  }
}

</mosaic_0001>

<sc_bundles>
// kernel: _rtl_sc.3.cloned.1.call-start
scs
__scs_entry_jumppad:
0x0: {  	(pc) =	sbr.rel $0x88, $3  }
0x1: {  	(tag) =	ssettag $0x0;
	lr =	simm.s32 $0x1  }
0x2: {  	[smem:$0x3F9E] =	sst lr;
	_ =	strace $0xD0000000  }
0x3: {  	_ = 	snop  }
0x4: {  	_ = 	snop  }
0x5: {  	_ = 	snop  }
0x6: {  	_ = 	snop  }
0x7: {  	_ = 	snop  }
__scs_overlays_trampoline_lowered:
0x8: {  	[smem:$0x3FAD] =	sst s0  }
0x9: {  	[smem:$0x3FAE] =	sst s1  }
0xa: {  	[smem:$0x3FAF] =	sst s2  }
0xb: {  	[smem:$0x3FB0] =	sst s3  }
0xc: {  	[smem:$0x3FB1] =	sst s4  }
0xd: {  	[smem:$0x3FB2] =	sst s5  }
0xe: {  	[smem:$0x3FB3] =	sst s6  }
0xf: {  	[smem:$0x3FB4] =	sst s7  }
0x10: {  	[smem:$0x3FB5] =	sst s8  }
0x11: {  	[smem:$0x3FB6] =	sst s9;
	s0 =	simm.s32 @!p0 $0x0  }
0x12: {  	s1 =	sld [smem:$0x3F9C];
	s0 =	simm.s32 @p0 $0x1  }
0x13: {  	[smem:$0x3FB7] =	sst s0;
	s0 =	simm.s32 @!p1 $0x0  }
0x14: {  	s2 =	sld [smem:$0x3F9B];
	s0 =	simm.s32 @p1 $0x1  }
0x15: {  	[smem:$0x3FB8] =	sst s0;
	s0 =	simm.s32 @!p2 $0x0  }
0x16: {  	s3 =	sld [smem:$0x3FDB];
	s0 =	simm.s32 @p2 $0x1  }
0x17: {  	s4 =	simm.s32 $0x1BF5;
	[smem:$0x3FBA] =	sst s0  }
0x18: {  	s0 =	sld [smem:$0x3F9D];
	_ =	swait.ge [sflag:s4], $0x0  }
0x19: {  	s7 =	sld [smem:$0x3F9E]  }
0x1a: {  	s8 =	sadd.s32 $0xFFFFE003, lr  }
0x1b: {  	s9 =	sadd.s32 $0xFFFFFEF7, lr;
	s5 =	simm.s32 $0xFFFFFFFF;
	p2 =	slt.u32 s8, $0xFFFFF086  }
0x1c: {  	p1 =	slt.u32 s9, $0xF7A;
	s5 =	simm.s32 @!p2 $0x0  }
0x1d: {  	s5 =	simm.s32 @p1 $0x1;
	p0 =	seq.s32 s7, s2  }
0x1e: {  	s7 =	smul.u32 @!p0 $0xF7A, s2;
	p2 =	seq.s32 @!p0 s5, $0x0  }
0x1f: {  	s9 =	smul.u32 $0xF7A, s1;
	s8 =	simm.s32 @!p0 $0x1BF5;
	p2 =	por !p2, p0  }
0x20: {  	[sflag:s8] =	ssyncset.s32 @!p0 $0xFFFFF086;
	s6 =	sadd.s32 @!p0 s3, s7;
	s7 =	simm.s32 @!p0 $0x108  }
0x21: {  	s3 =	sadd.s32 s3, s9;
	s6 =	sadd.s32 @!p0 $0x88, s6;
	s7 =	simm.s32 @p2 $0x1082  }
0x22: {  	[simem:s7], [sflag:s8] =	dma.local @!p0 [hbm:s6], $0xF7A  }
0x23: {  	s9 =	sor.u32 $0xD0000000, s2;
	s6 =	simm.s32 $0x108;
	_ =	swait.ge @!p0 [sflag:s8], $0x0  }
0x24: {  	s3 =	sadd.s32 $0x88, s3;
	s6 =	simm.s32 @!p1 $0x1082;
	[sflag:s4] =	ssyncset.s32 $0xFFFFF086  }
0x25: {  	[simem:s6], [sflag:s4] =	dma.local [hbm:s3], $0xF7A  }
0x26: {  	[smem:$0x3F9E] =	sst s1;
	(tag) =	ssettag s2;
	_ =	strace s9  }
0x27: {  	s1 =	sld [smem:$0x3FAE]  }
0x28: {  	s2 =	sld [smem:$0x3FAF]  }
0x29: {  	s4 =	sld [smem:$0x3FB1]  }
0x2a: {  	p0 =	seq.s32 s5, $0x0;
	s5 =	sld [smem:$0x3FB2]  }
0x2b: {  	s6 =	sld [smem:$0x3FB3]  }
0x2c: {  	s7 =	sld [smem:$0x3FB4]  }
0x2d: {  	s3 =	simm.s32 $0x108;
	s8 =	sld [smem:$0x3FB5]  }
0x2e: {  	s3 =	simm.s32 @!p0 $0x1082;
	s9 =	sld [smem:$0x3FB6]  }
0x2f: {  	lr =	sadd.s32 s0, s3;
	s0 =	sld [smem:$0x3FAD]  }
0x30: {  	s3 =	sld [smem:$0x3FB0]  }
0x31: {  	[smem:$0x3FB9] =	sst s10  }
0x32: {  	s10 =	sld [smem:$0x3FB7];
	_ =	sdelay $0x3  }
0x33: {  	p0 =	seq.s32 s10, $0x1;
	s10 =	sld [smem:$0x3FB9];
	_ =	sdelay $0x3  }
0x34: {  	[smem:$0x3FB9] =	sst s10  }
0x35: {  	s10 =	sld [smem:$0x3FB8];
	_ =	sdelay $0x3  }
0x36: {  	p1 =	seq.s32 s10, $0x1;
	s10 =	sld [smem:$0x3FB9];
	_ =	sdelay $0x3  }
0x37: {  	[smem:$0x3FB9] =	sst s10  }
0x38: {  	s10 =	sld [smem:$0x3FBA]  }
0x39: {  	_ = 	snop;
	(pc) =	sbr.ind lr, $3  }
0x3a: {  	_ = 	snop  }
0x3b: {  	_ = 	snop  }
0x3c: {  	p2 =	seq.s32 s10, $0x1;
	s10 =	sld [smem:$0x3FB9]  }
0x3d: {  	_ =	shalt  }
0x3e: {  	_ =	shalt  }
0x3f: {  	_ =	shalt  }
0x40: {  	_ =	shalt  }
0x41: {  	_ =	shalt  }
0x42: {  	_ =	shalt  }
0x43: {  	_ =	shalt  }
0x44: {  	_ =	shalt  }
0x45: {  	_ =	shalt  }
0x46: {  	_ =	shalt  }
0x47: {  	_ =	shalt  }
0x48: {  	_ =	shalt  }
0x49: {  	_ =	shalt  }
0x4a: {  	_ =	shalt  }
0x4b: {  	_ =	shalt  }
0x4c: {  	_ =	shalt  }
0x4d: {  	_ =	shalt  }
0x4e: {  	_ =	shalt  }
0x4f: {  	_ =	shalt  }
0x50: {  	_ =	shalt  }
0x51: {  	_ =	shalt  }
0x52: {  	_ =	shalt  }
0x53: {  	_ =	shalt  }
0x54: {  	_ =	shalt  }
0x55: {  	_ =	shalt  }
0x56: {  	_ =	shalt  }
0x57: {  	_ =	shalt  }
0x58: {  	_ =	shalt  }
0x59: {  	_ =	shalt  }
0x5a: {  	_ =	shalt  }
0x5b: {  	_ =	shalt  }
0x5c: {  	_ =	shalt  }
0x5d: {  	_ =	shalt  }
0x5e: {  	_ =	shalt  }
0x5f: {  	_ =	shalt  }
0x60: {  	_ =	shalt  }
0x61: {  	_ =	shalt  }
0x62: {  	_ =	shalt  }
0x63: {  	_ =	shalt  }
0x64: {  	_ =	shalt  }
0x65: {  	_ =	shalt  }
0x66: {  	_ =	shalt  }
0x67: {  	_ =	shalt  }
0x68: {  	_ =	shalt  }
0x69: {  	_ =	shalt  }
0x6a: {  	_ =	shalt  }
0x6b: {  	_ =	shalt  }
0x6c: {  	_ =	shalt  }
0x6d: {  	_ =	shalt  }
0x6e: {  	_ =	shalt  }
0x6f: {  	_ =	shalt  }
0x70: {  	_ =	shalt  }
0x71: {  	_ =	shalt  }
0x72: {  	_ =	shalt  }
0x73: {  	_ =	shalt  }
0x74: {  	_ =	shalt  }
0x75: {  	_ =	shalt  }
0x76: {  	_ =	shalt  }
0x77: {  	_ =	shalt  }
0x78: {  	_ =	shalt  }
0x79: {  	_ =	shalt  }
0x7a: {  	_ =	shalt  }
0x7b: {  	_ =	shalt  }
0x7c: {  	_ =	shalt  }
0x7d: {  	_ =	shalt  }
0x7e: {  	_ =	shalt  }
0x7f: {  	_ =	shalt  }
0x80: {  	_ =	shalt  }
0x81: {  	_ =	shalt  }
0x82: {  	_ =	shalt  }
0x83: {  	_ =	shalt  }
0x84: {  	_ =	shalt  }
0x85: {  	_ =	shalt  }
0x86: {  	_ =	shalt  }
0x87: {  	_ =	shalt  }
.Lfunc_end0:
.L_simem_size_0:
called_computation_lowered:
.L_overlay_start_0:
0x88: {  	s2 =	sld [smem:$0x3FD9]  }
0x89: {  	s3 =	sld [smem:$0x3FFE];
	_ =	sdelay $0x1  }
0x8a: {  	s1 =	srdreg.scid  }
0x8b: {  	s0 =	sand.u32 $0x1, s1  }
0x8c: {  	s18 =	sshll.u32 s0, $0xA;
	s2 =	sadd.s32 s3, s2  }
0x8d: {  	s2 =	sadd.s32 s2, s18  }
0x8e: {  	[smem:$0x3FC5] =	sst s2  }
0x8f: {  	_ = 	snop  }
0x90: {  	s2 =	sld [smem:$0x3FC9]  }
0x91: {  	s19 =	sld [smem:$0x3FC8]  }
0x92: {  	s4 =	sld [smem:$0x3FC7]  }
0x93: {  	s5 =	sld [smem:$0x3FD0];
	(tm) =	ssettm $0x1  }
0x94: {  	s6 =	sld [smem:$0x3FFB];
	_ =	sdelay $0x3  }
0x95: {  	_ =	strace s6  }
0x96: {  	s6 =	sld [smem:$0x3FFC];
	_ =	sdelay $0x3  }
0x97: {  	_ =	strace s6  }
0x98: {  	s6 =	sld [smem:$0x3FFD];
	_ =	sdelay $0x3  }
0x99: {  	_ =	strace s6  }
0x9a: {  	_ =	strace $0x8FFFFFFF  }
0x9b: {  	s20 =	sld [smem:$0x3FDB];
	_ =	sdelay $0x1  }
0x9c: {  	s7 =	simm.s32 $_scs_section_size  }
0x9d: {  	s8 =	simm.s32 $_size__tile_overlayer_lowered;
	s9 =	simm.s32 $_tile_overlayer_lowered  }
0x9e: {  	s23 =	simm.s32 $0x1BFF;
	s22 =	sshll.u32 s9, $0x1;
	s6 =	sadd.s32 s7, s20  }
0x9f: {  	s10 =	simm.s32 $0x0;
	s21 =	sshll.u32 s8, $0x1;
	s8 =	sadd.s32 s22, s6  }
0xa0: {  	[timem:s10], [sflag:s23] =	dma.local [hbm:s8], s21  }
0xa1: {  	_ =	swait.ge [sflag:s23], s21  }
0xa2: {  	s7 =	ssub.s32 $0x0, s21;
	[sflag:s23] =	ssyncset.done $0x0  }
0xa3: {  	[sflag:s23] =	ssyncadd.s32 s7;
	_ =	sdelay $0x1  }
0xa4: {  	s24 =	simm.s32 $0x1B8B  }
0xa5: {  	_ =	swait.ge [sflag:s24], $0x1  }
0xa6: {  	[sflag:s24] =	ssyncset.done $0x0  }
0xa7: {  	s25 =	simm.s32 $0x1B8E;
	[sflag:s24] =	ssyncadd.s32 $0xFFFFFFFF  }
0xa8: {  	s26 =	simm.s32 $execute0_lowered;
	[smem:$0x3FD2] =	sst s25  }
0xa9: {  	s7 =	sshll.u32 s26, $0x1;
	_ =	strace $0x80000046;
	[dreg:$0x1] =	wrdreg $0xFFFFFFFF  }
0xaa: {  	s28 =	simm.s32 $_size_execute0_lowered;
	s6 =	sadd.s32 s6, s7;
	[dreg:$0x0] =	wrdreg $0x0  }
0xab: {  	s7 =	sshll.u32 s28, $0x1;
	[dreg:$0x2] =	wrdreg s6  }
0xac: {  	[dreg:$0x3] =	wrdreg s7  }
0xad: {  	[dreg:$0x4] =	wrdreg $0xC0  }
0xae: {  	_ =	task [dreg:s10], $0x5FFFF  }
0xaf: {  	[dreg:$0x1] =	wrdreg $0xFFFFFFFF  }
0xb0: {  	[dreg:$0x0] =	wrdreg $0x60  }
0xb1: {  	[dreg:$0x2] =	wrdreg s2  }
0xb2: {  	[dreg:$0x3] =	wrdreg s19  }
0xb3: {  	[dreg:$0x4] =	wrdreg s4  }
0xb4: {  	[dreg:$0x5] =	wrdreg s5  }
0xb5: {  	[dreg:$0x6] =	wrdreg $0x9  }
0xb6: {  	_ =	task.clear_ibuf [dreg:s10], $0x7FFFF;
	_ =	strace $0x90000046  }
0xb7: {  	s29 =	simm.s32 $0x9;
	_ =	strace $0x80000048  }
0xb8: {  	_ =	swait.ge [sflag:s29], $0x1  }
0xb9: {  	[sflag:s29] =	ssyncadd.s32 $0xFFFFFFFF  }
0xba: {  	_ =	strace $0x90000048  }
0xbb: {  	_ =	sfence  }
0xbc: {  	s30 =	sld [smem:$0x0];
	_ =	sdelay $0x2  }
0xbd: {  	s31 =	sshll.u32 s1, $0xD;
	s1 =	sshrl.u32 s1, $0x2  }
0xbe: {  	s3 =	sand.u32 $0x4000, s31;
	s1 =	sadd.s32 s1, s30  }
0xbf: {  	s0 =	sor.u32 s3, s0;
	s1 =	sshll.u32 s1, $0x11  }
0xc0: {  	s0 =	sor.u32 s1, s0  }
0xc1: {  	s0 =	sadd.s32 $0x8F2B, s0  }
0xc2: {  	[sflag:s0] =	ssyncadd.remote.s32 $0x1  }
0xc3: {  	_ =	sfence.sel $0xFFFF  }
0xc4: {  	[dreg:$0x0] =	wrdreg $0xFFFFFFFF;
	(pc) =	sbr.abs _section_cstart, $3  }
0xc5: {  	[dreg:$0x1] =	wrdreg $0xFFFFFFFF  }
0xc6: {  	_ =	task.clear_ibuf [dreg:s10], $0x2FFFF;
	_ =	strace $0x9FFFFFFF  }
0xc7: {  	(tm) =	ssettm $0x7FFFFFFF  }
tec
execute0_lowered:
.L_overlay_start_1:
0x0: {  	(tag) =	ssettag $0x1  }
0x1: {  	v0 =	vimm.s32 $0xB80;
	vm0 =	vcmask $0x300  }
0x2: {  	vm10 =	vcmask $0x704;
	v0 =	vsel vm0, $0x0, v0  }
0x3: {  	vm1 =	vcmask $0xB08;
	v0 =	vsel vm10, $0x80, v0  }
0x4: {  	vm2 =	vcmask $0xF0C;
	v0 =	vsel vm1, $0x100, v0  }
0x5: {  	vm7 =	vcmask $0x1310;
	v0 =	vsel vm2, $0x180, v0  }
0x6: {  	vm9 =	vcmask $0x1714;
	v0 =	vsel vm7, $0x200, v0  }
0x7: {  	vm8 =	vcmask $0x1B18;
	v0 =	vsel vm9, $0x280, v0  }
0x8: {  	s0 =	rddreg [dreg:$0x0];
	vm6 =	vcmask $0x1F1C;
	v1 =	vimm.s32 $0xF80;
	v0 =	vsel vm8, $0x300, v0  }
0x9: {  	s4 =	rddreg [dreg:$0x1];
	vm5 =	vcmask $0x2320;
	v1 =	vsel vm0, $0x400, v1;
	v0 =	vsel vm6, $0x380, v0  }
0xa: {  	s1 =	srdreg.scid;
	s6 =	rddreg [dreg:$0x2];
	vm3 =	vcmask $0x2724;
	v1 =	vsel vm10, $0x480, v1;
	v0 =	vsel vm5, $0x800, v0  }
0xb: {  	s9 =	stileid.u32;
	s8 =	rddreg [dreg:$0x3];
	vm4 =	vcmask $0x2B28;
	v1 =	vsel vm1, $0x500, v1;
	v0 =	vsel vm3, $0x880, v0  }
0xc: {  	vm12 =	vcmask $0x2F2C;
	s3 =	simm.s32 $0x1;
	s11 =	simm.s32 $0x800;
	s1 =	sand.u32 $0x1, s1;
	v1 =	vsel vm2, $0x580, v1;
	v0 =	vsel vm4, $0x900, v0  }
0xd: {  	vm13 =	vcmask $0x3330;
	s13 =	simm.s32 $0x8000;
	s17 =	simm.s32 $0x2;
	s2 =	sor.u32 s1, s9;
	v1 =	vsel vm7, $0x600, v1;
	v0 =	vsel vm12, $0x980, v0  }
0xe: {  	vm14 =	vcmask $0x3734;
	s18 =	simm.s32 $0x0;
	p1 =	seq.s32 s1, $0x1;
	p0 =	seq.s32 s2, $0x0;
	v1 =	vsel vm9, $0x680, v1;
	v0 =	vsel vm13, $0xA00, v0  }
0xf: {  	vm15 =	vcmask $0x3B38;
	s5 =	ssub.s32 $0x2, s1;
	s26 =	sshll.u32 s1, $0x14;
	p0 =	por !p0, !p1;
	v63 =	vsel vm8, $0x700, v1;
	v0 =	vsel vm14, $0xA80, v0  }
0x10: {  	s28 =	sshll.u32 s1, $0x8;
	s29 =	sshll.u32 s1, $0x7;
	p0 =	por !p0, !p0;
	v14 =	vsel vm15, $0xB00, v0;
	v0 =	vsel vm6, $0x780, v63  }
0x11: {  	s2 =	simm.s32 $0x0;
	s7 =	sshrl.u32 s5, $0x1;
	s3 =	simm.s32 @!p0 $0x0;
	v0 =	vsel vm5, $0xC00, v0  }
0x12: {  	s6 =	sadd.s32 s6, s29;
	[smem:$0x7FF] =	sst s2;
	s9 =	ssub.s32 s9, s3;
	v0 =	vsel vm3, $0xC80, v0  }
0x13: {  	v17 =	vimm.s32 $0x3;
	v15 =	vimm.s32 $0x4;
	s10 =	ssub.s32 s5, s7;
	_ =	strace $0x80000047;
	s25 =	sshll.u32 s9, $0xC;
	v0 =	vsel vm4, $0xD00, v0  }
0x14: {  	v43 =	vimm.s32 $0x5;
	v49 =	vimm.s32 $0x7;
	s3 =	simm.s32 $0x1;
	s9 =	sshll.u32 s9, $0xB;
	s5 =	sand.u32 $0x1FFFF000, s25;
	v0 =	vsel vm12, $0xD80, v0  }
0x15: {  	v40 =	vimm.s32 $0x8;
	v16 =	vimm.s32 $0x9;
	s7 =	sadd.s32 s26, s9;
	s9 =	smax.u32 s10, $0x1;
	s10 =	simm.s32 $0x3;
	v0 =	vsel vm13, $0xE00, v0  }
0x16: {  	v46 =	vimm.s32 $0xA;
	v47 =	vimm.s32 $0xB;
	s0 =	sadd.s32 s0, s5;
	s30 =	sadd.s32 $0x80000, s7;
	s31 =	sshrl.u32 s7, $0x3;
	v0 =	vsel vm14, $0xE80, v0  }
0x17: {  	v45 =	vimm.s32 $0xC;
	v41 =	vimm.s32 $0xD;
	[dreg:$0x5] =	wrdreg s0;
	s0 =	sadd.s32 s4, s28;
	s1 =	sshrl.u32 s30, $0x3;
	[tilespmem:$0x1FFE0] =	vst v14;
	v18 =	vsel vm15, $0xF00, v0  }
0x18: {  	v42 =	vimm.s32 $0xE;
	v44 =	vimm.s32 $0xF;
	s7 =	sadd.s32 s8, s31;
	[dreg:$0x6] =	wrdreg s0;
	s8 =	sadd.s32 s8, s1;
	v63 =	vimm.s32 $0x2;
	[tilespmem:$0x1FFF0] =	vst v18  }
.LBB2_1:
0x19: {  	s0 =	rddreg [dreg:$0x5]  }
0x1a: {  	[tilespmem:s2], [sflag:$0x3] =	stream.linear.gather [hbm4b:s0+s2], $0x8000, $0x38;
	[tilespmem:$0x19480] =	vst v63  }
0x1b: {  	_ =	swait.ge [sflag:s10], $0x8000  }
0x1c: {  	[sflag:s10] =	ssyncset.done $0x0  }
0x1d: {  	s1 =	simm.s32 $0x1000;
	s28 =	rddreg [dreg:$0x6];
	[sflag:s10] =	ssyncadd.s32 $0xFFFF8000  }
0x1e: {  	[tilespmem:s13], [sflag:$0x3] =	stream.strided.gather [hbm4b:s28+s11], $0x1000, s1, s11, $0x38;
	[tilespmem:$0x19480] =	vst v63  }
0x1f: {  	_ =	swait.ge [sflag:s10], $0x1000  }
0x20: {  	[sflag:s10] =	ssyncset.done $0x0  }
0x21: {  	s29 =	simm.s32 $0x9000;
	[sflag:s10] =	ssyncadd.s32 $0xFFFFF000  }
0x22: {  	[tilespmem:s29], [sflag:$0x3] =	stream.linear.gather [hbm4b:s6+s2], $0x400, $0x38;
	[tilespmem:$0x19480] =	vst v63  }
0x23: {  	_ =	swait.ge [sflag:s10], $0x400  }
0x24: {  	s30 =	sand.u32 $0x7800, s2;
	s31 =	sand.u32 $0x300, s2;
	[sflag:s10] =	ssyncset.done $0x0  }
0x25: {  	s0 =	sor.u32 s31, s30;
	[sflag:s10] =	ssyncadd.s32 $0xFFFFFC00  }
0x26: {  	v0 =	vld [tilespmem:s0+$0x0]  }
0x27: {  	v1 =	vld [tilespmem:s0+$0x10]  }
0x28: {  	v2 =	vld [tilespmem:s0+$0x20]  }
0x29: {  	v3 =	vld [tilespmem:s0+$0x30]  }
0x2a: {  	v4 =	vld [tilespmem:s0+$0x40]  }
0x2b: {  	v5 =	vld [tilespmem:s0+$0x50];
	v0 =	vmax.f32 v0, $0.0e+00  }
0x2c: {  	v6 =	vld [tilespmem:s0+$0x60];
	v1 =	vmax.f32 v1, $0.0e+00;
	v0 =	vmin.f32 v0, $1.000000000e+00  }
0x2d: {  	v2 =	vmax.f32 v2, $0.0e+00;
	[tilespmem:s0+$0x0] =	vst v0;
	v0 =	vmin.f32 v1, $1.000000000e+00;
	v1 =	vld [tilespmem:s0+$0x70]  }
0x2e: {  	v3 =	vmax.f32 v3, $0.0e+00;
	[tilespmem:s0+$0x10] =	vst v0;
	v0 =	vmin.f32 v2, $1.000000000e+00  }
0x2f: {  	v7 =	vld [tilespmem:s0+$0x4F0];
	v4 =	vmax.f32 v4, $0.0e+00;
	[tilespmem:s0+$0x20] =	vst v0;
	v0 =	vmin.f32 v3, $1.000000000e+00  }
0x30: {  	v5 =	vmax.f32 v5, $0.0e+00;
	[tilespmem:s0+$0x30] =	vst v0;
	v0 =	vmin.f32 v4, $1.000000000e+00  }
0x31: {  	v6 =	vmax.f32 v6, $0.0e+00;
	v2 =	vld [tilespmem:s0+$0x400];
	[tilespmem:s0+$0x40] =	vst v0;
	v0 =	vmin.f32 v5, $1.000000000e+00  }
0x32: {  	[tilespmem:s0+$0x50] =	vst v0;
	v0 =	vmin.f32 v6, $1.000000000e+00;
	v1 =	vmax.f32 v1, $0.0e+00  }
0x33: {  	[tilespmem:s0+$0x60] =	vst v0;
	v0 =	vmin.f32 v1, $1.000000000e+00  }
0x34: {  	[tilespmem:s0+$0x70] =	vst v0;
	v0 =	vmax.f32 v7, $0.0e+00  }
0x35: {  	v3 =	vld [tilespmem:s0+$0x410];
	v0 =	vmin.f32 v0, $1.000000000e+00  }
0x36: {  	v2 =	vmax.f32 v2, $0.0e+00;
	[tilespmem:s0+$0x4F0] =	vst v0;
	v0 =	vld [tilespmem:s0+$0x80]  }
0x37: {  	v4 =	vld [tilespmem:s0+$0x420];
	v2 =	vmin.f32 v2, $1.000000000e+00  }
0x38: {  	[tilespmem:s0+$0x400] =	vst v2;
	v2 =	vld [tilespmem:s0+$0x90]  }
0x39: {  	v5 =	vld [tilespmem:s0+$0x430]  }
0x3a: {  	v9 =	vld [tilespmem:s0+$0xA0];
	v3 =	vmax.f32 v3, $0.0e+00  }
0x3b: {  	v6 =	vld [tilespmem:s0+$0x440];
	v3 =	vmin.f32 v3, $1.000000000e+00;
	v0 =	vmax.f32 v0, $0.0e+00  }
0x3c: {  	v8 =	vld [tilespmem:s0+$0x470];
	v4 =	vmax.f32 v4, $0.0e+00;
	[tilespmem:s0+$0x410] =	vst v3;
	v0 =	vmin.f32 v0, $1.000000000e+00  }
0x3d: {  	v10 =	vld [tilespmem:s0+$0xB0];
	v2 =	vmax.f32 v2, $0.0e+00;
	[tilespmem:s0+$0x80] =	vst v0;
	v0 =	vmin.f32 v4, $1.000000000e+00  }
0x3e: {  	v1 =	vld [tilespmem:s0+$0x450];
	v3 =	vmax.f32 v5, $0.0e+00;
	[tilespmem:s0+$0x420] =	vst v0;
	v0 =	vmin.f32 v2, $1.000000000e+00  }
0x3f: {  	v11 =	vld [tilespmem:s0+$0xC0];
	v2 =	vmax.f32 v9, $0.0e+00;
	[tilespmem:s0+$0x90] =	vst v0;
	v0 =	vmin.f32 v3, $1.000000000e+00  }
0x40: {  	v7 =	vld [tilespmem:s0+$0x460];
	v3 =	vmax.f32 v6, $0.0e+00;
	v2 =	vmin.f32 v2, $1.000000000e+00;
	[tilespmem:s0+$0x430] =	vst v0  }
0x41: {  	v12 =	vld [tilespmem:s0+$0xD0];
	v6 =	vmax.f32 v8, $0.0e+00;
	[tilespmem:s0+$0xA0] =	vst v2;
	v2 =	vmin.f32 v3, $1.000000000e+00  }
0x42: {  	v13 =	vld [tilespmem:s0+$0xE0];
	v3 =	vmax.f32 v10, $0.0e+00;
	v6 =	vmin.f32 v6, $1.000000000e+00;
	[tilespmem:s0+$0x440] =	vst v2  }
0x43: {  	v5 =	vmax.f32 v1, $0.0e+00;
	v4 =	vld [tilespmem:s0+$0xF0];
	v2 =	vmin.f32 v3, $1.000000000e+00;
	[tilespmem:s0+$0x470] =	vst v6  }
0x44: {  	v0 =	vld [tilespmem:s0+$0x480];
	v3 =	vmax.f32 v11, $0.0e+00;
	[tilespmem:s0+$0xB0] =	vst v2;
	v2 =	vmin.f32 v5, $1.000000000e+00  }
0x45: {  	v1 =	vld [tilespmem:s0+$0x490];
	v5 =	vmax.f32 v7, $0.0e+00;
	v3 =	vmin.f32 v3, $1.000000000e+00;
	[tilespmem:s0+$0x450] =	vst v2  }
0x46: {  	v2 =	vld [tilespmem:s0+$0x4A0];
	[tilespmem:s0+$0xC0] =	vst v3;
	v3 =	vmin.f32 v5, $1.000000000e+00;
	v5 =	vmax.f32 v12, $0.0e+00  }
0x47: {  	v7 =	vmax.f32 v13, $0.0e+00;
	[tilespmem:s0+$0x460] =	vst v3;
	v5 =	vmin.f32 v5, $1.000000000e+00;
	v3 =	vld [tilespmem:s0+$0x4B0]  }
0x48: {  	s4 =	simm.s32 $0x0;
	s12 =	simm.s32 $0x100;
	s14 =	simm.s32 $0x200;
	v6 =	vmax.f32 v4, $0.0e+00;
	v4 =	vld [tilespmem:s0+$0x4C0];
	[tilespmem:s0+$0xD0] =	vst v5;
	v5 =	vmin.f32 v7, $1.000000000e+00  }
.LBB2_2:
0x49: {  	s1 =	sand.u32 $0x7800, s14;
	s15 =	sand.u32 $0x300, s12;
	s4 =	sadd.s32 $0x2, s4;
	[tilespmem:s0+$0xE0] =	vst v5;
	v5 =	vmin.f32 v6, $1.000000000e+00;
	v0 =	vmax.f32 v0, $0.0e+00;
	v6 =	vld [tilespmem:s0+$0x4D0]  }
0x4a: {  	s1 =	sor.u32 s15, s1;
	p0 =	slt.u32 s4, $0x7E;
	[tilespmem:s0+$0xF0] =	vst v5;
	v0 =	vmin.f32 v0, $1.000000000e+00;
	v1 =	vmax.f32 v1, $0.0e+00;
	v5 =	vld [tilespmem:s0+$0x4E0]  }
0x4b: {  	v7 =	vld [tilespmem:s1+$0x4F0];
	[tilespmem:s0+$0x480] =	vst v0;
	v0 =	vmin.f32 v1, $1.000000000e+00;
	v1 =	vmax.f32 v2, $0.0e+00  }
0x4c: {  	v2 =	vld [tilespmem:s1+$0x0];
	[tilespmem:s0+$0x490] =	vst v0;
	v0 =	vmin.f32 v1, $1.000000000e+00;
	v1 =	vmax.f32 v3, $0.0e+00  }
0x4d: {  	v3 =	vld [tilespmem:s1+$0x10];
	[tilespmem:s0+$0x4A0] =	vst v0;
	v0 =	vmin.f32 v1, $1.000000000e+00;
	v1 =	vmax.f32 v4, $0.0e+00  }
0x4e: {  	v4 =	vld [tilespmem:s1+$0x20];
	[tilespmem:s0+$0x4B0] =	vst v0;
	v0 =	vmin.f32 v1, $1.000000000e+00;
	v1 =	vmax.f32 v6, $0.0e+00  }
0x4f: {  	v6 =	vld [tilespmem:s1+$0x30];
	[tilespmem:s0+$0x4C0] =	vst v0;
	v0 =	vmin.f32 v1, $1.000000000e+00;
	v1 =	vmax.f32 v5, $0.0e+00  }
0x50: {  	v5 =	vld [tilespmem:s1+$0x40];
	v7 =	vmax.f32 v7, $0.0e+00;
	[tilespmem:s0+$0x4D0] =	vst v0;
	v0 =	vmin.f32 v1, $1.000000000e+00  }
0x51: {  	v1 =	vmax.f32 v2, $0.0e+00;
	v2 =	vld [tilespmem:s1+$0x50];
	v7 =	vmin.f32 v7, $1.000000000e+00;
	[tilespmem:s0+$0x4E0] =	vst v0;
	s0 =	smov.u32 s1  }
0x52: {  	s1 =	simm.s32 $0x0;
	v0 =	vmin.f32 v1, $1.000000000e+00;
	v1 =	vmax.f32 v3, $0.0e+00;
	v3 =	vld [tilespmem:s0+$0x60];
	[tilespmem:s0+$0x4F0] =	vst v7  }
0x53: {  	[tilespmem:s0+$0x0] =	vst v0;
	v0 =	vmin.f32 v1, $1.000000000e+00;
	v1 =	vmax.f32 v4, $0.0e+00;
	v4 =	vld [tilespmem:s0+$0x70]  }
0x54: {  	[tilespmem:s0+$0x10] =	vst v0;
	v0 =	vmin.f32 v1, $1.000000000e+00;
	v1 =	vmax.f32 v6, $0.0e+00;
	v6 =	vld [tilespmem:s0+$0x400]  }
0x55: {  	[tilespmem:s0+$0x20] =	vst v0;
	v0 =	vmin.f32 v1, $1.000000000e+00;
	v1 =	vmax.f32 v5, $0.0e+00;
	v5 =	vld [tilespmem:s0+$0x410]  }
0x56: {  	[tilespmem:s0+$0x30] =	vst v0;
	v0 =	vmin.f32 v1, $1.000000000e+00;
	v1 =	vmax.f32 v2, $0.0e+00;
	v2 =	vld [tilespmem:s0+$0x420]  }
0x57: {  	[tilespmem:s0+$0x40] =	vst v0;
	v0 =	vmin.f32 v1, $1.000000000e+00;
	v1 =	vmax.f32 v3, $0.0e+00;
	v3 =	vld [tilespmem:s0+$0x430]  }
0x58: {  	[tilespmem:s0+$0x50] =	vst v0;
	v0 =	vmin.f32 v1, $1.000000000e+00;
	v1 =	vmax.f32 v4, $0.0e+00;
	v4 =	vld [tilespmem:s0+$0x440]  }
0x59: {  	[tilespmem:s0+$0x60] =	vst v0;
	v0 =	vmin.f32 v1, $1.000000000e+00;
	v1 =	vmax.f32 v6, $0.0e+00;
	v6 =	vld [tilespmem:s0+$0x450]  }
0x5a: {  	[tilespmem:s0+$0x70] =	vst v0;
	v0 =	vmin.f32 v1, $1.000000000e+00;
	v1 =	vmax.f32 v5, $0.0e+00;
	v5 =	vld [tilespmem:s0+$0x460]  }
0x5b: {  	[tilespmem:s0+$0x400] =	vst v0;
	v0 =	vmin.f32 v1, $1.000000000e+00;
	v1 =	vmax.f32 v2, $0.0e+00;
	v2 =	vld [tilespmem:s0+$0x470]  }
0x5c: {  	[tilespmem:s0+$0x410] =	vst v0;
	v0 =	vmin.f32 v1, $1.000000000e+00;
	v1 =	vmax.f32 v3, $0.0e+00;
	v3 =	vld [tilespmem:s0+$0x80]  }
0x5d: {  	[tilespmem:s0+$0x420] =	vst v0;
	v0 =	vmin.f32 v1, $1.000000000e+00;
	v1 =	vmax.f32 v4, $0.0e+00;
	v4 =	vld [tilespmem:s0+$0x90]  }
0x5e: {  	[tilespmem:s0+$0x430] =	vst v0;
	v0 =	vmin.f32 v1, $1.000000000e+00;
	v1 =	vmax.f32 v6, $0.0e+00;
	v6 =	vld [tilespmem:s0+$0xA0]  }
0x5f: {  	[tilespmem:s0+$0x440] =	vst v0;
	v0 =	vmin.f32 v1, $1.000000000e+00;
	v1 =	vmax.f32 v5, $0.0e+00;
	v5 =	vld [tilespmem:s0+$0xB0]  }
0x60: {  	[tilespmem:s0+$0x450] =	vst v0;
	v0 =	vmin.f32 v1, $1.000000000e+00;
	v1 =	vmax.f32 v2, $0.0e+00;
	v2 =	vld [tilespmem:s0+$0xC0]  }
0x61: {  	[tilespmem:s0+$0x460] =	vst v0;
	v0 =	vmin.f32 v1, $1.000000000e+00;
	v1 =	vmax.f32 v3, $0.0e+00;
	v3 =	vld [tilespmem:s0+$0xD0]  }
0x62: {  	[tilespmem:s0+$0x470] =	vst v0;
	v0 =	vmin.f32 v1, $1.000000000e+00;
	v1 =	vmax.f32 v4, $0.0e+00;
	v4 =	vld [tilespmem:s0+$0xE0]  }
0x63: {  	[tilespmem:s0+$0x80] =	vst v0;
	v0 =	vmin.f32 v1, $1.000000000e+00;
	v1 =	vmax.f32 v6, $0.0e+00;
	v6 =	vld [tilespmem:s0+$0xF0]  }
.Ltmp0:
0x64: {  	[tilespmem:s0+$0x90] =	vst v0;
	v1 =	vmin.f32 v1, $1.000000000e+00;
	v5 =	vmax.f32 v5, $0.0e+00;
	v0 =	vld [tilespmem:s0+$0x480];
	(pc) =	sbr.rel @p0 .LBB2_2-.Ltmp0, $4  }
0x65: {  	[tilespmem:s0+$0xA0] =	vst v1;
	v5 =	vmin.f32 v5, $1.000000000e+00;
	v2 =	vmax.f32 v2, $0.0e+00;
	v1 =	vld [tilespmem:s0+$0x490]  }
0x66: {  	[tilespmem:s0+$0xB0] =	vst v5;
	v5 =	vmin.f32 v2, $1.000000000e+00;
	v3 =	vmax.f32 v3, $0.0e+00;
	v2 =	vld [tilespmem:s0+$0x4A0]  }
0x67: {  	[tilespmem:s0+$0xC0] =	vst v5;
	v5 =	vmin.f32 v3, $1.000000000e+00;
	v4 =	vmax.f32 v4, $0.0e+00;
	v3 =	vld [tilespmem:s0+$0x4B0]  }
0x68: {  	s12 =	sadd.s32 $0x100, s12;
	s14 =	sadd.s32 $0x200, s14;
	[tilespmem:s0+$0xD0] =	vst v5;
	v5 =	vmin.f32 v4, $1.000000000e+00;
	v6 =	vmax.f32 v6, $0.0e+00;
	v4 =	vld [tilespmem:s0+$0x4C0]  }
0x69: {  	[tilespmem:s0+$0xE0] =	vst v5;
	v5 =	vmin.f32 v6, $1.000000000e+00;
	v6 =	vld [tilespmem:s0+$0x4D0];
	v0 =	vmax.f32 v0, $0.0e+00  }
0x6a: {  	[tilespmem:s0+$0xF0] =	vst v5;
	v0 =	vmin.f32 v0, $1.000000000e+00;
	v1 =	vmax.f32 v1, $0.0e+00;
	v5 =	vld [tilespmem:s0+$0x4E0]  }
0x6b: {  	[tilespmem:s0+$0x480] =	vst v0;
	v0 =	vmin.f32 v1, $1.000000000e+00;
	v1 =	vmax.f32 v2, $0.0e+00  }
0x6c: {  	[tilespmem:s0+$0x490] =	vst v0;
	v0 =	vmin.f32 v1, $1.000000000e+00;
	v1 =	vmax.f32 v3, $0.0e+00  }
0x6d: {  	[tilespmem:s0+$0x4A0] =	vst v0;
	v0 =	vmin.f32 v1, $1.000000000e+00;
	v1 =	vmax.f32 v4, $0.0e+00  }
0x6e: {  	[tilespmem:s0+$0x4B0] =	vst v0;
	v0 =	vmin.f32 v1, $1.000000000e+00;
	v1 =	vmax.f32 v6, $0.0e+00  }
0x6f: {  	[tilespmem:s0+$0x4C0] =	vst v0;
	v0 =	vmin.f32 v1, $1.000000000e+00;
	v1 =	vmax.f32 v5, $0.0e+00  }
0x70: {  	s4 =	sand.u32 $0x70, s1;
	s12 =	sand.u32 $0x400, s1;
	[tilespmem:s0+$0x4D0] =	vst v0;
	v0 =	vmin.f32 v1, $1.000000000e+00  }
0x71: {  	s12 =	sor.u32 s4, s12;
	[tilespmem:s0+$0x4E0] =	vst v0  }
0x72: {  	v0 =	vld [tilespmem:s12+$0x8B80]  }
0x73: {  	v1 =	vld [tilespmem:s12+$0x8B00]  }
0x74: {  	v2 =	vld [tilespmem:s12+$0x8900]  }
0x75: {  	v5 =	vld [tilespmem:s12+$0x8980]  }
0x76: {  	v6 =	vld [tilespmem:s12+$0x8300]  }
0x77: {  	s30 =	sor.u32 s1, s1;
	v7 =	vld [tilespmem:s12+$0x8100]  }
0x78: {  	s15 =	sor.u32 $0x380, s30;
	v8 =	vld [tilespmem:s12+$0x8000]  }
0x79: {  	v10 =	vld [tilespmem:s15+$0x8000]  }
0x7a: {  	v13 =	vld [tilespmem:s12+$0x8180]  }
0x7b: {  	v18 =	vld [tilespmem:s12+$0x8080]  }
0x7c: {  	v11 =	vld [tilespmem:s12+$0x8A80]  }
0x7d: {  	v19 =	vld [tilespmem:s12+$0x8280]  }
0x7e: {  	v21 =	vld [tilespmem:s12+$0x8880]  }
0x7f: {  	s14 =	simm.s32 $0x10;
	s0 =	simm.s32 $0x80;
	v12 =	vld [tilespmem:s12+$0x8A00]  }
0x80: {  	s31 =	sand.u32 $0x70, s14;
	s16 =	sand.u32 $0x400, s0;
	v22 =	vld [tilespmem:s12+$0x8800]  }
0x81: {  	v24 =	vld [tilespmem:s12+$0x8200];
	s4 =	sor.u32 s31, s16  }
0x82: {  	v4 =	vld [tilespmem:s4+$0x8B80]  }
0x83: {  	v26 =	vld [tilespmem:s4+$0x8B00];
	v3 =	vsub.f32 v2, v7;
	v1 =	vsub.f32 v1, v6  }
0x84: {  	v30 =	vld [tilespmem:s4+$0x8900];
	v9 =	vsub.f32 v5, v13;
	v0 =	vsub.f32 v0, v10  }
0x85: {  	v20 =	vld [tilespmem:s4+$0x8980];
	v33 =	vsub.f32 v10, v13;
	v10 =	vsub.f32 v6, v7  }
0x86: {  	v5 =	vld [tilespmem:s4+$0x8300];
	v34 =	vsub.f32 v11, v19;
	v25 =	vsub.f32 v7, v8  }
0x87: {  	s14 =	sor.u32 s0, s14;
	v2 =	vld [tilespmem:s4+$0x8100];
	v7 =	vsub.f32 v12, v24;
	v12 =	vsub.f32 v18, v8  }
0x88: {  	s14 =	sor.u32 $0x380, s14;
	v6 =	vld [tilespmem:s4+$0x8000];
	v29 =	vsub.f32 v24, v8;
	v27 =	vsub.f32 v13, v18  }
0x89: {  	v11 =	vld [tilespmem:s14+$0x8000];
	v8 =	vsub.f32 v22, v8;
	v22 =	vsub.f32 v21, v18  }
0x8a: {  	v13 =	vsub.f32 v19, v18;
	v24 =	vld [tilespmem:s4+$0x8A80];
	v31 =	vsub.f32 v1, v3  }
0x8b: {  	v21 =	vld [tilespmem:s4+$0x8880];
	v23 =	vsub.f32 v0, v9;
	v28 =	vsub.f32 v10, v29  }
0x8c: {  	v0 =	vld [tilespmem:s4+$0x8180];
	v18 =	vsub.f32 v7, v8;
	v32 =	vsub.f32 v13, v29  }
0x8d: {  	v1 =	vld [tilespmem:s4+$0x8080];
	v19 =	vsub.f32 v30, v2;
	v7 =	vsub.f32 v26, v5  }
0x8e: {  	v10 =	vld [tilespmem:s4+$0x8280];
	v30 =	vsub.f32 v33, v13;
	v26 =	vsub.f32 v31, v18  }
0x8f: {  	s21 =	simm.s32 $0x20;
	s16 =	simm.s32 $0x100;
	[tilespmem:s12+$0x8300] =	vst v28;
	v13 =	vld [tilespmem:s4+$0x8A00];
	v31 =	vsub.f32 v34, v22;
	v7 =	vsub.f32 v7, v19  }
.LBB2_4:
0x90: {  	s19 =	sand.u32 $0x70, s21  }
0x91: {  	s20 =	sand.u32 $0x400, s16;
	s22 =	sor.u32 s16, s21;
	v33 =	vld [tilespmem:s4+$0x8800];
	v34 =	vsub.f32 v11, v0;
	v35 =	vsub.f32 v9, v22;
	[tilespmem:s12+$0x8280] =	vst v32;
	s23 =	smov.u32 s21  }
0x92: {  	v9 =	vsub.f32 v20, v0;
	v11 =	vsub.f32 v4, v11;
	s20 =	sor.u32 s19, s20;
	s22 =	sor.u32 $0x380, s22;
	s19 =	sadd.s32 $0x10, s21;
	v32 =	vld [tilespmem:s4+$0x8200];
	[tilespmem:s12+$0x8200] =	vst v29  }
0x93: {  	p0 =	sne.s32 s21, $0xF0;
	v20 =	vsub.f32 v23, v31;
	v31 =	vsub.f32 v31, v18;
	v4 =	vld [tilespmem:s20+$0x8B80];
	[tilespmem:s12+$0x8080] =	vst v12  }
0x94: {  	v37 =	vsub.f32 v3, v8;
	v3 =	vmov v19;
	v12 =	vsub.f32 v27, v25;
	v36 =	vld [tilespmem:s20+$0x8B00];
	[tilespmem:s12+$0x8100] =	vst v25  }
0x95: {  	v25 =	vsub.f32 v30, v28;
	v27 =	vsub.f32 v20, v26;
	v19 =	vld [tilespmem:s20+$0x8900]  }
0x96: {  	v28 =	vsub.f32 v5, v2;
	v30 =	vsub.f32 v35, v37;
	v20 =	vld [tilespmem:s20+$0x8980];
	[tilespmem:s12+$0x8180] =	vst v12  }
0x97: {  	v23 =	vsub.f32 v11, v9;
	v35 =	vsub.f32 v22, v8;
	v5 =	vld [tilespmem:s20+$0x8300];
	[tilespmem:s15+$0x8000] =	vst v25;
	s15 =	smov.u32 s14;
	s14 =	smov.u32 s22  }
0x98: {  	v38 =	vsub.f32 v24, v10;
	v25 =	vsub.f32 v2, v6;
	v2 =	vld [tilespmem:s20+$0x8100];
	[tilespmem:s12+$0x8B80] =	vst v27  }
0x99: {  	v12 =	vsub.f32 v1, v6;
	v13 =	vsub.f32 v13, v32;
	v39 =	vld [tilespmem:s20+$0x8000];
	[tilespmem:s12+$0x8B00] =	vst v26  }
0x9a: {  	v29 =	vsub.f32 v32, v6;
	v27 =	vsub.f32 v0, v1;
	v11 =	vld [tilespmem:s14+$0x8000];
	[tilespmem:s12+$0x8A80] =	vst v31  }
0x9b: {  	v22 =	vsub.f32 v21, v1;
	v33 =	vsub.f32 v33, v6;
	v0 =	vld [tilespmem:s20+$0x8180];
	[tilespmem:s12+$0x8A00] =	vst v18  }
.Ltmp1:
0x9c: {  	v26 =	vsub.f32 v10, v1;
	v28 =	vsub.f32 v28, v29;
	v1 =	vld [tilespmem:s20+$0x8080];
	[tilespmem:s12+$0x8800] =	vst v8;
	(pc) =	sbr.rel @p0 .LBB2_4-.Ltmp1, $4  }
0x9d: {  	v18 =	vsub.f32 v13, v33;
	v8 =	vmov v33;
	v24 =	vld [tilespmem:s20+$0x8A80];
	v19 =	vsub.f32 v19, v2;
	[tilespmem:s12+$0x8980] =	vst v30  }
0x9e: {  	v32 =	vsub.f32 v26, v29;
	v31 =	vsub.f32 v36, v5;
	v10 =	vld [tilespmem:s20+$0x8280];
	[tilespmem:s12+$0x8900] =	vst v37;
	v6 =	vmov v39  }
0x9f: {  	v30 =	vsub.f32 v34, v26;
	v26 =	vsub.f32 v7, v18;
	v21 =	vld [tilespmem:s20+$0x8880];
	[tilespmem:s12+$0x8880] =	vst v35;
	s12 =	smov.u32 s4;
	s4 =	smov.u32 s20  }
0xa0: {  	s16 =	sadd.s32 $0x80, s16;
	s21 =	smov.u32 s19;
	v7 =	vsub.f32 v31, v19;
	v31 =	vsub.f32 v38, v22;
	v13 =	vld [tilespmem:s4+$0x8A00];
	[tilespmem:s12+$0x8300] =	vst v28  }
0xa1: {  	[tilespmem:s12+$0x8280] =	vst v32  }
0xa2: {  	[tilespmem:s12+$0x8200] =	vst v29  }
0xa3: {  	[tilespmem:s12+$0x8080] =	vst v12;
	v12 =	vsub.f32 v27, v25  }
0xa4: {  	[tilespmem:s12+$0x8100] =	vst v25;
	v5 =	vsub.f32 v5, v2;
	v2 =	vsub.f32 v2, v6  }
0xa5: {  	v25 =	vsub.f32 v30, v28;
	[tilespmem:s12+$0x8180] =	vst v12  }
0xa6: {  	[tilespmem:s4+$0x8100] =	vst v2  }
0xa7: {  	v9 =	vsub.f32 v9, v22;
	v3 =	vsub.f32 v3, v8;
	[tilespmem:s15+$0x8000] =	vst v25  }
0xa8: {  	v20 =	vsub.f32 v20, v0;
	[tilespmem:s12+$0x8B00] =	vst v26  }
0xa9: {  	v23 =	vsub.f32 v23, v31;
	v12 =	vld [tilespmem:s4+$0x8200];
	v9 =	vsub.f32 v9, v3;
	[tilespmem:s12+$0x8A00] =	vst v18  }
0xaa: {  	v4 =	vsub.f32 v4, v11;
	v11 =	vsub.f32 v11, v0;
	[tilespmem:s12+$0x8800] =	vst v8  }
0xab: {  	v0 =	vsub.f32 v0, v1;
	v23 =	vsub.f32 v23, v26;
	[tilespmem:s12+$0x8980] =	vst v9  }
0xac: {  	v22 =	vsub.f32 v22, v8;
	[tilespmem:s12+$0x8900] =	vst v3  }
0xad: {  	v0 =	vsub.f32 v0, v2;
	[tilespmem:s12+$0x8B80] =	vst v23;
	v23 =	vld [tilespmem:s4+$0x8800]  }
0xae: {  	v25 =	vsub.f32 v31, v18;
	[tilespmem:s12+$0x8880] =	vst v22;
	v18 =	vsub.f32 v12, v6  }
0xaf: {  	v24 =	vsub.f32 v24, v10;
	v10 =	vsub.f32 v10, v1;
	[tilespmem:s4+$0x8180] =	vst v0  }
0xb0: {  	[tilespmem:s12+$0x8A80] =	vst v25;
	v8 =	vsub.f32 v13, v12;
	v5 =	vsub.f32 v5, v18  }
0xb1: {  	v12 =	vsub.f32 v10, v18;
	v10 =	vsub.f32 v11, v10;
	[tilespmem:s4+$0x8200] =	vst v18  }
0xb2: {  	v9 =	vsub.f32 v23, v6;
	v6 =	vsub.f32 v1, v6;
	[tilespmem:s4+$0x8300] =	vst v5  }
0xb3: {  	v3 =	vsub.f32 v21, v1;
	[tilespmem:s4+$0x8280] =	vst v12;
	v2 =	vsub.f32 v10, v5  }
0xb4: {  	v8 =	vsub.f32 v8, v9;
	[tilespmem:s4+$0x8080] =	vst v6  }
0xb5: {  	v4 =	vsub.f32 v4, v20;
	v1 =	vsub.f32 v24, v3;
	[tilespmem:s14+$0x8000] =	vst v2  }
0xb6: {  	v2 =	vsub.f32 v19, v9;
	[tilespmem:s4+$0x8A00] =	vst v8  }
0xb7: {  	v4 =	vsub.f32 v4, v1;
	v7 =	vsub.f32 v7, v8;
	[tilespmem:s4+$0x8800] =	vst v9  }
0xb8: {  	v0 =	vsub.f32 v1, v8;
	v1 =	vsub.f32 v20, v3;
	[tilespmem:s4+$0x8900] =	vst v2  }
0xb9: {  	v4 =	vsub.f32 v4, v7;
	[tilespmem:s4+$0x8B00] =	vst v7  }
0xba: {  	[tilespmem:s4+$0x8A80] =	vst v0;
	v0 =	vsub.f32 v1, v2  }
0xbb: {  	v1 =	vsub.f32 v3, v9;
	[tilespmem:s4+$0x8B80] =	vst v4  }
0xbc: {  	[tilespmem:s4+$0x8980] =	vst v0  }
0xbd: {  	s16 =	simm.s32 $0x9000;
	[tilespmem:s4+$0x8880] =	vst v1  }
0xbe: {  	v0 =	vld [tilespmem:s16+$0x0];
	_ =	sdelay $0x4  }
0xbf: {  	(v2sf) =	vpush v0, $0x0;
	_ =	sdelay $0x3  }
0xc0: {  	(v2sf) =	vpush v0, $0x1;
	_ =	sdelay $0x1  }
0xc1: {  	v1 =	vor.u32 s1, v14;
	_ =	sdelay $0x1  }
0xc2: {  	(v2sf) =	vpush v0, $0x2;
	_ =	sdelay $0x2  }
0xc3: {  	v1 =	vld.idx.msk [tilespmem:v1+s13+$0x0], $0xffff  }
0xc4: {  	(v2sf) =	vpush v0, $0x3;
	_ =	sdelay $0x2  }
0xc5: {  	v62 =	vimm.s32 $0x0;
	v21 =	vimm.s32 $0x1;
	s19 =	spop (v2sf)  }
0xc6: {  	v56 =	vperm.xlane v1, v62;
	v58 =	vperm.xlane v1, v21;
	s20 =	sshll.u32 s19, $0x8;
	s4 =	sshll.u32 s19, $0x7  }
0xc7: {  	v10 =	vmov v14;
	v31 =	vperm.xlane v1, v63;
	v14 =	vperm.xlane v1, v15;
	s12 =	sand.u32 $0xFFFFF800, s20;
	s4 =	sand.u32 $0x380, s4  }
0xc8: {  	v37 =	vimm.s32 $0x6;
	v23 =	vperm.xlane v1, v17;
	v17 =	vperm.xlane v1, v40;
	s16 =	sor.u32 s4, s12  }
0xc9: {  	v60 =	vperm.xlane v1, v43;
	v48 =	vperm.xlane v1, v37;
	s21 =	spop (v2sf);
	v0 =	vld [tilespmem:s16+$0x0]  }
0xca: {  	v30 =	vperm.xlane v1, v16;
	v25 =	vperm.xlane v1, v46;
	s22 =	sshll.u32 s21, $0x8;
	s4 =	sshll.u32 s21, $0x7  }
0xcb: {  	v29 =	vperm.xlane v1, v49;
	v49 =	vperm.xlane v1, v44;
	s12 =	sand.u32 $0xFFFFF800, s22;
	s4 =	sand.u32 $0x380, s4  }
0xcc: {  	v59 =	vperm.xlane v1, v45;
	v22 =	vperm.xlane v1, v47;
	s22 =	sor.u32 s4, s12  }
0xcd: {  	v55 =	vperm.xlane v1, v41;
	v54 =	vperm.xlane v1, v42;
	s23 =	spop (v2sf);
	v2 =	vld [tilespmem:s22+$0x0]  }
0xce: {  	s24 =	sshll.u32 s23, $0x8;
	s4 =	sshll.u32 s23, $0x7;
	v3 =	vmul.f32 v0, v49;
	v1 =	vmul.f32 v0, v17  }
0xcf: {  	s12 =	sand.u32 $0xFFFFF800, s24;
	s4 =	sand.u32 $0x380, s4;
	v4 =	vmul.f32 v0, v22;
	v5 =	vmul.f32 v0, v55  }
0xd0: {  	s20 =	sor.u32 s4, s12;
	v6 =	vmul.f32 v0, v30;
	v7 =	vmul.f32 v0, v54;
	v3 =	vadd.f32 v3, v29  }
0xd1: {  	s25 =	spop (v2sf);
	v8 =	vld [tilespmem:s20+$0x0];
	v9 =	vmul.f32 v0, v25;
	v0 =	vmul.f32 v0, v59;
	v5 =	vadd.f32 v5, v60  }
0xd2: {  	s26 =	sshll.u32 s25, $0x8;
	s4 =	sshll.u32 s25, $0x7;
	v4 =	vadd.f32 v4, v23;
	v7 =	vadd.f32 v7, v48;
	v3 =	vmul.f32 v3, v2  }
0xd3: {  	s12 =	sand.u32 $0xFFFFF800, s26;
	s4 =	sand.u32 $0x380, s4;
	v6 =	vadd.f32 v6, v58;
	v0 =	vadd.f32 v0, v14;
	v5 =	vmul.f32 v5, v2  }
0xd4: {  	s21 =	sor.u32 s4, s12;
	v7 =	vmul.f32 v7, v2;
	v3 =	vadd.f32 v3, v4;
	v4 =	vadd.f32 v9, v31  }
0xd5: {  	v1 =	vadd.f32 v1, v56;
	v0 =	vmul.f32 v0, v2;
	v9 =	vld [tilespmem:s21+$0x0]  }
0xd6: {  	v5 =	vadd.f32 v5, v6;
	v3 =	vmul.f32 v3, v8;
	v4 =	vadd.f32 v7, v4;
	_ =	sdelay $0x1  }
0xd7: {  	v0 =	vadd.f32 v0, v1;
	v2 =	vadd.f32 v3, v5;
	v3 =	vmul.f32 v4, v8;
	_ =	sdelay $0x1  }
0xd8: {  	v1 =	vmul.f32 v2, v9;
	v0 =	vadd.f32 v3, v0;
	_ =	sdelay $0x1  }
0xd9: {  	s5 =	sand.u32 $0x7800, s1;
	s12 =	sand.u32 $0x380, s1;
	v0 =	vadd.f32 v1, v0  }
0xda: {  	s19 =	sor.u32 s12, s5  }
0xdb: {  	[tilespmem:s19+$0x9480] =	vst v0  }
0xdc: {  	v0 =	vld [tilespmem:s16+$0x10];
	_ =	sdelay $0x3  }
0xdd: {  	v1 =	vld [tilespmem:s22+$0x10]  }
0xde: {  	v2 =	vmul.f32 v0, v49;
	v3 =	vmul.f32 v0, v17  }
0xdf: {  	v4 =	vmul.f32 v0, v22;
	v5 =	vmul.f32 v0, v55  }
0xe0: {  	v6 =	vmul.f32 v0, v30;
	v7 =	vmul.f32 v0, v54;
	v2 =	vadd.f32 v2, v29  }
0xe1: {  	v8 =	vld [tilespmem:s20+$0x10];
	v9 =	vmul.f32 v0, v25;
	v0 =	vmul.f32 v0, v59;
	v5 =	vadd.f32 v5, v60  }
0xe2: {  	v4 =	vadd.f32 v4, v23;
	v7 =	vadd.f32 v7, v48;
	v2 =	vmul.f32 v2, v1  }
0xe3: {  	v6 =	vadd.f32 v6, v58;
	v0 =	vadd.f32 v0, v14;
	v5 =	vmul.f32 v5, v1  }
0xe4: {  	v7 =	vmul.f32 v7, v1;
	v2 =	vadd.f32 v2, v4;
	v4 =	vadd.f32 v9, v31  }
0xe5: {  	v3 =	vadd.f32 v3, v56;
	v0 =	vmul.f32 v0, v1;
	v9 =	vld [tilespmem:s21+$0x10]  }
0xe6: {  	v5 =	vadd.f32 v5, v6;
	v2 =	vmul.f32 v2, v8;
	v1 =	vadd.f32 v7, v4;
	_ =	sdelay $0x1  }
0xe7: {  	v0 =	vadd.f32 v0, v3;
	v2 =	vadd.f32 v2, v5;
	v1 =	vmul.f32 v1, v8;
	_ =	sdelay $0x1  }
0xe8: {  	v2 =	vmul.f32 v2, v9;
	v0 =	vadd.f32 v1, v0;
	_ =	sdelay $0x1  }
0xe9: {  	v0 =	vadd.f32 v2, v0;
	_ =	sdelay $0x1  }
0xea: {  	[tilespmem:s19+$0x9490] =	vst v0  }
0xeb: {  	v0 =	vld [tilespmem:s16+$0x20];
	_ =	sdelay $0x3  }
0xec: {  	v1 =	vld [tilespmem:s22+$0x20]  }
0xed: {  	v2 =	vmul.f32 v0, v54;
	v3 =	vmul.f32 v0, v49  }
0xee: {  	v4 =	vmul.f32 v0, v25;
	v5 =	vmul.f32 v0, v22  }
0xef: {  	v6 =	vmul.f32 v0, v55;
	v8 =	vmul.f32 v0, v59;
	v3 =	vadd.f32 v3, v29  }
0xf0: {  	v7 =	vld [tilespmem:s20+$0x20];
	v9 =	vmul.f32 v0, v30;
	v0 =	vmul.f32 v0, v17;
	v2 =	vadd.f32 v2, v48  }
0xf1: {  	v5 =	vadd.f32 v5, v23;
	v6 =	vadd.f32 v6, v60;
	v3 =	vmul.f32 v3, v1  }
0xf2: {  	v4 =	vadd.f32 v4, v31;
	v8 =	vadd.f32 v8, v14;
	v2 =	vmul.f32 v2, v1  }
0xf3: {  	v3 =	vadd.f32 v3, v5;
	v5 =	vmul.f32 v6, v1;
	v6 =	vadd.f32 v9, v58  }
0xf4: {  	v0 =	vadd.f32 v0, v56;
	v2 =	vadd.f32 v2, v4;
	v4 =	vld [tilespmem:s21+$0x20]  }
0xf5: {  	v1 =	vmul.f32 v8, v1;
	v3 =	vmul.f32 v3, v7;
	v5 =	vadd.f32 v5, v6;
	_ =	sdelay $0x1  }
0xf6: {  	v2 =	vmul.f32 v2, v7;
	v0 =	vadd.f32 v1, v0;
	v1 =	vadd.f32 v3, v5;
	_ =	sdelay $0x1  }
0xf7: {  	v0 =	vadd.f32 v2, v0;
	v1 =	vmul.f32 v1, v4;
	_ =	sdelay $0x1  }
0xf8: {  	v0 =	vadd.f32 v1, v0;
	_ =	sdelay $0x1  }
0xf9: {  	[tilespmem:s19+$0x94A0] =	vst v0  }
0xfa: {  	v0 =	vld [tilespmem:s16+$0x30];
	_ =	sdelay $0x3  }
0xfb: {  	v1 =	vld [tilespmem:s22+$0x30]  }
0xfc: {  	v2 =	vmul.f32 v0, v30;
	v3 =	vmul.f32 v0, v49  }
0xfd: {  	v4 =	vmul.f32 v0, v25;
	v5 =	vmul.f32 v0, v22  }
0xfe: {  	v6 =	vmul.f32 v0, v55;
	v7 =	vmul.f32 v0, v54;
	v3 =	vadd.f32 v3, v29  }
0xff: {  	v9 =	vld [tilespmem:s20+$0x30];
	v8 =	vmul.f32 v0, v59;
	v2 =	vadd.f32 v2, v58;
	v5 =	vadd.f32 v5, v23  }
0x100: {  	v6 =	vadd.f32 v6, v60;
	v7 =	vadd.f32 v7, v48;
	v3 =	vmul.f32 v3, v1  }
0x101: {  	v0 =	vmul.f32 v0, v17;
	v4 =	vadd.f32 v4, v31;
	v8 =	vadd.f32 v8, v14  }
0x102: {  	v6 =	vmul.f32 v6, v1;
	v7 =	vmul.f32 v7, v1;
	v3 =	vadd.f32 v3, v5  }
0x103: {  	v0 =	vadd.f32 v0, v56;
	v1 =	vmul.f32 v8, v1;
	v5 =	vld [tilespmem:s21+$0x30]  }
0x104: {  	v2 =	vadd.f32 v6, v2;
	v4 =	vadd.f32 v7, v4;
	v3 =	vmul.f32 v3, v9;
	_ =	sdelay $0x1  }
0x105: {  	v0 =	vadd.f32 v1, v0;
	v1 =	vmul.f32 v4, v9;
	v2 =	vadd.f32 v3, v2;
	_ =	sdelay $0x1  }
0x106: {  	v0 =	vadd.f32 v1, v0;
	v1 =	vmul.f32 v2, v5;
	_ =	sdelay $0x1  }
0x107: {  	v0 =	vadd.f32 v1, v0;
	_ =	sdelay $0x1  }
0x108: {  	[tilespmem:s19+$0x94B0] =	vst v0  }
0x109: {  	v0 =	vld [tilespmem:s16+$0x40]  }
0x10a: {  	s15 =	simm.s32 $0x9004  }
0x10b: {  	v7 =	vld [tilespmem:s15+$0x0];
	_ =	sdelay $0x2  }
0x10c: {  	s14 =	simm.s32 $0x1;
	v1 =	vld [tilespmem:s22+$0x40];
	v2 =	vmul.f32 v0, v17  }
0x10d: {  	v4 =	vor.u32 s14, v10;
	v3 =	vmul.f32 v0, v49;
	v5 =	vmul.f32 v0, v30  }
0x10e: {  	(v2sf) =	vpush v7, $0x0;
	v6 =	vmul.f32 v0, v54;
	v8 =	vmul.f32 v0, v22  }
0x10f: {  	v19 =	vmovc v10;
	v9 =	vmul.f32 v0, v55;
	v10 =	vmul.f32 v0, v25;
	v3 =	vadd.f32 v3, v29  }
0x110: {  	v11 =	vld [tilespmem:s20+$0x40];
	v0 =	vmul.f32 v0, v59;
	v6 =	vadd.f32 v6, v48;
	v8 =	vadd.f32 v8, v23  }
0x111: {  	v9 =	vadd.f32 v9, v60;
	v10 =	vadd.f32 v10, v31;
	v3 =	vmul.f32 v3, v1  }
0x112: {  	v0 =	vadd.f32 v0, v14;
	v5 =	vadd.f32 v5, v58  }
0x113: {  	v6 =	vmul.f32 v6, v1;
	v9 =	vmul.f32 v9, v1;
	v3 =	vadd.f32 v3, v8  }
0x114: {  	v2 =	vadd.f32 v2, v56;
	v0 =	vmul.f32 v0, v1;
	v1 =	vld [tilespmem:s21+$0x40]  }
0x115: {  	v6 =	vadd.f32 v6, v10;
	v5 =	vadd.f32 v9, v5;
	v3 =	vmul.f32 v3, v11  }
0x116: {  	v4 =	vld.idx.msk [tilespmem:v4+s13+$0x0], $0xffff  }
0x117: {  	v0 =	vadd.f32 v0, v2;
	v2 =	vmul.f32 v6, v11;
	v3 =	vadd.f32 v3, v5  }
0x118: {  	(v2sf) =	vpush v7, $0x1  }
0x119: {  	v0 =	vadd.f32 v2, v0;
	v1 =	vmul.f32 v3, v1  }
0x11a: {  	v34 =	vimm.s32 $0x5;
	v13 =	vimm.s32 $0xF  }
0x11b: {  	v39 =	vperm.xlane v4, v62;
	v20 =	vperm.xlane v4, v21;
	v0 =	vadd.f32 v1, v0  }
0x11c: {  	v12 =	vimm.s32 $0x3;
	v53 =	vperm.xlane v4, v63;
	v36 =	vperm.xlane v4, v15  }
0x11d: {  	(v2sf) =	vpush v7, $0x2;
	v26 =	vperm.xlane v4, v12;
	v42 =	vperm.xlane v4, v40;
	[tilespmem:s19+$0x94C0] =	vst v0  }
0x11e: {  	v18 =	vimm.s32 $0x7;
	v28 =	vperm.xlane v4, v34;
	v24 =	vperm.xlane v4, v37;
	v0 =	vld [tilespmem:s16+$0x50]  }
0x11f: {  	(v2sf) =	vpush v7, $0x3;
	v57 =	vperm.xlane v4, v16;
	v61 =	vperm.xlane v4, v46  }
0x120: {  	v32 =	vperm.xlane v4, v18;
	v27 =	vperm.xlane v4, v45;
	v1 =	vimm.s32 $0xD  }
0x121: {  	v33 =	vperm.xlane v4, v47;
	s23 =	spop (v2sf);
	v44 =	vperm.xlane v4, v1;
	v1 =	vimm.s32 $0xE  }
0x122: {  	v45 =	vperm.xlane v4, v13;
	s24 =	sshll.u32 s23, $0x8;
	s1 =	sshll.u32 s23, $0x7;
	v41 =	vperm.xlane v4, v1;
	v1 =	vld [tilespmem:s22+$0x50]  }
0x123: {  	s4 =	sand.u32 $0xFFFFF800, s24;
	s1 =	sand.u32 $0x380, s1;
	v2 =	vmul.f32 v0, v30;
	v3 =	vmul.f32 v0, v49  }
0x124: {  	s24 =	sor.u32 s1, s4;
	v5 =	vmul.f32 v0, v25;
	v8 =	vmul.f32 v0, v54  }
0x125: {  	v11 =	vld [tilespmem:s24+$0x0];
	v6 =	vmul.f32 v0, v22;
	v7 =	vmul.f32 v0, v55;
	v3 =	vadd.f32 v3, v29  }
0x126: {  	v10 =	vld [tilespmem:s20+$0x50];
	v9 =	vmul.f32 v0, v59;
	v0 =	vmul.f32 v0, v17;
	v8 =	vadd.f32 v8, v48  }
0x127: {  	s25 =	spop (v2sf);
	v6 =	vadd.f32 v6, v23;
	v7 =	vadd.f32 v7, v60;
	v3 =	vmul.f32 v3, v1  }
0x128: {  	s26 =	sshll.u32 s25, $0x8;
	s1 =	sshll.u32 s25, $0x7;
	v5 =	vadd.f32 v5, v31;
	v9 =	vadd.f32 v9, v14;
	v8 =	vmul.f32 v8, v1  }
0x129: {  	s4 =	sand.u32 $0xFFFFF800, s26;
	s1 =	sand.u32 $0x380, s1;
	v2 =	vadd.f32 v2, v58;
	v7 =	vmul.f32 v7, v1;
	v3 =	vadd.f32 v3, v6  }
0x12a: {  	s26 =	sor.u32 s1, s4;
	v4 =	vld [tilespmem:s21+$0x50];
	v0 =	vadd.f32 v0, v56;
	v1 =	vmul.f32 v9, v1;
	v5 =	vadd.f32 v8, v5  }
0x12b: {  	v2 =	vadd.f32 v7, v2;
	v7 =	vmul.f32 v11, v45;
	v8 =	vld [tilespmem:s26+$0x0];
	v3 =	vmul.f32 v3, v10  }
0x12c: {  	s4 =	spop (v2sf);
	v0 =	vadd.f32 v1, v0;
	v1 =	vmul.f32 v5, v10  }
0x12d: {  	s5 =	sshll.u32 s4, $0x8;
	s1 =	sshll.u32 s4, $0x7;
	v5 =	vmul.f32 v11, v44;
	v7 =	vadd.f32 v7, v32;
	v2 =	vadd.f32 v3, v2  }
0x12e: {  	s4 =	sand.u32 $0xFFFFF800, s5;
	s1 =	sand.u32 $0x380, s1;
	v10 =	vmul.f32 v11, v27;
	v3 =	vmul.f32 v11, v33;
	v0 =	vadd.f32 v1, v0  }
0x12f: {  	s12 =	spop (v2sf);
	s23 =	sor.u32 s1, s4;
	v5 =	vadd.f32 v5, v28;
	v1 =	vmul.f32 v2, v4;
	v4 =	vmul.f32 v11, v41  }
0x130: {  	s14 =	sshll.u32 s12, $0x8;
	s1 =	sshll.u32 s12, $0x7;
	v9 =	vld [tilespmem:s23+$0x0];
	v7 =	vmul.f32 v7, v8;
	v2 =	vmul.f32 v11, v57;
	v3 =	vadd.f32 v3, v26  }
0x131: {  	s4 =	sand.u32 $0xFFFFF800, s14;
	s1 =	sand.u32 $0x380, s1;
	v0 =	vadd.f32 v1, v0;
	v1 =	vmul.f32 v11, v61;
	v4 =	vadd.f32 v4, v24  }
0x132: {  	s25 =	sor.u32 s1, s4;
	v2 =	vadd.f32 v2, v20;
	v3 =	vadd.f32 v7, v3  }
0x133: {  	v5 =	vmul.f32 v5, v8;
	[tilespmem:s19+$0x94D0] =	vst v0;
	v0 =	vadd.f32 v1, v53;
	v1 =	vadd.f32 v10, v36;
	v10 =	vld [tilespmem:s25+$0x0]  }
0x134: {  	v6 =	vmul.f32 v11, v42;
	v4 =	vmul.f32 v4, v8;
	v7 =	vld [tilespmem:s16+$0x60]  }
0x135: {  	v2 =	vadd.f32 v5, v2;
	v3 =	vmul.f32 v3, v9  }
0x136: {  	v0 =	vadd.f32 v4, v0;
	v4 =	vadd.f32 v6, v39;
	v1 =	vmul.f32 v1, v8  }
0x137: {  	v2 =	vadd.f32 v3, v2  }
0x138: {  	v0 =	vmul.f32 v0, v9;
	v1 =	vadd.f32 v1, v4  }
0x139: {  	v3 =	vld [tilespmem:s22+$0x60];
	v2 =	vmul.f32 v2, v10;
	v4 =	vmul.f32 v7, v49  }
0x13a: {  	v0 =	vadd.f32 v0, v1;
	v1 =	vmul.f32 v7, v30;
	v5 =	vmul.f32 v7, v22  }
0x13b: {  	v6 =	vmul.f32 v7, v55;
	v9 =	vmul.f32 v7, v54  }
0x13c: {  	s15 =	simm.s32 $0x100;
	v10 =	vmul.f32 v7, v59;
	v4 =	vadd.f32 v4, v29;
	v0 =	vadd.f32 v2, v0  }
0x13d: {  	s0 =	sand.u32 $0x380, s0;
	s1 =	sand.u32 $0x7800, s15;
	v8 =	vld [tilespmem:s20+$0x60];
	v2 =	vmul.f32 v7, v25;
	v6 =	vadd.f32 v6, v60;
	v9 =	vadd.f32 v9, v48  }
0x13e: {  	s28 =	sor.u32 s0, s1;
	v5 =	vadd.f32 v5, v23;
	v1 =	vadd.f32 v1, v58;
	v4 =	vmul.f32 v4, v3  }
0x13f: {  	[tilespmem:s28+$0x9480] =	vst v0;
	v0 =	vmul.f32 v6, v3;
	v2 =	vadd.f32 v2, v31;
	v9 =	vmul.f32 v9, v3  }
0x140: {  	v6 =	vld [tilespmem:s24+$0x10];
	v4 =	vadd.f32 v4, v5;
	v5 =	vmul.f32 v7, v17;
	v7 =	vadd.f32 v10, v14  }
0x141: {  	v10 =	vld [tilespmem:s21+$0x60];
	v0 =	vadd.f32 v0, v1;
	v2 =	vadd.f32 v9, v2  }
0x142: {  	v1 =	vmul.f32 v4, v8;
	v4 =	vadd.f32 v5, v56;
	v3 =	vmul.f32 v7, v3;
	_ =	sdelay $0x1  }
0x143: {  	v2 =	vmul.f32 v2, v8;
	v0 =	vadd.f32 v1, v0;
	v1 =	vadd.f32 v3, v4  }
0x144: {  	v3 =	vld [tilespmem:s26+$0x10]  }
0x145: {  	v4 =	vmul.f32 v6, v45;
	v0 =	vmul.f32 v0, v10;
	v1 =	vadd.f32 v2, v1  }
0x146: {  	v5 =	vmul.f32 v6, v33  }
0x147: {  	v7 =	vmul.f32 v6, v44;
	v4 =	vadd.f32 v4, v32;
	v0 =	vadd.f32 v0, v1  }
0x148: {  	v9 =	vld [tilespmem:s23+$0x10];
	v8 =	vmul.f32 v6, v41;
	v2 =	vmul.f32 v6, v42;
	v5 =	vadd.f32 v5, v26  }
0x149: {  	v7 =	vadd.f32 v7, v28;
	v1 =	vmul.f32 v6, v57;
	v4 =	vmul.f32 v4, v3;
	[tilespmem:s19+$0x94E0] =	vst v0  }
0x14a: {  	v8 =	vadd.f32 v8, v24;
	v0 =	vmul.f32 v6, v61;
	v6 =	vmul.f32 v6, v27;
	v10 =	vld [tilespmem:s16+$0x70]  }
0x14b: {  	v7 =	vmul.f32 v7, v3;
	v1 =	vadd.f32 v1, v20;
	v4 =	vadd.f32 v4, v5  }
0x14c: {  	v0 =	vadd.f32 v0, v53;
	v5 =	vadd.f32 v6, v36  }
0x14d: {  	v6 =	vmul.f32 v8, v3;
	v1 =	vadd.f32 v7, v1;
	v4 =	vmul.f32 v4, v9  }
0x14e: {  	v2 =	vadd.f32 v2, v39;
	v3 =	vmul.f32 v5, v3  }
0x14f: {  	v0 =	vadd.f32 v6, v0;
	v5 =	vld [tilespmem:s22+$0x70];
	v1 =	vadd.f32 v4, v1;
	v4 =	vmul.f32 v10, v17  }
0x150: {  	v6 =	vmul.f32 v10, v49;
	v2 =	vadd.f32 v3, v2;
	v3 =	vmul.f32 v10, v30  }
0x151: {  	v7 =	vmul.f32 v10, v55;
	v8 =	vmul.f32 v10, v54  }
0x152: {  	v11 =	vmul.f32 v10, v22;
	v12 =	vmul.f32 v10, v59;
	v6 =	vadd.f32 v6, v29  }
0x153: {  	v13 =	vld [tilespmem:s20+$0x70];
	v10 =	vmul.f32 v10, v25;
	v7 =	vadd.f32 v7, v60;
	v8 =	vadd.f32 v8, v48  }
0x154: {  	v50 =	vld [tilespmem:s25+$0x10];
	v11 =	vadd.f32 v11, v23;
	v12 =	vadd.f32 v12, v14;
	v6 =	vmul.f32 v6, v5  }
0x155: {  	v3 =	vadd.f32 v3, v58;
	v10 =	vadd.f32 v10, v31  }
0x156: {  	v7 =	vmul.f32 v7, v5;
	v8 =	vmul.f32 v8, v5;
	v6 =	vadd.f32 v6, v11  }
0x157: {  	v0 =	vmul.f32 v0, v9;
	v9 =	vld [tilespmem:s21+$0x70];
	v4 =	vadd.f32 v4, v56;
	v5 =	vmul.f32 v12, v5  }
0x158: {  	v3 =	vadd.f32 v7, v3;
	v7 =	vadd.f32 v8, v10;
	v6 =	vmul.f32 v6, v13  }
0x159: {  	v1 =	vmul.f32 v1, v50;
	v0 =	vadd.f32 v0, v2  }
0x15a: {  	v2 =	vadd.f32 v5, v4;
	v4 =	vmul.f32 v7, v13;
	v3 =	vadd.f32 v6, v3;
	_ =	sdelay $0x1  }
0x15b: {  	v0 =	vadd.f32 v1, v0;
	v1 =	vadd.f32 v4, v2;
	v2 =	vmul.f32 v3, v9;
	_ =	sdelay $0x1  }
0x15c: {  	[tilespmem:s28+$0x9490] =	vst v0;
	v0 =	vadd.f32 v2, v1  }
0x15d: {  	v1 =	vld [tilespmem:s24+$0x20]  }
0x15e: {  	[tilespmem:s19+$0x94F0] =	vst v0  }
0x15f: {  	v0 =	vld [tilespmem:s16+$0x400];
	_ =	sdelay $0x2  }
0x160: {  	v2 =	vmul.f32 v1, v41  }
0x161: {  	v5 =	vld [tilespmem:s22+$0x400];
	v3 =	vmul.f32 v1, v45;
	v4 =	vmul.f32 v1, v61  }
0x162: {  	v6 =	vmul.f32 v0, v30;
	v7 =	vmul.f32 v0, v49  }
0x163: {  	v8 =	vmul.f32 v0, v25;
	v9 =	vmul.f32 v0, v22  }
0x164: {  	v10 =	vmul.f32 v0, v55;
	v11 =	vmul.f32 v0, v54;
	v7 =	vadd.f32 v7, v29  }
0x165: {  	v12 =	vld [tilespmem:s20+$0x400];
	v13 =	vmul.f32 v0, v59;
	v6 =	vadd.f32 v6, v58;
	v9 =	vadd.f32 v9, v23  }
0x166: {  	v38 =	vld [tilespmem:s26+$0x20];
	v10 =	vadd.f32 v10, v60;
	v11 =	vadd.f32 v11, v48;
	v7 =	vmul.f32 v7, v5  }
0x167: {  	v0 =	vmul.f32 v0, v17;
	v8 =	vadd.f32 v8, v31;
	v13 =	vadd.f32 v13, v14  }
0x168: {  	v10 =	vmul.f32 v10, v5;
	v11 =	vmul.f32 v11, v5;
	v7 =	vadd.f32 v7, v9  }
0x169: {  	v2 =	vadd.f32 v2, v24;
	v0 =	vadd.f32 v0, v56;
	v5 =	vmul.f32 v13, v5;
	v9 =	vld [tilespmem:s21+$0x400]  }
0x16a: {  	v6 =	vadd.f32 v10, v6;
	v8 =	vadd.f32 v11, v8;
	v7 =	vmul.f32 v7, v12  }
0x16b: {  	v3 =	vadd.f32 v3, v32;
	v2 =	vmul.f32 v2, v38;
	v10 =	vmul.f32 v1, v33  }
0x16c: {  	v0 =	vadd.f32 v5, v0;
	v5 =	vmul.f32 v8, v12;
	v6 =	vadd.f32 v7, v6  }
0x16d: {  	v4 =	vadd.f32 v4, v53;
	v3 =	vmul.f32 v3, v38;
	v11 =	vld [tilespmem:s23+$0x20];
	v8 =	vmul.f32 v1, v44  }
0x16e: {  	v10 =	vadd.f32 v10, v26;
	v0 =	vadd.f32 v5, v0;
	v5 =	vmul.f32 v6, v9  }
0x16f: {  	v7 =	vmul.f32 v1, v27;
	v6 =	vadd.f32 v8, v28;
	v8 =	vmul.f32 v1, v57  }
0x170: {  	v3 =	vadd.f32 v3, v10;
	v1 =	vmul.f32 v1, v42;
	v0 =	vadd.f32 v5, v0  }
0x171: {  	v7 =	vadd.f32 v7, v36;
	v5 =	vmul.f32 v6, v38;
	v6 =	vadd.f32 v8, v20  }
0x172: {  	v2 =	vadd.f32 v2, v4;
	v4 =	vld [tilespmem:s25+$0x20];
	v3 =	vmul.f32 v3, v11;
	[tilespmem:s19+$0x9880] =	vst v0  }
0x173: {  	v1 =	vadd.f32 v1, v39;
	v0 =	vmul.f32 v7, v38;
	v5 =	vadd.f32 v5, v6;
	v6 =	vld [tilespmem:s16+$0x410];
	_ =	sdelay $0x1  }
0x174: {  	v2 =	vmul.f32 v2, v11;
	v0 =	vadd.f32 v0, v1;
	v1 =	vadd.f32 v3, v5;
	_ =	sdelay $0x1  }
0x175: {  	v0 =	vadd.f32 v2, v0;
	v1 =	vmul.f32 v1, v4;
	v2 =	vld [tilespmem:s22+$0x410]  }
0x176: {  	v3 =	vmul.f32 v6, v30;
	v4 =	vmul.f32 v6, v49  }
0x177: {  	v0 =	vadd.f32 v1, v0;
	v1 =	vmul.f32 v6, v25;
	v5 =	vmul.f32 v6, v22  }
0x178: {  	v7 =	vmul.f32 v6, v55;
	v8 =	vmul.f32 v6, v54;
	v4 =	vadd.f32 v4, v29  }
0x179: {  	v9 =	vld [tilespmem:s20+$0x410];
	v10 =	vmul.f32 v6, v59;
	v3 =	vadd.f32 v3, v58;
	v5 =	vadd.f32 v5, v23  }
0x17a: {  	v7 =	vadd.f32 v7, v60;
	v8 =	vadd.f32 v8, v48;
	v4 =	vmul.f32 v4, v2  }
0x17b: {  	v6 =	vmul.f32 v6, v17;
	v1 =	vadd.f32 v1, v31;
	v10 =	vadd.f32 v10, v14  }
0x17c: {  	v7 =	vmul.f32 v7, v2;
	v8 =	vmul.f32 v8, v2;
	v4 =	vadd.f32 v4, v5  }
0x17d: {  	[tilespmem:s28+$0x94A0] =	vst v0;
	v0 =	vld [tilespmem:s21+$0x410];
	v5 =	vadd.f32 v6, v56;
	v6 =	vmul.f32 v10, v2  }
0x17e: {  	v10 =	vld [tilespmem:s24+$0x30];
	v3 =	vadd.f32 v7, v3;
	v1 =	vadd.f32 v8, v1;
	v4 =	vmul.f32 v4, v9;
	_ =	sdelay $0x1  }
0x17f: {  	v5 =	vadd.f32 v6, v5;
	v1 =	vmul.f32 v1, v9;
	v3 =	vadd.f32 v4, v3;
	_ =	sdelay $0x1  }
0x180: {  	v4 =	vld [tilespmem:s26+$0x30];
	v1 =	vadd.f32 v1, v5;
	v0 =	vmul.f32 v3, v0  }
0x181: {  	v35 =	vimm.s32 $0x3;
	v5 =	vmul.f32 v10, v45;
	v6 =	vmul.f32 v10, v41  }
0x182: {  	v7 =	vmul.f32 v10, v61;
	v8 =	vmul.f32 v10, v27;
	v0 =	vadd.f32 v0, v1  }
0x183: {  	s1 =	simm.s32 $0x2;
	v5 =	vadd.f32 v5, v32;
	v6 =	vadd.f32 v6, v24;
	v1 =	vmul.f32 v10, v33  }
0x184: {  	v11 =	vld [tilespmem:s23+$0x30];
	v9 =	vmul.f32 v10, v44;
	v3 =	vor.u32 s1, v19;
	v7 =	vadd.f32 v7, v53;
	[tilespmem:s19+$0x9890] =	vst v0  }
0x185: {  	v0 =	vadd.f32 v1, v26;
	v1 =	vmul.f32 v5, v4;
	v5 =	vmul.f32 v6, v4;
	v6 =	vld [tilespmem:s16+$0x420]  }
0x186: {  	v12 =	vmul.f32 v10, v57;
	v9 =	vadd.f32 v9, v28;
	v8 =	vadd.f32 v8, v36  }
0x187: {  	s12 =	simm.s32 $0x9008;
	v10 =	vmul.f32 v10, v42;
	v0 =	vadd.f32 v1, v0;
	v1 =	vadd.f32 v5, v7  }
0x188: {  	v38 =	vld [tilespmem:s12+$0x0];
	v5 =	vadd.f32 v12, v20;
	v7 =	vmul.f32 v9, v4;
	v4 =	vmul.f32 v8, v4  }
0x189: {  	v3 =	vld.idx.msk [tilespmem:v3+s13+$0x0], $0xffff;
	v8 =	vadd.f32 v10, v39;
	v0 =	vmul.f32 v0, v11;
	v1 =	vmul.f32 v1, v11  }
0x18a: {  	v5 =	vadd.f32 v7, v5;
	v7 =	vmul.f32 v6, v30;
	v10 =	vmul.f32 v6, v49  }
0x18b: {  	v4 =	vadd.f32 v4, v8;
	v8 =	vmul.f32 v6, v25;
	v11 =	vmul.f32 v6, v22  }
0x18c: {  	v18 =	vimm.s32 $0xF;
	v9 =	vld [tilespmem:s22+$0x420];
	v12 =	vmul.f32 v6, v55;
	v13 =	vmul.f32 v6, v54  }
0x18d: {  	(v2sf) =	vpush v38, $0x0;
	v51 =	vmul.f32 v6, v59;
	v6 =	vmul.f32 v6, v17  }
0x18e: {  	v2 =	vmovc v27;
	v0 =	vadd.f32 v0, v5;
	v1 =	vadd.f32 v1, v4;
	v27 =	vperm.xlane v3, v62  }
0x18f: {  	v52 =	vld [tilespmem:s25+$0x30];
	v19 =	vperm.xlane v3, v21;
	v21 =	vperm.xlane v3, v35;
	v10 =	vadd.f32 v10, v29  }
0x190: {  	v43 =	vld [tilespmem:s20+$0x420];
	v50 =	vperm.xlane v3, v34;
	v7 =	vadd.f32 v7, v58;
	v11 =	vadd.f32 v11, v23  }
0x191: {  	v12 =	vadd.f32 v12, v60;
	v13 =	vadd.f32 v13, v48;
	v10 =	vmul.f32 v10, v9  }
0x192: {  	v62 =	vperm.xlane v3, v46;
	v8 =	vadd.f32 v8, v31;
	v51 =	vadd.f32 v51, v14  }
0x193: {  	v12 =	vmul.f32 v12, v9;
	v13 =	vmul.f32 v13, v9;
	v10 =	vadd.f32 v10, v11  }
0x194: {  	v5 =	vld [tilespmem:s21+$0x420];
	v6 =	vadd.f32 v6, v56;
	v0 =	vmul.f32 v0, v52;
	v9 =	vmul.f32 v51, v9  }
0x195: {  	v7 =	vadd.f32 v12, v7;
	v8 =	vadd.f32 v13, v8;
	v10 =	vmul.f32 v10, v43  }
0x196: {  	v35 =	vperm.xlane v3, v47;
	v18 =	vperm.xlane v3, v18;
	v1 =	vadd.f32 v0, v1  }
0x197: {  	v4 =	vadd.f32 v9, v6;
	v6 =	vmul.f32 v8, v43;
	v7 =	vadd.f32 v10, v7  }
0x198: {  	v52 =	vperm.xlane v3, v15;
	v0 =	vperm.xlane v3, v37;
	[tilespmem:s28+$0x94B0] =	vst v1  }
0x199: {  	v1 =	vimm.s32 $0x7;
	v4 =	vadd.f32 v6, v4;
	v6 =	vld [tilespmem:s24+$0x40];
	v5 =	vmul.f32 v7, v5  }
0x19a: {  	v37 =	vperm.xlane v3, v16;
	v51 =	vperm.xlane v3, v1;
	v1 =	vimm.s32 $0xC  }
0x19b: {  	v43 =	vperm.xlane v3, v63;
	v63 =	vperm.xlane v3, v40;
	v4 =	vadd.f32 v5, v4  }
0x19c: {  	v1 =	vperm.xlane v3, v1;
	v7 =	vimm.s32 $0xE;
	v5 =	vimm.s32 $0xD  }
0x19d: {  	v15 =	vperm.xlane v3, v7;
	v16 =	vperm.xlane v3, v5;
	v5 =	vld [tilespmem:s26+$0x40];
	[tilespmem:s19+$0x98A0] =	vst v4  }
0x19e: {  	v7 =	vmul.f32 v6, v41;
	v3 =	vmul.f32 v6, v45;
	v4 =	vld [tilespmem:s16+$0x430]  }
0x19f: {  	v8 =	vmul.f32 v6, v2  }
0x1a0: {  	v9 =	vmul.f32 v6, v44;
	v7 =	vadd.f32 v7, v24;
	v3 =	vadd.f32 v3, v32  }
0x1a1: {  	v11 =	vmul.f32 v6, v33;
	v8 =	vadd.f32 v8, v36  }
0x1a2: {  	v34 =	vmovc v2;
	v10 =	vld [tilespmem:s22+$0x430];
	v9 =	vadd.f32 v9, v28;
	v40 =	vmul.f32 v7, v5;
	v2 =	vmul.f32 v3, v5  }
0x1a3: {  	s4 =	spop (v2sf);
	v11 =	vadd.f32 v11, v26;
	v46 =	vmul.f32 v8, v5;
	v12 =	vmul.f32 v4, v49  }
0x1a4: {  	(v2sf) =	vpush v38, $0x1;
	s5 =	sshll.u32 s4, $0x8;
	s0 =	sshll.u32 s4, $0x7;
	v3 =	vmul.f32 v9, v5;
	v9 =	vmul.f32 v4, v54  }
0x1a5: {  	s1 =	sand.u32 $0xFFFFF800, s5;
	s0 =	sand.u32 $0x380, s0;
	v13 =	vmul.f32 v4, v22;
	v2 =	vadd.f32 v2, v11;
	v12 =	vadd.f32 v12, v29  }
0x1a6: {  	s29 =	sor.u32 s0, s1;
	[tilespmem:$0x1FED0] =	vst v3;
	v5 =	vmul.f32 v4, v59;
	v7 =	vmul.f32 v4, v25;
	v9 =	vadd.f32 v9, v48  }
0x1a7: {  	v11 =	vmul.f32 v4, v55;
	v3 =	vld [tilespmem:s29+$0x0];
	v13 =	vadd.f32 v13, v23;
	[tilespmem:$0x1FEE0] =	vst v2;
	v12 =	vmul.f32 v12, v10  }
0x1a8: {  	v5 =	vadd.f32 v5, v14;
	v7 =	vadd.f32 v7, v31;
	v2 =	vld [tilespmem:s20+$0x430];
	v9 =	vmul.f32 v9, v10  }
0x1a9: {  	v12 =	vadd.f32 v12, v13;
	v13 =	vmul.f32 v4, v30;
	v4 =	vmul.f32 v4, v17  }
0x1aa: {  	v11 =	vadd.f32 v11, v60  }
0x1ab: {  	v5 =	vmul.f32 v5, v10;
	v7 =	vadd.f32 v9, v7;
	v4 =	vadd.f32 v4, v56  }
0x1ac: {  	v11 =	vmul.f32 v11, v10;
	v10 =	vmul.f32 v3, v62  }
0x1ad: {  	v8 =	vld [tilespmem:s23+$0x40];
	v12 =	vmul.f32 v12, v2;
	v2 =	vmul.f32 v7, v2;
	v4 =	vadd.f32 v5, v4  }
0x1ae: {  	v9 =	vld [tilespmem:s21+$0x430]  }
0x1af: {  	[tilespmem:$0x1FEF0] =	vst v10;
	v10 =	vadd.f32 v2, v4;
	v2 =	vld [tilespmem:$0x1FED0]  }
0x1b0: {  	v5 =	vmul.f32 v6, v57;
	_ =	sdelay $0x1  }
0x1b1: {  	v13 =	vadd.f32 v13, v58;
	v5 =	vadd.f32 v5, v20;
	_ =	sdelay $0x1  }
0x1b2: {  	v11 =	vadd.f32 v11, v13;
	v5 =	vadd.f32 v2, v5;
	v2 =	vld [tilespmem:$0x1FEE0]  }
0x1b3: {  	s14 =	spop (v2sf);
	v13 =	vmul.f32 v6, v61  }
0x1b4: {  	s15 =	sshll.u32 s14, $0x8;
	s0 =	sshll.u32 s14, $0x7;
	v11 =	vadd.f32 v12, v11  }
0x1b5: {  	s1 =	sand.u32 $0xFFFFF800, s15;
	s0 =	sand.u32 $0x380, s0;
	v6 =	vmul.f32 v6, v42;
	v7 =	vadd.f32 v13, v53  }
0x1b6: {  	s30 =	sor.u32 s0, s1;
	v9 =	vmul.f32 v11, v9;
	v11 =	vld [tilespmem:s25+$0x40]  }
0x1b7: {  	v6 =	vadd.f32 v6, v39;
	v7 =	vadd.f32 v40, v7;
	v13 =	vmul.f32 v2, v8;
	v2 =	vld [tilespmem:s30+$0x0]  }
0x1b8: {  	v4 =	vmul.f32 v3, v18  }
0x1b9: {  	v6 =	vadd.f32 v46, v6;
	v9 =	vadd.f32 v9, v10;
	v7 =	vmul.f32 v7, v8  }
0x1ba: {  	v12 =	vmul.f32 v3, v35;
	v4 =	vadd.f32 v4, v51;
	v5 =	vadd.f32 v13, v5  }
0x1bb: {  	(v2sf) =	vpush v38, $0x2;
	[tilespmem:s19+$0x98B0] =	vst v9;
	v6 =	vadd.f32 v7, v6  }
0x1bc: {  	v7 =	vld [tilespmem:s16+$0x440];
	v5 =	vmul.f32 v5, v11;
	v11 =	vadd.f32 v12, v21;
	v4 =	vmul.f32 v4, v2;
	_ =	sdelay $0x1  }
0x1bd: {  	v8 =	vmul.f32 v3, v16;
	v4 =	vadd.f32 v4, v11  }
0x1be: {  	(v2sf) =	vpush v38, $0x3;
	v9 =	vmul.f32 v3, v1  }
0x1bf: {  	v47 =	vmul.f32 v3, v37;
	v10 =	vmul.f32 v3, v15;
	v8 =	vadd.f32 v8, v50;
	[tilespmem:$0x1FF00] =	vst v4;
	v4 =	vld [tilespmem:$0x1FEF0]  }
0x1c0: {  	v9 =	vadd.f32 v9, v52;
	v13 =	vmul.f32 v7, v55;
	v5 =	vadd.f32 v5, v6  }
0x1c1: {  	v8 =	vmul.f32 v8, v2;
	v6 =	vadd.f32 v10, v0;
	v10 =	vadd.f32 v47, v19  }
0x1c2: {  	v3 =	vmul.f32 v3, v63;
	v13 =	vadd.f32 v13, v60;
	v38 =	vmul.f32 v9, v2  }
0x1c3: {  	v9 =	vmul.f32 v7, v49;
	v46 =	vadd.f32 v8, v10;
	v10 =	vmul.f32 v7, v22;
	v12 =	vld [tilespmem:s22+$0x440]  }
0x1c4: {  	v6 =	vmul.f32 v6, v2;
	v8 =	vmul.f32 v7, v30;
	v11 =	vadd.f32 v4, v43  }
0x1c5: {  	v9 =	vadd.f32 v9, v29;
	v2 =	vmul.f32 v7, v54;
	[tilespmem:s28+$0x94C0] =	vst v5;
	v10 =	vadd.f32 v10, v23  }
0x1c6: {  	v5 =	vmul.f32 v7, v25;
	v8 =	vadd.f32 v8, v58;
	v47 =	vadd.f32 v6, v11;
	v11 =	vld [tilespmem:s24+$0x50]  }
0x1c7: {  	v4 =	vmul.f32 v7, v59;
	v7 =	vmul.f32 v7, v17;
	v6 =	vadd.f32 v2, v48;
	v2 =	vld [tilespmem:s20+$0x440]  }
0x1c8: {  	v5 =	vadd.f32 v5, v31;
	v9 =	vmul.f32 v9, v12;
	v13 =	vmul.f32 v13, v12  }
0x1c9: {  	v4 =	vadd.f32 v4, v14;
	v7 =	vadd.f32 v7, v56;
	v6 =	vmul.f32 v6, v12  }
0x1ca: {  	s4 =	spop (v2sf);
	v9 =	vadd.f32 v9, v10;
	v10 =	vld [tilespmem:s26+$0x50];
	[tilespmem:$0x1FF10] =	vst v3;
	v8 =	vadd.f32 v13, v8  }
0x1cb: {  	s5 =	sshll.u32 s4, $0x8;
	s0 =	sshll.u32 s4, $0x7;
	v4 =	vmul.f32 v4, v12;
	v13 =	vld [tilespmem:s21+$0x440];
	v5 =	vadd.f32 v6, v5;
	v12 =	vmul.f32 v11, v45  }
0x1cc: {  	s1 =	sand.u32 $0xFFFFF800, s5;
	s0 =	sand.u32 $0x380, s0;
	v9 =	vmul.f32 v9, v2  }
0x1cd: {  	s31 =	sor.u32 s0, s1;
	v4 =	vadd.f32 v4, v7;
	v2 =	vmul.f32 v5, v2;
	v12 =	vadd.f32 v12, v32  }
0x1ce: {  	v6 =	vmul.f32 v11, v33;
	v8 =	vadd.f32 v9, v8;
	v9 =	vld [tilespmem:s31+$0x0]  }
0x1cf: {  	v3 =	vadd.f32 v2, v4;
	v2 =	vmul.f32 v11, v42;
	v4 =	vld [tilespmem:$0x1FF00];
	v7 =	vmul.f32 v12, v10  }
0x1d0: {  	v12 =	vmul.f32 v11, v41;
	v8 =	vmul.f32 v8, v13  }
0x1d1: {  	v6 =	vadd.f32 v6, v26  }
0x1d2: {  	v5 =	vmul.f32 v11, v44;
	[tilespmem:$0x1FF20] =	vst v2;
	v12 =	vadd.f32 v12, v24;
	v3 =	vadd.f32 v8, v3  }
0x1d3: {  	v40 =	vmovc v42;
	v2 =	vmul.f32 v11, v57;
	v42 =	vadd.f32 v7, v6;
	v7 =	vmul.f32 v11, v34;
	v13 =	vld [tilespmem:s23+$0x50]  }
0x1d4: {  	s14 =	spop (v2sf);
	v5 =	vadd.f32 v5, v28;
	v8 =	vmul.f32 v12, v10;
	v12 =	vmul.f32 v4, v9;
	v4 =	vld [tilespmem:$0x1FF10];
	[tilespmem:s19+$0x98C0] =	vst v3  }
0x1d5: {  	s15 =	sshll.u32 s14, $0x8;
	s0 =	sshll.u32 s14, $0x7;
	v11 =	vmul.f32 v11, v61;
	v3 =	vld [tilespmem:$0x1FF20]  }
0x1d6: {  	s1 =	sand.u32 $0xFFFFF800, s15;
	s0 =	sand.u32 $0x380, s0;
	v5 =	vmul.f32 v5, v10;
	v2 =	vadd.f32 v2, v20;
	v7 =	vadd.f32 v7, v36  }
0x1d7: {  	s1 =	sor.u32 s0, s1;
	v6 =	vld [tilespmem:s25+$0x50];
	v11 =	vadd.f32 v11, v53  }
0x1d8: {  	v2 =	vadd.f32 v5, v2;
	v7 =	vmul.f32 v7, v10;
	v10 =	vld [tilespmem:s1+$0x0]  }
0x1d9: {  	v5 =	vadd.f32 v8, v11;
	v11 =	vld [tilespmem:s16+$0x450];
	v4 =	vadd.f32 v4, v27  }
0x1da: {  	v8 =	vmul.f32 v42, v13;
	v3 =	vadd.f32 v3, v39  }
0x1db: {  	v9 =	vmul.f32 v47, v9;
	v12 =	vadd.f32 v12, v46;
	v4 =	vadd.f32 v38, v4  }
0x1dc: {  	v5 =	vmul.f32 v5, v13;
	v2 =	vadd.f32 v8, v2;
	v3 =	vadd.f32 v7, v3  }
0x1dd: {  	v7 =	vmul.f32 v12, v10;
	v4 =	vadd.f32 v9, v4  }
0x1de: {  	v2 =	vmul.f32 v2, v6;
	v6 =	vmul.f32 v11, v30;
	v3 =	vadd.f32 v5, v3;
	v5 =	vld [tilespmem:s22+$0x450]  }
0x1df: {  	s14 =	simm.s32 $0x100;
	s15 =	simm.s32 $0x200;
	v8 =	vmul.f32 v11, v22;
	v4 =	vadd.f32 v7, v4;
	v7 =	vmul.f32 v11, v49  }
0x1e0: {  	s4 =	sand.u32 $0x7800, s15;
	s5 =	sand.u32 $0x380, s14;
	v10 =	vmul.f32 v11, v54;
	v12 =	vmul.f32 v11, v59  }
0x1e1: {  	s0 =	sor.u32 s5, s4;
	v9 =	vmul.f32 v11, v55;
	v6 =	vadd.f32 v6, v58;
	v7 =	vadd.f32 v7, v29  }
0x1e2: {  	v8 =	vadd.f32 v8, v23;
	v2 =	vadd.f32 v2, v3;
	v3 =	vmul.f32 v11, v25;
	[tilespmem:s0+$0x9480] =	vst v4;
	v4 =	vld [tilespmem:s20+$0x450]  }
0x1e3: {  	v10 =	vadd.f32 v10, v48;
	v9 =	vadd.f32 v9, v60;
	v13 =	vld [tilespmem:s29+$0x10];
	v7 =	vmul.f32 v7, v5  }
0x1e4: {  	[tilespmem:s28+$0x94D0] =	vst v2;
	v2 =	vmul.f32 v11, v17;
	v3 =	vadd.f32 v3, v31;
	v11 =	vadd.f32 v12, v14  }
0x1e5: {  	v12 =	vld [tilespmem:s24+$0x60];
	v9 =	vmul.f32 v9, v5;
	v10 =	vmul.f32 v10, v5;
	v7 =	vadd.f32 v7, v8  }
0x1e6: {  	v2 =	vadd.f32 v2, v56;
	v5 =	vmul.f32 v11, v5  }
0x1e7: {  	v8 =	vld [tilespmem:s21+$0x450];
	v6 =	vadd.f32 v9, v6;
	v3 =	vadd.f32 v10, v3;
	v7 =	vmul.f32 v7, v4  }
0x1e8: {  	[tilespmem:$0x1FF30] =	vst v37;
	v2 =	vadd.f32 v5, v2;
	v9 =	vmul.f32 v13, v37  }
0x1e9: {  	[tilespmem:$0x1FF40] =	vst v19;
	v3 =	vmul.f32 v3, v4;
	v4 =	vadd.f32 v7, v6;
	v6 =	vmul.f32 v13, v35  }
0x1ea: {  	v47 =	vmov v32;
	v10 =	vmul.f32 v12, v33;
	v42 =	vadd.f32 v9, v19;
	v7 =	vld [tilespmem:s26+$0x60]  }
0x1eb: {  	v9 =	vmul.f32 v12, v45;
	v2 =	vadd.f32 v3, v2;
	[tilespmem:$0x1FF50] =	vst v21;
	v5 =	vadd.f32 v6, v21  }
0x1ec: {  	[tilespmem:$0x1FF60] =	vst v50;
	v10 =	vadd.f32 v10, v26;
	v3 =	vmul.f32 v4, v8;
	v8 =	vmul.f32 v12, v44  }
0x1ed: {  	v4 =	vmul.f32 v13, v16;
	v9 =	vadd.f32 v9, v32;
	v6 =	vmul.f32 v12, v41;
	[tilespmem:$0x1FF80] =	vst v5  }
0x1ee: {  	v32 =	vmovc v28;
	v2 =	vadd.f32 v3, v2;
	v3 =	vmul.f32 v12, v57;
	v8 =	vadd.f32 v8, v28;
	v28 =	vld [tilespmem:s23+$0x60]  }
0x1ef: {  	v21 =	vadd.f32 v4, v50;
	v4 =	vmul.f32 v12, v61;
	v9 =	vmul.f32 v9, v7  }
0x1f0: {  	v6 =	vadd.f32 v6, v24;
	v11 =	vld [tilespmem:s30+$0x10];
	[tilespmem:s19+$0x98D0] =	vst v2;
	v5 =	vadd.f32 v3, v20;
	v8 =	vmul.f32 v8, v7  }
0x1f1: {  	v3 =	vmul.f32 v12, v34;
	v2 =	vld [tilespmem:s16+$0x460];
	v9 =	vadd.f32 v9, v10;
	[tilespmem:$0x1FF70] =	vst v18  }
0x1f2: {  	v4 =	vadd.f32 v4, v53;
	v6 =	vmul.f32 v6, v7;
	v5 =	vadd.f32 v8, v5;
	v8 =	vld [tilespmem:s25+$0x60]  }
0x1f3: {  	v12 =	vmul.f32 v12, v40;
	v3 =	vadd.f32 v3, v36;
	v9 =	vmul.f32 v9, v28  }
0x1f4: {  	v46 =	vmovc v20;
	v38 =	vmov v33;
	v50 =	vmul.f32 v13, v15;
	v4 =	vadd.f32 v6, v4  }
0x1f5: {  	v37 =	vmovc v61;
	v12 =	vadd.f32 v12, v39;
	v3 =	vmul.f32 v3, v7;
	v5 =	vadd.f32 v9, v5  }
0x1f6: {  	v33 =	vmovc v26;
	v19 =	vmovc v35;
	v35 =	vmov v24;
	v10 =	vmul.f32 v13, v18;
	v7 =	vld [tilespmem:s22+$0x460];
	v4 =	vmul.f32 v4, v28  }
0x1f7: {  	v26 =	vmovc v53;
	v6 =	vmul.f32 v2, v49;
	v3 =	vadd.f32 v3, v12;
	v9 =	vmul.f32 v5, v8;
	v5 =	vld [tilespmem:$0x1FF80]  }
0x1f8: {  	v61 =	vmovc v36;
	v24 =	vmovc v23;
	v20 =	vmov v55;
	v10 =	vadd.f32 v10, v51;
	v12 =	vmul.f32 v2, v22  }
0x1f9: {  	v18 =	vmovc v51;
	v6 =	vadd.f32 v6, v29;
	v3 =	vadd.f32 v4, v3;
	v4 =	vmul.f32 v2, v54  }
0x1fa: {  	v36 =	vmovc v39;
	v10 =	vmul.f32 v10, v11;
	v12 =	vadd.f32 v12, v23;
	v8 =	vmul.f32 v2, v30  }
0x1fb: {  	v28 =	vmovc v59;
	v6 =	vmul.f32 v6, v7;
	v4 =	vadd.f32 v4, v48;
	v53 =	vadd.f32 v9, v3  }
0x1fc: {  	[tilespmem:$0x1FF90] =	vst v25;
	v8 =	vadd.f32 v8, v58;
	v39 =	vadd.f32 v10, v5;
	v10 =	vmul.f32 v2, v55  }
0x1fd: {  	v23 =	vmovc v60;
	v51 =	vadd.f32 v6, v12;
	v12 =	vmul.f32 v2, v25;
	v5 =	vmul.f32 v2, v59  }
0x1fe: {  	v9 =	vld [tilespmem:s20+$0x460];
	[tilespmem:$0x1FFA0] =	vst v58;
	v3 =	vmul.f32 v21, v11;
	v2 =	vmul.f32 v2, v17;
	v10 =	vadd.f32 v10, v60  }
0x1ff: {  	[tilespmem:$0x1FFB0] =	vst v14;
	v4 =	vmul.f32 v4, v7;
	v12 =	vadd.f32 v12, v31;
	v5 =	vadd.f32 v5, v14  }
0x200: {  	v21 =	vmovc v31;
	v31 =	vadd.f32 v3, v42;
	v2 =	vadd.f32 v2, v56;
	v10 =	vmul.f32 v10, v7  }
0x201: {  	v6 =	vadd.f32 v4, v12;
	v12 =	vmul.f32 v13, v1;
	v58 =	vmul.f32 v5, v7;
	v7 =	vld [tilespmem:s31+$0x10];
	[tilespmem:$0x1FFC0] =	vst v17  }
0x202: {  	v5 =	vadd.f32 v50, v0;
	v14 =	vld [tilespmem:s21+$0x460];
	[tilespmem:$0x1FFD0] =	vst v63;
	v17 =	vadd.f32 v10, v8;
	v10 =	vmul.f32 v13, v62  }
0x203: {  	v3 =	vmul.f32 v51, v9;
	v12 =	vadd.f32 v12, v52;
	v13 =	vmul.f32 v13, v63;
	[tilespmem:s28+$0x94E0] =	vst v53  }
0x204: {  	v25 =	vmovc v48;
	v4 =	vadd.f32 v58, v2;
	v2 =	vmul.f32 v5, v11;
	v5 =	vld [tilespmem:s24+$0x70];
	v10 =	vadd.f32 v10, v43  }
0x205: {  	v48 =	vmovc v56;
	v6 =	vmul.f32 v6, v9;
	v8 =	vld [tilespmem:s1+$0x10];
	v11 =	vmul.f32 v12, v11;
	v3 =	vadd.f32 v3, v17  }
0x206: {  	v55 =	vmovc v1;
	v9 =	vmul.f32 v39, v7;
	v2 =	vadd.f32 v2, v10;
	v10 =	vadd.f32 v13, v27  }
0x207: {  	v59 =	vmovc v34;
	v42 =	vmovc v45;
	v60 =	vmov v62;
	v4 =	vadd.f32 v6, v4;
	v3 =	vmul.f32 v3, v14  }
0x208: {  	v56 =	vmovc v40;
	v9 =	vadd.f32 v9, v31;
	v6 =	vadd.f32 v11, v10;
	v2 =	vmul.f32 v2, v7  }
0x209: {  	v62 =	vmovc v0;
	v0 =	vmovc v54;
	v54 =	vmov v43;
	v10 =	vadd.f32 v3, v4;
	v4 =	vmul.f32 v5, v57  }
0x20a: {  	v53 =	vmovc v52;
	v11 =	vmul.f32 v5, v41;
	v7 =	vmul.f32 v9, v8;
	v2 =	vadd.f32 v2, v6  }
0x20b: {  	v39 =	vmovc v57;
	v31 =	vmov v44;
	v3 =	vld [tilespmem:s26+$0x70];
	v8 =	vmul.f32 v5, v34;
	v9 =	vmul.f32 v5, v44;
	[tilespmem:s19+$0x98E0] =	vst v10  }
0x20c: {  	s4 =	simm.s32 $0x3;
	v57 =	vmovc v41;
	v6 =	vmul.f32 v5, v40;
	v10 =	vmul.f32 v5, v45;
	v7 =	vadd.f32 v7, v2;
	v2 =	vld [tilespmem:s16+$0x470]  }
.LBB2_6:
0x20d: {  	_ =	sdelay $0x3  }
0x20e: {  	v63 =	vmul.f32 v2, v0;
	v0 =	vld [tilespmem:$0x1FFA0];
	_ =	sdelay $0x1  }
0x20f: {  	v1 =	vld [tilespmem:$0x1FF90]  }
0x210: {  	v13 =	vmul.f32 v2, v30;
	_ =	sdelay $0x1  }
0x211: {  	v13 =	vadd.f32 v13, v0;
	v0 =	vld [tilespmem:$0x1FF40]  }
0x212: {  	v8 =	vadd.f32 v8, v61;
	v9 =	vadd.f32 v9, v32  }
0x213: {  	v58 =	vmovc v46;
	v11 =	vadd.f32 v11, v35;
	v10 =	vadd.f32 v10, v47;
	v14 =	vmul.f32 v2, v1;
	v1 =	vld [tilespmem:$0x1FF30]  }
0x214: {  	v8 =	vmul.f32 v8, v3;
	v9 =	vmul.f32 v9, v3  }
0x215: {  	v11 =	vmul.f32 v11, v3;
	v3 =	vmul.f32 v10, v3;
	v10 =	vld [tilespmem:s22+$0x470]  }
0x216: {  	v12 =	vmul.f32 v5, v37;
	v49 =	vmul.f32 v2, v49;
	v30 =	vmovc v39;
	v39 =	vmovc v58;
	v58 =	vmov v0;
	v0 =	vld [tilespmem:$0x1FFC0]  }
0x217: {  	v5 =	vmul.f32 v5, v38;
	v44 =	vmul.f32 v2, v22  }
0x218: {  	v43 =	vadd.f32 v49, v29;
	v45 =	vmov v1;
	v1 =	vmul.f32 v2, v20  }
0x219: {  	v34 =	vld [tilespmem:s20+$0x470];
	v5 =	vadd.f32 v5, v33;
	v24 =	vadd.f32 v44, v24  }
0x21a: {  	v1 =	vadd.f32 v1, v23;
	v23 =	vadd.f32 v63, v25;
	v25 =	vmul.f32 v43, v10  }
0x21b: {  	v28 =	vmul.f32 v2, v28;
	v0 =	vmul.f32 v2, v0;
	v2 =	vadd.f32 v14, v21;
	v14 =	vld [tilespmem:$0x1FFB0]  }
0x21c: {  	v1 =	vmul.f32 v1, v10;
	v21 =	vadd.f32 v25, v24  }
0x21d: {  	v3 =	vadd.f32 v3, v5;
	v5 =	vld [tilespmem:s21+$0x470]  }
0x21e: {  	v1 =	vadd.f32 v1, v13;
	v13 =	vmul.f32 v21, v34;
	_ =	sdelay $0x1  }
0x21f: {  	s20 =	smov.u32 s23;
	v20 =	vmul.f32 v23, v10;
	v1 =	vadd.f32 v13, v1;
	v14 =	vadd.f32 v28, v14  }
0x220: {  	v40 =	vld [tilespmem:s20+$0x70];
	v0 =	vadd.f32 v0, v48  }
0x221: {  	v2 =	vadd.f32 v20, v2;
	v1 =	vmul.f32 v1, v5;
	v5 =	vld [tilespmem:$0x1FFD0];
	v10 =	vmul.f32 v14, v10  }
0x222: {  	v4 =	vadd.f32 v4, v46;
	v12 =	vadd.f32 v12, v26;
	s21 =	smov.u32 s25;
	[tilespmem:s0+$0x9490] =	vst v7  }
0x223: {  	v6 =	vadd.f32 v6, v36;
	v7 =	vld [tilespmem:s21+$0x70];
	v2 =	vmul.f32 v2, v34;
	v0 =	vadd.f32 v10, v0  }
0x224: {  	v4 =	vadd.f32 v9, v4;
	v9 =	vadd.f32 v11, v12;
	v14 =	vld [tilespmem:s29+$0x20]  }
0x225: {  	v0 =	vadd.f32 v2, v0;
	v2 =	vld [tilespmem:$0x1FF50]  }
0x226: {  	v6 =	vadd.f32 v8, v6;
	v3 =	vmul.f32 v3, v40;
	v8 =	vmul.f32 v9, v40;
	v13 =	vmovc v5;
	v5 =	vld [tilespmem:$0x1FF60]  }
0x227: {  	v40 =	vld [tilespmem:$0x1FF70]  }
0x228: {  	v3 =	vadd.f32 v3, v4  }
0x229: {  	v17 =	vmov v38;
	v41 =	vmov v47;
	v38 =	vmov v19;
	s22 =	smov.u32 s26;
	s26 =	smov.u32 s30  }
0x22a: {  	v4 =	vadd.f32 v8, v6;
	v3 =	vmul.f32 v3, v7;
	v8 =	vmovc v62;
	v24 =	vmovc v33;
	v33 =	vmov v2;
	v2 =	vld [tilespmem:s26+$0x20]  }
0x22b: {  	v46 =	vmovc v26;
	v11 =	vmovc v53;
	v47 =	vmov v8;
	v20 =	vmov v5;
	v5 =	vmul.f32 v14, v15  }
0x22c: {  	v43 =	vmovc v11;
	v3 =	vadd.f32 v3, v4;
	v6 =	vmul.f32 v14, v40;
	v0 =	vadd.f32 v1, v0  }
0x22d: {  	v28 =	vmovc v54;
	v7 =	vmul.f32 v14, v60;
	v4 =	vmul.f32 v14, v19;
	v5 =	vadd.f32 v5, v8  }
0x22e: {  	s23 =	smov.u32 s31;
	v9 =	vmul.f32 v14, v16;
	v6 =	vadd.f32 v6, v18;
	[tilespmem:s19+$0x98F0] =	vst v0;
	s19 =	smov.u32 s28;
	v8 =	vmul.f32 v14, v55  }
0x22f: {  	v7 =	vadd.f32 v7, v28;
	v0 =	vld [tilespmem:s23+$0x20];
	[tilespmem:s19+$0x94F0] =	vst v3;
	v3 =	vadd.f32 v4, v33;
	v4 =	vmul.f32 v5, v2  }
0x230: {  	v48 =	vmovc v36;
	v10 =	vmul.f32 v14, v13;
	v8 =	vadd.f32 v8, v11;
	v5 =	vmul.f32 v6, v2;
	v6 =	vld [tilespmem:s24+$0x400]  }
0x231: {  	v36 =	vmovc v27;
	v1 =	vld [tilespmem:$0x1FFE0];
	v9 =	vadd.f32 v9, v20;
	v11 =	vmul.f32 v14, v45;
	v4 =	vadd.f32 v4, v7  }
0x232: {  	v22 =	vmovc v37;
	v3 =	vadd.f32 v5, v3;
	v5 =	vadd.f32 v10, v36;
	v7 =	vmul.f32 v8, v2  }
0x233: {  	v29 =	vmovc v41;
	v41 =	vmovc v18;
	v23 =	vmov v32;
	v2 =	vmul.f32 v9, v2;
	v8 =	vadd.f32 v11, v58  }
0x234: {  	s25 =	smov.u32 s1;
	v25 =	vmovc v35;
	v4 =	vmul.f32 v4, v0;
	v0 =	vmul.f32 v3, v0;
	v5 =	vadd.f32 v7, v5  }
0x235: {  	v18 =	vmovc v17;
	v51 =	vld [tilespmem:s25+$0x20];
	v8 =	vadd.f32 v2, v8;
	v7 =	vmul.f32 v6, v30;
	v9 =	vmul.f32 v6, v42  }
0x236: {  	v27 =	vmovc v61;
	v19 =	vmovc v31;
	v1 =	vor.u32 s4, v1;
	v3 =	vld [tilespmem:s22+$0x400];
	v2 =	vmul.f32 v6, v22;
	v10 =	vmul.f32 v6, v18  }
0x237: {  	v32 =	vmovc v28;
	v11 =	vmul.f32 v6, v19;
	v0 =	vadd.f32 v0, v8;
	v4 =	vadd.f32 v4, v5  }
0x238: {  	v28 =	vmovc v59;
	v12 =	vmul.f32 v6, v57;
	v9 =	vadd.f32 v9, v29;
	v7 =	vadd.f32 v7, v39  }
0x239: {  	v21 =	vmovc v56;
	v14 =	vmul.f32 v6, v28;
	v10 =	vadd.f32 v10, v24;
	v11 =	vadd.f32 v11, v23  }
0x23a: {  	v52 =	vmovc v13;
	v13 =	vld [tilespmem:s20+$0x400];
	v6 =	vmul.f32 v6, v21;
	v12 =	vadd.f32 v12, v25;
	v50 =	vadd.f32 v2, v46  }
0x23b: {  	v14 =	vadd.f32 v14, v27;
	v2 =	vld.idx.msk [tilespmem:v1+s13+$0x0], $0xffff;
	v0 =	vmul.f32 v0, v51;
	v9 =	vmul.f32 v9, v3  }
0x23c: {  	v6 =	vadd.f32 v6, v48;
	v1 =	vmul.f32 v11, v3;
	v11 =	vmul.f32 v12, v3  }
0x23d: {  	v3 =	vmul.f32 v14, v3;
	v4 =	vadd.f32 v0, v4;
	v9 =	vadd.f32 v9, v10  }
0x23e: {  	v8 =	vld [tilespmem:s21+$0x400];
	v1 =	vadd.f32 v1, v7;
	v7 =	vadd.f32 v11, v50  }
0x23f: {  	v0 =	vimm.s32 $0x0;
	v5 =	vadd.f32 v3, v6;
	v9 =	vmul.f32 v9, v13  }
0x240: {  	v50 =	vperm.xlane v2, v0;
	v0 =	vimm.s32 $0x1;
	v6 =	vmul.f32 v7, v13  }
0x241: {  	s12 =	sadd.s32 $0x4, s12;
	s28 =	smov.u32 s0;
	v51 =	vperm.xlane v2, v0;
	v0 =	vimm.s32 $0x2;
	v1 =	vadd.f32 v9, v1  }
0x242: {  	v3 =	vld [tilespmem:s12+$0x0];
	[tilespmem:s28+$0x94A0] =	vst v4;
	v4 =	vimm.s32 $0x8;
	v0 =	vperm.xlane v2, v0  }
0x243: {  	v5 =	vadd.f32 v6, v5;
	v6 =	vimm.s32 $0x4;
	v1 =	vmul.f32 v1, v8  }
0x244: {  	v62 =	vperm.xlane v2, v4;
	v4 =	vld [tilespmem:s29+$0x30];
	[tilespmem:$0x1FE20] =	vst v0;
	v0 =	vperm.xlane v2, v6  }
0x245: {  	v6 =	vimm.s32 $0x7;
	v1 =	vadd.f32 v1, v5;
	v5 =	vimm.s32 $0x5  }
0x246: {  	v37 =	vmovc v60;
	v59 =	vperm.xlane v2, v6;
	v53 =	vperm.xlane v2, v5;
	v5 =	vimm.s32 $0x6  }
0x247: {  	v34 =	vmovc v45;
	v45 =	vmovc v40;
	v6 =	vimm.s32 $0xC;
	v40 =	vperm.xlane v2, v5;
	[tilespmem:s19+$0x9880] =	vst v1;
	v5 =	vimm.s32 $0xA  }
0x248: {  	v44 =	vmovc v55;
	v49 =	vmovc v42;
	(v2sf) =	vpush v3, $0x0;
	v55 =	vperm.xlane v2, v6;
	v42 =	vperm.xlane v2, v5;
	v5 =	vld [tilespmem:s24+$0x410]  }
0x249: {  	v6 =	vimm.s32 $0xB;
	v7 =	vmul.f32 v4, v37;
	v1 =	vimm.s32 $0x9  }
0x24a: {  	v54 =	vperm.xlane v2, v1;
	v1 =	vperm.xlane v2, v6;
	v6 =	vimm.s32 $0xD  }
0x24b: {  	v26 =	vmovc v57;
	v8 =	vmul.f32 v4, v44;
	v57 =	vperm.xlane v2, v6;
	v6 =	vimm.s32 $0xE  }
0x24c: {  	v9 =	vld [tilespmem:s22+$0x410];
	v60 =	vperm.xlane v2, v6;
	v6 =	vmul.f32 v4, v34  }
0x24d: {  	v7 =	vadd.f32 v7, v32;
	v10 =	vmul.f32 v5, v30;
	v11 =	vmul.f32 v5, v49  }
0x24e: {  	v8 =	vadd.f32 v8, v43;
	v12 =	vmul.f32 v5, v22;
	v14 =	vmul.f32 v5, v19  }
0x24f: {  	v35 =	vmovc v16;
	v13 =	vmul.f32 v5, v18;
	v63 =	vmul.f32 v5, v26;
	v11 =	vadd.f32 v11, v29  }
0x250: {  	v56 =	vmovc v15;
	v15 =	vld [tilespmem:s20+$0x410];
	v16 =	vmul.f32 v5, v28;
	v5 =	vmul.f32 v5, v21;
	v14 =	vadd.f32 v14, v23  }
0x251: {  	v13 =	vadd.f32 v13, v24;
	v63 =	vadd.f32 v63, v25;
	v11 =	vmul.f32 v11, v9  }
0x252: {  	v10 =	vadd.f32 v10, v39;
	v16 =	vadd.f32 v16, v27;
	v14 =	vmul.f32 v14, v9  }
0x253: {  	v17 =	vld [tilespmem:s21+$0x410];
	v12 =	vadd.f32 v12, v46;
	v63 =	vmul.f32 v63, v9;
	v11 =	vadd.f32 v11, v13  }
0x254: {  	v5 =	vadd.f32 v5, v48;
	v9 =	vmul.f32 v16, v9;
	v16 =	vld [tilespmem:s26+$0x30];
	v10 =	vadd.f32 v14, v10  }
0x255: {  	v12 =	vadd.f32 v63, v12;
	v63 =	vmul.f32 v4, v45;
	v11 =	vmul.f32 v11, v15  }
0x256: {  	v6 =	vadd.f32 v6, v58;
	v13 =	vmul.f32 v4, v38;
	v5 =	vadd.f32 v9, v5  }
0x257: {  	s5 =	spop (v2sf);
	v9 =	vmul.f32 v12, v15;
	v12 =	vadd.f32 v63, v41;
	v10 =	vadd.f32 v11, v10  }
0x258: {  	s16 =	sshll.u32 s5, $0x8;
	s0 =	sshll.u32 s5, $0x7;
	v14 =	vmul.f32 v4, v35;
	v13 =	vadd.f32 v13, v33;
	v11 =	vmul.f32 v4, v56  }
0x259: {  	v61 =	vmovc v20;
	s1 =	sand.u32 $0xFFFFF800, s16;
	s0 =	sand.u32 $0x380, s0;
	v15 =	vld [tilespmem:s23+$0x30];
	v5 =	vadd.f32 v9, v5;
	v12 =	vmul.f32 v12, v16;
	v9 =	vmul.f32 v10, v17  }
0x25a: {  	[tilespmem:$0x1FE30] =	vst v0;
	v0 =	vimm.s32 $0x3;
	s16 =	sor.u32 s0, s1;
	v14 =	vadd.f32 v14, v61;
	v11 =	vadd.f32 v11, v47  }
0x25b: {  	v31 =	vmovc v41;
	v4 =	vmul.f32 v4, v52;
	v10 =	vld [tilespmem:s16+$0x0];
	v12 =	vadd.f32 v12, v13;
	v5 =	vadd.f32 v9, v5  }
0x25c: {  	v41 =	vmovc v61;
	v61 =	vmovc v52;
	v13 =	vimm.s32 $0xF;
	v9 =	vmul.f32 v14, v16;
	v11 =	vmul.f32 v11, v16  }
0x25d: {  	v8 =	vmul.f32 v8, v16;
	v4 =	vadd.f32 v4, v36;
	v52 =	vperm.xlane v2, v13;
	v13 =	vld [tilespmem:s25+$0x30];
	[tilespmem:s19+$0x9890] =	vst v5  }
0x25e: {  	v5 =	vadd.f32 v9, v6;
	v7 =	vadd.f32 v11, v7;
	v9 =	vmul.f32 v12, v15;
	v11 =	vld [tilespmem:s24+$0x420]  }
0x25f: {  	v20 =	vperm.xlane v2, v0;
	v8 =	vadd.f32 v8, v4  }
0x260: {  	v2 =	vmul.f32 v10, v62;
	v7 =	vmul.f32 v7, v15;
	v9 =	vadd.f32 v9, v5  }
0x261: {  	(v2sf) =	vpush v3, $0x1;
	v6 =	vmul.f32 v10, v54;
	v4 =	vmul.f32 v10, v42  }
0x262: {  	v5 =	vmul.f32 v10, v55;
	v7 =	vadd.f32 v7, v8;
	v8 =	vmul.f32 v9, v13;
	v9 =	vld [tilespmem:s22+$0x420]  }
0x263: {  	(v2sf) =	vpush v3, $0x2;
	v13 =	vmul.f32 v11, v30;
	v14 =	vmul.f32 v11, v49  }
0x264: {  	[tilespmem:$0x1FE40] =	vst v47;
	v7 =	vadd.f32 v8, v7;
	v8 =	vmul.f32 v11, v22;
	v15 =	vmul.f32 v11, v18  }
0x265: {  	[tilespmem:$0x1FE60] =	vst v55;
	v16 =	vmul.f32 v11, v19;
	v17 =	vmul.f32 v11, v26;
	v14 =	vadd.f32 v14, v29  }
0x266: {  	v63 =	vmovc v47;
	v55 =	vld [tilespmem:s20+$0x420];
	v47 =	vmul.f32 v11, v28;
	v13 =	vadd.f32 v13, v39;
	v15 =	vadd.f32 v15, v24  }
0x267: {  	v16 =	vadd.f32 v16, v23;
	v17 =	vadd.f32 v17, v25;
	v14 =	vmul.f32 v14, v9  }
0x268: {  	[tilespmem:s28+$0x94B0] =	vst v7;
	v7 =	vmul.f32 v11, v21;
	v8 =	vadd.f32 v8, v46;
	v11 =	vadd.f32 v47, v27  }
0x269: {  	v0 =	vmovc v56;
	v56 =	vld [tilespmem:s29+$0x40];
	v16 =	vmul.f32 v16, v9;
	v17 =	vmul.f32 v17, v9;
	v14 =	vadd.f32 v14, v15  }
0x26a: {  	[tilespmem:$0x1FE80] =	vst v57;
	v7 =	vadd.f32 v7, v48;
	v9 =	vmul.f32 v11, v9;
	v15 =	vmul.f32 v10, v57;
	v57 =	vld [tilespmem:s21+$0x420]  }
0x26b: {  	v11 =	vadd.f32 v16, v13;
	v8 =	vadd.f32 v17, v8;
	v13 =	vmul.f32 v14, v55  }
0x26c: {  	v12 =	vmul.f32 v10, v1;
	v7 =	vadd.f32 v9, v7;
	v14 =	vmul.f32 v10, v60  }
0x26d: {  	v10 =	vmul.f32 v10, v52;
	v8 =	vmul.f32 v8, v55;
	v9 =	vadd.f32 v13, v11  }
0x26e: {  	(v2sf) =	vpush v3, $0x3;
	v16 =	vmul.f32 v56, v34;
	v17 =	vmul.f32 v56, v0;
	v11 =	vld [tilespmem:s26+$0x40]  }
0x26f: {  	v3 =	vmul.f32 v56, v37;
	v7 =	vadd.f32 v8, v7;
	v8 =	vmul.f32 v9, v57  }
0x270: {  	v6 =	vadd.f32 v6, v51;
	v55 =	vmul.f32 v56, v44;
	v9 =	vmul.f32 v56, v45  }
0x271: {  	v13 =	vmul.f32 v56, v61;
	v17 =	vadd.f32 v17, v63;
	v7 =	vadd.f32 v8, v7  }
0x272: {  	v57 =	vmul.f32 v56, v38;
	v56 =	vmul.f32 v56, v35;
	v8 =	vld [tilespmem:s23+$0x40];
	v9 =	vadd.f32 v9, v31  }
0x273: {  	v3 =	vadd.f32 v3, v32;
	v55 =	vadd.f32 v55, v43;
	v17 =	vmul.f32 v17, v11;
	[tilespmem:s19+$0x98A0] =	vst v7  }
0x274: {  	v56 =	vadd.f32 v56, v41;
	v7 =	vadd.f32 v57, v33;
	v9 =	vmul.f32 v9, v11;
	v57 =	vld [tilespmem:s24+$0x430]  }
0x275: {  	v13 =	vadd.f32 v13, v36;
	v55 =	vmul.f32 v55, v11;
	v3 =	vadd.f32 v17, v3  }
0x276: {  	v16 =	vadd.f32 v16, v58;
	v11 =	vmul.f32 v56, v11;
	v7 =	vadd.f32 v9, v7  }
0x277: {  	v9 =	vadd.f32 v12, v20;
	v12 =	vadd.f32 v55, v13;
	v3 =	vmul.f32 v3, v8  }
0x278: {  	v10 =	vadd.f32 v10, v59;
	v11 =	vadd.f32 v11, v16;
	v7 =	vmul.f32 v7, v8;
	v8 =	vld [tilespmem:s22+$0x430]  }
0x279: {  	[tilespmem:$0x1FE50] =	vst v43;
	s1 =	spop (v2sf);
	v3 =	vadd.f32 v3, v12;
	v12 =	vmul.f32 v57, v30;
	v13 =	vmul.f32 v57, v49  }
0x27a: {  	[tilespmem:$0x1FE70] =	vst v1;
	s5 =	sshll.u32 s1, $0x8;
	s0 =	sshll.u32 s1, $0x7;
	v7 =	vadd.f32 v7, v11;
	v11 =	vmul.f32 v57, v22;
	v16 =	vmul.f32 v57, v18  }
0x27b: {  	v1 =	vmovc v58;
	s1 =	sand.u32 $0xFFFFF800, s5;
	s0 =	sand.u32 $0x380, s0;
	v17 =	vld [tilespmem:s25+$0x40];
	v55 =	vmul.f32 v57, v19;
	v56 =	vmul.f32 v57, v26;
	v13 =	vadd.f32 v13, v29  }
0x27c: {  	s30 =	sor.u32 s0, s1;
	v63 =	vmovc v35;
	v58 =	vld [tilespmem:s20+$0x430];
	v43 =	vmul.f32 v57, v28;
	v12 =	vadd.f32 v12, v39;
	v16 =	vadd.f32 v16, v24  }
0x27d: {  	v35 =	vmovc v32;
	v32 =	vld [tilespmem:s30+$0x0];
	v55 =	vadd.f32 v55, v23;
	v56 =	vadd.f32 v56, v25;
	v13 =	vmul.f32 v13, v8  }
0x27e: {  	[tilespmem:$0x1FEA0] =	vst v59;
	s5 =	spop (v2sf);
	v57 =	vmul.f32 v57, v21;
	v11 =	vadd.f32 v11, v46;
	v59 =	vadd.f32 v43, v27  }
0x27f: {  	s1 =	sshll.u32 s5, $0x8;
	s0 =	sshll.u32 s5, $0x7;
	v47 =	vmovc v0;
	v0 =	vld [tilespmem:$0x1FE20];
	v55 =	vmul.f32 v55, v8;
	v56 =	vmul.f32 v56, v8;
	v13 =	vadd.f32 v13, v16  }
0x280: {  	s1 =	sand.u32 $0xFFFFF800, s1;
	s0 =	sand.u32 $0x380, s0;
	v7 =	vmul.f32 v7, v17;
	v17 =	vadd.f32 v57, v48;
	v8 =	vmul.f32 v59, v8;
	v16 =	vld [tilespmem:s21+$0x430]  }
0x281: {  	s5 =	spop (v2sf);
	s31 =	sor.u32 s0, s1;
	v59 =	vld [tilespmem:$0x1FE30];
	v12 =	vadd.f32 v55, v12;
	v11 =	vadd.f32 v56, v11;
	v13 =	vmul.f32 v13, v58  }
0x282: {  	s1 =	sshll.u32 s5, $0x8;
	s5 =	sshll.u32 s5, $0x7;
	v15 =	vadd.f32 v15, v53;
	v10 =	vmul.f32 v10, v32;
	v43 =	vld [tilespmem:s31+$0x0];
	v3 =	vadd.f32 v7, v3  }
0x283: {  	s0 =	sand.u32 $0xFFFFF800, s1;
	s1 =	sand.u32 $0x380, s5;
	v7 =	vadd.f32 v8, v17;
	v8 =	vmul.f32 v11, v58;
	v11 =	vadd.f32 v13, v12  }
0x284: {  	s1 =	sor.u32 s1, s0;
	v9 =	vadd.f32 v10, v9;
	v12 =	vadd.f32 v14, v40  }
0x285: {  	v13 =	vmul.f32 v15, v32;
	v14 =	vld [tilespmem:s1+$0x0];
	[tilespmem:s28+$0x94C0] =	vst v3;
	v3 =	vadd.f32 v8, v7;
	v7 =	vmul.f32 v11, v16  }
0x286: {  	v4 =	vadd.f32 v4, v0;
	v5 =	vadd.f32 v5, v59;
	v10 =	vld [tilespmem:s29+$0x50];
	v8 =	vmul.f32 v12, v32  }
0x287: {  	v9 =	vmul.f32 v9, v43;
	v6 =	vadd.f32 v13, v6;
	v3 =	vadd.f32 v7, v3  }
0x288: {  	v4 =	vadd.f32 v8, v4  }
0x289: {  	v2 =	vadd.f32 v2, v50;
	v5 =	vmul.f32 v5, v32;
	v6 =	vadd.f32 v9, v6;
	[tilespmem:s19+$0x98B0] =	vst v3  }
0x28a: {  	v3 =	vmul.f32 v4, v43;
	v4 =	vld [tilespmem:s24+$0x440]  }
0x28b: {  	v2 =	vadd.f32 v5, v2;
	v5 =	vmul.f32 v6, v14;
	v6 =	vmul.f32 v10, v61  }
0x28c: {  	v7 =	vmul.f32 v10, v34;
	v8 =	vmul.f32 v10, v37  }
0x28d: {  	v9 =	vmul.f32 v10, v44;
	v11 =	vmul.f32 v10, v63;
	v2 =	vadd.f32 v3, v2  }
0x28e: {  	v12 =	vmul.f32 v10, v45;
	v13 =	vld [tilespmem:s22+$0x440];
	v3 =	vmul.f32 v10, v38  }
0x28f: {  	[tilespmem:$0x1FF50] =	vst v20;
	v2 =	vadd.f32 v5, v2;
	v5 =	vmul.f32 v4, v30;
	v14 =	vmul.f32 v4, v49  }
0x290: {  	v20 =	vmovc v51;
	v8 =	vadd.f32 v8, v35;
	v15 =	vmul.f32 v4, v22;
	v16 =	vmul.f32 v4, v18  }
0x291: {  	v51 =	vmovc v63;
	v17 =	vmul.f32 v4, v19;
	v63 =	vmul.f32 v4, v26;
	v14 =	vadd.f32 v14, v29  }
0x292: {  	v32 =	vmovc v34;
	v56 =	vld [tilespmem:s20+$0x440];
	v34 =	vmul.f32 v4, v28;
	v5 =	vadd.f32 v5, v39;
	v16 =	vadd.f32 v16, v24  }
0x293: {  	v43 =	vmovc v61;
	v61 =	vld [tilespmem:$0x1FE50];
	v17 =	vadd.f32 v17, v23;
	v55 =	vadd.f32 v63, v25;
	v14 =	vmul.f32 v14, v13  }
0x294: {  	[tilespmem:$0x1FEB0] =	vst v40;
	v40 =	vld [tilespmem:s26+$0x50];
	v4 =	vmul.f32 v4, v21;
	v15 =	vadd.f32 v15, v46;
	v57 =	vadd.f32 v34, v27  }
0x295: {  	s14 =	sadd.s32 $0x80, s14;
	s15 =	sadd.s32 $0x100, s15;
	v17 =	vmul.f32 v17, v13;
	v55 =	vmul.f32 v55, v13;
	v63 =	vmovc v35;
	v35 =	vld [tilespmem:$0x1FE40];
	v14 =	vadd.f32 v14, v16  }
0x296: {  	s5 =	sand.u32 $0x380, s14;
	s0 =	sand.u32 $0x7800, s15;
	v7 =	vadd.f32 v7, v1;
	v4 =	vadd.f32 v4, v48;
	v13 =	vmul.f32 v57, v13;
	v16 =	vld [tilespmem:s21+$0x440]  }
0x297: {  	s0 =	sor.u32 s5, s0;
	v5 =	vadd.f32 v17, v5;
	v15 =	vadd.f32 v55, v15;
	v14 =	vmul.f32 v14, v56  }
0x298: {  	v10 =	vmul.f32 v10, v47;
	v12 =	vadd.f32 v12, v31;
	v11 =	vadd.f32 v11, v41;
	[tilespmem:s0+$0x9480] =	vst v2  }
0x299: {  	v2 =	vadd.f32 v13, v4;
	v17 =	vld [tilespmem:s23+$0x50];
	v4 =	vmul.f32 v15, v56;
	v5 =	vadd.f32 v14, v5  }
0x29a: {  	v3 =	vadd.f32 v3, v33;
	v12 =	vmul.f32 v12, v40;
	v13 =	vld [tilespmem:s16+$0x10];
	v10 =	vadd.f32 v10, v35  }
0x29b: {  	v9 =	vadd.f32 v9, v61;
	v2 =	vadd.f32 v4, v2;
	v4 =	vmul.f32 v5, v16  }
0x29c: {  	v3 =	vadd.f32 v12, v3;
	v34 =	vld [tilespmem:$0x1FE60];
	v10 =	vmul.f32 v10, v40;
	v5 =	vmul.f32 v11, v40  }
0x29d: {  	v6 =	vadd.f32 v6, v36;
	v9 =	vmul.f32 v9, v40;
	v11 =	vld [tilespmem:s25+$0x50];
	v4 =	vadd.f32 v4, v2  }
0x29e: {  	[tilespmem:$0x1FE90] =	vst v60;
	v3 =	vmul.f32 v3, v17;
	v40 =	vld [tilespmem:$0x1FE70];
	v5 =	vadd.f32 v5, v7;
	v7 =	vadd.f32 v10, v8  }
0x29f: {  	v60 =	vmov v42;
	v8 =	vmul.f32 v13, v42;
	v42 =	vld [tilespmem:$0x1FE80];
	[tilespmem:s19+$0x98C0] =	vst v4  }
0x2a0: {  	v4 =	vadd.f32 v9, v6;
	v6 =	vmul.f32 v7, v17;
	v3 =	vadd.f32 v3, v5;
	v7 =	vld [tilespmem:s24+$0x450]  }
0x2a1: {  	v2 =	vmul.f32 v13, v62;
	v5 =	vmul.f32 v13, v54  }
0x2a2: {  	v9 =	vmul.f32 v13, v34;
	v4 =	vadd.f32 v6, v4;
	v6 =	vmul.f32 v3, v11  }
0x2a3: {  	v10 =	vmul.f32 v13, v40;
	v5 =	vadd.f32 v5, v20;
	v3 =	vadd.f32 v8, v0  }
0x2a4: {  	v12 =	vld [tilespmem:s22+$0x450];
	v8 =	vmul.f32 v13, v52;
	v11 =	vmul.f32 v13, v42;
	v6 =	vadd.f32 v6, v4  }
0x2a5: {  	v4 =	vadd.f32 v9, v59;
	v9 =	vmul.f32 v7, v30;
	v14 =	vmul.f32 v7, v49  }
0x2a6: {  	v11 =	vadd.f32 v11, v53;
	[tilespmem:s28+$0x94D0] =	vst v6;
	v6 =	vmul.f32 v7, v22;
	v15 =	vmul.f32 v7, v18  }
0x2a7: {  	[tilespmem:$0x1FFD0] =	vst v62;
	v17 =	vmul.f32 v7, v19;
	v55 =	vmul.f32 v7, v26;
	v16 =	vld [tilespmem:s29+$0x60];
	v14 =	vadd.f32 v14, v29  }
0x2a8: {  	[tilespmem:$0x1FF30] =	vst v54;
	v62 =	vmul.f32 v7, v28;
	v56 =	vld [tilespmem:s20+$0x450];
	v9 =	vadd.f32 v9, v39;
	v15 =	vadd.f32 v15, v24  }
0x2a9: {  	v54 =	vmovc v0;
	v0 =	vld [tilespmem:$0x1FF50];
	v17 =	vadd.f32 v17, v23;
	v55 =	vadd.f32 v55, v25;
	v14 =	vmul.f32 v14, v12  }
0x2aa: {  	v7 =	vmul.f32 v7, v21;
	v6 =	vadd.f32 v6, v46;
	v57 =	vadd.f32 v62, v27  }
0x2ab: {  	[tilespmem:$0x1FEC0] =	vst v50;
	v17 =	vmul.f32 v17, v12;
	v55 =	vmul.f32 v55, v12;
	v14 =	vadd.f32 v14, v15  }
0x2ac: {  	v50 =	vmovc v47;
	v58 =	vld [tilespmem:s21+$0x450];
	v7 =	vadd.f32 v7, v48;
	v12 =	vmul.f32 v57, v12;
	v15 =	vmul.f32 v16, v32  }
0x2ad: {  	v47 =	vmovc v31;
	v57 =	vld [tilespmem:s26+$0x60];
	v9 =	vadd.f32 v17, v9;
	v6 =	vadd.f32 v55, v6;
	v14 =	vmul.f32 v14, v56  }
0x2ae: {  	v31 =	vmovc v59;
	v10 =	vadd.f32 v10, v0;
	v17 =	vmul.f32 v16, v37;
	v59 =	vmul.f32 v16, v45  }
0x2af: {  	v7 =	vadd.f32 v12, v7;
	v6 =	vmul.f32 v6, v56;
	v9 =	vadd.f32 v14, v9  }
0x2b0: {  	[tilespmem:$0x1FF70] =	vst v52;
	v52 =	vld [tilespmem:$0x1FE90];
	v12 =	vmul.f32 v16, v38;
	v55 =	vadd.f32 v59, v47;
	v14 =	vmul.f32 v16, v51  }
0x2b1: {  	v62 =	vmul.f32 v16, v50;
	v56 =	vld [tilespmem:s23+$0x60];
	v6 =	vadd.f32 v6, v7;
	v7 =	vmul.f32 v9, v58  }
0x2b2: {  	[tilespmem:$0x1FF60] =	vst v53;
	v53 =	vld [tilespmem:$0x1FEA0];
	v9 =	vadd.f32 v12, v33;
	v12 =	vadd.f32 v14, v41;
	v14 =	vmul.f32 v55, v57  }
0x2b3: {  	v0 =	vld [tilespmem:$0x1FEB0];
	v15 =	vadd.f32 v15, v1;
	v62 =	vadd.f32 v62, v35;
	v55 =	vmul.f32 v16, v44  }
0x2b4: {  	v6 =	vadd.f32 v7, v6;
	v7 =	vld [tilespmem:s30+$0x10];
	v12 =	vmul.f32 v12, v57;
	v9 =	vadd.f32 v14, v9  }
0x2b5: {  	v17 =	vadd.f32 v17, v63;
	v16 =	vmul.f32 v16, v43;
	v55 =	vadd.f32 v55, v61  }
0x2b6: {  	v14 =	vld [tilespmem:s25+$0x60];
	[tilespmem:s19+$0x98D0] =	vst v6;
	v6 =	vadd.f32 v12, v15;
	v12 =	vmul.f32 v62, v57;
	v9 =	vmul.f32 v9, v56  }
0x2b7: {  	v13 =	vmul.f32 v13, v52;
	v8 =	vadd.f32 v8, v53;
	v16 =	vadd.f32 v16, v36;
	v15 =	vld [tilespmem:s24+$0x460]  }
0x2b8: {  	v55 =	vmul.f32 v55, v57;
	v12 =	vadd.f32 v12, v17;
	v6 =	vadd.f32 v9, v6  }
0x2b9: {  	v9 =	vadd.f32 v13, v0;
	v11 =	vmul.f32 v11, v7;
	v8 =	vmul.f32 v8, v7  }
0x2ba: {  	v13 =	vadd.f32 v55, v16;
	v4 =	vmul.f32 v4, v7;
	v12 =	vmul.f32 v12, v56  }
0x2bb: {  	v6 =	vmul.f32 v6, v14;
	v14 =	vld [tilespmem:s22+$0x460];
	v9 =	vmul.f32 v9, v7;
	v8 =	vadd.f32 v8, v10  }
0x2bc: {  	v11 =	vadd.f32 v11, v5;
	v10 =	vmul.f32 v15, v30;
	v16 =	vmul.f32 v15, v49  }
0x2bd: {  	v12 =	vadd.f32 v12, v13;
	v13 =	vmul.f32 v15, v22;
	v17 =	vmul.f32 v15, v18  }
0x2be: {  	[tilespmem:$0x1FF90] =	vst v22;
	v55 =	vmul.f32 v15, v19;
	v56 =	vmul.f32 v15, v26;
	v16 =	vadd.f32 v16, v29  }
0x2bf: {  	[tilespmem:$0x1FFA0] =	vst v39;
	v57 =	vld [tilespmem:s20+$0x460];
	v10 =	vadd.f32 v10, v39;
	v17 =	vadd.f32 v17, v24;
	v39 =	vmul.f32 v15, v28  }
0x2c0: {  	[tilespmem:$0x1FFB0] =	vst v27;
	v59 =	vld [tilespmem:s31+$0x10];
	v55 =	vadd.f32 v55, v23;
	v56 =	vadd.f32 v56, v25;
	v16 =	vmul.f32 v16, v14  }
0x2c1: {  	[tilespmem:$0x1FFC0] =	vst v21;
	v15 =	vmul.f32 v15, v21;
	v13 =	vadd.f32 v13, v46;
	v58 =	vadd.f32 v39, v27  }
0x2c2: {  	[tilespmem:$0x1FF40] =	vst v20;
	v55 =	vmul.f32 v55, v14;
	v56 =	vmul.f32 v56, v14;
	v27 =	vld [tilespmem:$0x1FEC0];
	v16 =	vadd.f32 v16, v17  }
0x2c3: {  	v20 =	vmovc v19;
	v6 =	vadd.f32 v6, v12;
	v12 =	vld [tilespmem:s21+$0x460];
	v19 =	vadd.f32 v15, v48;
	v14 =	vmul.f32 v58, v14  }
0x2c4: {  	v62 =	vmovc v0;
	v10 =	vadd.f32 v55, v10;
	v13 =	vadd.f32 v56, v13;
	v58 =	vmul.f32 v16, v57  }
0x2c5: {  	v0 =	vmovc v26;
	v22 =	vmovc v18;
	v18 =	vmov v53;
	v53 =	vmov v31;
	v8 =	vmul.f32 v8, v59;
	v17 =	vld [tilespmem:s1+$0x10];
	[tilespmem:s28+$0x94E0] =	vst v6  }
0x2c6: {  	v31 =	vmovc v32;
	v5 =	vld [tilespmem:s29+$0x70];
	v6 =	vadd.f32 v14, v19;
	v13 =	vmul.f32 v13, v57;
	v10 =	vadd.f32 v58, v10  }
0x2c7: {  	v32 =	vmovc v41;
	v26 =	vmovc v63;
	v3 =	vadd.f32 v9, v3;
	v21 =	vmov v46;
	v2 =	vadd.f32 v2, v27  }
0x2c8: {  	p0 =	sne.s32 s4, $0x7F;
	v46 =	vmovc v1;
	v7 =	vadd.f32 v8, v11;
	v6 =	vadd.f32 v13, v6;
	v8 =	vmul.f32 v10, v12  }
.Ltmp2:
0x2c9: {  	v3 =	vmul.f32 v3, v59;
	v59 =	vmovc v44;
	v15 =	vmovc v52;
	v39 =	vmov v31;
	v2 =	vadd.f32 v4, v2;
	(pc) =	sbr.rel @p0 .LBB2_6-.Ltmp2, $4  }
0x2ca: {  	v55 =	vmovc v34;
	v19 =	vmovc v40;
	v56 =	vmov v43;
	v7 =	vmul.f32 v7, v17;
	v10 =	vadd.f32 v8, v6  }
0x2cb: {  	v57 =	vmovc v50;
	v4 =	vmul.f32 v5, v31;
	v9 =	vmul.f32 v5, v51;
	v2 =	vadd.f32 v3, v2  }
0x2cc: {  	v16 =	vmovc v42;
	v42 =	vmov v45;
	v11 =	vmul.f32 v5, v50;
	v3 =	vld [tilespmem:s26+$0x70];
	v6 =	vmul.f32 v5, v43;
	[tilespmem:s19+$0x98E0] =	vst v10  }
0x2cd: {  	s4 =	sadd.s32 $0x1, s4;
	v31 =	vmovc v51;
	v8 =	vmul.f32 v5, v44;
	v7 =	vadd.f32 v7, v2;
	v10 =	vmul.f32 v5, v45;
	v2 =	vld [tilespmem:s24+$0x470];
	s24 =	smov.u32 s29;
	s29 =	smov.u32 s16  }
0x2ce: {  	_ = 	snop  }
0x2cf: {  	[tilespmem:s0+$0x9490] =	vst v7  }
0x2d0: {  	v7 =	vld [tilespmem:s29+$0x20]  }
0x2d1: {  	v51 =	vld [tilespmem:$0x1FF70];
	_ =	sdelay $0x2  }
0x2d2: {  	v12 =	vld [tilespmem:s30+$0x20]  }
0x2d3: {  	v52 =	vld [tilespmem:$0x1FF50]  }
0x2d4: {  	v63 =	vld [tilespmem:$0x1FF60];
	v13 =	vmul.f32 v7, v51  }
0x2d5: {  	v1 =	vmov v0;
	v0 =	vld [tilespmem:$0x1FF30]  }
0x2d6: {  	v50 =	vld [tilespmem:$0x1FFD0];
	v14 =	vmul.f32 v7, v19;
	v13 =	vadd.f32 v13, v18  }
0x2d7: {  	v45 =	vmovc v19;
	v58 =	vmov v15;
	v41 =	vmov v16;
	v40 =	vld [tilespmem:$0x1FF40];
	v15 =	vmul.f32 v7, v15  }
0x2d8: {  	v44 =	vmovc v22;
	v16 =	vmul.f32 v7, v16;
	v14 =	vadd.f32 v14, v52;
	v13 =	vmul.f32 v13, v12  }
0x2d9: {  	v22 =	vmovc v20;
	v17 =	vmul.f32 v7, v60;
	v19 =	vld [tilespmem:s31+$0x20];
	v20 =	vmul.f32 v7, v55;
	v15 =	vadd.f32 v15, v62  }
0x2da: {  	v13 =	vadd.f32 v13, v14;
	v14 =	vadd.f32 v16, v63;
	v16 =	vmul.f32 v7, v0  }
0x2db: {  	v17 =	vadd.f32 v17, v54;
	v20 =	vadd.f32 v20, v53;
	v15 =	vmul.f32 v15, v12  }
0x2dc: {  	v7 =	vmul.f32 v7, v50;
	v14 =	vmul.f32 v14, v12;
	v16 =	vadd.f32 v16, v40  }
0x2dd: {  	v15 =	vadd.f32 v15, v17;
	v17 =	vld [tilespmem:s1+$0x20];
	v12 =	vmul.f32 v20, v12  }
0x2de: {  	v7 =	vadd.f32 v7, v27;
	v13 =	vmul.f32 v13, v19;
	v14 =	vadd.f32 v14, v16;
	_ =	sdelay $0x1  }
0x2df: {  	v15 =	vmul.f32 v15, v19;
	v7 =	vadd.f32 v12, v7;
	v12 =	vadd.f32 v13, v14;
	_ =	sdelay $0x1  }
0x2e0: {  	v7 =	vadd.f32 v15, v7;
	v12 =	vmul.f32 v12, v17;
	_ =	sdelay $0x1  }
0x2e1: {  	v11 =	vadd.f32 v11, v35;
	v7 =	vadd.f32 v12, v7  }
0x2e2: {  	v10 =	vadd.f32 v10, v47;
	v12 =	vmul.f32 v5, v37;
	v5 =	vmul.f32 v5, v38  }
0x2e3: {  	v11 =	vmul.f32 v11, v3;
	v13 =	vld [tilespmem:s23+$0x70];
	[tilespmem:s0+$0x94A0] =	vst v7  }
0x2e4: {  	v7 =	vmul.f32 v10, v3;
	v10 =	vadd.f32 v12, v26;
	v5 =	vadd.f32 v5, v33;
	v12 =	vld [tilespmem:s29+$0x30]  }
0x2e5: {  	v9 =	vadd.f32 v9, v32;
	v8 =	vadd.f32 v8, v61  }
0x2e6: {  	v5 =	vadd.f32 v7, v5;
	v7 =	vadd.f32 v11, v10  }
0x2e7: {  	v4 =	vadd.f32 v4, v46;
	v8 =	vmul.f32 v8, v3;
	v3 =	vmul.f32 v9, v3  }
0x2e8: {  	v6 =	vadd.f32 v6, v36;
	v9 =	vld [tilespmem:s30+$0x30];
	v5 =	vmul.f32 v5, v13;
	v7 =	vmul.f32 v7, v13  }
0x2e9: {  	v3 =	vadd.f32 v3, v4;
	v4 =	vmul.f32 v12, v0;
	v10 =	vmul.f32 v12, v51  }
0x2ea: {  	v6 =	vadd.f32 v8, v6;
	v8 =	vmul.f32 v12, v60;
	v11 =	vmul.f32 v12, v45  }
0x2eb: {  	v13 =	vmul.f32 v12, v41;
	v14 =	vmul.f32 v12, v58;
	v10 =	vadd.f32 v10, v18  }
0x2ec: {  	v16 =	vld [tilespmem:s31+$0x30];
	v15 =	vmul.f32 v12, v55;
	v4 =	vadd.f32 v4, v40;
	v11 =	vadd.f32 v11, v52  }
0x2ed: {  	v17 =	vld [tilespmem:s25+$0x70];
	v13 =	vadd.f32 v13, v63;
	v14 =	vadd.f32 v14, v62;
	v10 =	vmul.f32 v10, v9  }
0x2ee: {  	v12 =	vmul.f32 v12, v50;
	v8 =	vadd.f32 v8, v54;
	v15 =	vadd.f32 v15, v53  }
0x2ef: {  	v13 =	vmul.f32 v13, v9;
	v14 =	vmul.f32 v14, v9;
	v10 =	vadd.f32 v10, v11  }
0x2f0: {  	v3 =	vadd.f32 v5, v3;
	v5 =	vld [tilespmem:s1+$0x30];
	v9 =	vmul.f32 v15, v9;
	v11 =	vadd.f32 v12, v27  }
0x2f1: {  	v4 =	vadd.f32 v13, v4;
	v8 =	vadd.f32 v14, v8;
	v10 =	vmul.f32 v10, v16  }
0x2f2: {  	v6 =	vadd.f32 v7, v6;
	v3 =	vmul.f32 v3, v17  }
0x2f3: {  	v7 =	vadd.f32 v9, v11;
	v8 =	vmul.f32 v8, v16;
	v4 =	vadd.f32 v10, v4;
	_ =	sdelay $0x1  }
0x2f4: {  	v3 =	vadd.f32 v3, v6;
	v6 =	vadd.f32 v8, v7;
	v4 =	vmul.f32 v4, v5;
	_ =	sdelay $0x1  }
0x2f5: {  	[tilespmem:s28+$0x94F0] =	vst v3;
	v3 =	vadd.f32 v4, v6;
	_ =	sdelay $0x1  }
0x2f6: {  	v4 =	vld [tilespmem:s24+$0x400];
	[tilespmem:s0+$0x94B0] =	vst v3  }
0x2f7: {  	v3 =	vld [tilespmem:s29+$0x40];
	_ =	sdelay $0x3  }
0x2f8: {  	v5 =	vmul.f32 v4, v39  }
0x2f9: {  	v8 =	vld [tilespmem:s30+$0x40];
	v6 =	vmul.f32 v4, v42;
	v9 =	vmul.f32 v3, v50  }
0x2fa: {  	v10 =	vmul.f32 v3, v51;
	v11 =	vmul.f32 v3, v0  }
0x2fb: {  	v12 =	vmul.f32 v3, v58;
	v13 =	vmul.f32 v3, v45  }
0x2fc: {  	v14 =	vmul.f32 v3, v41;
	v15 =	vmul.f32 v3, v60;
	v10 =	vadd.f32 v10, v18  }
0x2fd: {  	v16 =	vld [tilespmem:s31+$0x40];
	v3 =	vmul.f32 v3, v55;
	v12 =	vadd.f32 v12, v62;
	v13 =	vadd.f32 v13, v52  }
0x2fe: {  	v20 =	vmovc v37;
	v14 =	vadd.f32 v14, v63;
	v15 =	vadd.f32 v15, v54;
	v10 =	vmul.f32 v10, v8  }
0x2ff: {  	v7 =	vmul.f32 v4, v20;
	v3 =	vadd.f32 v3, v53;
	v11 =	vadd.f32 v11, v40  }
0x300: {  	v12 =	vmul.f32 v12, v8;
	v14 =	vmul.f32 v14, v8;
	v10 =	vadd.f32 v10, v13  }
0x301: {  	v6 =	vadd.f32 v6, v47;
	v9 =	vadd.f32 v9, v27;
	v3 =	vmul.f32 v3, v8;
	v8 =	vld [tilespmem:s1+$0x40]  }
0x302: {  	v17 =	vld [tilespmem:s26+$0x400];
	v12 =	vadd.f32 v12, v15;
	v11 =	vadd.f32 v14, v11;
	v10 =	vmul.f32 v10, v16  }
0x303: {  	v5 =	vadd.f32 v5, v46;
	v13 =	vmul.f32 v4, v38;
	v14 =	vmul.f32 v4, v31  }
0x304: {  	v37 =	vmovc v26;
	v3 =	vadd.f32 v3, v9;
	v9 =	vmul.f32 v12, v16;
	v10 =	vadd.f32 v10, v11  }
0x305: {  	v7 =	vadd.f32 v7, v37;
	v15 =	vmul.f32 v4, v57;
	v12 =	vmul.f32 v4, v59  }
0x306: {  	v19 =	vmovc v35;
	v11 =	vadd.f32 v13, v33;
	v13 =	vld [tilespmem:s23+$0x400];
	v3 =	vadd.f32 v9, v3;
	v8 =	vmul.f32 v10, v8  }
0x307: {  	v6 =	vmul.f32 v6, v17;
	v14 =	vadd.f32 v14, v32;
	v9 =	vadd.f32 v15, v19  }
0x308: {  	v4 =	vmul.f32 v4, v56;
	v10 =	vadd.f32 v12, v61;
	v3 =	vadd.f32 v8, v3  }
0x309: {  	v9 =	vmul.f32 v9, v17;
	v6 =	vadd.f32 v6, v11;
	v8 =	vmul.f32 v14, v17  }
0x30a: {  	v4 =	vadd.f32 v4, v36;
	v11 =	vld [tilespmem:s25+$0x400];
	v10 =	vmul.f32 v10, v17;
	[tilespmem:s0+$0x94C0] =	vst v3  }
0x30b: {  	v6 =	vmul.f32 v6, v13;
	v3 =	vadd.f32 v8, v5;
	v5 =	vadd.f32 v9, v7;
	v7 =	vld [tilespmem:s29+$0x50];
	_ =	sdelay $0x1  }
0x30c: {  	v4 =	vadd.f32 v10, v4;
	v5 =	vmul.f32 v5, v13;
	v3 =	vadd.f32 v6, v3;
	_ =	sdelay $0x1  }
0x30d: {  	v4 =	vadd.f32 v5, v4;
	v3 =	vmul.f32 v3, v11;
	v5 =	vld [tilespmem:s30+$0x50]  }
0x30e: {  	v6 =	vmul.f32 v7, v0;
	v8 =	vmul.f32 v7, v51  }
0x30f: {  	v3 =	vadd.f32 v3, v4;
	v4 =	vmul.f32 v7, v60;
	v9 =	vmul.f32 v7, v45  }
0x310: {  	v10 =	vmul.f32 v7, v41;
	v11 =	vmul.f32 v7, v58;
	v8 =	vadd.f32 v8, v18  }
0x311: {  	v13 =	vld [tilespmem:s31+$0x50];
	v12 =	vmul.f32 v7, v55;
	v6 =	vadd.f32 v6, v40;
	v9 =	vadd.f32 v9, v52  }
0x312: {  	v10 =	vadd.f32 v10, v63;
	v11 =	vadd.f32 v11, v62;
	v8 =	vmul.f32 v8, v5  }
0x313: {  	v7 =	vmul.f32 v7, v50;
	v4 =	vadd.f32 v4, v54;
	v12 =	vadd.f32 v12, v53  }
0x314: {  	v10 =	vmul.f32 v10, v5;
	v11 =	vmul.f32 v11, v5;
	v8 =	vadd.f32 v8, v9  }
0x315: {  	v7 =	vadd.f32 v7, v27;
	[tilespmem:s28+$0x9880] =	vst v3;
	v5 =	vmul.f32 v12, v5;
	v9 =	vld [tilespmem:s1+$0x50]  }
0x316: {  	v3 =	vadd.f32 v10, v6;
	v4 =	vadd.f32 v11, v4;
	v6 =	vmul.f32 v8, v13;
	v8 =	vld [tilespmem:s24+$0x410];
	_ =	sdelay $0x1  }
0x317: {  	v5 =	vadd.f32 v5, v7;
	v4 =	vmul.f32 v4, v13;
	v3 =	vadd.f32 v6, v3;
	_ =	sdelay $0x1  }
0x318: {  	v4 =	vadd.f32 v4, v5;
	v5 =	vld [tilespmem:s26+$0x410];
	v3 =	vmul.f32 v3, v9  }
0x319: {  	v6 =	vmul.f32 v8, v42  }
0x31a: {  	v7 =	vmul.f32 v8, v57;
	v3 =	vadd.f32 v3, v4  }
0x31b: {  	v9 =	vmul.f32 v8, v38;
	v6 =	vadd.f32 v6, v47  }
0x31c: {  	v11 =	vld [tilespmem:s23+$0x410];
	v10 =	vmul.f32 v8, v31;
	v7 =	vadd.f32 v7, v19;
	[tilespmem:s0+$0x94D0] =	vst v3;
	v3 =	vmul.f32 v8, v20  }
0x31d: {  	v12 =	vmul.f32 v8, v59;
	v9 =	vadd.f32 v9, v33;
	v13 =	vld [tilespmem:s29+$0x60];
	v6 =	vmul.f32 v6, v5  }
0x31e: {  	v26 =	vmovc v39;
	v10 =	vadd.f32 v10, v32;
	v7 =	vmul.f32 v7, v5;
	v3 =	vadd.f32 v3, v37  }
0x31f: {  	v4 =	vmul.f32 v8, v26;
	v12 =	vadd.f32 v12, v61;
	v6 =	vadd.f32 v6, v9  }
0x320: {  	v8 =	vmul.f32 v8, v56;
	v9 =	vmul.f32 v10, v5;
	v3 =	vadd.f32 v7, v3  }
0x321: {  	v4 =	vadd.f32 v4, v46;
	v5 =	vmul.f32 v12, v5;
	v6 =	vmul.f32 v6, v11  }
0x322: {  	v8 =	vadd.f32 v8, v36;
	v7 =	vld [tilespmem:s30+$0x60];
	v10 =	vmul.f32 v13, v51;
	v3 =	vmul.f32 v3, v11  }
0x323: {  	v4 =	vadd.f32 v9, v4;
	v9 =	vmul.f32 v13, v0;
	v11 =	vmul.f32 v13, v45  }
0x324: {  	v5 =	vadd.f32 v5, v8;
	v12 =	vmul.f32 v13, v41;
	v15 =	vmul.f32 v13, v58  }
0x325: {  	v8 =	vmul.f32 v13, v60;
	v4 =	vadd.f32 v6, v4;
	v10 =	vadd.f32 v10, v18  }
0x326: {  	v14 =	vld [tilespmem:s31+$0x60];
	v17 =	vmul.f32 v13, v55;
	v12 =	vadd.f32 v12, v63;
	v15 =	vadd.f32 v15, v62  }
0x327: {  	v16 =	vld [tilespmem:s25+$0x410];
	v11 =	vadd.f32 v11, v52;
	v9 =	vadd.f32 v9, v40;
	v10 =	vmul.f32 v10, v7  }
0x328: {  	v8 =	vadd.f32 v8, v54;
	v12 =	vmul.f32 v12, v7;
	v15 =	vmul.f32 v15, v7  }
0x329: {  	v10 =	vadd.f32 v10, v11;
	v11 =	vmul.f32 v13, v50;
	v13 =	vadd.f32 v17, v53  }
0x32a: {  	v6 =	vld [tilespmem:s1+$0x60];
	v9 =	vadd.f32 v12, v9;
	v8 =	vadd.f32 v15, v8  }
0x32b: {  	v10 =	vmul.f32 v10, v14;
	v11 =	vadd.f32 v11, v27;
	v7 =	vmul.f32 v13, v7  }
0x32c: {  	v3 =	vadd.f32 v3, v5;
	v4 =	vmul.f32 v4, v16  }
0x32d: {  	v8 =	vmul.f32 v8, v14;
	v5 =	vadd.f32 v10, v9;
	v7 =	vadd.f32 v7, v11;
	_ =	sdelay $0x1  }
0x32e: {  	v3 =	vadd.f32 v4, v3;
	v4 =	vmul.f32 v5, v6;
	v5 =	vadd.f32 v8, v7;
	_ =	sdelay $0x1  }
0x32f: {  	[tilespmem:s28+$0x9890] =	vst v3;
	v3 =	vadd.f32 v4, v5;
	_ =	sdelay $0x1  }
0x330: {  	v4 =	vld [tilespmem:s24+$0x420];
	[tilespmem:s0+$0x94E0] =	vst v3  }
0x331: {  	v3 =	vld [tilespmem:s29+$0x70];
	_ =	sdelay $0x3  }
0x332: {  	v5 =	vmul.f32 v4, v26  }
0x333: {  	v8 =	vld [tilespmem:s30+$0x70];
	v6 =	vmul.f32 v4, v42;
	v9 =	vmul.f32 v3, v50  }
0x334: {  	v10 =	vmul.f32 v3, v51;
	v11 =	vmul.f32 v3, v0  }
0x335: {  	v12 =	vmul.f32 v3, v41;
	v13 =	vmul.f32 v3, v58  }
0x336: {  	v14 =	vmul.f32 v3, v45;
	v15 =	vmul.f32 v3, v55;
	v10 =	vadd.f32 v10, v18  }
0x337: {  	v16 =	vld [tilespmem:s31+$0x70];
	v3 =	vmul.f32 v3, v60;
	v12 =	vadd.f32 v12, v63;
	v13 =	vadd.f32 v13, v62  }
0x338: {  	v14 =	vadd.f32 v14, v52;
	v15 =	vadd.f32 v15, v53;
	v10 =	vmul.f32 v10, v8  }
0x339: {  	v7 =	vmul.f32 v4, v20;
	v11 =	vadd.f32 v11, v40;
	v3 =	vadd.f32 v3, v54  }
0x33a: {  	v12 =	vmul.f32 v12, v8;
	v13 =	vmul.f32 v13, v8;
	v10 =	vadd.f32 v10, v14  }
0x33b: {  	v6 =	vadd.f32 v6, v47;
	v9 =	vadd.f32 v9, v27;
	v8 =	vmul.f32 v15, v8;
	v15 =	vld [tilespmem:s1+$0x70]  }
0x33c: {  	v17 =	vld [tilespmem:s26+$0x420];
	v11 =	vadd.f32 v12, v11;
	v3 =	vadd.f32 v13, v3;
	v10 =	vmul.f32 v10, v16  }
0x33d: {  	v5 =	vadd.f32 v5, v46;
	v7 =	vadd.f32 v7, v37;
	v14 =	vmul.f32 v4, v38  }
0x33e: {  	v8 =	vadd.f32 v8, v9;
	v3 =	vmul.f32 v3, v16;
	v9 =	vadd.f32 v10, v11  }
0x33f: {  	v12 =	vmul.f32 v4, v31;
	v13 =	vmul.f32 v4, v57;
	v10 =	vadd.f32 v14, v33  }
0x340: {  	v11 =	vmul.f32 v4, v59;
	v14 =	vld [tilespmem:s23+$0x420];
	v3 =	vadd.f32 v3, v8;
	v8 =	vmul.f32 v9, v15  }
0x341: {  	v6 =	vmul.f32 v6, v17;
	v12 =	vadd.f32 v12, v32;
	v9 =	vadd.f32 v13, v19  }
0x342: {  	v4 =	vmul.f32 v4, v56;
	v11 =	vadd.f32 v11, v61;
	v3 =	vadd.f32 v8, v3  }
0x343: {  	v6 =	vadd.f32 v6, v10;
	v8 =	vmul.f32 v12, v17;
	v9 =	vmul.f32 v9, v17  }
0x344: {  	v10 =	vld [tilespmem:s25+$0x420];
	v4 =	vadd.f32 v4, v36;
	v11 =	vmul.f32 v11, v17;
	[tilespmem:s0+$0x94F0] =	vst v3  }
0x345: {  	v6 =	vmul.f32 v6, v14;
	v3 =	vadd.f32 v8, v5;
	v5 =	vadd.f32 v9, v7;
	v7 =	vld [tilespmem:s29+$0x400];
	_ =	sdelay $0x1  }
0x346: {  	v4 =	vadd.f32 v11, v4;
	v5 =	vmul.f32 v5, v14;
	v3 =	vadd.f32 v6, v3;
	_ =	sdelay $0x1  }
0x347: {  	v4 =	vadd.f32 v5, v4;
	v3 =	vmul.f32 v3, v10;
	v5 =	vld [tilespmem:s30+$0x400]  }
0x348: {  	v6 =	vmul.f32 v7, v0;
	v8 =	vmul.f32 v7, v51  }
0x349: {  	v3 =	vadd.f32 v3, v4;
	v4 =	vmul.f32 v7, v60;
	v9 =	vmul.f32 v7, v45  }
0x34a: {  	v10 =	vmul.f32 v7, v41;
	v11 =	vmul.f32 v7, v58;
	v8 =	vadd.f32 v8, v18  }
0x34b: {  	v12 =	vld [tilespmem:s31+$0x400];
	v13 =	vmul.f32 v7, v55;
	v6 =	vadd.f32 v6, v40;
	v9 =	vadd.f32 v9, v52  }
0x34c: {  	v10 =	vadd.f32 v10, v63;
	v11 =	vadd.f32 v11, v62;
	v8 =	vmul.f32 v8, v5  }
0x34d: {  	v7 =	vmul.f32 v7, v50;
	v4 =	vadd.f32 v4, v54;
	v13 =	vadd.f32 v13, v53  }
0x34e: {  	v10 =	vmul.f32 v10, v5;
	v11 =	vmul.f32 v11, v5;
	v8 =	vadd.f32 v8, v9  }
0x34f: {  	[tilespmem:s28+$0x98A0] =	vst v3;
	v3 =	vld [tilespmem:s1+$0x400];
	v7 =	vadd.f32 v7, v27;
	v5 =	vmul.f32 v13, v5  }
0x350: {  	v9 =	vld [tilespmem:s24+$0x430];
	v6 =	vadd.f32 v10, v6;
	v4 =	vadd.f32 v11, v4;
	v8 =	vmul.f32 v8, v12;
	_ =	sdelay $0x1  }
0x351: {  	v5 =	vadd.f32 v5, v7;
	v4 =	vmul.f32 v4, v12;
	v6 =	vadd.f32 v8, v6;
	_ =	sdelay $0x1  }
0x352: {  	v7 =	vld [tilespmem:s26+$0x430];
	v4 =	vadd.f32 v4, v5;
	v3 =	vmul.f32 v6, v3  }
0x353: {  	v5 =	vmul.f32 v9, v42;
	v6 =	vmul.f32 v9, v57  }
0x354: {  	v8 =	vmul.f32 v9, v38;
	v3 =	vadd.f32 v3, v4  }
0x355: {  	v5 =	vadd.f32 v5, v47;
	v4 =	vmul.f32 v9, v20;
	v6 =	vadd.f32 v6, v19  }
0x356: {  	v11 =	vld [tilespmem:s23+$0x430];
	v10 =	vmul.f32 v9, v31;
	v12 =	vmul.f32 v9, v59;
	v8 =	vadd.f32 v8, v33;
	[tilespmem:s0+$0x9880] =	vst v3  }
0x357: {  	v3 =	vmul.f32 v5, v7;
	v4 =	vadd.f32 v4, v37;
	v5 =	vmul.f32 v6, v7;
	v6 =	vld [tilespmem:s29+$0x410]  }
0x358: {  	v13 =	vmul.f32 v9, v26;
	v10 =	vadd.f32 v10, v32;
	v12 =	vadd.f32 v12, v61  }
0x359: {  	v9 =	vmul.f32 v9, v56;
	v3 =	vadd.f32 v3, v8;
	v4 =	vadd.f32 v5, v4  }
0x35a: {  	v5 =	vadd.f32 v13, v46;
	v8 =	vmul.f32 v10, v7;
	v7 =	vmul.f32 v12, v7  }
0x35b: {  	v9 =	vadd.f32 v9, v36;
	v10 =	vld [tilespmem:s30+$0x410];
	v3 =	vmul.f32 v3, v11;
	v4 =	vmul.f32 v4, v11  }
0x35c: {  	v5 =	vadd.f32 v8, v5;
	v8 =	vmul.f32 v6, v0;
	v11 =	vmul.f32 v6, v51  }
0x35d: {  	v7 =	vadd.f32 v7, v9;
	v9 =	vmul.f32 v6, v60;
	v12 =	vmul.f32 v6, v45  }
0x35e: {  	v13 =	vmul.f32 v6, v41;
	v14 =	vmul.f32 v6, v58;
	v11 =	vadd.f32 v11, v18  }
0x35f: {  	v15 =	vld [tilespmem:s31+$0x410];
	v16 =	vmul.f32 v6, v55;
	v8 =	vadd.f32 v8, v40;
	v12 =	vadd.f32 v12, v52  }
0x360: {  	v17 =	vld [tilespmem:s25+$0x430];
	v13 =	vadd.f32 v13, v63;
	v14 =	vadd.f32 v14, v62;
	v11 =	vmul.f32 v11, v10  }
0x361: {  	v6 =	vmul.f32 v6, v50;
	v9 =	vadd.f32 v9, v54;
	v16 =	vadd.f32 v16, v53  }
0x362: {  	v13 =	vmul.f32 v13, v10;
	v14 =	vmul.f32 v14, v10;
	v11 =	vadd.f32 v11, v12  }
0x363: {  	v3 =	vadd.f32 v3, v5;
	v5 =	vld [tilespmem:s1+$0x410];
	v6 =	vadd.f32 v6, v27;
	v10 =	vmul.f32 v16, v10  }
0x364: {  	v8 =	vadd.f32 v13, v8;
	v9 =	vadd.f32 v14, v9;
	v11 =	vmul.f32 v11, v15  }
0x365: {  	v4 =	vadd.f32 v4, v7;
	v3 =	vmul.f32 v3, v17  }
0x366: {  	v6 =	vadd.f32 v10, v6;
	v7 =	vmul.f32 v9, v15;
	v8 =	vadd.f32 v11, v8;
	_ =	sdelay $0x1  }
0x367: {  	v3 =	vadd.f32 v3, v4;
	v4 =	vadd.f32 v7, v6;
	v5 =	vmul.f32 v8, v5;
	_ =	sdelay $0x1  }
0x368: {  	[tilespmem:s28+$0x98B0] =	vst v3;
	v3 =	vadd.f32 v5, v4  }
0x369: {  	v4 =	vld [tilespmem:s24+$0x440]  }
0x36a: {  	[tilespmem:s0+$0x9890] =	vst v3  }
0x36b: {  	v3 =	vld [tilespmem:s29+$0x420];
	_ =	sdelay $0x2  }
0x36c: {  	v5 =	vmul.f32 v4, v26  }
0x36d: {  	v8 =	vld [tilespmem:s30+$0x420];
	v6 =	vmul.f32 v4, v42;
	v7 =	vmul.f32 v4, v20  }
0x36e: {  	v9 =	vmul.f32 v3, v0;
	v10 =	vmul.f32 v3, v51  }
0x36f: {  	v11 =	vmul.f32 v3, v60;
	v12 =	vmul.f32 v3, v45  }
0x370: {  	v13 =	vmul.f32 v3, v41;
	v14 =	vmul.f32 v3, v58;
	v10 =	vadd.f32 v10, v18  }
0x371: {  	v15 =	vld [tilespmem:s31+$0x420];
	v16 =	vmul.f32 v3, v55;
	v9 =	vadd.f32 v9, v40;
	v12 =	vadd.f32 v12, v52  }
0x372: {  	v13 =	vadd.f32 v13, v63;
	v14 =	vadd.f32 v14, v62;
	v10 =	vmul.f32 v10, v8  }
0x373: {  	v3 =	vmul.f32 v3, v50;
	v11 =	vadd.f32 v11, v54;
	v16 =	vadd.f32 v16, v53  }
0x374: {  	v13 =	vmul.f32 v13, v8;
	v14 =	vmul.f32 v14, v8;
	v10 =	vadd.f32 v10, v12  }
0x375: {  	v17 =	vld [tilespmem:s1+$0x420];
	v6 =	vadd.f32 v6, v47;
	v3 =	vadd.f32 v3, v27;
	v8 =	vmul.f32 v16, v8  }
0x376: {  	v16 =	vld [tilespmem:s26+$0x440];
	v9 =	vadd.f32 v13, v9;
	v11 =	vadd.f32 v14, v11;
	v10 =	vmul.f32 v10, v15  }
0x377: {  	v5 =	vadd.f32 v5, v46;
	v12 =	vmul.f32 v4, v38;
	v13 =	vmul.f32 v4, v31  }
0x378: {  	v3 =	vadd.f32 v8, v3;
	v8 =	vmul.f32 v11, v15;
	v9 =	vadd.f32 v10, v9  }
0x379: {  	v7 =	vadd.f32 v7, v37;
	v14 =	vmul.f32 v4, v57;
	v11 =	vmul.f32 v4, v59  }
0x37a: {  	v10 =	vadd.f32 v12, v33;
	v12 =	vld [tilespmem:s23+$0x440];
	v3 =	vadd.f32 v8, v3;
	v8 =	vmul.f32 v9, v17  }
0x37b: {  	v13 =	vadd.f32 v13, v32;
	v6 =	vmul.f32 v6, v16;
	v9 =	vadd.f32 v14, v19  }
0x37c: {  	v4 =	vmul.f32 v4, v56;
	v11 =	vadd.f32 v11, v61;
	v3 =	vadd.f32 v8, v3  }
0x37d: {  	v6 =	vadd.f32 v6, v10;
	v8 =	vmul.f32 v13, v16;
	v9 =	vmul.f32 v9, v16  }
0x37e: {  	v4 =	vadd.f32 v4, v36;
	v10 =	vld [tilespmem:s25+$0x440];
	v11 =	vmul.f32 v11, v16;
	[tilespmem:s0+$0x98A0] =	vst v3  }
0x37f: {  	v6 =	vmul.f32 v6, v12;
	v3 =	vadd.f32 v8, v5;
	v5 =	vadd.f32 v9, v7;
	v7 =	vld [tilespmem:s29+$0x430];
	_ =	sdelay $0x1  }
0x380: {  	v4 =	vadd.f32 v11, v4;
	v5 =	vmul.f32 v5, v12;
	v3 =	vadd.f32 v6, v3;
	_ =	sdelay $0x1  }
0x381: {  	v4 =	vadd.f32 v5, v4;
	v3 =	vmul.f32 v3, v10;
	v5 =	vld [tilespmem:s30+$0x430]  }
0x382: {  	v6 =	vmul.f32 v7, v0;
	v8 =	vmul.f32 v7, v51  }
0x383: {  	v3 =	vadd.f32 v3, v4;
	v4 =	vmul.f32 v7, v60;
	v9 =	vmul.f32 v7, v45  }
0x384: {  	v10 =	vmul.f32 v7, v41;
	v11 =	vmul.f32 v7, v58;
	v8 =	vadd.f32 v8, v18  }
0x385: {  	v12 =	vld [tilespmem:s31+$0x430];
	v13 =	vmul.f32 v7, v55;
	v6 =	vadd.f32 v6, v40;
	v9 =	vadd.f32 v9, v52  }
0x386: {  	v10 =	vadd.f32 v10, v63;
	v11 =	vadd.f32 v11, v62;
	v8 =	vmul.f32 v8, v5  }
0x387: {  	v7 =	vmul.f32 v7, v50;
	v4 =	vadd.f32 v4, v54;
	v13 =	vadd.f32 v13, v53  }
0x388: {  	v10 =	vmul.f32 v10, v5;
	v11 =	vmul.f32 v11, v5;
	v8 =	vadd.f32 v8, v9  }
0x389: {  	[tilespmem:s28+$0x98C0] =	vst v3;
	v3 =	vld [tilespmem:s1+$0x430];
	v7 =	vadd.f32 v7, v27;
	v5 =	vmul.f32 v13, v5  }
0x38a: {  	v9 =	vld [tilespmem:s24+$0x450];
	v6 =	vadd.f32 v10, v6;
	v4 =	vadd.f32 v11, v4;
	v8 =	vmul.f32 v8, v12;
	_ =	sdelay $0x1  }
0x38b: {  	v5 =	vadd.f32 v5, v7;
	v4 =	vmul.f32 v4, v12;
	v6 =	vadd.f32 v8, v6;
	_ =	sdelay $0x1  }
0x38c: {  	v7 =	vld [tilespmem:s26+$0x450];
	v4 =	vadd.f32 v4, v5;
	v3 =	vmul.f32 v6, v3  }
0x38d: {  	v5 =	vmul.f32 v9, v42;
	v6 =	vmul.f32 v9, v57  }
0x38e: {  	v8 =	vmul.f32 v9, v38;
	v3 =	vadd.f32 v3, v4  }
0x38f: {  	v5 =	vadd.f32 v5, v47;
	v4 =	vmul.f32 v9, v20;
	v6 =	vadd.f32 v6, v19  }
0x390: {  	v11 =	vld [tilespmem:s23+$0x450];
	v10 =	vmul.f32 v9, v31;
	v12 =	vmul.f32 v9, v59;
	v8 =	vadd.f32 v8, v33;
	[tilespmem:s0+$0x98B0] =	vst v3  }
0x391: {  	v3 =	vmul.f32 v5, v7;
	v4 =	vadd.f32 v4, v37;
	v5 =	vmul.f32 v6, v7;
	v6 =	vld [tilespmem:s29+$0x440]  }
0x392: {  	v13 =	vmul.f32 v9, v26;
	v10 =	vadd.f32 v10, v32;
	v12 =	vadd.f32 v12, v61  }
0x393: {  	v9 =	vmul.f32 v9, v56;
	v3 =	vadd.f32 v3, v8;
	v4 =	vadd.f32 v5, v4  }
0x394: {  	v5 =	vadd.f32 v13, v46;
	v8 =	vmul.f32 v10, v7;
	v7 =	vmul.f32 v12, v7  }
0x395: {  	v9 =	vadd.f32 v9, v36;
	v10 =	vld [tilespmem:s30+$0x440];
	v3 =	vmul.f32 v3, v11;
	v4 =	vmul.f32 v4, v11  }
0x396: {  	v5 =	vadd.f32 v8, v5;
	v8 =	vmul.f32 v6, v0;
	v11 =	vmul.f32 v6, v51  }
0x397: {  	v7 =	vadd.f32 v7, v9;
	v9 =	vmul.f32 v6, v60;
	v12 =	vmul.f32 v6, v45  }
0x398: {  	v13 =	vmul.f32 v6, v41;
	v14 =	vmul.f32 v6, v58;
	v11 =	vadd.f32 v11, v18  }
0x399: {  	v15 =	vld [tilespmem:s31+$0x440];
	v16 =	vmul.f32 v6, v55;
	v8 =	vadd.f32 v8, v40;
	v12 =	vadd.f32 v12, v52  }
0x39a: {  	v17 =	vld [tilespmem:s25+$0x450];
	v13 =	vadd.f32 v13, v63;
	v14 =	vadd.f32 v14, v62;
	v11 =	vmul.f32 v11, v10  }
0x39b: {  	v6 =	vmul.f32 v6, v50;
	v9 =	vadd.f32 v9, v54;
	v16 =	vadd.f32 v16, v53  }
0x39c: {  	v13 =	vmul.f32 v13, v10;
	v14 =	vmul.f32 v14, v10;
	v11 =	vadd.f32 v11, v12  }
0x39d: {  	v3 =	vadd.f32 v3, v5;
	v5 =	vld [tilespmem:s1+$0x440];
	v6 =	vadd.f32 v6, v27;
	v10 =	vmul.f32 v16, v10  }
0x39e: {  	v8 =	vadd.f32 v13, v8;
	v9 =	vadd.f32 v14, v9;
	v11 =	vmul.f32 v11, v15  }
0x39f: {  	v4 =	vadd.f32 v4, v7;
	v3 =	vmul.f32 v3, v17  }
0x3a0: {  	v6 =	vadd.f32 v10, v6;
	v7 =	vmul.f32 v9, v15;
	v8 =	vadd.f32 v11, v8;
	_ =	sdelay $0x1  }
0x3a1: {  	v3 =	vadd.f32 v3, v4;
	v4 =	vadd.f32 v7, v6;
	v5 =	vmul.f32 v8, v5;
	_ =	sdelay $0x1  }
0x3a2: {  	[tilespmem:s28+$0x98D0] =	vst v3;
	v3 =	vadd.f32 v5, v4;
	_ =	sdelay $0x1  }
0x3a3: {  	v4 =	vld [tilespmem:s24+$0x460];
	[tilespmem:s0+$0x98C0] =	vst v3  }
0x3a4: {  	v5 =	vld [tilespmem:s29+$0x450]  }
0x3a5: {  	v10 =	vmul.f32 v2, v1;
	v1 =	vld [tilespmem:$0x1FFA0]  }
0x3a6: {  	v9 =	vmul.f32 v2, v22  }
0x3a7: {  	v6 =	vmul.f32 v2, v49;
	v8 =	vmul.f32 v2, v44  }
0x3a8: {  	v3 =	vmul.f32 v2, v30;
	v14 =	vld [tilespmem:s30+$0x450];
	v11 =	vmul.f32 v4, v26  }
0x3a9: {  	v15 =	vmul.f32 v5, v0;
	v16 =	vmul.f32 v5, v51  }
0x3aa: {  	v39 =	vmovc v18;
	v3 =	vadd.f32 v3, v1;
	v17 =	vmul.f32 v5, v60;
	v22 =	vmul.f32 v5, v45  }
0x3ab: {  	v1 =	vmul.f32 v5, v41;
	v18 =	vmul.f32 v5, v58;
	v16 =	vadd.f32 v16, v39  }
0x3ac: {  	v43 =	vld [tilespmem:s31+$0x450];
	v49 =	vmul.f32 v5, v55;
	v15 =	vadd.f32 v15, v40;
	v22 =	vadd.f32 v22, v52  }
0x3ad: {  	v1 =	vadd.f32 v1, v63;
	v18 =	vadd.f32 v18, v62;
	v16 =	vmul.f32 v16, v14  }
0x3ae: {  	v5 =	vmul.f32 v5, v50;
	v17 =	vadd.f32 v17, v54;
	v44 =	vadd.f32 v49, v53  }
0x3af: {  	v35 =	vmovc v42;
	v1 =	vmul.f32 v1, v14;
	v18 =	vmul.f32 v18, v14;
	v16 =	vadd.f32 v16, v22  }
0x3b0: {  	v34 =	vmovc v46;
	v46 =	vld [tilespmem:s1+$0x450];
	v12 =	vmul.f32 v4, v35;
	v5 =	vadd.f32 v5, v27;
	v14 =	vmul.f32 v44, v14  }
0x3b1: {  	v49 =	vld [tilespmem:s26+$0x460];
	v15 =	vadd.f32 v1, v15;
	v17 =	vadd.f32 v18, v17;
	v16 =	vmul.f32 v16, v43  }
0x3b2: {  	v13 =	vmul.f32 v4, v20;
	v12 =	vadd.f32 v12, v47;
	v1 =	vmul.f32 v4, v31  }
0x3b3: {  	v5 =	vadd.f32 v14, v5;
	v14 =	vmul.f32 v17, v43;
	v15 =	vadd.f32 v16, v15  }
0x3b4: {  	v11 =	vadd.f32 v11, v34;
	v22 =	vmul.f32 v4, v38;
	v18 =	vmul.f32 v4, v57  }
0x3b5: {  	v1 =	vadd.f32 v1, v32;
	v5 =	vadd.f32 v14, v5;
	v14 =	vmul.f32 v15, v46  }
0x3b6: {  	v12 =	vmul.f32 v12, v49;
	v16 =	vadd.f32 v22, v33;
	v22 =	vld [tilespmem:s23+$0x460];
	v15 =	vadd.f32 v18, v19  }
0x3b7: {  	v7 =	vld [tilespmem:$0x1FF90];
	v13 =	vadd.f32 v13, v37;
	v17 =	vmul.f32 v4, v59;
	v5 =	vadd.f32 v14, v5  }
0x3b8: {  	v1 =	vmul.f32 v1, v49;
	v12 =	vadd.f32 v12, v16;
	v16 =	vld [tilespmem:s25+$0x460];
	v15 =	vmul.f32 v15, v49  }
0x3b9: {  	v10 =	vadd.f32 v10, v25;
	v4 =	vmul.f32 v4, v56;
	v17 =	vadd.f32 v17, v61;
	v14 =	vld [tilespmem:s22+$0x470];
	[tilespmem:s0+$0x98D0] =	vst v5  }
0x3ba: {  	v5 =	vadd.f32 v1, v11;
	v11 =	vadd.f32 v15, v13;
	v13 =	vld [tilespmem:s29+$0x460]  }
0x3bb: {  	v4 =	vadd.f32 v4, v36;
	v17 =	vmul.f32 v17, v49;
	v12 =	vmul.f32 v12, v22;
	v1 =	vld [tilespmem:$0x1FFC0]  }
0x3bc: {  	v9 =	vadd.f32 v9, v23;
	v6 =	vadd.f32 v6, v29;
	v7 =	vmul.f32 v2, v7  }
0x3bd: {  	v4 =	vadd.f32 v17, v4;
	v11 =	vmul.f32 v11, v22;
	v5 =	vadd.f32 v12, v5  }
0x3be: {  	v8 =	vadd.f32 v8, v24;
	v15 =	vmul.f32 v2, v28;
	v6 =	vmul.f32 v6, v14  }
0x3bf: {  	v9 =	vmul.f32 v9, v14;
	v4 =	vadd.f32 v11, v4;
	v5 =	vmul.f32 v5, v16;
	v11 =	vld [tilespmem:s30+$0x460]  }
0x3c0: {  	v7 =	vadd.f32 v7, v21;
	v2 =	vmul.f32 v2, v1;
	v1 =	vld [tilespmem:$0x1FFB0];
	v16 =	vmul.f32 v13, v51  }
0x3c1: {  	v42 =	vmovc v19;
	v4 =	vadd.f32 v5, v4;
	v17 =	vmul.f32 v13, v45;
	v19 =	vmul.f32 v13, v41  }
0x3c2: {  	v30 =	vmovc v20;
	v5 =	vmul.f32 v13, v60;
	v20 =	vmul.f32 v13, v58;
	v16 =	vadd.f32 v16, v39  }
0x3c3: {  	v10 =	vmul.f32 v10, v14;
	v17 =	vadd.f32 v17, v52;
	v19 =	vadd.f32 v19, v63  }
0x3c4: {  	v21 =	vld [tilespmem:s31+$0x460];
	v22 =	vmul.f32 v13, v55;
	v20 =	vadd.f32 v20, v62;
	v5 =	vadd.f32 v5, v54  }
0x3c5: {  	v16 =	vmul.f32 v16, v11;
	v12 =	vadd.f32 v15, v1;
	v15 =	vmul.f32 v13, v0  }
0x3c6: {  	v22 =	vadd.f32 v22, v53;
	v19 =	vmul.f32 v19, v11;
	v20 =	vmul.f32 v20, v11  }
0x3c7: {  	v1 =	vld [tilespmem:s20+$0x470];
	v13 =	vmul.f32 v13, v50;
	v16 =	vadd.f32 v16, v17;
	v15 =	vadd.f32 v15, v40  }
0x3c8: {  	v6 =	vadd.f32 v6, v8;
	v8 =	vld [tilespmem:s1+$0x460];
	v11 =	vmul.f32 v22, v11;
	v5 =	vadd.f32 v20, v5  }
0x3c9: {  	[tilespmem:s28+$0x98E0] =	vst v4;
	v13 =	vadd.f32 v13, v27;
	v4 =	vadd.f32 v19, v15;
	v15 =	vmul.f32 v16, v21  }
0x3ca: {  	v3 =	vadd.f32 v9, v3;
	v7 =	vadd.f32 v10, v7;
	v9 =	vld [tilespmem:s24+$0x470]  }
0x3cb: {  	v5 =	vmul.f32 v5, v21;
	v11 =	vadd.f32 v11, v13;
	v4 =	vadd.f32 v15, v4  }
0x3cc: {  	v2 =	vadd.f32 v2, v48;
	v12 =	vmul.f32 v12, v14;
	v6 =	vmul.f32 v6, v1  }
0x3cd: {  	v5 =	vadd.f32 v5, v11;
	v4 =	vmul.f32 v4, v8  }
0x3ce: {  	v17 =	vld [tilespmem:s21+$0x470];
	v2 =	vadd.f32 v12, v2;
	v3 =	vadd.f32 v6, v3;
	v6 =	vmul.f32 v7, v1  }
0x3cf: {  	v10 =	vmul.f32 v9, v31;
	v7 =	vld [tilespmem:s26+$0x470];
	v8 =	vmul.f32 v9, v35;
	v4 =	vadd.f32 v4, v5  }
0x3d0: {  	v2 =	vadd.f32 v6, v2;
	v6 =	vmul.f32 v9, v38;
	v5 =	vmul.f32 v9, v26  }
0x3d1: {  	v13 =	vmul.f32 v9, v30;
	v11 =	vmul.f32 v9, v57;
	v8 =	vadd.f32 v8, v47;
	[tilespmem:s0+$0x98E0] =	vst v4  }
0x3d2: {  	v4 =	vadd.f32 v5, v34;
	v5 =	vadd.f32 v6, v33;
	v6 =	vmul.f32 v9, v59;
	v12 =	vld [tilespmem:s29+$0x470]  }
0x3d3: {  	v10 =	vadd.f32 v10, v32;
	v11 =	vadd.f32 v11, v42;
	v3 =	vmul.f32 v3, v17  }
0x3d4: {  	v8 =	vmul.f32 v8, v7;
	v9 =	vmul.f32 v9, v56;
	v6 =	vadd.f32 v6, v61  }
0x3d5: {  	v13 =	vadd.f32 v13, v37;
	v10 =	vmul.f32 v10, v7;
	v11 =	vmul.f32 v11, v7  }
0x3d6: {  	v5 =	vadd.f32 v8, v5;
	v8 =	vadd.f32 v9, v36;
	v6 =	vmul.f32 v6, v7;
	v7 =	vld [tilespmem:s30+$0x470]  }
0x3d7: {  	v4 =	vadd.f32 v10, v4;
	v1 =	vmul.f32 v12, v0;
	v9 =	vmul.f32 v12, v51  }
0x3d8: {  	v10 =	vadd.f32 v11, v13;
	v11 =	vmul.f32 v12, v60;
	v13 =	vmul.f32 v12, v45  }
0x3d9: {  	v14 =	vld [tilespmem:s23+$0x470];
	v15 =	vmul.f32 v12, v41;
	v16 =	vmul.f32 v12, v58;
	v9 =	vadd.f32 v9, v39  }
0x3da: {  	v17 =	vld [tilespmem:s31+$0x470];
	v0 =	vadd.f32 v1, v40;
	v1 =	vadd.f32 v13, v52;
	v13 =	vmul.f32 v12, v55  }
0x3db: {  	v15 =	vadd.f32 v15, v63;
	v16 =	vadd.f32 v16, v62;
	v9 =	vmul.f32 v9, v7  }
0x3dc: {  	v12 =	vmul.f32 v12, v50;
	v11 =	vadd.f32 v11, v54;
	v13 =	vadd.f32 v13, v53  }
0x3dd: {  	v18 =	vld [tilespmem:s25+$0x470];
	v15 =	vmul.f32 v15, v7;
	v16 =	vmul.f32 v16, v7;
	v1 =	vadd.f32 v9, v1  }
0x3de: {  	v5 =	vmul.f32 v5, v14;
	v12 =	vadd.f32 v12, v27;
	v9 =	vld [tilespmem:s1+$0x470];
	v7 =	vmul.f32 v13, v7  }
0x3df: {  	v0 =	vadd.f32 v15, v0;
	v11 =	vadd.f32 v16, v11;
	v1 =	vmul.f32 v1, v17  }
0x3e0: {  	v6 =	vadd.f32 v6, v8;
	v8 =	vmul.f32 v10, v14;
	v4 =	vadd.f32 v5, v4  }
0x3e1: {  	v5 =	vadd.f32 v7, v12;
	v7 =	vmul.f32 v11, v17;
	v0 =	vadd.f32 v1, v0  }
0x3e2: {  	v4 =	vmul.f32 v4, v18;
	v1 =	vadd.f32 v8, v6  }
0x3e3: {  	v2 =	vadd.f32 v3, v2;
	v3 =	vadd.f32 v7, v5;
	v0 =	vmul.f32 v0, v9  }
0x3e4: {  	v1 =	vadd.f32 v4, v1  }
0x3e5: {  	[tilespmem:s19+$0x98F0] =	vst v2;
	v0 =	vadd.f32 v0, v3  }
0x3e6: {  	[tilespmem:s28+$0x98F0] =	vst v1  }
0x3e7: {  	s16 =	simm.s32 $0x9480;
	s19 =	simm.s32 $0x9200;
	[tilespmem:s0+$0x98F0] =	vst v0  }
0x3e8: {  	[hbm4b:s7+s11] =	stream.strided.scatter [tilespmem:s16], [sflag:$0x1], $0x8000, s13, s11, $0x38;
	[tilespmem:$0x19480] =	vst v63  }
0x3e9: {  	v0 =	vld [tilespmem:s19+$0x0];
	_ =	sdelay $0x4  }
0x3ea: {  	(v2sf) =	vpush v0, $0x0  }
0x3eb: {  	s20 =	simm.s32 $0x80;
	v15 =	vld [tilespmem:$0x1FFF0]  }
0x3ec: {  	v1 =	vmov s20  }
0x3ed: {  	v1 =	vand.u32 $0x7F, v1  }
0x3ee: {  	v1 =	vbroadcast v1, $0x0;
	(v2sf) =	vpush v0, $0x1;
	_ =	sdelay $0x1  }
0x3ef: {  	v1 =	vor.u32 v15, v1;
	_ =	sdelay $0x1  }
0x3f0: {  	(v2sf) =	vpush v0, $0x2;
	_ =	sdelay $0x2  }
0x3f1: {  	v1 =	vld.idx.msk [tilespmem:v1+s13+$0x0], $0xffff  }
0x3f2: {  	(v2sf) =	vpush v0, $0x3  }
0x3f3: {  	v42 =	vimm.s32 $0x1;
	v35 =	vimm.s32 $0x7;
	v59 =	vimm.s32 $0x0  }
0x3f4: {  	v56 =	vimm.s32 $0x4;
	v2 =	vimm.s32 $0x5;
	v51 =	vimm.s32 $0xE  }
0x3f5: {  	v18 =	vimm.s32 $0x2;
	v63 =	vimm.s32 $0xC;
	v55 =	vimm.s32 $0xB;
	s21 =	spop (v2sf)  }
0x3f6: {  	v12 =	vimm.s32 $0x3;
	v61 =	vperm.xlane v1, v59;
	v47 =	vperm.xlane v1, v42;
	s22 =	sshll.u32 s21, $0x8;
	s0 =	sshll.u32 s21, $0x7  }
0x3f7: {  	v0 =	vimm.s32 $0x8;
	v48 =	vperm.xlane v1, v18;
	v32 =	vperm.xlane v1, v56;
	s1 =	sand.u32 $0xFFFFF800, s22;
	s0 =	sand.u32 $0x380, s0  }
0x3f8: {  	v27 =	vimm.s32 $0x9;
	v24 =	vperm.xlane v1, v12;
	v33 =	vperm.xlane v1, v0;
	s14 =	sor.u32 s0, s1  }
0x3f9: {  	v25 =	vperm.xlane v1, v2;
	v2 =	vimm.s32 $0x6;
	v26 =	vperm.xlane v1, v27;
	s23 =	spop (v2sf);
	v0 =	vld [tilespmem:s14+$0x0]  }
0x3fa: {  	v23 =	vperm.xlane v1, v35;
	v29 =	vperm.xlane v1, v2;
	v2 =	vimm.s32 $0xA;
	s24 =	sshll.u32 s23, $0x8;
	s0 =	sshll.u32 s23, $0x7  }
0x3fb: {  	v28 =	vperm.xlane v1, v63;
	v62 =	vperm.xlane v1, v2;
	v2 =	vimm.s32 $0xF;
	s1 =	sand.u32 $0xFFFFF800, s24;
	s0 =	sand.u32 $0x380, s0  }
0x3fc: {  	v39 =	vimm.s32 $0xD;
	v44 =	vperm.xlane v1, v55;
	v46 =	vperm.xlane v1, v2;
	s15 =	sor.u32 s0, s1  }
0x3fd: {  	v60 =	vperm.xlane v1, v39;
	v37 =	vperm.xlane v1, v51;
	s25 =	spop (v2sf);
	v2 =	vld [tilespmem:s15+$0x0]  }
0x3fe: {  	s26 =	sshll.u32 s25, $0x8;
	s0 =	sshll.u32 s25, $0x7;
	v3 =	vmul.f32 v0, v46;
	v1 =	vmul.f32 v0, v33  }
0x3ff: {  	s1 =	sand.u32 $0xFFFFF800, s26;
	s0 =	sand.u32 $0x380, s0;
	v4 =	vmul.f32 v0, v44;
	v5 =	vmul.f32 v0, v60  }
0x400: {  	s20 =	sor.u32 s0, s1;
	v6 =	vmul.f32 v0, v26;
	v7 =	vmul.f32 v0, v37;
	v3 =	vadd.f32 v3, v23  }
0x401: {  	s1 =	spop (v2sf);
	v8 =	vld [tilespmem:s20+$0x0];
	v9 =	vmul.f32 v0, v62;
	v0 =	vmul.f32 v0, v28;
	v5 =	vadd.f32 v5, v25  }
0x402: {  	s4 =	sshll.u32 s1, $0x8;
	s0 =	sshll.u32 s1, $0x7;
	v4 =	vadd.f32 v4, v24;
	v7 =	vadd.f32 v7, v29;
	v3 =	vmul.f32 v3, v2  }
0x403: {  	s1 =	sand.u32 $0xFFFFF800, s4;
	s0 =	sand.u32 $0x380, s0;
	v6 =	vadd.f32 v6, v47;
	v0 =	vadd.f32 v0, v32;
	v5 =	vmul.f32 v5, v2  }
0x404: {  	s21 =	sor.u32 s0, s1;
	v7 =	vmul.f32 v7, v2;
	v3 =	vadd.f32 v3, v4;
	v4 =	vadd.f32 v9, v48  }
0x405: {  	v1 =	vadd.f32 v1, v61;
	v0 =	vmul.f32 v0, v2;
	v9 =	vld [tilespmem:s21+$0x0]  }
0x406: {  	v5 =	vadd.f32 v5, v6;
	v3 =	vmul.f32 v3, v8;
	v4 =	vadd.f32 v7, v4;
	_ =	sdelay $0x1  }
0x407: {  	v0 =	vadd.f32 v0, v1;
	v2 =	vadd.f32 v3, v5;
	v3 =	vmul.f32 v4, v8;
	_ =	sdelay $0x1  }
0x408: {  	v1 =	vmul.f32 v2, v9;
	v0 =	vadd.f32 v3, v0  }
0x409: {  	s5 =	simm.s32 $0x0  }
0x40a: {  	s12 =	sand.u32 $0x7800, s5;
	s0 =	sand.u32 $0x380, s5;
	v0 =	vadd.f32 v1, v0  }
0x40b: {  	s0 =	sor.u32 s0, s12  }
0x40c: {  	[tilespmem:s0+$0x11480] =	vst v0  }
0x40d: {  	v0 =	vld [tilespmem:s14+$0x10];
	_ =	sdelay $0x3  }
0x40e: {  	v1 =	vld [tilespmem:s15+$0x10]  }
0x40f: {  	v2 =	vmul.f32 v0, v26;
	v3 =	vmul.f32 v0, v46  }
0x410: {  	v4 =	vmul.f32 v0, v62;
	v5 =	vmul.f32 v0, v44  }
0x411: {  	v6 =	vmul.f32 v0, v60;
	v7 =	vmul.f32 v0, v37;
	v3 =	vadd.f32 v3, v23  }
0x412: {  	v9 =	vld [tilespmem:s20+$0x10];
	v8 =	vmul.f32 v0, v28;
	v2 =	vadd.f32 v2, v47;
	v5 =	vadd.f32 v5, v24  }
0x413: {  	v6 =	vadd.f32 v6, v25;
	v7 =	vadd.f32 v7, v29;
	v3 =	vmul.f32 v3, v1  }
0x414: {  	v0 =	vmul.f32 v0, v33;
	v4 =	vadd.f32 v4, v48;
	v8 =	vadd.f32 v8, v32  }
0x415: {  	v6 =	vmul.f32 v6, v1;
	v7 =	vmul.f32 v7, v1;
	v3 =	vadd.f32 v3, v5  }
0x416: {  	v0 =	vadd.f32 v0, v61;
	v1 =	vmul.f32 v8, v1;
	v5 =	vld [tilespmem:s21+$0x10]  }
0x417: {  	v2 =	vadd.f32 v6, v2;
	v4 =	vadd.f32 v7, v4;
	v3 =	vmul.f32 v3, v9;
	_ =	sdelay $0x1  }
0x418: {  	v0 =	vadd.f32 v1, v0;
	v1 =	vmul.f32 v4, v9;
	v2 =	vadd.f32 v3, v2;
	_ =	sdelay $0x1  }
0x419: {  	v0 =	vadd.f32 v1, v0;
	v2 =	vmul.f32 v2, v5;
	_ =	sdelay $0x1  }
0x41a: {  	v0 =	vadd.f32 v2, v0  }
0x41b: {  	s19 =	sadd.s32 $0x11480, s0  }
0x41c: {  	[tilespmem:s19+$0x10] =	vst v0  }
0x41d: {  	v0 =	vld [tilespmem:s14+$0x20];
	_ =	sdelay $0x3  }
0x41e: {  	v1 =	vld [tilespmem:s15+$0x20]  }
0x41f: {  	v2 =	vmul.f32 v0, v37;
	v3 =	vmul.f32 v0, v46  }
0x420: {  	v4 =	vmul.f32 v0, v62;
	v5 =	vmul.f32 v0, v44  }
0x421: {  	v6 =	vmul.f32 v0, v60;
	v8 =	vmul.f32 v0, v28;
	v3 =	vadd.f32 v3, v23  }
0x422: {  	v7 =	vld [tilespmem:s20+$0x20];
	v9 =	vmul.f32 v0, v26;
	v0 =	vmul.f32 v0, v33;
	v2 =	vadd.f32 v2, v29  }
0x423: {  	v5 =	vadd.f32 v5, v24;
	v6 =	vadd.f32 v6, v25;
	v3 =	vmul.f32 v3, v1  }
0x424: {  	v4 =	vadd.f32 v4, v48;
	v8 =	vadd.f32 v8, v32;
	v2 =	vmul.f32 v2, v1  }
0x425: {  	v3 =	vadd.f32 v3, v5;
	v5 =	vmul.f32 v6, v1;
	v6 =	vadd.f32 v9, v47  }
0x426: {  	v0 =	vadd.f32 v0, v61;
	v2 =	vadd.f32 v2, v4;
	v4 =	vld [tilespmem:s21+$0x20]  }
0x427: {  	v1 =	vmul.f32 v8, v1;
	v3 =	vmul.f32 v3, v7;
	v5 =	vadd.f32 v5, v6;
	_ =	sdelay $0x1  }
0x428: {  	v2 =	vmul.f32 v2, v7;
	v0 =	vadd.f32 v1, v0;
	v1 =	vadd.f32 v3, v5;
	_ =	sdelay $0x1  }
0x429: {  	v0 =	vadd.f32 v2, v0;
	v1 =	vmul.f32 v1, v4;
	_ =	sdelay $0x1  }
0x42a: {  	v0 =	vadd.f32 v1, v0;
	_ =	sdelay $0x1  }
0x42b: {  	[tilespmem:s19+$0x20] =	vst v0  }
0x42c: {  	v0 =	vld [tilespmem:s14+$0x30];
	_ =	sdelay $0x3  }
0x42d: {  	v1 =	vld [tilespmem:s15+$0x30]  }
0x42e: {  	v2 =	vmul.f32 v0, v26;
	v3 =	vmul.f32 v0, v46  }
0x42f: {  	v4 =	vmul.f32 v0, v62;
	v5 =	vmul.f32 v0, v44  }
0x430: {  	v6 =	vmul.f32 v0, v60;
	v7 =	vmul.f32 v0, v37;
	v3 =	vadd.f32 v3, v23  }
0x431: {  	v9 =	vld [tilespmem:s20+$0x30];
	v8 =	vmul.f32 v0, v28;
	v2 =	vadd.f32 v2, v47;
	v5 =	vadd.f32 v5, v24  }
0x432: {  	v6 =	vadd.f32 v6, v25;
	v7 =	vadd.f32 v7, v29;
	v3 =	vmul.f32 v3, v1  }
0x433: {  	v0 =	vmul.f32 v0, v33;
	v4 =	vadd.f32 v4, v48;
	v8 =	vadd.f32 v8, v32  }
0x434: {  	v6 =	vmul.f32 v6, v1;
	v7 =	vmul.f32 v7, v1;
	v3 =	vadd.f32 v3, v5  }
0x435: {  	v0 =	vadd.f32 v0, v61;
	v1 =	vmul.f32 v8, v1;
	v5 =	vld [tilespmem:s21+$0x30]  }
0x436: {  	v2 =	vadd.f32 v6, v2;
	v4 =	vadd.f32 v7, v4;
	v3 =	vmul.f32 v3, v9;
	_ =	sdelay $0x1  }
0x437: {  	v0 =	vadd.f32 v1, v0;
	v1 =	vmul.f32 v4, v9;
	v2 =	vadd.f32 v3, v2;
	_ =	sdelay $0x1  }
0x438: {  	v0 =	vadd.f32 v1, v0;
	v1 =	vmul.f32 v2, v5;
	_ =	sdelay $0x1  }
0x439: {  	v0 =	vadd.f32 v1, v0;
	_ =	sdelay $0x1  }
0x43a: {  	[tilespmem:s19+$0x30] =	vst v0  }
0x43b: {  	s22 =	simm.s32 $0x9204;
	v0 =	vld [tilespmem:s14+$0x40]  }
0x43c: {  	v7 =	vld [tilespmem:s22+$0x0]  }
0x43d: {  	s16 =	simm.s32 $0x81  }
0x43e: {  	v1 =	vmov s16  }
0x43f: {  	v1 =	vand.u32 $0x7F, v1  }
0x440: {  	v1 =	vbroadcast v1, $0x0;
	v2 =	vld [tilespmem:s15+$0x40];
	v3 =	vmul.f32 v0, v33  }
0x441: {  	(v2sf) =	vpush v7, $0x0;
	v4 =	vmul.f32 v0, v46;
	v5 =	vmul.f32 v0, v26  }
0x442: {  	v1 =	vor.u32 v15, v1;
	v6 =	vmul.f32 v0, v37;
	v8 =	vmul.f32 v0, v44  }
0x443: {  	v9 =	vmul.f32 v0, v60;
	v10 =	vmul.f32 v0, v62;
	v4 =	vadd.f32 v4, v23  }
0x444: {  	v11 =	vld [tilespmem:s20+$0x40];
	v0 =	vmul.f32 v0, v28;
	v6 =	vadd.f32 v6, v29;
	v8 =	vadd.f32 v8, v24  }
0x445: {  	v9 =	vadd.f32 v9, v25;
	v10 =	vadd.f32 v10, v48;
	v4 =	vmul.f32 v4, v2  }
0x446: {  	v0 =	vadd.f32 v0, v32;
	v5 =	vadd.f32 v5, v47  }
0x447: {  	v6 =	vmul.f32 v6, v2;
	v9 =	vmul.f32 v9, v2;
	v4 =	vadd.f32 v4, v8  }
0x448: {  	v3 =	vadd.f32 v3, v61;
	v0 =	vmul.f32 v0, v2;
	v2 =	vld [tilespmem:s21+$0x40]  }
0x449: {  	v6 =	vadd.f32 v6, v10;
	v5 =	vadd.f32 v9, v5;
	v4 =	vmul.f32 v4, v11  }
0x44a: {  	v1 =	vld.idx.msk [tilespmem:v1+s13+$0x0], $0xffff  }
0x44b: {  	v0 =	vadd.f32 v0, v3;
	v3 =	vmul.f32 v6, v11;
	v4 =	vadd.f32 v4, v5  }
0x44c: {  	(v2sf) =	vpush v7, $0x1  }
0x44d: {  	v0 =	vadd.f32 v3, v0;
	v2 =	vmul.f32 v4, v2  }
0x44e: {  	v19 =	vimm.s32 $0x8;
	v21 =	vimm.s32 $0x6  }
0x44f: {  	v20 =	vperm.xlane v1, v59;
	v30 =	vperm.xlane v1, v42;
	v0 =	vadd.f32 v2, v0  }
0x450: {  	v17 =	vimm.s32 $0x5;
	v54 =	vperm.xlane v1, v18;
	v22 =	vperm.xlane v1, v56  }
0x451: {  	(v2sf) =	vpush v7, $0x2;
	v58 =	vperm.xlane v1, v12;
	v50 =	vperm.xlane v1, v19;
	[tilespmem:s19+$0x40] =	vst v0  }
0x452: {  	v34 =	vimm.s32 $0xA;
	v31 =	vperm.xlane v1, v17;
	v36 =	vperm.xlane v1, v21;
	v0 =	vld [tilespmem:s14+$0x50]  }
0x453: {  	v49 =	vperm.xlane v1, v27;
	v57 =	vperm.xlane v1, v34  }
0x454: {  	(v2sf) =	vpush v7, $0x3;
	v45 =	vperm.xlane v1, v35;
	v40 =	vperm.xlane v1, v63  }
0x455: {  	v14 =	vimm.s32 $0xF;
	s23 =	spop (v2sf);
	v41 =	vperm.xlane v1, v55;
	v43 =	vperm.xlane v1, v39  }
0x456: {  	s24 =	sshll.u32 s23, $0x8;
	s0 =	sshll.u32 s23, $0x7;
	v38 =	vperm.xlane v1, v51;
	v53 =	vperm.xlane v1, v14;
	v2 =	vld [tilespmem:s15+$0x50]  }
0x457: {  	s1 =	sand.u32 $0xFFFFF800, s24;
	s0 =	sand.u32 $0x380, s0;
	v3 =	vmul.f32 v0, v26;
	v4 =	vmul.f32 v0, v46  }
0x458: {  	s23 =	sor.u32 s0, s1;
	v5 =	vmul.f32 v0, v62;
	v8 =	vmul.f32 v0, v37  }
0x459: {  	v11 =	vld [tilespmem:s23+$0x0];
	v6 =	vmul.f32 v0, v44;
	v7 =	vmul.f32 v0, v60;
	v4 =	vadd.f32 v4, v23  }
0x45a: {  	v10 =	vld [tilespmem:s20+$0x50];
	v9 =	vmul.f32 v0, v28;
	v0 =	vmul.f32 v0, v33;
	v8 =	vadd.f32 v8, v29  }
0x45b: {  	s25 =	spop (v2sf);
	v6 =	vadd.f32 v6, v24;
	v7 =	vadd.f32 v7, v25;
	v4 =	vmul.f32 v4, v2  }
0x45c: {  	s26 =	sshll.u32 s25, $0x8;
	s0 =	sshll.u32 s25, $0x7;
	v5 =	vadd.f32 v5, v48;
	v9 =	vadd.f32 v9, v32;
	v8 =	vmul.f32 v8, v2  }
0x45d: {  	s1 =	sand.u32 $0xFFFFF800, s26;
	s0 =	sand.u32 $0x380, s0;
	v3 =	vadd.f32 v3, v47;
	v7 =	vmul.f32 v7, v2;
	v4 =	vadd.f32 v4, v6  }
0x45e: {  	s25 =	sor.u32 s0, s1;
	v1 =	vld [tilespmem:s21+$0x50];
	v0 =	vadd.f32 v0, v61;
	v2 =	vmul.f32 v9, v2;
	v5 =	vadd.f32 v8, v5  }
0x45f: {  	v3 =	vadd.f32 v7, v3;
	v7 =	vmul.f32 v11, v53;
	v8 =	vld [tilespmem:s25+$0x0];
	v4 =	vmul.f32 v4, v10  }
0x460: {  	s1 =	spop (v2sf);
	v0 =	vadd.f32 v2, v0;
	v2 =	vmul.f32 v5, v10  }
0x461: {  	s4 =	sshll.u32 s1, $0x8;
	s0 =	sshll.u32 s1, $0x7;
	v5 =	vmul.f32 v11, v43;
	v7 =	vadd.f32 v7, v45;
	v3 =	vadd.f32 v4, v3  }
0x462: {  	s1 =	sand.u32 $0xFFFFF800, s4;
	s0 =	sand.u32 $0x380, s0;
	v10 =	vmul.f32 v11, v40;
	v4 =	vmul.f32 v11, v41;
	v0 =	vadd.f32 v2, v0  }
0x463: {  	s5 =	spop (v2sf);
	s22 =	sor.u32 s0, s1;
	v2 =	vmul.f32 v11, v49;
	v5 =	vadd.f32 v5, v31;
	v1 =	vmul.f32 v3, v1  }
0x464: {  	s12 =	sshll.u32 s5, $0x8;
	s0 =	sshll.u32 s5, $0x7;
	v9 =	vld [tilespmem:s22+$0x0];
	v7 =	vmul.f32 v7, v8;
	v3 =	vmul.f32 v11, v38;
	v4 =	vadd.f32 v4, v58  }
0x465: {  	s1 =	sand.u32 $0xFFFFF800, s12;
	s0 =	sand.u32 $0x380, s0;
	v2 =	vadd.f32 v2, v30;
	v0 =	vadd.f32 v1, v0;
	v1 =	vmul.f32 v11, v57  }
0x466: {  	s24 =	sor.u32 s0, s1;
	v3 =	vadd.f32 v3, v36;
	v4 =	vadd.f32 v7, v4  }
0x467: {  	v5 =	vmul.f32 v5, v8;
	[tilespmem:s19+$0x50] =	vst v0;
	v0 =	vadd.f32 v1, v54;
	v1 =	vadd.f32 v10, v22;
	v10 =	vld [tilespmem:s24+$0x0]  }
0x468: {  	v6 =	vmul.f32 v11, v50;
	v3 =	vmul.f32 v3, v8;
	v7 =	vld [tilespmem:s14+$0x60]  }
0x469: {  	v2 =	vadd.f32 v5, v2;
	v4 =	vmul.f32 v4, v9  }
0x46a: {  	v0 =	vadd.f32 v3, v0;
	v3 =	vadd.f32 v6, v20;
	v1 =	vmul.f32 v1, v8  }
0x46b: {  	v2 =	vadd.f32 v4, v2  }
0x46c: {  	v0 =	vmul.f32 v0, v9;
	v1 =	vadd.f32 v1, v3  }
0x46d: {  	v3 =	vld [tilespmem:s15+$0x60];
	v2 =	vmul.f32 v2, v10;
	v4 =	vmul.f32 v7, v46  }
0x46e: {  	v0 =	vadd.f32 v0, v1;
	v1 =	vmul.f32 v7, v26;
	v5 =	vmul.f32 v7, v44  }
0x46f: {  	v6 =	vmul.f32 v7, v60;
	v9 =	vmul.f32 v7, v37  }
0x470: {  	s16 =	simm.s32 $0x80;
	s26 =	simm.s32 $0x100;
	v10 =	vmul.f32 v7, v28;
	v4 =	vadd.f32 v4, v23;
	v0 =	vadd.f32 v2, v0  }
0x471: {  	s1 =	sand.u32 $0x7800, s26;
	s0 =	sand.u32 $0x380, s16;
	v8 =	vld [tilespmem:s20+$0x60];
	v2 =	vmul.f32 v7, v62;
	v6 =	vadd.f32 v6, v25;
	v9 =	vadd.f32 v9, v29  }
0x472: {  	s0 =	sor.u32 s0, s1;
	v5 =	vadd.f32 v5, v24;
	v1 =	vadd.f32 v1, v47;
	v4 =	vmul.f32 v4, v3  }
0x473: {  	[tilespmem:s0+$0x11480] =	vst v0;
	v0 =	vmul.f32 v6, v3;
	v2 =	vadd.f32 v2, v48;
	v9 =	vmul.f32 v9, v3  }
0x474: {  	v6 =	vld [tilespmem:s23+$0x10];
	v4 =	vadd.f32 v4, v5;
	v5 =	vmul.f32 v7, v33;
	v7 =	vadd.f32 v10, v32  }
0x475: {  	v10 =	vld [tilespmem:s21+$0x60];
	v0 =	vadd.f32 v0, v1;
	v2 =	vadd.f32 v9, v2  }
0x476: {  	v1 =	vmul.f32 v4, v8;
	v4 =	vadd.f32 v5, v61;
	v3 =	vmul.f32 v7, v3;
	_ =	sdelay $0x1  }
0x477: {  	v2 =	vmul.f32 v2, v8;
	v0 =	vadd.f32 v1, v0;
	v1 =	vadd.f32 v3, v4  }
0x478: {  	v3 =	vld [tilespmem:s25+$0x10]  }
0x479: {  	v4 =	vmul.f32 v6, v53;
	v0 =	vmul.f32 v0, v10;
	v1 =	vadd.f32 v2, v1  }
0x47a: {  	v5 =	vmul.f32 v6, v41  }
0x47b: {  	v7 =	vmul.f32 v6, v43;
	v4 =	vadd.f32 v4, v45;
	v0 =	vadd.f32 v0, v1  }
0x47c: {  	v9 =	vld [tilespmem:s22+$0x10];
	v8 =	vmul.f32 v6, v38;
	v2 =	vmul.f32 v6, v50;
	v5 =	vadd.f32 v5, v58  }
0x47d: {  	v7 =	vadd.f32 v7, v31;
	v1 =	vmul.f32 v6, v49;
	v4 =	vmul.f32 v4, v3;
	[tilespmem:s19+$0x60] =	vst v0  }
0x47e: {  	v8 =	vadd.f32 v8, v36;
	v0 =	vmul.f32 v6, v57;
	v6 =	vmul.f32 v6, v40;
	v10 =	vld [tilespmem:s14+$0x70]  }
0x47f: {  	v7 =	vmul.f32 v7, v3;
	v1 =	vadd.f32 v1, v30;
	v4 =	vadd.f32 v4, v5  }
0x480: {  	v0 =	vadd.f32 v0, v54;
	v5 =	vadd.f32 v6, v22;
	v6 =	vmul.f32 v8, v3  }
0x481: {  	v1 =	vadd.f32 v7, v1;
	v4 =	vmul.f32 v4, v9  }
0x482: {  	v2 =	vadd.f32 v2, v20;
	v3 =	vmul.f32 v5, v3;
	v0 =	vadd.f32 v6, v0;
	v5 =	vld [tilespmem:s15+$0x70]  }
0x483: {  	v1 =	vadd.f32 v4, v1;
	v4 =	vmul.f32 v10, v26;
	v6 =	vmul.f32 v10, v46  }
0x484: {  	v2 =	vadd.f32 v3, v2;
	v3 =	vmul.f32 v10, v28;
	v7 =	vmul.f32 v10, v44  }
0x485: {  	v8 =	vmul.f32 v10, v60;
	v11 =	vmul.f32 v10, v37;
	v6 =	vadd.f32 v6, v23  }
0x486: {  	v13 =	vld [tilespmem:s20+$0x70];
	v12 =	vmul.f32 v10, v62;
	v3 =	vadd.f32 v3, v32;
	v7 =	vadd.f32 v7, v24  }
0x487: {  	v14 =	vld [tilespmem:s24+$0x10];
	v8 =	vadd.f32 v8, v25;
	v11 =	vadd.f32 v11, v29;
	v6 =	vmul.f32 v6, v5  }
0x488: {  	v10 =	vmul.f32 v10, v33;
	v4 =	vadd.f32 v4, v47;
	v12 =	vadd.f32 v12, v48  }
0x489: {  	v8 =	vmul.f32 v8, v5;
	v11 =	vmul.f32 v11, v5;
	v6 =	vadd.f32 v6, v7  }
0x48a: {  	v0 =	vmul.f32 v0, v9;
	v3 =	vmul.f32 v3, v5;
	v5 =	vld [tilespmem:s21+$0x70];
	v7 =	vadd.f32 v10, v61  }
0x48b: {  	v4 =	vadd.f32 v8, v4;
	v8 =	vadd.f32 v11, v12;
	v6 =	vmul.f32 v6, v13  }
0x48c: {  	v1 =	vmul.f32 v1, v14;
	v0 =	vadd.f32 v0, v2  }
0x48d: {  	v2 =	vadd.f32 v3, v7;
	v3 =	vmul.f32 v8, v13;
	v4 =	vadd.f32 v6, v4;
	_ =	sdelay $0x1  }
0x48e: {  	v0 =	vadd.f32 v1, v0;
	v1 =	vadd.f32 v3, v2;
	v2 =	vmul.f32 v4, v5  }
0x48f: {  	s26 =	sadd.s32 $0x11480, s0  }
0x490: {  	[tilespmem:s26+$0x10] =	vst v0;
	v0 =	vadd.f32 v2, v1  }
0x491: {  	v1 =	vld [tilespmem:s23+$0x20]  }
0x492: {  	[tilespmem:s19+$0x70] =	vst v0  }
0x493: {  	v0 =	vld [tilespmem:s14+$0x400];
	_ =	sdelay $0x2  }
0x494: {  	v2 =	vmul.f32 v1, v38  }
0x495: {  	v5 =	vld [tilespmem:s15+$0x400];
	v3 =	vmul.f32 v1, v53;
	v4 =	vmul.f32 v1, v57  }
0x496: {  	v6 =	vmul.f32 v0, v26;
	v7 =	vmul.f32 v0, v46  }
0x497: {  	v8 =	vmul.f32 v0, v62;
	v9 =	vmul.f32 v0, v44  }
0x498: {  	v10 =	vmul.f32 v0, v60;
	v11 =	vmul.f32 v0, v37;
	v7 =	vadd.f32 v7, v23  }
0x499: {  	v12 =	vld [tilespmem:s20+$0x400];
	v13 =	vmul.f32 v0, v28;
	v6 =	vadd.f32 v6, v47;
	v9 =	vadd.f32 v9, v24  }
0x49a: {  	v14 =	vld [tilespmem:s25+$0x20];
	v10 =	vadd.f32 v10, v25;
	v11 =	vadd.f32 v11, v29;
	v7 =	vmul.f32 v7, v5  }
0x49b: {  	v0 =	vmul.f32 v0, v33;
	v8 =	vadd.f32 v8, v48;
	v13 =	vadd.f32 v13, v32  }
0x49c: {  	v10 =	vmul.f32 v10, v5;
	v11 =	vmul.f32 v11, v5;
	v7 =	vadd.f32 v7, v9  }
0x49d: {  	v2 =	vadd.f32 v2, v36;
	v0 =	vadd.f32 v0, v61;
	v5 =	vmul.f32 v13, v5;
	v9 =	vld [tilespmem:s21+$0x400]  }
0x49e: {  	v6 =	vadd.f32 v10, v6;
	v8 =	vadd.f32 v11, v8;
	v7 =	vmul.f32 v7, v12  }
0x49f: {  	v3 =	vadd.f32 v3, v45;
	v2 =	vmul.f32 v2, v14;
	v10 =	vmul.f32 v1, v41  }
0x4a0: {  	[tilespmem:$0x1FCE0] =	vst v54;
	v0 =	vadd.f32 v5, v0;
	v5 =	vmul.f32 v8, v12;
	v6 =	vadd.f32 v7, v6  }
0x4a1: {  	v4 =	vadd.f32 v4, v54;
	v3 =	vmul.f32 v3, v14;
	v11 =	vld [tilespmem:s22+$0x20];
	v8 =	vmul.f32 v1, v43  }
0x4a2: {  	v10 =	vadd.f32 v10, v58;
	v0 =	vadd.f32 v5, v0;
	v5 =	vmul.f32 v6, v9  }
0x4a3: {  	v7 =	vmul.f32 v1, v40;
	v6 =	vadd.f32 v8, v31;
	v8 =	vmul.f32 v1, v49  }
0x4a4: {  	v3 =	vadd.f32 v3, v10;
	v1 =	vmul.f32 v1, v50;
	v0 =	vadd.f32 v5, v0  }
0x4a5: {  	v7 =	vadd.f32 v7, v22;
	v5 =	vmul.f32 v6, v14;
	v6 =	vadd.f32 v8, v30  }
0x4a6: {  	v2 =	vadd.f32 v2, v4;
	v4 =	vld [tilespmem:s24+$0x20];
	v3 =	vmul.f32 v3, v11;
	[tilespmem:s19+$0x400] =	vst v0  }
0x4a7: {  	v1 =	vadd.f32 v1, v20;
	v0 =	vmul.f32 v7, v14;
	v5 =	vadd.f32 v5, v6;
	v6 =	vld [tilespmem:s14+$0x410];
	_ =	sdelay $0x1  }
0x4a8: {  	v2 =	vmul.f32 v2, v11;
	v0 =	vadd.f32 v0, v1;
	v1 =	vadd.f32 v3, v5;
	_ =	sdelay $0x1  }
0x4a9: {  	v0 =	vadd.f32 v2, v0;
	v1 =	vmul.f32 v1, v4;
	v2 =	vld [tilespmem:s15+$0x410]  }
0x4aa: {  	v3 =	vmul.f32 v6, v26;
	v4 =	vmul.f32 v6, v46  }
0x4ab: {  	v0 =	vadd.f32 v1, v0;
	v1 =	vmul.f32 v6, v62;
	v5 =	vmul.f32 v6, v44  }
0x4ac: {  	v7 =	vmul.f32 v6, v60;
	v8 =	vmul.f32 v6, v37;
	v4 =	vadd.f32 v4, v23  }
0x4ad: {  	v9 =	vld [tilespmem:s20+$0x410];
	v10 =	vmul.f32 v6, v28;
	v3 =	vadd.f32 v3, v47;
	v5 =	vadd.f32 v5, v24  }
0x4ae: {  	v7 =	vadd.f32 v7, v25;
	v8 =	vadd.f32 v8, v29;
	v4 =	vmul.f32 v4, v2  }
0x4af: {  	v6 =	vmul.f32 v6, v33;
	v1 =	vadd.f32 v1, v48;
	v10 =	vadd.f32 v10, v32  }
0x4b0: {  	v7 =	vmul.f32 v7, v2;
	v8 =	vmul.f32 v8, v2;
	v4 =	vadd.f32 v4, v5  }
0x4b1: {  	[tilespmem:s26+$0x20] =	vst v0;
	v0 =	vld [tilespmem:s21+$0x410];
	v6 =	vadd.f32 v6, v61;
	v10 =	vmul.f32 v10, v2  }
0x4b2: {  	s4 =	simm.s32 $0x82;
	v11 =	vld [tilespmem:s23+$0x30];
	v3 =	vadd.f32 v7, v3;
	v1 =	vadd.f32 v8, v1;
	v4 =	vmul.f32 v4, v9  }
0x4b3: {  	v5 =	vmov s4;
	v6 =	vadd.f32 v10, v6  }
0x4b4: {  	v5 =	vand.u32 $0x7F, v5;
	v1 =	vmul.f32 v1, v9;
	v3 =	vadd.f32 v4, v3  }
0x4b5: {  	v4 =	vbroadcast v5, $0x0  }
0x4b6: {  	v5 =	vld [tilespmem:s25+$0x30];
	v1 =	vadd.f32 v1, v6;
	v0 =	vmul.f32 v3, v0  }
0x4b7: {  	v6 =	vmul.f32 v11, v38;
	v3 =	vor.u32 v15, v4;
	v4 =	vmul.f32 v11, v53  }
0x4b8: {  	v7 =	vmul.f32 v11, v57;
	v0 =	vadd.f32 v0, v1  }
0x4b9: {  	v6 =	vadd.f32 v6, v36;
	v1 =	vmul.f32 v11, v41;
	v4 =	vadd.f32 v4, v45  }
0x4ba: {  	v10 =	vld [tilespmem:s22+$0x30];
	v8 =	vmul.f32 v11, v40;
	v9 =	vmul.f32 v11, v43;
	v7 =	vadd.f32 v7, v54;
	[tilespmem:s19+$0x410] =	vst v0  }
0x4bb: {  	v17 =	vmovc v22;
	v0 =	vadd.f32 v1, v58;
	v1 =	vmul.f32 v4, v5;
	v4 =	vmul.f32 v6, v5;
	v6 =	vld [tilespmem:s14+$0x420]  }
0x4bc: {  	v12 =	vmul.f32 v11, v49;
	v9 =	vadd.f32 v9, v31;
	v8 =	vadd.f32 v8, v17  }
0x4bd: {  	s0 =	simm.s32 $0x9208;
	v11 =	vmul.f32 v11, v50;
	v0 =	vadd.f32 v1, v0;
	v1 =	vadd.f32 v4, v7  }
0x4be: {  	v22 =	vld [tilespmem:s0+$0x0];
	[tilespmem:$0x1FCF0] =	vst v17;
	v4 =	vadd.f32 v12, v30;
	v7 =	vmul.f32 v9, v5;
	v5 =	vmul.f32 v8, v5  }
0x4bf: {  	v8 =	vadd.f32 v11, v20;
	v3 =	vld.idx.msk [tilespmem:v3+s13+$0x0], $0xffff;
	v0 =	vmul.f32 v0, v10;
	v1 =	vmul.f32 v1, v10  }
0x4c0: {  	v4 =	vadd.f32 v7, v4;
	v7 =	vmul.f32 v6, v26;
	v10 =	vmul.f32 v6, v46  }
0x4c1: {  	v5 =	vadd.f32 v5, v8;
	v8 =	vmul.f32 v6, v62;
	v11 =	vmul.f32 v6, v44  }
0x4c2: {  	v9 =	vld [tilespmem:s15+$0x420];
	v12 =	vmul.f32 v6, v60;
	v13 =	vmul.f32 v6, v37  }
0x4c3: {  	v16 =	vld [tilespmem:s24+$0x30];
	v15 =	vmul.f32 v6, v28;
	v6 =	vmul.f32 v6, v33  }
0x4c4: {  	v0 =	vadd.f32 v0, v4;
	v1 =	vadd.f32 v1, v5;
	v19 =	vperm.xlane v3, v42  }
0x4c5: {  	v34 =	vmovc v20;
	v20 =	vperm.xlane v3, v18;
	v10 =	vadd.f32 v10, v23;
	v7 =	vadd.f32 v7, v47  }
0x4c6: {  	v14 =	vld [tilespmem:s20+$0x420];
	v18 =	vperm.xlane v3, v56;
	v11 =	vadd.f32 v11, v24;
	v12 =	vadd.f32 v12, v25  }
0x4c7: {  	v13 =	vadd.f32 v13, v29;
	v8 =	vadd.f32 v8, v48;
	v10 =	vmul.f32 v10, v9  }
0x4c8: {  	v15 =	vadd.f32 v15, v32;
	v6 =	vadd.f32 v6, v61;
	v0 =	vmul.f32 v0, v16  }
0x4c9: {  	v12 =	vmul.f32 v12, v9;
	v13 =	vmul.f32 v13, v9;
	v10 =	vadd.f32 v10, v11  }
0x4ca: {  	v4 =	vld [tilespmem:s21+$0x420];
	v9 =	vmul.f32 v15, v9;
	v1 =	vadd.f32 v0, v1;
	v0 =	vimm.s32 $0x3  }
0x4cb: {  	v7 =	vadd.f32 v12, v7;
	v8 =	vadd.f32 v13, v8;
	v10 =	vmul.f32 v10, v14  }
0x4cc: {  	[tilespmem:$0x1FDF0] =	vst v19;
	v52 =	vperm.xlane v3, v0;
	v0 =	vimm.s32 $0x8;
	v5 =	vadd.f32 v9, v6  }
0x4cd: {  	[tilespmem:$0x1FE00] =	vst v20;
	v6 =	vmul.f32 v8, v14;
	v8 =	vperm.xlane v3, v59;
	v7 =	vadd.f32 v10, v7  }
0x4ce: {  	[tilespmem:$0x1FE10] =	vst v18;
	v56 =	vperm.xlane v3, v0  }
0x4cf: {  	v0 =	vimm.s32 $0x5;
	[tilespmem:$0x1FD00] =	vst v8;
	v5 =	vadd.f32 v6, v5;
	v4 =	vmul.f32 v7, v4  }
0x4d0: {  	[tilespmem:s26+$0x30] =	vst v1;
	v1 =	vperm.xlane v3, v0;
	v0 =	vimm.s32 $0x6  }
0x4d1: {  	v0 =	vperm.xlane v3, v0;
	v4 =	vadd.f32 v4, v5;
	v5 =	vimm.s32 $0xA  }
0x4d2: {  	(v2sf) =	vpush v22, $0x0;
	v2 =	vmovc v38;
	v38 =	vperm.xlane v3, v27;
	v6 =	vld [tilespmem:s23+$0x40];
	[tilespmem:$0x1FDD0] =	vst v1;
	v27 =	vperm.xlane v3, v5  }
0x4d3: {  	[tilespmem:$0x1FDE0] =	vst v0  }
0x4d4: {  	[tilespmem:$0x1FDC0] =	vst v27  }
0x4d5: {  	v21 =	vmov v30;
	v35 =	vperm.xlane v3, v35;
	v42 =	vperm.xlane v3, v63;
	[tilespmem:s19+$0x420] =	vst v4  }
0x4d6: {  	(v2sf) =	vpush v22, $0x1;
	v54 =	vmovc v61;
	v30 =	vmovc v46;
	v63 =	vperm.xlane v3, v55;
	v55 =	vperm.xlane v3, v39;
	v4 =	vld [tilespmem:s14+$0x430]  }
0x4d7: {  	v46 =	vperm.xlane v3, v51;
	v51 =	vmovc v2;
	v61 =	vmovc v53;
	v7 =	vmul.f32 v6, v2;
	v2 =	vimm.s32 $0xF;
	v5 =	vld [tilespmem:s25+$0x40]  }
0x4d8: {  	v39 =	vperm.xlane v3, v2;
	v3 =	vmul.f32 v6, v61  }
0x4d9: {  	v8 =	vmul.f32 v6, v40;
	v9 =	vmul.f32 v6, v43  }
0x4da: {  	v11 =	vmul.f32 v6, v41;
	v7 =	vadd.f32 v7, v36;
	v10 =	vld [tilespmem:s15+$0x430];
	v3 =	vadd.f32 v3, v45  }
0x4db: {  	v8 =	vadd.f32 v8, v17;
	v9 =	vadd.f32 v9, v31;
	v12 =	vmul.f32 v4, v30  }
0x4dc: {  	v11 =	vadd.f32 v11, v58;
	v7 =	vmul.f32 v7, v5;
	v3 =	vmul.f32 v3, v5  }
0x4dd: {  	v8 =	vmul.f32 v8, v5;
	v13 =	vmul.f32 v4, v44;
	v12 =	vadd.f32 v12, v23  }
0x4de: {  	v5 =	vmul.f32 v9, v5;
	v9 =	vmul.f32 v4, v37;
	v3 =	vadd.f32 v3, v11  }
0x4df: {  	v11 =	vmul.f32 v4, v60;
	v13 =	vadd.f32 v13, v24;
	v12 =	vmul.f32 v12, v10  }
0x4e0: {  	v17 =	vld [tilespmem:s20+$0x430];
	v15 =	vmul.f32 v4, v28;
	v16 =	vmul.f32 v4, v62;
	v9 =	vadd.f32 v9, v29  }
0x4e1: {  	s5 =	spop (v2sf);
	v53 =	vmovc v48;
	v11 =	vadd.f32 v11, v25;
	v12 =	vadd.f32 v12, v13;
	v13 =	vmul.f32 v4, v26  }
0x4e2: {  	s4 =	sshll.u32 s5, $0x8;
	s1 =	sshll.u32 s5, $0x7;
	v2 =	vld [tilespmem:s22+$0x40];
	v15 =	vadd.f32 v15, v32;
	v16 =	vadd.f32 v16, v53;
	v9 =	vmul.f32 v9, v10  }
0x4e3: {  	s4 =	sand.u32 $0xFFFFF800, s4;
	s1 =	sand.u32 $0x380, s1;
	v48 =	vmovc v31;
	v31 =	vld [tilespmem:$0x1FCE0];
	v11 =	vmul.f32 v11, v10;
	v4 =	vmul.f32 v4, v33;
	v13 =	vadd.f32 v13, v47  }
0x4e4: {  	(v2sf) =	vpush v22, $0x2;
	s28 =	sor.u32 s1, s4;
	v10 =	vmul.f32 v15, v10;
	v9 =	vadd.f32 v9, v16;
	v16 =	vld [tilespmem:s21+$0x430]  }
0x4e5: {  	v14 =	vld [tilespmem:s28+$0x0];
	v4 =	vadd.f32 v4, v54;
	v12 =	vmul.f32 v12, v17;
	v11 =	vadd.f32 v11, v13  }
0x4e6: {  	s12 =	spop (v2sf);
	(v2sf) =	vpush v22, $0x3;
	v9 =	vmul.f32 v9, v17;
	v13 =	vmul.f32 v6, v57  }
0x4e7: {  	v4 =	vadd.f32 v10, v4;
	v10 =	vmul.f32 v6, v49;
	v11 =	vadd.f32 v12, v11  }
0x4e8: {  	s16 =	sshll.u32 s12, $0x8;
	s1 =	sshll.u32 s12, $0x7;
	v3 =	vmul.f32 v3, v2;
	v6 =	vmul.f32 v6, v50;
	v13 =	vadd.f32 v13, v31  }
0x4e9: {  	s4 =	sand.u32 $0xFFFFF800, s16;
	s1 =	sand.u32 $0x380, s1;
	v10 =	vadd.f32 v10, v21;
	v4 =	vadd.f32 v9, v4;
	v11 =	vmul.f32 v11, v16  }
0x4ea: {  	s29 =	sor.u32 s1, s4;
	v15 =	vmul.f32 v14, v38;
	v6 =	vadd.f32 v6, v34;
	v16 =	vld [tilespmem:s24+$0x40];
	v7 =	vadd.f32 v7, v13  }
0x4eb: {  	v12 =	vmul.f32 v14, v27;
	v5 =	vadd.f32 v5, v10;
	v13 =	vld [tilespmem:s29+$0x0];
	v4 =	vadd.f32 v11, v4  }
0x4ec: {  	v10 =	vmul.f32 v14, v39;
	v6 =	vadd.f32 v8, v6;
	v2 =	vmul.f32 v7, v2  }
0x4ed: {  	v9 =	vmul.f32 v14, v63;
	v8 =	vmul.f32 v14, v42;
	v3 =	vadd.f32 v3, v5;
	[tilespmem:s19+$0x430] =	vst v4  }
0x4ee: {  	v5 =	vmul.f32 v14, v55;
	v4 =	vadd.f32 v10, v35;
	v2 =	vadd.f32 v2, v6;
	v6 =	vld [tilespmem:s14+$0x440]  }
0x4ef: {  	v7 =	vmul.f32 v14, v46;
	v8 =	vadd.f32 v8, v18;
	v3 =	vmul.f32 v3, v16  }
0x4f0: {  	v9 =	vadd.f32 v9, v52;
	v5 =	vadd.f32 v5, v1;
	v4 =	vmul.f32 v4, v13  }
0x4f1: {  	v18 =	vmul.f32 v8, v13;
	v2 =	vadd.f32 v3, v2;
	v3 =	vadd.f32 v7, v0  }
0x4f2: {  	v5 =	vmul.f32 v5, v13;
	v7 =	vadd.f32 v15, v19;
	v4 =	vadd.f32 v4, v9  }
0x4f3: {  	v10 =	vld [tilespmem:s15+$0x440];
	v9 =	vadd.f32 v12, v20;
	v3 =	vmul.f32 v3, v13;
	v8 =	vmul.f32 v6, v30  }
0x4f4: {  	v7 =	vadd.f32 v5, v7;
	v12 =	vmul.f32 v6, v60;
	v13 =	vmul.f32 v6, v37  }
0x4f5: {  	[tilespmem:s26+$0x40] =	vst v2;
	v15 =	vmul.f32 v6, v62;
	v16 =	vmul.f32 v6, v28;
	v5 =	vadd.f32 v3, v9  }
0x4f6: {  	v11 =	vld [tilespmem:s23+$0x50];
	v3 =	vmul.f32 v6, v26;
	v9 =	vmul.f32 v6, v44;
	v8 =	vadd.f32 v8, v23  }
0x4f7: {  	v17 =	vld [tilespmem:s20+$0x440];
	v6 =	vmul.f32 v6, v33;
	v12 =	vadd.f32 v12, v25;
	v13 =	vadd.f32 v13, v29  }
0x4f8: {  	v15 =	vadd.f32 v15, v53;
	v9 =	vadd.f32 v9, v24;
	v8 =	vmul.f32 v8, v10  }
0x4f9: {  	v16 =	vadd.f32 v16, v32;
	v3 =	vadd.f32 v3, v47;
	v12 =	vmul.f32 v12, v10  }
0x4fa: {  	v6 =	vadd.f32 v6, v54;
	v13 =	vmul.f32 v13, v10;
	v8 =	vadd.f32 v8, v9;
	v9 =	vld [tilespmem:s25+$0x50]  }
0x4fb: {  	v10 =	vmul.f32 v16, v10;
	v16 =	vmul.f32 v11, v61;
	v3 =	vadd.f32 v12, v3;
	v12 =	vld [tilespmem:s21+$0x440]  }
0x4fc: {  	s5 =	spop (v2sf);
	v2 =	vmul.f32 v11, v49;
	v13 =	vadd.f32 v13, v15;
	v8 =	vmul.f32 v8, v17  }
0x4fd: {  	s12 =	sshll.u32 s5, $0x8;
	s1 =	sshll.u32 s5, $0x7;
	v15 =	vmul.f32 v11, v41;
	v6 =	vadd.f32 v10, v6;
	v16 =	vadd.f32 v16, v45  }
0x4fe: {  	s4 =	sand.u32 $0xFFFFF800, s12;
	s1 =	sand.u32 $0x380, s1;
	v1 =	vld [tilespmem:$0x1FCF0];
	v10 =	vmul.f32 v13, v17;
	v13 =	vmul.f32 v11, v43;
	v3 =	vadd.f32 v8, v3  }
0x4ff: {  	s1 =	sor.u32 s1, s4;
	v19 =	vld [tilespmem:$0x1FD00];
	v15 =	vadd.f32 v15, v58;
	v17 =	vmul.f32 v11, v51;
	v16 =	vmul.f32 v16, v9  }
0x500: {  	v6 =	vadd.f32 v10, v6;
	v8 =	vld [tilespmem:s1+$0x0];
	v10 =	vmul.f32 v11, v50;
	v3 =	vmul.f32 v3, v12  }
0x501: {  	s16 =	spop (v2sf);
	v13 =	vadd.f32 v13, v48;
	v12 =	vld [tilespmem:s22+$0x50];
	v15 =	vadd.f32 v16, v15;
	v16 =	vmul.f32 v11, v40  }
0x502: {  	s5 =	sshll.u32 s16, $0x8;
	s4 =	sshll.u32 s16, $0x7;
	v17 =	vadd.f32 v17, v36;
	v11 =	vmul.f32 v11, v57;
	v3 =	vadd.f32 v3, v6  }
0x503: {  	s5 =	sand.u32 $0xFFFFF800, s5;
	s4 =	sand.u32 $0x380, s4;
	v14 =	vmul.f32 v14, v56;
	v2 =	vadd.f32 v2, v21;
	v16 =	vadd.f32 v16, v1  }
0x504: {  	s30 =	sor.u32 s4, s5;
	v6 =	vmul.f32 v13, v9;
	v13 =	vmul.f32 v17, v9;
	v11 =	vadd.f32 v11, v31;
	[tilespmem:s19+$0x440] =	vst v3;
	v3 =	vld [tilespmem:s24+$0x50]  }
0x505: {  	v14 =	vadd.f32 v14, v19;
	v4 =	vmul.f32 v4, v8;
	v9 =	vmul.f32 v16, v9;
	v16 =	vld [tilespmem:s30+$0x0]  }
0x506: {  	v27 =	vmovc v34;
	v2 =	vadd.f32 v6, v2;
	v6 =	vadd.f32 v13, v11;
	v11 =	vmul.f32 v15, v12;
	v13 =	vld [tilespmem:s14+$0x450]  }
0x507: {  	v10 =	vadd.f32 v10, v27;
	v4 =	vadd.f32 v4, v7  }
0x508: {  	v5 =	vmul.f32 v5, v8;
	v7 =	vadd.f32 v18, v14;
	v2 =	vadd.f32 v11, v2  }
0x509: {  	v8 =	vadd.f32 v9, v10;
	v6 =	vmul.f32 v6, v12  }
0x50a: {  	v5 =	vadd.f32 v5, v7;
	v2 =	vmul.f32 v2, v3  }
0x50b: {  	v6 =	vadd.f32 v6, v8;
	v3 =	vld [tilespmem:s15+$0x450];
	v4 =	vmul.f32 v4, v16;
	v7 =	vmul.f32 v13, v30  }
0x50c: {  	v8 =	vmul.f32 v13, v44;
	v9 =	vmul.f32 v13, v60  }
0x50d: {  	v10 =	vmul.f32 v13, v37;
	v12 =	vmul.f32 v13, v28;
	v2 =	vadd.f32 v2, v6  }
0x50e: {  	s31 =	simm.s32 $0x200;
	s12 =	simm.s32 $0x100;
	v6 =	vmul.f32 v13, v62;
	v4 =	vadd.f32 v4, v5;
	v7 =	vadd.f32 v7, v23  }
0x50f: {  	s16 =	sand.u32 $0x380, s12;
	s5 =	sand.u32 $0x7800, s31;
	v11 =	vld [tilespmem:s20+$0x450];
	v5 =	vmul.f32 v13, v26;
	v8 =	vadd.f32 v8, v24;
	v9 =	vadd.f32 v9, v25  }
0x510: {  	s16 =	sor.u32 s16, s5;
	v10 =	vadd.f32 v10, v29;
	v12 =	vadd.f32 v12, v32;
	v7 =	vmul.f32 v7, v3  }
0x511: {  	v6 =	vadd.f32 v6, v53;
	v5 =	vadd.f32 v5, v47;
	[tilespmem:s16+$0x11480] =	vst v4;
	v4 =	vmul.f32 v13, v33  }
0x512: {  	v9 =	vmul.f32 v9, v3;
	v10 =	vmul.f32 v10, v3;
	v7 =	vadd.f32 v7, v8  }
0x513: {  	[tilespmem:s26+$0x50] =	vst v2;
	v2 =	vld [tilespmem:s21+$0x450];
	v3 =	vmul.f32 v12, v3;
	v4 =	vadd.f32 v4, v54  }
0x514: {  	v8 =	vld [tilespmem:s23+$0x60];
	v5 =	vadd.f32 v9, v5;
	v6 =	vadd.f32 v10, v6;
	v7 =	vmul.f32 v7, v11;
	_ =	sdelay $0x1  }
0x515: {  	v3 =	vadd.f32 v3, v4;
	v4 =	vmul.f32 v6, v11;
	v5 =	vadd.f32 v7, v5  }
0x516: {  	v13 =	vld [tilespmem:s28+$0x10];
	[tilespmem:$0x1FD10] =	vst v56  }
0x517: {  	v7 =	vld [tilespmem:s25+$0x60];
	v3 =	vadd.f32 v4, v3;
	v2 =	vmul.f32 v5, v2  }
0x518: {  	v20 =	vmov v58;
	v11 =	vmul.f32 v8, v43;
	v5 =	vmul.f32 v8, v61  }
0x519: {  	[tilespmem:$0x1FD20] =	vst v38;
	v12 =	vmul.f32 v8, v49;
	v2 =	vadd.f32 v2, v3;
	v3 =	vmul.f32 v8, v41  }
0x51a: {  	[tilespmem:$0x1FD30] =	vst v39;
	v15 =	vmul.f32 v8, v51;
	v16 =	vmul.f32 v8, v57;
	v5 =	vadd.f32 v5, v45  }
0x51b: {  	v17 =	vmul.f32 v8, v40;
	[tilespmem:s19+$0x450] =	vst v2;
	v2 =	vadd.f32 v3, v20;
	v3 =	vadd.f32 v11, v48  }
0x51c: {  	v14 =	vld [tilespmem:s22+$0x60];
	v15 =	vadd.f32 v15, v36;
	v12 =	vadd.f32 v12, v21;
	v5 =	vmul.f32 v5, v7  }
0x51d: {  	v16 =	vadd.f32 v16, v31;
	v17 =	vadd.f32 v17, v1;
	v11 =	vld [tilespmem:s14+$0x460];
	v3 =	vmul.f32 v3, v7  }
0x51e: {  	v8 =	vmul.f32 v8, v50;
	v15 =	vmul.f32 v15, v7;
	v2 =	vadd.f32 v5, v2;
	v5 =	vld [tilespmem:s24+$0x60]  }
0x51f: {  	v3 =	vadd.f32 v3, v12;
	v12 =	vld [tilespmem:s15+$0x460];
	[tilespmem:$0x1FD40] =	vst v35  }
0x520: {  	v8 =	vadd.f32 v8, v27;
	v15 =	vadd.f32 v15, v16;
	v7 =	vmul.f32 v17, v7;
	[tilespmem:$0x1FD50] =	vst v44  }
0x521: {  	v9 =	vmul.f32 v13, v63;
	[tilespmem:$0x1FD60] =	vst v23  }
0x522: {  	v2 =	vmul.f32 v2, v14;
	v7 =	vadd.f32 v7, v8;
	v8 =	vmul.f32 v15, v14;
	v15 =	vld [tilespmem:s29+$0x10]  }
0x523: {  	v10 =	vmul.f32 v13, v39  }
0x524: {  	v59 =	vimm.s32 $0x1;
	v9 =	vadd.f32 v9, v52;
	v0 =	vld [tilespmem:$0x1FDC0];
	v2 =	vadd.f32 v2, v3  }
0x525: {  	v16 =	vmul.f32 v11, v30;
	v3 =	vadd.f32 v10, v35;
	v10 =	vmul.f32 v11, v44  }
0x526: {  	v7 =	vadd.f32 v8, v7;
	v8 =	vmul.f32 v11, v37;
	v2 =	vmul.f32 v2, v5  }
0x527: {  	[tilespmem:$0x1FD70] =	vst v26;
	v16 =	vadd.f32 v16, v23;
	v10 =	vadd.f32 v10, v24;
	v3 =	vmul.f32 v3, v15  }
0x528: {  	[tilespmem:$0x1FD80] =	vst v25;
	v8 =	vadd.f32 v8, v29;
	v6 =	vadd.f32 v2, v7;
	v7 =	vmul.f32 v11, v62;
	v2 =	vld [tilespmem:$0x1FDF0]  }
0x529: {  	[tilespmem:$0x1FD90] =	vst v62;
	v14 =	vmul.f32 v16, v12;
	v3 =	vadd.f32 v3, v9;
	v9 =	vmul.f32 v13, v0;
	v0 =	vld [tilespmem:$0x1FDD0]  }
0x52a: {  	[tilespmem:$0x1FDA0] =	vst v47;
	v5 =	vmul.f32 v11, v60;
	v8 =	vmul.f32 v8, v12;
	v7 =	vadd.f32 v7, v53  }
0x52b: {  	v4 =	vmul.f32 v13, v38;
	[tilespmem:$0x1FDB0] =	vst v32;
	v10 =	vadd.f32 v14, v10;
	v14 =	vmul.f32 v11, v28  }
0x52c: {  	v17 =	vmul.f32 v13, v55;
	v5 =	vadd.f32 v5, v25;
	v7 =	vadd.f32 v8, v7;
	v8 =	vld [tilespmem:s1+$0x10]  }
0x52d: {  	v22 =	vmovc v24;
	v16 =	vmul.f32 v11, v26;
	v14 =	vadd.f32 v14, v32;
	v4 =	vadd.f32 v4, v2;
	v2 =	vld [tilespmem:$0x1FE00]  }
0x52e: {  	v34 =	vmovc v36;
	v58 =	vmovc v63;
	v5 =	vmul.f32 v5, v12;
	v62 =	vmov v0;
	v17 =	vadd.f32 v17, v0;
	v0 =	vld [tilespmem:$0x1FDE0]  }
0x52f: {  	v16 =	vadd.f32 v16, v47;
	v11 =	vmul.f32 v11, v33;
	v12 =	vmul.f32 v14, v12;
	v14 =	vld [tilespmem:s20+$0x460];
	[tilespmem:s26+$0x60] =	vst v6  }
0x530: {  	v18 =	vmovc v42;
	v56 =	vmul.f32 v13, v56;
	v39 =	vmovc v45;
	v38 =	vmov v48;
	v63 =	vmov v46;
	v6 =	vld [tilespmem:$0x1FE10]  }
0x531: {  	v36 =	vmovc v1;
	v5 =	vadd.f32 v5, v16;
	v16 =	vmul.f32 v13, v46;
	v11 =	vadd.f32 v11, v54  }
0x532: {  	v1 =	vmovc v30;
	v45 =	vmovc v40;
	v48 =	vmov v52;
	v30 =	vmov v27;
	v13 =	vmul.f32 v13, v42  }
0x533: {  	v44 =	vmovc v60;
	v11 =	vadd.f32 v12, v11;
	v12 =	vld [tilespmem:s30+$0x10];
	v17 =	vmul.f32 v17, v15;
	v16 =	vadd.f32 v16, v0  }
0x534: {  	v27 =	vmovc v37;
	v3 =	vmul.f32 v3, v8;
	v9 =	vadd.f32 v9, v2;
	v2 =	vld [tilespmem:s21+$0x460];
	v10 =	vmul.f32 v10, v14  }
0x535: {  	v4 =	vadd.f32 v17, v4;
	v52 =	vmovc v6;
	v6 =	vadd.f32 v13, v6;
	v13 =	vmul.f32 v16, v15;
	v16 =	vld [tilespmem:s23+$0x70]  }
0x536: {  	v35 =	vmovc v31;
	v24 =	vmovc v28;
	v23 =	vmov v29;
	v29 =	vmov v61;
	v25 =	vmov v33  }
0x537: {  	v47 =	vmovc v41;
	v7 =	vmul.f32 v7, v14;
	v5 =	vadd.f32 v10, v5;
	v3 =	vadd.f32 v3, v4  }
0x538: {  	v28 =	vmovc v20;
	v6 =	vmul.f32 v6, v15;
	v9 =	vadd.f32 v13, v9;
	v13 =	vadd.f32 v56, v19  }
0x539: {  	v42 =	vmovc v49;
	v7 =	vadd.f32 v7, v11;
	v2 =	vmul.f32 v5, v2;
	v3 =	vmul.f32 v3, v12  }
0x53a: {  	v46 =	vmovc v0;
	v4 =	vadd.f32 v6, v13;
	v6 =	vmul.f32 v9, v8;
	v8 =	vmul.f32 v16, v49  }
0x53b: {  	v5 =	vld [tilespmem:s25+$0x70];
	v19 =	vmovc v50;
	v2 =	vadd.f32 v2, v7;
	v9 =	vmul.f32 v16, v57;
	v7 =	vmul.f32 v16, v40  }
0x53c: {  	v56 =	vmovc v51;
	v49 =	vmovc v57;
	v10 =	vmul.f32 v16, v41;
	v41 =	vmov v43;
	v14 =	vmul.f32 v16, v43  }
0x53d: {  	[tilespmem:s19+$0x460] =	vst v2;
	v11 =	vmul.f32 v16, v51;
	v4 =	vadd.f32 v6, v4;
	v2 =	vadd.f32 v7, v36  }
0x53e: {  	v57 =	vmovc v36;
	v6 =	vmul.f32 v16, v50;
	v7 =	vadd.f32 v8, v21;
	v8 =	vadd.f32 v9, v31  }
0x53f: {  	v43 =	vmovc v21;
	v13 =	vmul.f32 v16, v61;
	v9 =	vadd.f32 v10, v20;
	v12 =	vadd.f32 v3, v4;
	v3 =	vld [tilespmem:s14+$0x470]  }
0x540: {  	v61 =	vmovc v38;
	v10 =	vadd.f32 v14, v38;
	v4 =	vadd.f32 v6, v30;
	s14 =	simm.s32 $0x83;
	v6 =	vmul.f32 v2, v5;
	v2 =	vld [tilespmem:s15+$0x470]  }
.LBB2_8:
0x541: {  	_ =	sdelay $0x2  }
0x542: {  	v15 =	vmul.f32 v3, v1;
	v1 =	vld [tilespmem:$0x1FD90];
	_ =	sdelay $0x2  }
0x543: {  	v20 =	vld [tilespmem:$0x1FD60];
	_ =	sdelay $0x1  }
0x544: {  	v16 =	vmul.f32 v3, v1;
	v1 =	vld [tilespmem:$0x1FD50]  }
0x545: {  	v14 =	vld [tilespmem:$0x1FD70];
	_ =	sdelay $0x1  }
0x546: {  	v15 =	vadd.f32 v15, v20;
	v20 =	vld [tilespmem:$0x1FDA0]  }
0x547: {  	v0 =	vld [tilespmem:$0x1FDF0]  }
0x548: {  	v17 =	vmul.f32 v3, v1;
	v1 =	vld [tilespmem:$0x1FD20]  }
0x549: {  	v14 =	vmul.f32 v3, v14;
	_ =	sdelay $0x1  }
0x54a: {  	v32 =	vmov v42;
	v51 =	vmul.f32 v3, v27;
	v14 =	vadd.f32 v14, v20;
	v20 =	vld [tilespmem:$0x1FD80]  }
0x54b: {  	v24 =	vmul.f32 v3, v24;
	v31 =	vmovc v0;
	v15 =	vmul.f32 v15, v2;
	v17 =	vadd.f32 v17, v22  }
0x54c: {  	v0 =	vmul.f32 v3, v25;
	v42 =	vmovc v1;
	v1 =	vmul.f32 v3, v44;
	v3 =	vadd.f32 v16, v53;
	v16 =	vld [tilespmem:$0x1FDB0]  }
0x54d: {  	v15 =	vadd.f32 v15, v17;
	v17 =	vld [tilespmem:$0x1FE00]  }
0x54e: {  	v37 =	vld [tilespmem:s20+$0x470];
	v23 =	vadd.f32 v51, v23  }
0x54f: {  	v1 =	vadd.f32 v1, v20  }
0x550: {  	v20 =	vmul.f32 v23, v2  }
0x551: {  	v1 =	vmul.f32 v1, v2;
	v16 =	vadd.f32 v24, v16  }
0x552: {  	v0 =	vadd.f32 v0, v54;
	v40 =	vmov v17;
	v17 =	vld [tilespmem:s21+$0x470];
	v3 =	vadd.f32 v20, v3  }
0x553: {  	v1 =	vadd.f32 v1, v14;
	v14 =	vmul.f32 v15, v37;
	v2 =	vmul.f32 v16, v2;
	_ =	sdelay $0x1  }
0x554: {  	v1 =	vadd.f32 v14, v1;
	v0 =	vadd.f32 v2, v0;
	v2 =	vmul.f32 v3, v37  }
0x555: {  	s20 =	smov.u32 s22;
	v13 =	vadd.f32 v13, v39  }
0x556: {  	v21 =	vld [tilespmem:s20+$0x70];
	v1 =	vmul.f32 v1, v17;
	v0 =	vadd.f32 v2, v0  }
0x557: {  	v11 =	vadd.f32 v11, v34;
	v13 =	vmul.f32 v13, v5  }
0x558: {  	s4 =	sadd.s32 $0x11480, s16;
	v10 =	vmul.f32 v10, v5;
	v0 =	vadd.f32 v1, v0;
	v1 =	vld [tilespmem:$0x1FD10]  }
0x559: {  	v5 =	vmul.f32 v11, v5;
	v9 =	vadd.f32 v13, v9;
	s21 =	smov.u32 s24;
	[tilespmem:s4+$0x10] =	vst v12  }
0x55a: {  	v7 =	vadd.f32 v10, v7;
	v11 =	vld [tilespmem:s21+$0x70]  }
0x55b: {  	v5 =	vadd.f32 v5, v8;
	v8 =	vmul.f32 v9, v21;
	v9 =	vmov s14;
	v15 =	vld [tilespmem:$0x1FD00]  }
0x55c: {  	v3 =	vld [tilespmem:s28+$0x20];
	v2 =	vadd.f32 v6, v4;
	v6 =	vand.u32 $0x7F, v9  }
0x55d: {  	v4 =	vmul.f32 v5, v21;
	v5 =	vadd.f32 v8, v7;
	v12 =	vmovc v1;
	v1 =	vbroadcast v6, $0x0;
	v6 =	vld [tilespmem:s29+$0x20]  }
0x55e: {  	[tilespmem:s19+$0x470] =	vst v0;
	v0 =	vld [tilespmem:$0x1FDC0]  }
0x55f: {  	v2 =	vadd.f32 v4, v2;
	v4 =	vmul.f32 v5, v11  }
0x560: {  	v54 =	vmov v15;
	v15 =	vld [tilespmem:$0x1FD30]  }
0x561: {  	v2 =	vadd.f32 v4, v2;
	v4 =	vld [tilespmem:$0x1FD40];
	_ =	sdelay $0x1  }
0x562: {  	v23 =	vmov v61;
	v61 =	vmov v0;
	v0 =	vld [tilespmem:$0x1FFF0];
	_ =	sdelay $0x1  }
0x563: {  	v5 =	vmul.f32 v3, v63;
	v7 =	vmul.f32 v3, v15  }
0x564: {  	v13 =	vmovc v48;
	v37 =	vmovc v39;
	v8 =	vmov v46;
	v9 =	vmul.f32 v3, v18;
	v39 =	vmov v4  }
0x565: {  	s22 =	smov.u32 s1;
	v53 =	vmovc v8;
	v5 =	vadd.f32 v5, v8;
	s19 =	smov.u32 s26;
	v4 =	vmul.f32 v3, v58;
	v7 =	vadd.f32 v7, v39  }
0x566: {  	v10 =	vmul.f32 v3, v55;
	v8 =	vld [tilespmem:s22+$0x20];
	[tilespmem:s19+$0x70] =	vst v2;
	v0 =	vor.u32 v0, v1;
	v1 =	vmul.f32 v3, v61  }
0x567: {  	v16 =	vmovc v52;
	v2 =	vadd.f32 v4, v13;
	v4 =	vmul.f32 v5, v6;
	v5 =	vmul.f32 v7, v6;
	v7 =	vld [tilespmem:s23+$0x400]  }
0x568: {  	v33 =	vmovc v62;
	v9 =	vadd.f32 v9, v16;
	v11 =	vmul.f32 v3, v12;
	v1 =	vadd.f32 v1, v40  }
0x569: {  	v10 =	vadd.f32 v10, v33;
	v2 =	vadd.f32 v5, v2  }
0x56a: {  	v5 =	vmul.f32 v9, v6;
	v1 =	vadd.f32 v4, v1;
	v4 =	vadd.f32 v11, v54  }
0x56b: {  	v44 =	vmovc v47;
	v24 =	vmovc v28;
	v28 =	vmov v45;
	v6 =	vmul.f32 v10, v6;
	v9 =	vld [tilespmem:s25+$0x400];
	v3 =	vmul.f32 v3, v42  }
0x56c: {  	v45 =	vmovc v41;
	v10 =	vmul.f32 v7, v44;
	v4 =	vadd.f32 v5, v4;
	v5 =	vmul.f32 v7, v29  }
0x56d: {  	v3 =	vadd.f32 v3, v31;
	v11 =	vmul.f32 v7, v45;
	v1 =	vmul.f32 v1, v8  }
0x56e: {  	v8 =	vmul.f32 v2, v8;
	v2 =	vmul.f32 v7, v32;
	v5 =	vadd.f32 v5, v37  }
0x56f: {  	v22 =	vmovc v43;
	v21 =	vmov v13;
	v13 =	vld [tilespmem:s20+$0x400];
	v10 =	vadd.f32 v10, v24;
	v11 =	vadd.f32 v11, v23  }
0x570: {  	v14 =	vadd.f32 v2, v22;
	v2 =	vmul.f32 v7, v28;
	v5 =	vmul.f32 v5, v9  }
0x571: {  	v25 =	vmovc v34;
	v51 =	vmov v57;
	v34 =	vmov v16;
	v3 =	vadd.f32 v6, v3  }
0x572: {  	v16 =	vadd.f32 v2, v51;
	v2 =	vld.idx.msk [tilespmem:v0+s13+$0x0], $0xffff;
	v0 =	vmul.f32 v11, v9;
	v5 =	vadd.f32 v5, v10  }
0x573: {  	v3 =	vadd.f32 v8, v3;
	v8 =	vld [tilespmem:s21+$0x400]  }
0x574: {  	v47 =	vmov v56;
	v0 =	vadd.f32 v0, v14;
	v5 =	vmul.f32 v5, v13  }
0x575: {  	v38 =	vmovc v30;
	v30 =	vmov v40;
	v40 =	vmov v12;
	v12 =	vmul.f32 v7, v47  }
0x576: {  	v27 =	vmov v49;
	s24 =	smov.u32 s30;
	v0 =	vadd.f32 v5, v0  }
0x577: {  	v20 =	vmovc v19;
	v57 =	vmov v15;
	v15 =	vld [tilespmem:s24+$0x20];
	v6 =	vmul.f32 v7, v27;
	v12 =	vadd.f32 v12, v25  }
0x578: {  	v26 =	vmovc v35;
	v7 =	vmul.f32 v7, v20;
	v5 =	vmul.f32 v0, v8;
	v0 =	vimm.s32 $0x0  }
0x579: {  	v6 =	vadd.f32 v6, v26;
	v11 =	vmul.f32 v12, v9;
	v0 =	vperm.xlane v2, v0  }
0x57a: {  	v7 =	vadd.f32 v7, v38  }
0x57b: {  	v9 =	vmul.f32 v16, v9;
	v6 =	vadd.f32 v11, v6;
	[tilespmem:$0x1FD00] =	vst v0;
	v0 =	vperm.xlane v2, v59  }
0x57c: {  	v1 =	vadd.f32 v1, v4;
	v4 =	vmul.f32 v3, v15  }
0x57d: {  	v7 =	vadd.f32 v9, v7;
	v6 =	vmul.f32 v6, v13;
	[tilespmem:$0x1FDF0] =	vst v0;
	v0 =	vimm.s32 $0x2  }
0x57e: {  	v0 =	vperm.xlane v2, v0  }
0x57f: {  	v1 =	vadd.f32 v4, v1;
	v4 =	vadd.f32 v6, v7;
	v6 =	vimm.s32 $0x4  }
0x580: {  	s0 =	sadd.s32 $0x4, s0;
	s26 =	smov.u32 s4;
	[tilespmem:$0x1FE00] =	vst v0;
	v0 =	vperm.xlane v2, v6  }
0x581: {  	v3 =	vld [tilespmem:s0+$0x0];
	[tilespmem:s26+$0x20] =	vst v1  }
0x582: {  	v1 =	vadd.f32 v5, v4;
	v5 =	vimm.s32 $0x5;
	[tilespmem:$0x1FE10] =	vst v0;
	v0 =	vimm.s32 $0x3  }
0x583: {  	v36 =	vmovc v18;
	v4 =	vimm.s32 $0x8;
	v18 =	vperm.xlane v2, v0;
	v0 =	vperm.xlane v2, v5  }
0x584: {  	v52 =	vperm.xlane v2, v4;
	v4 =	vld [tilespmem:s28+$0x30];
	v5 =	vimm.s32 $0x6  }
0x585: {  	[tilespmem:$0x1FDD0] =	vst v0;
	v0 =	vperm.xlane v2, v5  }
0x586: {  	(v2sf) =	vpush v3, $0x0;
	[tilespmem:s19+$0x400] =	vst v1;
	v6 =	vimm.s32 $0x7;
	v5 =	vimm.s32 $0xA  }
0x587: {  	v48 =	vperm.xlane v2, v5;
	v5 =	vld [tilespmem:s23+$0x410];
	[tilespmem:$0x1FDE0] =	vst v0;
	v0 =	vperm.xlane v2, v6;
	v6 =	vimm.s32 $0xC  }
0x588: {  	v41 =	vmov v55;
	v55 =	vperm.xlane v2, v6;
	v6 =	vimm.s32 $0xB  }
0x589: {  	v7 =	vmul.f32 v4, v61;
	v46 =	vperm.xlane v2, v6;
	v6 =	vimm.s32 $0xD  }
0x58a: {  	v17 =	vmovc v42;
	v8 =	vmul.f32 v4, v36;
	v56 =	vperm.xlane v2, v6;
	v6 =	vimm.s32 $0xE  }
0x58b: {  	v49 =	vmov v29;
	v9 =	vld [tilespmem:s25+$0x410];
	[tilespmem:$0x1FD40] =	vst v0;
	v0 =	vperm.xlane v2, v6;
	v6 =	vmul.f32 v4, v17  }
0x58c: {  	v7 =	vadd.f32 v7, v30;
	v10 =	vmul.f32 v5, v32;
	v11 =	vmul.f32 v5, v49  }
0x58d: {  	v8 =	vadd.f32 v8, v34;
	v12 =	vmul.f32 v5, v27;
	v14 =	vmul.f32 v5, v45  }
0x58e: {  	v35 =	vmovc v26;
	v13 =	vmul.f32 v5, v44;
	v15 =	vmul.f32 v5, v47;
	v11 =	vadd.f32 v11, v37  }
0x58f: {  	v26 =	vmovc v17;
	v16 =	vld [tilespmem:s20+$0x410];
	v17 =	vmul.f32 v5, v28;
	v5 =	vmul.f32 v5, v20;
	v14 =	vadd.f32 v14, v23  }
0x590: {  	v13 =	vadd.f32 v13, v24;
	v15 =	vadd.f32 v15, v25;
	v11 =	vmul.f32 v11, v9  }
0x591: {  	v10 =	vadd.f32 v10, v22;
	v17 =	vadd.f32 v17, v51;
	v14 =	vmul.f32 v14, v9  }
0x592: {  	v59 =	vld [tilespmem:s21+$0x410];
	v12 =	vadd.f32 v12, v35;
	v15 =	vmul.f32 v15, v9;
	v11 =	vadd.f32 v11, v13  }
0x593: {  	v5 =	vadd.f32 v5, v38;
	v9 =	vmul.f32 v17, v9;
	v17 =	vld [tilespmem:s29+$0x30];
	v10 =	vadd.f32 v14, v10  }
0x594: {  	v19 =	vmovc v58;
	v12 =	vadd.f32 v15, v12;
	v15 =	vmul.f32 v4, v57;
	v11 =	vmul.f32 v11, v16  }
0x595: {  	v6 =	vadd.f32 v6, v31;
	v13 =	vmul.f32 v4, v19;
	v5 =	vadd.f32 v9, v5  }
0x596: {  	v42 =	vmovc v63;
	s5 =	spop (v2sf);
	v9 =	vmul.f32 v12, v16;
	v12 =	vadd.f32 v15, v39;
	v10 =	vadd.f32 v11, v10  }
0x597: {  	s4 =	sshll.u32 s5, $0x8;
	s1 =	sshll.u32 s5, $0x7;
	v14 =	vmul.f32 v4, v41;
	v13 =	vadd.f32 v13, v21;
	v11 =	vmul.f32 v4, v42  }
0x598: {  	s4 =	sand.u32 $0xFFFFF800, s4;
	s1 =	sand.u32 $0x380, s1;
	v15 =	vld [tilespmem:s22+$0x30];
	v5 =	vadd.f32 v9, v5;
	v12 =	vmul.f32 v12, v17;
	v9 =	vmul.f32 v10, v59  }
0x599: {  	v1 =	vimm.s32 $0x9;
	s4 =	sor.u32 s1, s4;
	v14 =	vadd.f32 v14, v33;
	v11 =	vadd.f32 v11, v53  }
0x59a: {  	v4 =	vmul.f32 v4, v40;
	v10 =	vld [tilespmem:s4+$0x0];
	v12 =	vadd.f32 v12, v13;
	v5 =	vadd.f32 v9, v5  }
0x59b: {  	v13 =	vimm.s32 $0xF;
	v9 =	vmul.f32 v14, v17;
	v11 =	vmul.f32 v11, v17  }
0x59c: {  	v8 =	vmul.f32 v8, v17;
	v4 =	vadd.f32 v4, v54;
	v60 =	vperm.xlane v2, v13;
	v13 =	vld [tilespmem:s24+$0x30];
	[tilespmem:s19+$0x410] =	vst v5  }
0x59d: {  	v5 =	vadd.f32 v9, v6;
	v7 =	vadd.f32 v11, v7;
	v9 =	vmul.f32 v12, v15;
	v11 =	vld [tilespmem:s23+$0x420]  }
0x59e: {  	v50 =	vperm.xlane v2, v1;
	v8 =	vadd.f32 v8, v4  }
0x59f: {  	v2 =	vmul.f32 v10, v52;
	v7 =	vmul.f32 v7, v15;
	v9 =	vadd.f32 v9, v5  }
0x5a0: {  	(v2sf) =	vpush v3, $0x1;
	v6 =	vmul.f32 v10, v50;
	v12 =	vmul.f32 v10, v46  }
0x5a1: {  	v5 =	vmul.f32 v10, v55;
	v7 =	vadd.f32 v7, v8;
	v8 =	vmul.f32 v9, v13;
	v9 =	vld [tilespmem:s25+$0x420]  }
0x5a2: {  	(v2sf) =	vpush v3, $0x2;
	v13 =	vmul.f32 v11, v32;
	v14 =	vmul.f32 v11, v49  }
0x5a3: {  	v7 =	vadd.f32 v8, v7;
	v8 =	vmul.f32 v11, v27;
	v15 =	vmul.f32 v11, v44  }
0x5a4: {  	v16 =	vmul.f32 v11, v45;
	v17 =	vmul.f32 v11, v47;
	v14 =	vadd.f32 v14, v37  }
0x5a5: {  	[tilespmem:$0x1FC80] =	vst v46;
	v46 =	vld [tilespmem:s20+$0x420];
	v59 =	vmul.f32 v11, v28;
	v13 =	vadd.f32 v13, v22;
	v15 =	vadd.f32 v15, v24  }
0x5a6: {  	v16 =	vadd.f32 v16, v23;
	v17 =	vadd.f32 v17, v25;
	v14 =	vmul.f32 v14, v9  }
0x5a7: {  	[tilespmem:s26+$0x30] =	vst v7;
	v7 =	vmul.f32 v11, v20;
	v8 =	vadd.f32 v8, v35;
	v11 =	vadd.f32 v59, v51  }
0x5a8: {  	[tilespmem:$0x1FC70] =	vst v55;
	v55 =	vld [tilespmem:s28+$0x40];
	v16 =	vmul.f32 v16, v9;
	v17 =	vmul.f32 v17, v9;
	v14 =	vadd.f32 v14, v15  }
0x5a9: {  	v4 =	vmul.f32 v10, v48;
	v63 =	vld [tilespmem:s21+$0x420];
	v7 =	vadd.f32 v7, v38;
	v9 =	vmul.f32 v11, v9  }
0x5aa: {  	v1 =	vld [tilespmem:$0x1FDF0];
	v11 =	vadd.f32 v16, v13;
	v8 =	vadd.f32 v17, v8;
	v13 =	vmul.f32 v14, v46  }
0x5ab: {  	v15 =	vmul.f32 v10, v56;
	v7 =	vadd.f32 v9, v7;
	v14 =	vmul.f32 v10, v0  }
0x5ac: {  	v10 =	vmul.f32 v10, v60;
	v8 =	vmul.f32 v8, v46;
	v9 =	vadd.f32 v13, v11  }
0x5ad: {  	(v2sf) =	vpush v3, $0x3;
	v16 =	vmul.f32 v55, v26;
	v17 =	vmul.f32 v55, v42;
	v11 =	vld [tilespmem:s29+$0x40]  }
0x5ae: {  	v3 =	vmul.f32 v55, v61;
	v7 =	vadd.f32 v8, v7;
	v8 =	vmul.f32 v9, v63  }
0x5af: {  	v62 =	vmovc v54;
	v6 =	vadd.f32 v6, v1;
	v54 =	vmul.f32 v55, v36;
	v9 =	vmul.f32 v55, v57  }
0x5b0: {  	[tilespmem:$0x1FC90] =	vst v56;
	v56 =	vmul.f32 v55, v19;
	v17 =	vadd.f32 v17, v53;
	v7 =	vadd.f32 v8, v7  }
0x5b1: {  	[tilespmem:$0x1FCA0] =	vst v0;
	v13 =	vmul.f32 v55, v40;
	v55 =	vmul.f32 v55, v41;
	v8 =	vld [tilespmem:s22+$0x40];
	v9 =	vadd.f32 v9, v39  }
0x5b2: {  	v0 =	vld [tilespmem:$0x1FD40];
	v3 =	vadd.f32 v3, v30;
	v54 =	vadd.f32 v54, v34;
	v17 =	vmul.f32 v17, v11;
	[tilespmem:s19+$0x420] =	vst v7  }
0x5b3: {  	v55 =	vadd.f32 v55, v33;
	v7 =	vadd.f32 v56, v21;
	v9 =	vmul.f32 v9, v11;
	v56 =	vld [tilespmem:s23+$0x430]  }
0x5b4: {  	v13 =	vadd.f32 v13, v62;
	v54 =	vmul.f32 v54, v11;
	v3 =	vadd.f32 v17, v3  }
0x5b5: {  	v16 =	vadd.f32 v16, v31;
	v11 =	vmul.f32 v55, v11;
	v7 =	vadd.f32 v9, v7  }
0x5b6: {  	v9 =	vadd.f32 v12, v18;
	v12 =	vadd.f32 v54, v13;
	v3 =	vmul.f32 v3, v8  }
0x5b7: {  	v10 =	vadd.f32 v10, v0;
	v11 =	vadd.f32 v11, v16;
	v7 =	vmul.f32 v7, v8;
	v8 =	vld [tilespmem:s25+$0x430]  }
0x5b8: {  	s15 =	spop (v2sf);
	v3 =	vadd.f32 v3, v12;
	v12 =	vmul.f32 v56, v32;
	v13 =	vmul.f32 v56, v49  }
0x5b9: {  	s5 =	sshll.u32 s15, $0x8;
	s1 =	sshll.u32 s15, $0x7;
	v0 =	vld [tilespmem:$0x1FDD0];
	v7 =	vadd.f32 v7, v11;
	v11 =	vmul.f32 v56, v27;
	v16 =	vmul.f32 v56, v44  }
0x5ba: {  	s5 =	sand.u32 $0xFFFFF800, s5;
	s1 =	sand.u32 $0x380, s1;
	v17 =	vld [tilespmem:s24+$0x40];
	v54 =	vmul.f32 v56, v45;
	v55 =	vmul.f32 v56, v47;
	v13 =	vadd.f32 v13, v37  }
0x5bb: {  	v29 =	vmovc v57;
	s15 =	sor.u32 s1, s5;
	v57 =	vld [tilespmem:s20+$0x430];
	v58 =	vmul.f32 v56, v28;
	v12 =	vadd.f32 v12, v22;
	v16 =	vadd.f32 v16, v24  }
0x5bc: {  	v59 =	vld [tilespmem:s15+$0x0];
	v54 =	vadd.f32 v54, v23;
	v55 =	vadd.f32 v55, v25;
	v13 =	vmul.f32 v13, v8  }
0x5bd: {  	s16 =	spop (v2sf);
	v46 =	vmovc v53;
	v53 =	vld [tilespmem:$0x1FE00];
	v56 =	vmul.f32 v56, v20;
	v11 =	vadd.f32 v11, v35;
	v58 =	vadd.f32 v58, v51  }
0x5be: {  	[tilespmem:$0x1FCD0] =	vst v18;
	s5 =	sshll.u32 s16, $0x8;
	s1 =	sshll.u32 s16, $0x7;
	v18 =	vld [tilespmem:$0x1FDE0];
	v54 =	vmul.f32 v54, v8;
	v55 =	vmul.f32 v55, v8;
	v13 =	vadd.f32 v13, v16  }
0x5bf: {  	s5 =	sand.u32 $0xFFFFF800, s5;
	s1 =	sand.u32 $0x380, s1;
	v7 =	vmul.f32 v7, v17;
	v17 =	vadd.f32 v56, v38;
	v8 =	vmul.f32 v58, v8;
	v16 =	vld [tilespmem:s21+$0x430]  }
0x5c0: {  	s16 =	spop (v2sf);
	s1 =	sor.u32 s1, s5;
	v58 =	vld [tilespmem:$0x1FE10];
	v12 =	vadd.f32 v54, v12;
	v11 =	vadd.f32 v55, v11;
	v13 =	vmul.f32 v13, v57  }
0x5c1: {  	s5 =	sshll.u32 s16, $0x8;
	s16 =	sshll.u32 s16, $0x7;
	v15 =	vadd.f32 v15, v0;
	v10 =	vmul.f32 v10, v59;
	v3 =	vadd.f32 v7, v3;
	v54 =	vld [tilespmem:s1+$0x0]  }
0x5c2: {  	s5 =	sand.u32 $0xFFFFF800, s5;
	s16 =	sand.u32 $0x380, s16;
	v7 =	vadd.f32 v8, v17;
	v8 =	vmul.f32 v11, v57;
	v11 =	vadd.f32 v13, v12  }
0x5c3: {  	[tilespmem:$0x1FC60] =	vst v42;
	s30 =	sor.u32 s16, s5;
	v42 =	vmov v19;
	v19 =	vld [tilespmem:$0x1FD00];
	v9 =	vadd.f32 v10, v9;
	v12 =	vadd.f32 v14, v18  }
0x5c4: {  	v13 =	vmul.f32 v15, v59;
	v14 =	vld [tilespmem:s30+$0x0];
	[tilespmem:s26+$0x40] =	vst v3;
	v3 =	vadd.f32 v8, v7;
	v7 =	vmul.f32 v11, v16  }
0x5c5: {  	v4 =	vadd.f32 v4, v53;
	v5 =	vadd.f32 v5, v58;
	v10 =	vld [tilespmem:s28+$0x50];
	v8 =	vmul.f32 v12, v59  }
0x5c6: {  	v9 =	vmul.f32 v9, v54;
	v6 =	vadd.f32 v13, v6;
	v3 =	vadd.f32 v7, v3  }
0x5c7: {  	v4 =	vadd.f32 v8, v4  }
0x5c8: {  	v2 =	vadd.f32 v2, v19;
	v5 =	vmul.f32 v5, v59;
	v6 =	vadd.f32 v9, v6;
	[tilespmem:s19+$0x430] =	vst v3  }
0x5c9: {  	v3 =	vmul.f32 v4, v54;
	v4 =	vld [tilespmem:s23+$0x440]  }
0x5ca: {  	v2 =	vadd.f32 v5, v2;
	v5 =	vmul.f32 v6, v14;
	v6 =	vmul.f32 v10, v40  }
0x5cb: {  	v7 =	vmul.f32 v10, v26;
	v8 =	vmul.f32 v10, v61  }
0x5cc: {  	v9 =	vmul.f32 v10, v36;
	v11 =	vmul.f32 v10, v41  }
0x5cd: {  	v12 =	vmul.f32 v10, v29;
	v13 =	vld [tilespmem:s25+$0x440];
	v2 =	vadd.f32 v3, v2;
	v3 =	vmul.f32 v10, v42  }
0x5ce: {  	[tilespmem:$0x1FCC0] =	vst v40;
	v14 =	vmul.f32 v4, v49;
	v40 =	vmul.f32 v4, v28  }
0x5cf: {  	v2 =	vadd.f32 v5, v2;
	v16 =	vmul.f32 v4, v44;
	v17 =	vmul.f32 v4, v45  }
0x5d0: {  	[tilespmem:$0x1FCB0] =	vst v36;
	v36 =	vmul.f32 v4, v47;
	v14 =	vadd.f32 v14, v37;
	v56 =	vadd.f32 v40, v51;
	v40 =	vld [tilespmem:$0x1FC60]  }
0x5d1: {  	v55 =	vld [tilespmem:s20+$0x440];
	v5 =	vmul.f32 v4, v32;
	v15 =	vmul.f32 v4, v27;
	v16 =	vadd.f32 v16, v24  }
0x5d2: {  	v17 =	vadd.f32 v17, v23;
	v54 =	vadd.f32 v36, v25;
	v14 =	vmul.f32 v14, v13  }
0x5d3: {  	v4 =	vmul.f32 v4, v20;
	v5 =	vadd.f32 v5, v22;
	v15 =	vadd.f32 v15, v35  }
0x5d4: {  	s12 =	sadd.s32 $0x80, s12;
	s31 =	sadd.s32 $0x100, s31;
	v43 =	vmovc v41;
	v36 =	vld [tilespmem:s29+$0x50];
	v17 =	vmul.f32 v17, v13;
	v54 =	vmul.f32 v54, v13;
	v14 =	vadd.f32 v14, v16  }
0x5d5: {  	[tilespmem:$0x1FCF0] =	vst v34;
	s5 =	sand.u32 $0x7800, s31;
	s16 =	sand.u32 $0x380, s12;
	v4 =	vadd.f32 v4, v38;
	v13 =	vmul.f32 v56, v13;
	v16 =	vld [tilespmem:s21+$0x440];
	v10 =	vmul.f32 v10, v40  }
0x5d6: {  	s16 =	sor.u32 s16, s5;
	v41 =	vmovc v29;
	v5 =	vadd.f32 v17, v5;
	v15 =	vadd.f32 v54, v15;
	v14 =	vmul.f32 v14, v55  }
0x5d7: {  	v29 =	vmovc v35;
	v12 =	vadd.f32 v12, v39;
	v35 =	vmov v46;
	[tilespmem:s16+$0x11480] =	vst v2;
	v10 =	vadd.f32 v10, v46;
	v46 =	vld [tilespmem:$0x1FCF0]  }
0x5d8: {  	v34 =	vmovc v21;
	v4 =	vadd.f32 v13, v4;
	v2 =	vld [tilespmem:s22+$0x50];
	v13 =	vmul.f32 v15, v55;
	v5 =	vadd.f32 v14, v5  }
0x5d9: {  	v63 =	vmovc v30;
	v11 =	vadd.f32 v11, v33;
	v3 =	vadd.f32 v3, v34;
	v12 =	vmul.f32 v12, v36  }
0x5da: {  	v21 =	vmovc v26;
	v26 =	vld [tilespmem:$0x1FC90];
	v7 =	vadd.f32 v7, v31;
	v4 =	vadd.f32 v13, v4;
	v5 =	vmul.f32 v5, v16  }
0x5db: {  	v8 =	vadd.f32 v8, v63;
	v11 =	vmul.f32 v11, v36;
	v3 =	vadd.f32 v12, v3;
	v14 =	vld [tilespmem:s4+$0x10]  }
0x5dc: {  	v30 =	vmovc v31;
	v31 =	vld [tilespmem:$0x1FC80];
	v10 =	vmul.f32 v10, v36;
	v9 =	vadd.f32 v9, v46;
	v4 =	vadd.f32 v5, v4  }
0x5dd: {  	v12 =	vld [tilespmem:s24+$0x50];
	v3 =	vmul.f32 v3, v2;
	v5 =	vadd.f32 v11, v7  }
0x5de: {  	v6 =	vadd.f32 v6, v62;
	v7 =	vadd.f32 v10, v8;
	v9 =	vmul.f32 v9, v36;
	[tilespmem:s19+$0x440] =	vst v4  }
0x5df: {  	v3 =	vadd.f32 v3, v5;
	v5 =	vld [tilespmem:s23+$0x450]  }
0x5e0: {  	v8 =	vmul.f32 v14, v52;
	v2 =	vmul.f32 v7, v2;
	v4 =	vadd.f32 v9, v6  }
0x5e1: {  	v10 =	vmul.f32 v14, v31;
	v11 =	vmul.f32 v14, v26  }
0x5e2: {  	[tilespmem:$0x1FD20] =	vst v50;
	v6 =	vmul.f32 v14, v50;
	v50 =	vld [tilespmem:$0x1FC70];
	v3 =	vmul.f32 v3, v12;
	v4 =	vadd.f32 v2, v4  }
0x5e3: {  	[tilespmem:$0x1FDC0] =	vst v48;
	v7 =	vmul.f32 v14, v48;
	v48 =	vld [tilespmem:$0x1FCA0];
	v2 =	vadd.f32 v8, v19;
	v8 =	vmul.f32 v14, v60  }
0x5e4: {  	v13 =	vld [tilespmem:s25+$0x450];
	v12 =	vadd.f32 v3, v4;
	v3 =	vadd.f32 v6, v1;
	v6 =	vmul.f32 v5, v32  }
0x5e5: {  	v15 =	vmul.f32 v5, v49;
	v4 =	vadd.f32 v7, v53;
	v7 =	vmul.f32 v5, v27  }
0x5e6: {  	[tilespmem:$0x1FD30] =	vst v60;
	v36 =	vmov v49;
	v17 =	vmul.f32 v5, v45;
	v49 =	vmul.f32 v5, v47  }
0x5e7: {  	v9 =	vmul.f32 v14, v50;
	[tilespmem:s26+$0x50] =	vst v12;
	v12 =	vmul.f32 v5, v44;
	v15 =	vadd.f32 v15, v37  }
0x5e8: {  	v59 =	vmovc v18;
	v14 =	vmul.f32 v14, v48;
	v6 =	vadd.f32 v6, v22;
	v54 =	vadd.f32 v49, v25;
	v60 =	vld [tilespmem:s20+$0x450]  }
0x5e9: {  	v18 =	vmovc v37;
	v37 =	vmul.f32 v5, v28;
	v16 =	vld [tilespmem:s28+$0x60];
	v12 =	vadd.f32 v12, v24;
	v15 =	vmul.f32 v15, v13  }
0x5ea: {  	v19 =	vmovc v20;
	v17 =	vadd.f32 v17, v23;
	v7 =	vadd.f32 v7, v29;
	v54 =	vmul.f32 v54, v13  }
0x5eb: {  	[tilespmem:$0x1FD70] =	vst v32;
	v5 =	vmul.f32 v5, v19;
	v56 =	vadd.f32 v37, v51;
	v12 =	vadd.f32 v15, v12  }
0x5ec: {  	[tilespmem:$0x1FD90] =	vst v27;
	v9 =	vadd.f32 v9, v58;
	v17 =	vmul.f32 v17, v13;
	v7 =	vadd.f32 v54, v7  }
0x5ed: {  	[tilespmem:$0x1FDA0] =	vst v22;
	v49 =	vld [tilespmem:s21+$0x450];
	v5 =	vadd.f32 v5, v38;
	v13 =	vmul.f32 v56, v13;
	v12 =	vmul.f32 v12, v60  }
0x5ee: {  	v20 =	vmovc v51;
	v56 =	vld [tilespmem:s29+$0x60];
	v6 =	vadd.f32 v17, v6;
	v51 =	vmul.f32 v16, v41;
	v7 =	vmul.f32 v7, v60  }
0x5ef: {  	v1 =	vld [tilespmem:$0x1FCD0];
	v37 =	vmovc v58;
	v5 =	vadd.f32 v13, v5;
	v13 =	vmul.f32 v16, v43;
	v58 =	vmul.f32 v16, v40  }
0x5f0: {  	[tilespmem:$0x1FD50] =	vst v44;
	v60 =	vld [tilespmem:$0x1FCB0];
	v6 =	vadd.f32 v12, v6;
	v12 =	vmul.f32 v16, v42;
	v54 =	vadd.f32 v51, v39  }
0x5f1: {  	[tilespmem:$0x1FD80] =	vst v23;
	v55 =	vld [tilespmem:s22+$0x60];
	v15 =	vmul.f32 v16, v21;
	v5 =	vadd.f32 v7, v5;
	v57 =	vadd.f32 v58, v35  }
0x5f2: {  	[tilespmem:$0x1FD10] =	vst v52;
	v58 =	vld [tilespmem:$0x1FD40];
	v6 =	vmul.f32 v6, v49;
	v7 =	vadd.f32 v12, v34;
	v12 =	vadd.f32 v13, v33  }
0x5f3: {  	[tilespmem:$0x1FD60] =	vst v18;
	v52 =	vmov v0;
	v17 =	vmul.f32 v16, v61;
	v13 =	vmul.f32 v54, v56;
	v49 =	vld [tilespmem:$0x1FCC0]  }
0x5f4: {  	v0 =	vmovc v21;
	v15 =	vadd.f32 v15, v30;
	v5 =	vadd.f32 v6, v5;
	v12 =	vmul.f32 v12, v56  }
0x5f5: {  	v53 =	vmovc v29;
	v14 =	vadd.f32 v14, v59;
	v54 =	vmul.f32 v16, v60;
	v6 =	vld [tilespmem:s15+$0x10];
	v7 =	vadd.f32 v13, v7  }
0x5f6: {  	v17 =	vadd.f32 v17, v63;
	v13 =	vld [tilespmem:s24+$0x60];
	[tilespmem:s19+$0x450] =	vst v5;
	v5 =	vadd.f32 v12, v15;
	v12 =	vmul.f32 v57, v56  }
0x5f7: {  	v21 =	vmovc v63;
	v63 =	vmovc v48;
	v48 =	vmov v1;
	v54 =	vadd.f32 v54, v46;
	v7 =	vmul.f32 v7, v55  }
0x5f8: {  	v51 =	vmovc v34;
	v8 =	vadd.f32 v8, v58;
	v16 =	vmul.f32 v16, v49;
	v15 =	vld [tilespmem:s23+$0x460];
	v12 =	vadd.f32 v12, v17  }
0x5f9: {  	v34 =	vmovc v35;
	v54 =	vmul.f32 v54, v56;
	v5 =	vadd.f32 v7, v5;
	v7 =	vadd.f32 v10, v1  }
0x5fa: {  	v35 =	vmovc v46;
	v10 =	vadd.f32 v11, v52;
	v8 =	vmul.f32 v8, v6;
	v14 =	vmul.f32 v14, v6  }
0x5fb: {  	v46 =	vmovc v59;
	v16 =	vadd.f32 v16, v62;
	v12 =	vmul.f32 v12, v55;
	v5 =	vmul.f32 v5, v13  }
0x5fc: {  	[tilespmem:$0x1FDB0] =	vst v20;
	v58 =	vmovc v31;
	v59 =	vimm.s32 $0x1;
	v57 =	vmovc v62;
	v10 =	vmul.f32 v10, v6;
	v6 =	vmul.f32 v9, v6  }
0x5fd: {  	v1 =	vmovc v36;
	v13 =	vld [tilespmem:s25+$0x460];
	v11 =	vadd.f32 v54, v16;
	v7 =	vadd.f32 v8, v7;
	v16 =	vmul.f32 v15, v32  }
0x5fe: {  	v62 =	vmovc v52;
	v4 =	vadd.f32 v14, v4;
	v17 =	vmul.f32 v15, v36;
	v32 =	vmul.f32 v15, v44  }
0x5ff: {  	v52 =	vmovc v37;
	v55 =	vmul.f32 v15, v45;
	v36 =	vmul.f32 v15, v47;
	v11 =	vadd.f32 v12, v11  }
0x600: {  	v44 =	vmovc v45;
	v12 =	vmul.f32 v15, v27;
	v17 =	vadd.f32 v17, v18;
	v16 =	vadd.f32 v16, v22  }
0x601: {  	v45 =	vld [tilespmem:s20+$0x460];
	v22 =	vmovc v24;
	v18 =	vadd.f32 v32, v24;
	v32 =	vmul.f32 v15, v28;
	v55 =	vadd.f32 v55, v23  }
0x602: {  	v24 =	vmovc v28;
	v56 =	vadd.f32 v36, v25;
	v36 =	vld [tilespmem:s1+$0x10];
	v12 =	vadd.f32 v12, v29;
	v17 =	vmul.f32 v17, v13  }
0x603: {  	v23 =	vmovc v25;
	v15 =	vmul.f32 v15, v19;
	v5 =	vadd.f32 v5, v11;
	v28 =	vadd.f32 v32, v20  }
0x604: {  	v8 =	vld [tilespmem:s30+$0x10];
	v25 =	vmovc v19;
	v19 =	vmul.f32 v55, v13;
	v56 =	vmul.f32 v56, v13;
	v17 =	vadd.f32 v17, v18  }
0x605: {  	v3 =	vadd.f32 v10, v3;
	v11 =	vld [tilespmem:s21+$0x460];
	v15 =	vadd.f32 v15, v38;
	[tilespmem:s26+$0x60] =	vst v5;
	v13 =	vmul.f32 v28, v13  }
0x606: {  	v54 =	vmovc v38;
	v16 =	vadd.f32 v19, v16;
	v12 =	vadd.f32 v56, v12;
	v9 =	vld [tilespmem:s28+$0x70];
	v17 =	vmul.f32 v17, v45  }
0x607: {  	v2 =	vadd.f32 v6, v2;
	v27 =	vmovc v47;
	v29 =	vmovc v30;
	v30 =	vmov v57;
	v7 =	vmul.f32 v7, v36  }
0x608: {  	v20 =	vmovc v41;
	v5 =	vadd.f32 v13, v15;
	v12 =	vmul.f32 v12, v45;
	v13 =	vadd.f32 v17, v16  }
0x609: {  	v38 =	vmovc v42;
	v42 =	vmovc v0;
	v41 =	vmov v43;
	v4 =	vmul.f32 v4, v36;
	v3 =	vadd.f32 v7, v3  }
0x60a: {  	v47 =	vmovc v38;
	v55 =	vmovc v26;
	v18 =	vmov v50;
	v5 =	vadd.f32 v12, v5;
	v10 =	vmul.f32 v13, v11  }
0x60b: {  	v19 =	vmovc v49;
	v2 =	vadd.f32 v4, v2;
	v7 =	vmul.f32 v3, v8;
	v4 =	vmul.f32 v9, v49  }
0x60c: {  	p0 =	sne.s32 s14, $0xFF;
	v45 =	vmovc v60;
	v8 =	vmul.f32 v9, v0;
	v14 =	vmul.f32 v9, v43;
	v6 =	vadd.f32 v10, v5;
	v5 =	vld [tilespmem:s29+$0x70]  }
.Ltmp3:
0x60d: {  	v56 =	vmovc v40;
	v28 =	vmovc v51;
	v49 =	vmov v61;
	v11 =	vmul.f32 v9, v40;
	v10 =	vmul.f32 v9, v60;
	(pc) =	sbr.rel @p0 .LBB2_8-.Ltmp3, $4  }
0x60e: {  	v43 =	vmovc v29;
	v13 =	vmul.f32 v9, v20;
	v12 =	vadd.f32 v7, v2;
	v2 =	vmul.f32 v9, v38  }
0x60f: {  	v4 =	vadd.f32 v4, v57;
	[tilespmem:s19+$0x460] =	vst v6;
	v6 =	vmul.f32 v9, v61;
	v15 =	vadd.f32 v10, v35  }
0x610: {  	s14 =	sadd.s32 $0x1, s14;
	v57 =	vmovc v35;
	v7 =	vadd.f32 v8, v29;
	v29 =	vmovc v20;
	v35 =	vmov v21;
	v9 =	vadd.f32 v2, v51;
	v3 =	vld [tilespmem:s23+$0x470];
	s23 =	smov.u32 s28  }
0x611: {  	v61 =	vmovc v33;
	v10 =	vadd.f32 v14, v33;
	s28 =	smov.u32 s4;
	v2 =	vld [tilespmem:s25+$0x470];
	s25 =	smov.u32 s29;
	s29 =	smov.u32 s15;
	v8 =	vadd.f32 v6, v21;
	v6 =	vmul.f32 v15, v5  }
0x612: {  	s0 =	sadd.s32 $0x11480, s16  }
0x613: {  	[tilespmem:s0+$0x10] =	vst v12  }
0x614: {  	v12 =	vld [tilespmem:s28+$0x20]  }
0x615: {  	v59 =	vld [tilespmem:$0x1FD30]  }
0x616: {  	v33 =	vld [tilespmem:$0x1FDC0]  }
0x617: {  	v21 =	vld [tilespmem:$0x1FD40]  }
0x618: {  	v51 =	vld [tilespmem:$0x1FE00]  }
0x619: {  	v14 =	vld [tilespmem:s29+$0x20]  }
0x61a: {  	v15 =	vmul.f32 v12, v59  }
0x61b: {  	v38 =	vld [tilespmem:$0x1FD20];
	v31 =	vmul.f32 v12, v33  }
0x61c: {  	v36 =	vld [tilespmem:$0x1FDF0];
	v16 =	vmul.f32 v12, v58;
	v15 =	vadd.f32 v15, v21  }
0x61d: {  	v32 =	vmovc v55;
	v17 =	vmul.f32 v12, v63;
	v26 =	vmul.f32 v12, v55;
	v55 =	vadd.f32 v31, v51;
	v31 =	vld [tilespmem:$0x1FD10]  }
0x61e: {  	[tilespmem:$0x1FC50] =	vst v54;
	v50 =	vld [tilespmem:$0x1FD00];
	v16 =	vadd.f32 v16, v48;
	v15 =	vmul.f32 v15, v14  }
0x61f: {  	v20 =	vld [tilespmem:s1+$0x20];
	v40 =	vmul.f32 v12, v18;
	v17 =	vadd.f32 v17, v46  }
0x620: {  	v60 =	vmul.f32 v12, v38;
	v15 =	vadd.f32 v15, v16;
	v16 =	vadd.f32 v26, v62  }
0x621: {  	v40 =	vadd.f32 v40, v52;
	v17 =	vmul.f32 v17, v14  }
0x622: {  	v54 =	vadd.f32 v60, v36;
	v12 =	vmul.f32 v12, v31;
	v16 =	vmul.f32 v16, v14  }
0x623: {  	v0 =	vld [tilespmem:s30+$0x20];
	v17 =	vadd.f32 v17, v55;
	v14 =	vmul.f32 v40, v14  }
0x624: {  	v15 =	vmul.f32 v15, v20;
	v12 =	vadd.f32 v12, v50;
	v16 =	vadd.f32 v16, v54;
	_ =	sdelay $0x1  }
0x625: {  	v17 =	vmul.f32 v17, v20;
	v12 =	vadd.f32 v14, v12;
	v14 =	vadd.f32 v15, v16;
	_ =	sdelay $0x1  }
0x626: {  	v12 =	vadd.f32 v17, v12;
	v14 =	vmul.f32 v14, v0;
	_ =	sdelay $0x1  }
0x627: {  	v12 =	vadd.f32 v14, v12;
	_ =	sdelay $0x1  }
0x628: {  	[tilespmem:s0+$0x20] =	vst v12  }
0x629: {  	v12 =	vld [tilespmem:s28+$0x30];
	_ =	sdelay $0x3  }
0x62a: {  	v14 =	vld [tilespmem:s29+$0x30]  }
0x62b: {  	v15 =	vmul.f32 v12, v59;
	_ =	sdelay $0x1  }
0x62c: {  	v16 =	vmul.f32 v12, v58;
	v15 =	vadd.f32 v15, v21  }
0x62d: {  	v17 =	vmul.f32 v12, v32  }
0x62e: {  	v26 =	vmul.f32 v12, v63;
	v16 =	vadd.f32 v16, v48;
	v15 =	vmul.f32 v15, v14  }
0x62f: {  	v0 =	vld [tilespmem:s1+$0x30];
	v37 =	vmul.f32 v12, v38;
	v60 =	vmul.f32 v12, v18;
	v17 =	vadd.f32 v17, v62  }
0x630: {  	v15 =	vadd.f32 v15, v16;
	v16 =	vadd.f32 v26, v46;
	v26 =	vmul.f32 v12, v33  }
0x631: {  	v55 =	vadd.f32 v37, v36;
	v20 =	vadd.f32 v60, v52;
	v17 =	vmul.f32 v17, v14  }
0x632: {  	v12 =	vmul.f32 v12, v31;
	v54 =	vadd.f32 v26, v51;
	v16 =	vmul.f32 v16, v14  }
0x633: {  	v37 =	vld [tilespmem:s30+$0x30];
	v17 =	vadd.f32 v17, v55;
	v14 =	vmul.f32 v20, v14  }
0x634: {  	v12 =	vadd.f32 v12, v50;
	v15 =	vmul.f32 v15, v0;
	v16 =	vadd.f32 v16, v54;
	_ =	sdelay $0x1  }
0x635: {  	v12 =	vadd.f32 v14, v12;
	v15 =	vadd.f32 v15, v17;
	v14 =	vmul.f32 v16, v0;
	_ =	sdelay $0x1  }
0x636: {  	v12 =	vadd.f32 v14, v12;
	v14 =	vmul.f32 v15, v37;
	_ =	sdelay $0x1  }
0x637: {  	v12 =	vadd.f32 v14, v12  }
0x638: {  	v13 =	vadd.f32 v13, v39;
	v11 =	vadd.f32 v11, v34  }
0x639: {  	v14 =	vld [tilespmem:s22+$0x70];
	[tilespmem:s0+$0x30] =	vst v12  }
0x63a: {  	v13 =	vmul.f32 v13, v5;
	v11 =	vmul.f32 v11, v5;
	v12 =	vld [tilespmem:s28+$0x40];
	_ =	sdelay $0x1  }
0x63b: {  	v9 =	vadd.f32 v13, v9;
	v8 =	vadd.f32 v11, v8  }
0x63c: {  	v60 =	vmul.f32 v10, v5  }
0x63d: {  	v15 =	vld [tilespmem:s29+$0x40];
	v26 =	vmul.f32 v9, v14;
	v8 =	vmul.f32 v8, v14  }
0x63e: {  	v4 =	vadd.f32 v6, v4;
	v16 =	vmul.f32 v12, v59;
	v0 =	vmul.f32 v12, v58  }
0x63f: {  	v5 =	vadd.f32 v60, v7;
	v54 =	vmul.f32 v12, v63;
	v55 =	vmul.f32 v12, v32  }
0x640: {  	v13 =	vmul.f32 v12, v33;
	v14 =	vmul.f32 v12, v18;
	v20 =	vadd.f32 v16, v21  }
0x641: {  	v17 =	vmul.f32 v12, v38;
	v37 =	vadd.f32 v0, v48;
	v16 =	vld [tilespmem:s1+$0x40];
	v6 =	vadd.f32 v54, v46  }
0x642: {  	v11 =	vadd.f32 v55, v62;
	v13 =	vadd.f32 v13, v51;
	v40 =	vmul.f32 v20, v15  }
0x643: {  	v12 =	vmul.f32 v12, v31;
	v14 =	vadd.f32 v14, v52;
	v17 =	vadd.f32 v17, v36  }
0x644: {  	v60 =	vld [tilespmem:s24+$0x70];
	v6 =	vmul.f32 v6, v15;
	v11 =	vmul.f32 v11, v15;
	v9 =	vadd.f32 v40, v37  }
0x645: {  	v0 =	vadd.f32 v12, v50;
	v12 =	vmul.f32 v14, v15;
	v14 =	vld [tilespmem:s30+$0x40]  }
0x646: {  	v6 =	vadd.f32 v6, v13;
	v11 =	vadd.f32 v11, v17;
	v9 =	vmul.f32 v9, v16  }
0x647: {  	v5 =	vadd.f32 v26, v5  }
0x648: {  	v7 =	vadd.f32 v12, v0;
	v6 =	vmul.f32 v6, v16;
	v20 =	vadd.f32 v9, v11  }
0x649: {  	v4 =	vadd.f32 v8, v4;
	v5 =	vmul.f32 v5, v60  }
0x64a: {  	v26 =	vadd.f32 v6, v7;
	v37 =	vmul.f32 v20, v14  }
0x64b: {  	v4 =	vadd.f32 v5, v4  }
0x64c: {  	v40 =	vadd.f32 v37, v26  }
0x64d: {  	[tilespmem:s26+$0x70] =	vst v4  }
0x64e: {  	v5 =	vld [tilespmem:s23+$0x400];
	[tilespmem:s0+$0x40] =	vst v40  }
0x64f: {  	v4 =	vld [tilespmem:s28+$0x50];
	_ =	sdelay $0x3  }
0x650: {  	v54 =	vmul.f32 v5, v42;
	v55 =	vmul.f32 v5, v29;
	v20 =	vmovc v42;
	v42 =	vmov v29;
	v29 =	vld [tilespmem:s29+$0x50]  }
0x651: {  	v0 =	vmul.f32 v4, v31;
	v13 =	vmul.f32 v4, v59  }
0x652: {  	v7 =	vadd.f32 v55, v39;
	v26 =	vmul.f32 v4, v38;
	v15 =	vmul.f32 v4, v63  }
0x653: {  	v12 =	vmul.f32 v4, v58;
	v14 =	vmul.f32 v4, v32;
	v13 =	vadd.f32 v13, v21  }
0x654: {  	v17 =	vld [tilespmem:s1+$0x50];
	v16 =	vmul.f32 v4, v18;
	v4 =	vmul.f32 v4, v33;
	v15 =	vadd.f32 v15, v46  }
0x655: {  	v14 =	vadd.f32 v14, v62;
	v12 =	vadd.f32 v12, v48;
	v13 =	vmul.f32 v13, v29  }
0x656: {  	v10 =	vadd.f32 v26, v36;
	v4 =	vadd.f32 v4, v51;
	v15 =	vmul.f32 v15, v29  }
0x657: {  	v16 =	vadd.f32 v16, v52;
	v14 =	vmul.f32 v14, v29;
	v12 =	vadd.f32 v13, v12  }
0x658: {  	v60 =	vmul.f32 v5, v49;
	v9 =	vadd.f32 v0, v50;
	v4 =	vadd.f32 v15, v4;
	v15 =	vld [tilespmem:s30+$0x50]  }
0x659: {  	v11 =	vmul.f32 v16, v29;
	v13 =	vld [tilespmem:s25+$0x400];
	v10 =	vadd.f32 v14, v10;
	v12 =	vmul.f32 v12, v17  }
0x65a: {  	v6 =	vadd.f32 v54, v43;
	v8 =	vadd.f32 v60, v35;
	v16 =	vmul.f32 v5, v47  }
0x65b: {  	v9 =	vadd.f32 v11, v9;
	v4 =	vmul.f32 v4, v17;
	v10 =	vadd.f32 v12, v10  }
0x65c: {  	v37 =	vmul.f32 v5, v56;
	v14 =	vmul.f32 v5, v41;
	v16 =	vadd.f32 v16, v28  }
0x65d: {  	v17 =	vmul.f32 v5, v45;
	v12 =	vld [tilespmem:s22+$0x400];
	v4 =	vadd.f32 v4, v9;
	v40 =	vmul.f32 v10, v15  }
0x65e: {  	v11 =	vadd.f32 v37, v34;
	v14 =	vadd.f32 v14, v61;
	v7 =	vmul.f32 v7, v13  }
0x65f: {  	v5 =	vmul.f32 v5, v19;
	v17 =	vadd.f32 v17, v57;
	v4 =	vadd.f32 v40, v4  }
0x660: {  	v54 =	vmul.f32 v14, v13;
	v11 =	vmul.f32 v11, v13;
	v7 =	vadd.f32 v7, v16  }
0x661: {  	v5 =	vadd.f32 v5, v30;
	v14 =	vld [tilespmem:s24+$0x400];
	v13 =	vmul.f32 v17, v13;
	[tilespmem:s0+$0x50] =	vst v4  }
0x662: {  	v6 =	vadd.f32 v54, v6;
	v8 =	vadd.f32 v11, v8;
	v7 =	vmul.f32 v7, v12;
	v0 =	vld [tilespmem:s28+$0x60];
	_ =	sdelay $0x1  }
0x663: {  	v55 =	vadd.f32 v13, v5;
	v60 =	vmul.f32 v8, v12;
	v6 =	vadd.f32 v7, v6;
	_ =	sdelay $0x1  }
0x664: {  	v4 =	vadd.f32 v60, v55;
	v5 =	vld [tilespmem:s29+$0x60];
	v26 =	vmul.f32 v6, v14  }
0x665: {  	v37 =	vmul.f32 v0, v59;
	v40 =	vmul.f32 v0, v38  }
0x666: {  	v4 =	vadd.f32 v26, v4;
	v54 =	vmul.f32 v0, v58;
	v55 =	vmul.f32 v0, v32  }
0x667: {  	v60 =	vmul.f32 v0, v33;
	v13 =	vmul.f32 v0, v63;
	v6 =	vadd.f32 v37, v21  }
0x668: {  	v12 =	vld [tilespmem:s1+$0x60];
	v14 =	vmul.f32 v0, v18;
	[tilespmem:s26+$0x400] =	vst v4;
	v9 =	vadd.f32 v54, v48;
	v10 =	vadd.f32 v55, v62  }
0x669: {  	v8 =	vld [tilespmem:s23+$0x410];
	v4 =	vadd.f32 v40, v36;
	v13 =	vadd.f32 v13, v46;
	v6 =	vmul.f32 v6, v5  }
0x66a: {  	v7 =	vmul.f32 v0, v31;
	v0 =	vadd.f32 v60, v51;
	v26 =	vadd.f32 v14, v52  }
0x66b: {  	v10 =	vmul.f32 v10, v5;
	v13 =	vmul.f32 v13, v5;
	v6 =	vadd.f32 v6, v9  }
0x66c: {  	v15 =	vld [tilespmem:s30+$0x60];
	v7 =	vadd.f32 v7, v50;
	v5 =	vmul.f32 v26, v5  }
0x66d: {  	v4 =	vadd.f32 v10, v4;
	v10 =	vld [tilespmem:s25+$0x410];
	v9 =	vadd.f32 v13, v0;
	v6 =	vmul.f32 v6, v12  }
0x66e: {  	v5 =	vadd.f32 v5, v7;
	v14 =	vmul.f32 v8, v20;
	v37 =	vmul.f32 v8, v42  }
0x66f: {  	v29 =	vmovc v47;
	v13 =	vmul.f32 v8, v49;
	v40 =	vmul.f32 v9, v12;
	v4 =	vadd.f32 v6, v4  }
0x670: {  	v54 =	vmul.f32 v8, v29;
	v55 =	vmul.f32 v8, v41;
	v11 =	vadd.f32 v37, v39  }
0x671: {  	v16 =	vld [tilespmem:s22+$0x410];
	v12 =	vmul.f32 v8, v56;
	v5 =	vadd.f32 v40, v5;
	v4 =	vmul.f32 v4, v15  }
0x672: {  	v60 =	vadd.f32 v54, v28;
	v0 =	vadd.f32 v55, v61;
	v26 =	vmul.f32 v11, v10  }
0x673: {  	v37 =	vadd.f32 v14, v43;
	v14 =	vmul.f32 v8, v45;
	v4 =	vadd.f32 v4, v5  }
0x674: {  	v40 =	vadd.f32 v12, v34;
	v7 =	vmul.f32 v0, v10;
	v6 =	vadd.f32 v26, v60  }
0x675: {  	v8 =	vmul.f32 v8, v19;
	v54 =	vadd.f32 v13, v35;
	v13 =	vld [tilespmem:s24+$0x410];
	v12 =	vadd.f32 v14, v57;
	[tilespmem:s0+$0x60] =	vst v4  }
0x676: {  	v55 =	vmul.f32 v40, v10;
	v60 =	vadd.f32 v7, v37;
	v6 =	vmul.f32 v6, v16;
	v0 =	vld [tilespmem:s28+$0x70]  }
0x677: {  	v8 =	vadd.f32 v8, v30  }
0x678: {  	v10 =	vmul.f32 v12, v10;
	v4 =	vadd.f32 v55, v54;
	v5 =	vadd.f32 v6, v60;
	_ =	sdelay $0x1  }
0x679: {  	v26 =	vadd.f32 v10, v8;
	v37 =	vld [tilespmem:s29+$0x70];
	v4 =	vmul.f32 v4, v16;
	v5 =	vmul.f32 v5, v13  }
0x67a: {  	v40 =	vmul.f32 v0, v38;
	v54 =	vmul.f32 v0, v59  }
0x67b: {  	v4 =	vadd.f32 v4, v26;
	v55 =	vmul.f32 v0, v18;
	v60 =	vmul.f32 v0, v58  }
0x67c: {  	v12 =	vmul.f32 v0, v32;
	v13 =	vmul.f32 v0, v63;
	v10 =	vadd.f32 v54, v21  }
0x67d: {  	v15 =	vld [tilespmem:s1+$0x70];
	v14 =	vmul.f32 v0, v33;
	v6 =	vadd.f32 v55, v52;
	v11 =	vadd.f32 v60, v48  }
0x67e: {  	v12 =	vadd.f32 v12, v62;
	v13 =	vadd.f32 v13, v46;
	v10 =	vmul.f32 v10, v37  }
0x67f: {  	v7 =	vmul.f32 v0, v31;
	v9 =	vadd.f32 v40, v36;
	v14 =	vadd.f32 v14, v51  }
0x680: {  	v12 =	vmul.f32 v12, v37;
	v13 =	vmul.f32 v13, v37;
	v10 =	vadd.f32 v10, v11  }
0x681: {  	v26 =	vld [tilespmem:s30+$0x70];
	v4 =	vadd.f32 v5, v4;
	v0 =	vadd.f32 v7, v50;
	v6 =	vmul.f32 v6, v37  }
0x682: {  	v37 =	vadd.f32 v12, v9;
	v40 =	vadd.f32 v13, v14;
	v10 =	vmul.f32 v10, v15  }
0x683: {  	[tilespmem:s26+$0x410] =	vst v4  }
0x684: {  	v54 =	vadd.f32 v6, v0;
	v0 =	vld [tilespmem:s23+$0x420];
	v55 =	vmul.f32 v40, v15;
	v60 =	vadd.f32 v10, v37;
	_ =	sdelay $0x1  }
0x685: {  	v4 =	vadd.f32 v55, v54;
	v11 =	vmul.f32 v60, v26;
	_ =	sdelay $0x1  }
0x686: {  	v5 =	vld [tilespmem:s25+$0x420];
	v4 =	vadd.f32 v11, v4  }
0x687: {  	v37 =	vmul.f32 v0, v20;
	v26 =	vmul.f32 v0, v42  }
0x688: {  	v40 =	vmul.f32 v0, v29;
	v55 =	vmul.f32 v0, v56;
	[tilespmem:s0+$0x70] =	vst v4  }
0x689: {  	v54 =	vmul.f32 v0, v41;
	v12 =	vmul.f32 v0, v49;
	v6 =	vadd.f32 v26, v39;
	v9 =	vld [tilespmem:s28+$0x400]  }
0x68a: {  	v13 =	vld [tilespmem:s22+$0x420];
	v14 =	vmul.f32 v0, v45;
	v8 =	vmul.f32 v0, v19;
	v11 =	vadd.f32 v55, v34  }
0x68b: {  	v7 =	vadd.f32 v40, v28;
	v10 =	vadd.f32 v54, v61;
	v6 =	vmul.f32 v6, v5  }
0x68c: {  	v12 =	vadd.f32 v12, v35;
	v14 =	vadd.f32 v14, v57;
	v11 =	vmul.f32 v11, v5  }
0x68d: {  	v10 =	vmul.f32 v10, v5;
	v4 =	vadd.f32 v37, v43;
	v15 =	vld [tilespmem:s29+$0x400];
	v6 =	vadd.f32 v6, v7  }
0x68e: {  	v60 =	vadd.f32 v8, v30;
	v0 =	vadd.f32 v11, v12;
	v16 =	vmul.f32 v9, v59  }
0x68f: {  	v5 =	vmul.f32 v14, v5;
	v4 =	vadd.f32 v10, v4;
	v6 =	vmul.f32 v6, v13  }
0x690: {  	v8 =	vmul.f32 v0, v13;
	v26 =	vmul.f32 v9, v58;
	v12 =	vadd.f32 v16, v21  }
0x691: {  	v5 =	vadd.f32 v5, v60;
	v54 =	vmul.f32 v9, v32;
	v13 =	vmul.f32 v9, v38  }
0x692: {  	v4 =	vadd.f32 v6, v4;
	v40 =	vmul.f32 v12, v15;
	v12 =	vmul.f32 v9, v63  }
0x693: {  	v14 =	vld [tilespmem:s1+$0x400];
	v17 =	vmul.f32 v9, v33;
	v37 =	vadd.f32 v26, v48;
	v7 =	vadd.f32 v54, v62  }
0x694: {  	v55 =	vld [tilespmem:s24+$0x420];
	v16 =	vmul.f32 v9, v18;
	v13 =	vadd.f32 v13, v36;
	v12 =	vadd.f32 v12, v46  }
0x695: {  	v17 =	vadd.f32 v17, v51;
	v9 =	vmul.f32 v9, v31;
	v7 =	vmul.f32 v7, v15  }
0x696: {  	v16 =	vadd.f32 v16, v52;
	v10 =	vadd.f32 v40, v37;
	v12 =	vmul.f32 v12, v15  }
0x697: {  	v60 =	vld [tilespmem:s30+$0x400];
	v9 =	vadd.f32 v9, v50;
	v7 =	vadd.f32 v7, v13  }
0x698: {  	v15 =	vmul.f32 v16, v15;
	v10 =	vmul.f32 v10, v14;
	v12 =	vadd.f32 v12, v17  }
0x699: {  	v5 =	vadd.f32 v8, v5;
	v4 =	vmul.f32 v4, v55  }
0x69a: {  	v0 =	vadd.f32 v15, v9;
	v7 =	vadd.f32 v10, v7;
	v26 =	vmul.f32 v12, v14;
	_ =	sdelay $0x1  }
0x69b: {  	v4 =	vadd.f32 v4, v5;
	v6 =	vmul.f32 v7, v60;
	v37 =	vadd.f32 v26, v0;
	_ =	sdelay $0x1  }
0x69c: {  	[tilespmem:s26+$0x420] =	vst v4;
	v40 =	vadd.f32 v6, v37  }
0x69d: {  	v5 =	vld [tilespmem:s23+$0x430]  }
0x69e: {  	[tilespmem:s0+$0x400] =	vst v40  }
0x69f: {  	v4 =	vld [tilespmem:s28+$0x410];
	_ =	sdelay $0x2  }
0x6a0: {  	v54 =	vmul.f32 v5, v20  }
0x6a1: {  	v55 =	vmul.f32 v5, v42;
	v60 =	vmul.f32 v5, v49;
	v0 =	vld [tilespmem:s29+$0x410]  }
0x6a2: {  	v26 =	vmul.f32 v4, v38;
	v37 =	vmul.f32 v4, v59  }
0x6a3: {  	v12 =	vmul.f32 v4, v33;
	v13 =	vmul.f32 v4, v32  }
0x6a4: {  	v14 =	vmul.f32 v4, v58;
	v15 =	vmul.f32 v4, v63;
	v11 =	vadd.f32 v37, v21  }
0x6a5: {  	v16 =	vld [tilespmem:s1+$0x410];
	v17 =	vmul.f32 v4, v18;
	v10 =	vadd.f32 v26, v36;
	v13 =	vadd.f32 v13, v62  }
0x6a6: {  	v14 =	vadd.f32 v14, v48;
	v15 =	vadd.f32 v15, v46;
	v11 =	vmul.f32 v11, v0  }
0x6a7: {  	v4 =	vmul.f32 v4, v31;
	v17 =	vadd.f32 v17, v52;
	v12 =	vadd.f32 v12, v51  }
0x6a8: {  	v13 =	vmul.f32 v13, v0;
	v15 =	vmul.f32 v15, v0;
	v11 =	vadd.f32 v11, v14  }
0x6a9: {  	v7 =	vadd.f32 v55, v39;
	v4 =	vadd.f32 v4, v50;
	v9 =	vmul.f32 v17, v0;
	v14 =	vld [tilespmem:s30+$0x410]  }
0x6aa: {  	v10 =	vadd.f32 v13, v10;
	v13 =	vld [tilespmem:s25+$0x430];
	v12 =	vadd.f32 v15, v12;
	v11 =	vmul.f32 v11, v16  }
0x6ab: {  	v8 =	vadd.f32 v60, v35;
	v6 =	vadd.f32 v54, v43;
	v17 =	vmul.f32 v5, v29  }
0x6ac: {  	v4 =	vadd.f32 v9, v4;
	v12 =	vmul.f32 v12, v16;
	v10 =	vadd.f32 v11, v10  }
0x6ad: {  	v40 =	vmul.f32 v5, v56;
	v15 =	vmul.f32 v5, v41;
	v54 =	vadd.f32 v17, v28  }
0x6ae: {  	v17 =	vld [tilespmem:s22+$0x430];
	v16 =	vmul.f32 v5, v45;
	v4 =	vadd.f32 v12, v4;
	v10 =	vmul.f32 v10, v14  }
0x6af: {  	v9 =	vadd.f32 v40, v34;
	v15 =	vadd.f32 v15, v61;
	v7 =	vmul.f32 v7, v13  }
0x6b0: {  	v5 =	vmul.f32 v5, v19;
	v12 =	vadd.f32 v16, v57;
	v4 =	vadd.f32 v10, v4  }
0x6b1: {  	v55 =	vmul.f32 v15, v13;
	v9 =	vmul.f32 v9, v13;
	v7 =	vadd.f32 v7, v54  }
0x6b2: {  	v60 =	vld [tilespmem:s24+$0x430];
	v5 =	vadd.f32 v5, v30;
	v12 =	vmul.f32 v12, v13;
	[tilespmem:s0+$0x410] =	vst v4  }
0x6b3: {  	v0 =	vadd.f32 v55, v6;
	v26 =	vadd.f32 v9, v8;
	v7 =	vmul.f32 v7, v17;
	v37 =	vld [tilespmem:s28+$0x420];
	_ =	sdelay $0x1  }
0x6b4: {  	v5 =	vadd.f32 v12, v5;
	v6 =	vmul.f32 v26, v17;
	v4 =	vadd.f32 v7, v0;
	_ =	sdelay $0x1  }
0x6b5: {  	v5 =	vadd.f32 v6, v5;
	v6 =	vld [tilespmem:s29+$0x420];
	v4 =	vmul.f32 v4, v60  }
0x6b6: {  	v40 =	vmul.f32 v37, v38;
	v54 =	vmul.f32 v37, v59  }
0x6b7: {  	v4 =	vadd.f32 v4, v5;
	v55 =	vmul.f32 v37, v33;
	v60 =	vmul.f32 v37, v58  }
0x6b8: {  	v0 =	vmul.f32 v37, v32;
	v12 =	vmul.f32 v37, v63;
	v9 =	vadd.f32 v54, v21  }
0x6b9: {  	v13 =	vld [tilespmem:s1+$0x420];
	v14 =	vmul.f32 v37, v18;
	v7 =	vadd.f32 v40, v36;
	v10 =	vadd.f32 v60, v48  }
0x6ba: {  	v11 =	vadd.f32 v0, v62;
	v12 =	vadd.f32 v12, v46;
	v9 =	vmul.f32 v9, v6  }
0x6bb: {  	v26 =	vmul.f32 v37, v31;
	[tilespmem:s26+$0x430] =	vst v4;
	v5 =	vadd.f32 v55, v51;
	v37 =	vadd.f32 v14, v52  }
0x6bc: {  	v14 =	vld [tilespmem:s23+$0x440];
	v11 =	vmul.f32 v11, v6;
	v12 =	vmul.f32 v12, v6;
	v9 =	vadd.f32 v9, v10  }
0x6bd: {  	v40 =	vld [tilespmem:s30+$0x420];
	v4 =	vadd.f32 v26, v50;
	v6 =	vmul.f32 v37, v6  }
0x6be: {  	v7 =	vadd.f32 v11, v7;
	v5 =	vadd.f32 v12, v5;
	v54 =	vmul.f32 v9, v13;
	_ =	sdelay $0x1  }
0x6bf: {  	v4 =	vadd.f32 v6, v4;
	v5 =	vmul.f32 v5, v13;
	v55 =	vadd.f32 v54, v7  }
0x6c0: {  	v8 =	vmul.f32 v14, v20;
	v60 =	vmul.f32 v14, v42;
	v7 =	vld [tilespmem:s25+$0x440]  }
0x6c1: {  	v37 =	vmul.f32 v14, v29;
	v4 =	vadd.f32 v5, v4;
	v26 =	vmul.f32 v55, v40  }
0x6c2: {  	v12 =	vmul.f32 v14, v41;
	v40 =	vmul.f32 v14, v56  }
0x6c3: {  	v13 =	vmul.f32 v14, v45;
	v9 =	vadd.f32 v60, v39;
	v4 =	vadd.f32 v26, v4  }
0x6c4: {  	v0 =	vmul.f32 v14, v49;
	v6 =	vadd.f32 v37, v28;
	v54 =	vld [tilespmem:s22+$0x440];
	v10 =	vadd.f32 v40, v34  }
0x6c5: {  	v12 =	vadd.f32 v12, v61;
	v60 =	vadd.f32 v13, v57;
	v9 =	vmul.f32 v9, v7;
	[tilespmem:s0+$0x420] =	vst v4  }
0x6c6: {  	v14 =	vmul.f32 v14, v19;
	v55 =	vadd.f32 v0, v35;
	v10 =	vmul.f32 v10, v7;
	v13 =	vld [tilespmem:s28+$0x430]  }
0x6c7: {  	v8 =	vadd.f32 v8, v43;
	v12 =	vmul.f32 v12, v7;
	v6 =	vadd.f32 v9, v6  }
0x6c8: {  	v0 =	vadd.f32 v14, v30;
	v7 =	vmul.f32 v60, v7;
	v4 =	vadd.f32 v10, v55  }
0x6c9: {  	v8 =	vadd.f32 v12, v8;
	v6 =	vmul.f32 v6, v54  }
0x6ca: {  	v5 =	vld [tilespmem:s29+$0x430];
	v7 =	vadd.f32 v7, v0;
	v4 =	vmul.f32 v4, v54  }
0x6cb: {  	v6 =	vadd.f32 v6, v8;
	v26 =	vmul.f32 v13, v38;
	v37 =	vmul.f32 v13, v59  }
0x6cc: {  	v4 =	vadd.f32 v4, v7;
	v40 =	vmul.f32 v13, v33;
	v54 =	vmul.f32 v13, v58  }
0x6cd: {  	v55 =	vld [tilespmem:s24+$0x440];
	v12 =	vmul.f32 v13, v32;
	v14 =	vmul.f32 v13, v63;
	v9 =	vadd.f32 v37, v21  }
0x6ce: {  	v15 =	vld [tilespmem:s1+$0x430];
	v16 =	vmul.f32 v13, v18;
	v8 =	vadd.f32 v26, v36;
	v10 =	vadd.f32 v54, v48  }
0x6cf: {  	v12 =	vadd.f32 v12, v62;
	v14 =	vadd.f32 v14, v46;
	v9 =	vmul.f32 v9, v5  }
0x6d0: {  	v13 =	vmul.f32 v13, v31;
	v7 =	vadd.f32 v40, v51;
	v16 =	vadd.f32 v16, v52  }
0x6d1: {  	v12 =	vmul.f32 v12, v5;
	v14 =	vmul.f32 v14, v5;
	v9 =	vadd.f32 v9, v10  }
0x6d2: {  	v60 =	vld [tilespmem:s30+$0x430];
	v6 =	vmul.f32 v6, v55;
	v0 =	vadd.f32 v13, v50;
	v5 =	vmul.f32 v16, v5  }
0x6d3: {  	v8 =	vadd.f32 v12, v8;
	v7 =	vadd.f32 v14, v7;
	v9 =	vmul.f32 v9, v15  }
0x6d4: {  	v4 =	vadd.f32 v6, v4  }
0x6d5: {  	v5 =	vadd.f32 v5, v0;
	v26 =	vmul.f32 v7, v15;
	v37 =	vadd.f32 v9, v8  }
0x6d6: {  	[tilespmem:s26+$0x440] =	vst v4  }
0x6d7: {  	v6 =	vld [tilespmem:s23+$0x450];
	v40 =	vadd.f32 v26, v5;
	v54 =	vmul.f32 v37, v60;
	_ =	sdelay $0x1  }
0x6d8: {  	v4 =	vadd.f32 v54, v40;
	_ =	sdelay $0x1  }
0x6d9: {  	v55 =	vld [tilespmem:s25+$0x450];
	[tilespmem:s0+$0x430] =	vst v4  }
0x6da: {  	v0 =	vmul.f32 v6, v20;
	v4 =	vld [tilespmem:s28+$0x440]  }
0x6db: {  	v26 =	vmul.f32 v6, v29;
	v12 =	vmul.f32 v6, v56  }
0x6dc: {  	v14 =	vmul.f32 v6, v45;
	v60 =	vmul.f32 v6, v42;
	v8 =	vadd.f32 v0, v43  }
0x6dd: {  	v37 =	vmul.f32 v6, v49;
	v9 =	vadd.f32 v26, v28;
	v12 =	vadd.f32 v12, v34  }
0x6de: {  	v14 =	vadd.f32 v14, v57;
	v40 =	vmul.f32 v6, v41;
	v7 =	vadd.f32 v60, v39;
	v13 =	vld [tilespmem:s29+$0x440]  }
0x6df: {  	v10 =	vadd.f32 v37, v35;
	v12 =	vmul.f32 v12, v55;
	v15 =	vmul.f32 v4, v59  }
0x6e0: {  	v5 =	vmul.f32 v14, v55;
	v11 =	vadd.f32 v40, v61;
	v7 =	vmul.f32 v7, v55  }
0x6e1: {  	v10 =	vadd.f32 v12, v10;
	v16 =	vmul.f32 v4, v58;
	v15 =	vadd.f32 v15, v21  }
0x6e2: {  	v11 =	vmul.f32 v11, v55;
	v7 =	vadd.f32 v7, v9;
	v55 =	vmul.f32 v4, v32  }
0x6e3: {  	v12 =	vmul.f32 v4, v18;
	v54 =	vadd.f32 v16, v48;
	v14 =	vmul.f32 v15, v13  }
0x6e4: {  	v8 =	vadd.f32 v11, v8;
	v16 =	vld [tilespmem:s22+$0x450];
	v11 =	vadd.f32 v55, v62;
	v15 =	vmul.f32 v4, v63  }
0x6e5: {  	v17 =	vld [tilespmem:s1+$0x440];
	v12 =	vadd.f32 v12, v52;
	v9 =	vadd.f32 v14, v54;
	v14 =	vmul.f32 v4, v38  }
0x6e6: {  	v6 =	vmul.f32 v6, v19;
	v60 =	vmul.f32 v4, v33;
	v15 =	vadd.f32 v15, v46  }
0x6e7: {  	v11 =	vmul.f32 v11, v13;
	v12 =	vmul.f32 v12, v13;
	v14 =	vadd.f32 v14, v36  }
0x6e8: {  	v0 =	vld [tilespmem:s24+$0x450];
	v4 =	vmul.f32 v4, v31;
	v15 =	vmul.f32 v15, v13;
	v13 =	vadd.f32 v60, v51  }
0x6e9: {  	v6 =	vadd.f32 v6, v30;
	v7 =	vmul.f32 v7, v16;
	v11 =	vadd.f32 v11, v14;
	v14 =	vld [tilespmem:s30+$0x440]  }
0x6ea: {  	v4 =	vadd.f32 v4, v50;
	v9 =	vmul.f32 v9, v17;
	v13 =	vadd.f32 v15, v13  }
0x6eb: {  	v5 =	vadd.f32 v5, v6;
	v26 =	vmul.f32 v10, v16;
	v7 =	vadd.f32 v7, v8  }
0x6ec: {  	v4 =	vadd.f32 v12, v4;
	v37 =	vmul.f32 v13, v17;
	v9 =	vadd.f32 v9, v11  }
0x6ed: {  	v5 =	vadd.f32 v26, v5;
	v40 =	vmul.f32 v7, v0  }
0x6ee: {  	v4 =	vadd.f32 v37, v4;
	v54 =	vmul.f32 v9, v14  }
0x6ef: {  	v5 =	vadd.f32 v40, v5  }
0x6f0: {  	v4 =	vadd.f32 v54, v4  }
0x6f1: {  	[tilespmem:s26+$0x450] =	vst v5  }
0x6f2: {  	v5 =	vld [tilespmem:s23+$0x460];
	[tilespmem:s0+$0x440] =	vst v4  }
0x6f3: {  	v0 =	vld [tilespmem:$0x1FD70]  }
0x6f4: {  	v11 =	vld [tilespmem:$0x1FD90]  }
0x6f5: {  	v26 =	vld [tilespmem:$0x1FD50]  }
0x6f6: {  	v4 =	vld [tilespmem:s28+$0x450]  }
0x6f7: {  	v10 =	vmul.f32 v3, v44;
	v37 =	vld [tilespmem:$0x1FD60]  }
0x6f8: {  	v60 =	vmul.f32 v3, v1;
	v12 =	vmul.f32 v5, v20  }
0x6f9: {  	v55 =	vmul.f32 v3, v0;
	v8 =	vmul.f32 v3, v11  }
0x6fa: {  	v13 =	vld [tilespmem:s29+$0x450];
	v9 =	vmul.f32 v3, v26;
	v11 =	vmul.f32 v3, v27  }
0x6fb: {  	v14 =	vmul.f32 v4, v59;
	v15 =	vmul.f32 v4, v38  }
0x6fc: {  	v7 =	vadd.f32 v60, v37;
	v16 =	vmul.f32 v4, v58;
	v17 =	vmul.f32 v4, v32  }
0x6fd: {  	v40 =	vld [tilespmem:$0x1FDA0];
	v44 =	vmul.f32 v4, v63;
	v26 =	vmul.f32 v4, v18;
	v14 =	vadd.f32 v14, v21  }
0x6fe: {  	v54 =	vmul.f32 v4, v33;
	v37 =	vld [tilespmem:s1+$0x450];
	v15 =	vadd.f32 v15, v36;
	v16 =	vadd.f32 v16, v48  }
0x6ff: {  	v17 =	vadd.f32 v17, v62;
	v0 =	vadd.f32 v44, v46;
	v14 =	vmul.f32 v14, v13  }
0x700: {  	v4 =	vmul.f32 v4, v31;
	v26 =	vadd.f32 v26, v52;
	v27 =	vadd.f32 v54, v51  }
0x701: {  	v17 =	vmul.f32 v17, v13;
	v0 =	vmul.f32 v0, v13;
	v14 =	vadd.f32 v14, v16  }
0x702: {  	v6 =	vadd.f32 v55, v40;
	v4 =	vadd.f32 v4, v50;
	v55 =	vld [tilespmem:s30+$0x450];
	v13 =	vmul.f32 v26, v13  }
0x703: {  	v15 =	vadd.f32 v17, v15;
	v17 =	vadd.f32 v0, v27;
	v14 =	vmul.f32 v14, v37  }
0x704: {  	v12 =	vadd.f32 v12, v43;
	v60 =	vld [tilespmem:s25+$0x460];
	v40 =	vmul.f32 v5, v49;
	v16 =	vmul.f32 v5, v42  }
0x705: {  	v4 =	vadd.f32 v13, v4;
	v17 =	vmul.f32 v17, v37;
	v14 =	vadd.f32 v14, v15  }
0x706: {  	v44 =	vmul.f32 v5, v41;
	v13 =	vmul.f32 v5, v29;
	v16 =	vadd.f32 v16, v39  }
0x707: {  	v15 =	vmul.f32 v5, v56;
	v4 =	vadd.f32 v17, v4;
	v14 =	vmul.f32 v14, v55  }
0x708: {  	v54 =	vmul.f32 v5, v45;
	v13 =	vadd.f32 v13, v28;
	v37 =	vadd.f32 v44, v61;
	v17 =	vld [tilespmem:s22+$0x460]  }
0x709: {  	v16 =	vmul.f32 v16, v60;
	v15 =	vadd.f32 v15, v34;
	v4 =	vadd.f32 v14, v4  }
0x70a: {  	v26 =	vadd.f32 v54, v57;
	v27 =	vadd.f32 v40, v35;
	v14 =	vmul.f32 v37, v60  }
0x70b: {  	v5 =	vmul.f32 v5, v19;
	v13 =	vadd.f32 v16, v13;
	v16 =	vld [tilespmem:s24+$0x460];
	v15 =	vmul.f32 v15, v60;
	[tilespmem:s0+$0x450] =	vst v4  }
0x70c: {  	v55 =	vmul.f32 v26, v60;
	v60 =	vadd.f32 v14, v12;
	v14 =	vld [tilespmem:s28+$0x460]  }
0x70d: {  	v5 =	vadd.f32 v5, v30;
	v13 =	vmul.f32 v13, v17;
	v12 =	vadd.f32 v15, v27;
	v26 =	vld [tilespmem:$0x1FDB0]  }
0x70e: {  	v25 =	vmul.f32 v3, v25;
	v9 =	vadd.f32 v9, v22;
	v11 =	vadd.f32 v11, v23  }
0x70f: {  	v5 =	vadd.f32 v55, v5;
	v12 =	vmul.f32 v12, v17;
	v4 =	vadd.f32 v13, v60  }
0x710: {  	v7 =	vmul.f32 v7, v2;
	v8 =	vadd.f32 v8, v53;
	v15 =	vmul.f32 v3, v24  }
0x711: {  	v11 =	vmul.f32 v11, v2;
	v5 =	vadd.f32 v12, v5;
	v4 =	vmul.f32 v4, v16;
	v12 =	vld [tilespmem:s29+$0x460]  }
0x712: {  	v13 =	vadd.f32 v15, v26;
	v15 =	vmul.f32 v14, v38;
	v16 =	vmul.f32 v14, v59  }
0x713: {  	v4 =	vadd.f32 v4, v5;
	v27 =	vmul.f32 v14, v33;
	v17 =	vmul.f32 v14, v58  }
0x714: {  	v47 =	vmovc v19;
	v24 =	vld [tilespmem:$0x1FD80];
	v19 =	vmul.f32 v14, v32;
	v37 =	vmul.f32 v14, v63;
	v16 =	vadd.f32 v16, v21  }
0x715: {  	v40 =	vld [tilespmem:s1+$0x460];
	v44 =	vmul.f32 v14, v18;
	v15 =	vadd.f32 v15, v36;
	v17 =	vadd.f32 v17, v48  }
0x716: {  	v19 =	vadd.f32 v19, v62;
	v0 =	vadd.f32 v37, v46;
	v16 =	vmul.f32 v16, v12  }
0x717: {  	v53 =	vld [tilespmem:s20+$0x470];
	v14 =	vmul.f32 v14, v31;
	v5 =	vadd.f32 v27, v51;
	v22 =	vadd.f32 v44, v52  }
0x718: {  	v54 =	vld [tilespmem:s30+$0x460];
	[tilespmem:s26+$0x460] =	vst v4;
	v19 =	vmul.f32 v19, v12;
	v0 =	vmul.f32 v0, v12;
	v16 =	vadd.f32 v16, v17  }
0x719: {  	v10 =	vadd.f32 v10, v24;
	v14 =	vadd.f32 v14, v50;
	v60 =	vld [tilespmem:s23+$0x470];
	v12 =	vmul.f32 v22, v12  }
0x71a: {  	v55 =	vadd.f32 v19, v15;
	v5 =	vadd.f32 v0, v5;
	v15 =	vmul.f32 v16, v40  }
0x71b: {  	v7 =	vadd.f32 v7, v9;
	v8 =	vadd.f32 v11, v8;
	v10 =	vmul.f32 v10, v2  }
0x71c: {  	v22 =	vld [tilespmem:$0x1FC50];
	v12 =	vadd.f32 v12, v14;
	v5 =	vmul.f32 v5, v40;
	v4 =	vadd.f32 v15, v55  }
0x71d: {  	v7 =	vmul.f32 v7, v53;
	v24 =	vmul.f32 v13, v2;
	v6 =	vadd.f32 v10, v6  }
0x71e: {  	v27 =	vmul.f32 v60, v42;
	v5 =	vadd.f32 v5, v12;
	v4 =	vmul.f32 v4, v54  }
0x71f: {  	v17 =	vld [tilespmem:s21+$0x470];
	v6 =	vadd.f32 v7, v6;
	v37 =	vmul.f32 v60, v20;
	v40 =	vmul.f32 v60, v29  }
0x720: {  	v26 =	vld [tilespmem:s25+$0x470];
	v41 =	vmul.f32 v60, v41;
	v42 =	vmul.f32 v60, v56;
	v4 =	vadd.f32 v4, v5  }
0x721: {  	v45 =	vmul.f32 v60, v45;
	v13 =	vmul.f32 v60, v49;
	v3 =	vadd.f32 v25, v22  }
0x722: {  	v25 =	vmul.f32 v8, v53;
	v8 =	vadd.f32 v27, v39;
	v44 =	vadd.f32 v40, v28;
	[tilespmem:s0+$0x460] =	vst v4  }
0x723: {  	v10 =	vmul.f32 v60, v47;
	v9 =	vadd.f32 v41, v61;
	v11 =	vadd.f32 v42, v34;
	v12 =	vld [tilespmem:s28+$0x470]  }
0x724: {  	v13 =	vadd.f32 v13, v35;
	v2 =	vadd.f32 v24, v3;
	v6 =	vmul.f32 v6, v17  }
0x725: {  	v3 =	vadd.f32 v37, v43;
	v9 =	vmul.f32 v9, v26;
	v5 =	vadd.f32 v45, v57  }
0x726: {  	v47 =	vadd.f32 v10, v30;
	v8 =	vmul.f32 v8, v26;
	v11 =	vmul.f32 v11, v26  }
0x727: {  	v2 =	vadd.f32 v25, v2;
	v3 =	vadd.f32 v9, v3;
	v5 =	vmul.f32 v5, v26;
	v49 =	vld [tilespmem:s29+$0x470]  }
0x728: {  	v55 =	vadd.f32 v11, v13;
	v53 =	vmul.f32 v12, v38;
	v54 =	vmul.f32 v12, v59  }
0x729: {  	v4 =	vadd.f32 v8, v44;
	v56 =	vmul.f32 v12, v33;
	v13 =	vmul.f32 v12, v58  }
0x72a: {  	v14 =	vld [tilespmem:s22+$0x470];
	v15 =	vmul.f32 v12, v32;
	v16 =	vmul.f32 v12, v63;
	v9 =	vadd.f32 v54, v21  }
0x72b: {  	v17 =	vld [tilespmem:s1+$0x470];
	v57 =	vadd.f32 v53, v36;
	v58 =	vadd.f32 v13, v48;
	v13 =	vmul.f32 v12, v18  }
0x72c: {  	v15 =	vadd.f32 v15, v62;
	v16 =	vadd.f32 v16, v46;
	v9 =	vmul.f32 v9, v49  }
0x72d: {  	v12 =	vmul.f32 v12, v31;
	v11 =	vadd.f32 v56, v51;
	v13 =	vadd.f32 v13, v52  }
0x72e: {  	v18 =	vld [tilespmem:s24+$0x470];
	v15 =	vmul.f32 v15, v49;
	v16 =	vmul.f32 v16, v49;
	v1 =	vadd.f32 v9, v58  }
0x72f: {  	v4 =	vmul.f32 v4, v14;
	v59 =	vld [tilespmem:s30+$0x470];
	v12 =	vadd.f32 v12, v50;
	v7 =	vmul.f32 v13, v49  }
0x730: {  	v0 =	vadd.f32 v15, v57;
	v11 =	vadd.f32 v16, v11;
	v1 =	vmul.f32 v1, v17  }
0x731: {  	v60 =	vmul.f32 v55, v14;
	v5 =	vadd.f32 v5, v47;
	v3 =	vadd.f32 v4, v3  }
0x732: {  	v61 =	vadd.f32 v7, v12;
	v62 =	vmul.f32 v11, v17;
	v0 =	vadd.f32 v1, v0  }
0x733: {  	v63 =	vadd.f32 v60, v5;
	v3 =	vmul.f32 v3, v18  }
0x734: {  	v2 =	vadd.f32 v6, v2;
	v4 =	vadd.f32 v62, v61;
	v0 =	vmul.f32 v0, v59  }
0x735: {  	v1 =	vadd.f32 v3, v63  }
0x736: {  	[tilespmem:s19+$0x470] =	vst v2;
	v0 =	vadd.f32 v0, v4  }
0x737: {  	[tilespmem:s26+$0x470] =	vst v1  }
0x738: {  	s31 =	simm.s32 $0x11480;
	s18 =	sadd.s32 $0x1, s18;
	[tilespmem:s0+$0x470] =	vst v0  }
0x739: {  	[hbm4b:s8+s11] =	stream.strided.scatter [tilespmem:s31], [sflag:$0x2], $0x8000, s13, s11, $0x38;
	[tilespmem:$0x19480] =	vst v63  }
0x73a: {  	p0 =	sne.s32 s18, s9;
	_ =	swait.ge [sflag:s3], $0x8000  }
.Ltmp4:
0x73b: {  	v40 =	vimm.s32 $0x8;
	[sflag:s3] =	ssyncset.done $0x0;
	(pc) =	sbr.rel @p0 .LBB2_1-.Ltmp4, $4  }
0x73c: {  	v41 =	vimm.s32 $0xD;
	v42 =	vimm.s32 $0xE;
	v43 =	vimm.s32 $0x5;
	[sflag:s3] =	ssyncadd.s32 $0xFFFF8000  }
0x73d: {  	v45 =	vimm.s32 $0xC;
	v44 =	vimm.s32 $0xF;
	v47 =	vimm.s32 $0xB;
	_ =	swait.ge [sflag:s17], $0x8000  }
0x73e: {  	v46 =	vimm.s32 $0xA;
	v15 =	vimm.s32 $0x4;
	v49 =	vimm.s32 $0x7;
	[sflag:s17] =	ssyncset.done $0x0  }
0x73f: {  	v16 =	vimm.s32 $0x9;
	v17 =	vimm.s32 $0x3;
	v63 =	vimm.s32 $0x2;
	v14 =	vld [tilespmem:$0x1FFE0];
	[sflag:s17] =	ssyncadd.s32 $0xFFFF8000  }
0x740: {  	_ =	sfence.sel $0x180000  }
0x741: {  	[bflag:$0x0] =	sbarrier.arrive $0xFFFF  }
0x742: {  	_ =	strace $0x90000047  }
0x743: {  	s0 =	stileid.u32;
	[bflag:$0x2] =	sbarrier.arrive $0xFFFF  }
0x744: {  	p0 =	sne.s32 s0, $0x0;
	s0 =	rddreg [dreg:$0x4]  }
0x745: {  	s0 =	sadd.s32 @!p0 $0x100000, s0  }
0x746: {  	[sflag:s0] =	ssyncadd.tile.s32 @!p0 $0x1;
	_ =	shalt  }
.Lfunc_end2:
_tile_overlayer_lowered:
.L_overlay_start_2:
0x747: {  	(tag) =	ssettag $0x2  }
0x748: {  	s0 =	rddreg [dreg:$0x0];
	s2 =	stileid.u32  }
0x749: {  	s1 =	rddreg [dreg:$0x1];
	p0 =	sne.s32 s2, $0x0  }
0x74a: {  	s3 =	rddreg [dreg:$0x2];
	[bflag:$0x3] =	sbarrier.arrive $0xFFFF;
	s2 =	simm.s32 @!p0 $0x1C03  }
0x74b: {  	[timem:s3], [sflag:s2] =	dma.local @!p0 [hbm:s0], s1  }
0x74c: {  	s0 =	simm.s32 @!p0 $0x3  }
0x74d: {  	_ =	swait.ge @!p0 [sflag:s0], s1  }
0x74e: {  	s1 =	ssub.s32 @!p0 $0x0, s1;
	[sflag:s0] =	ssyncset.done @!p0 $0x0  }
0x74f: {  	[sflag:s0] =	ssyncadd.s32 @!p0 s1  }
0x750: {  	[bflag:$0x3] =	sbarrier.arrive $0xFFFF  }
0x751: {  	_ =	shalt  }

</sc_bundles>
